<compile_context>
chip_gen: v7x
topology: tpu7x:2x2x1
jax: 0.10.2.dev20260603
libtpu: 0.0.44.dev20260713+nightly
codegen_flags: <defaults>
</compile_context>

<pallas_src>
import functools

import jax
import jax.numpy as jnp
from jax import lax
from jax.experimental import pallas as pl
from jax.experimental.pallas import tpu as pltpu
from jax.experimental.pallas import tpu_sc as plsc

NC = 2
NS = 16
NW = NC * NS
BLK = 128
G = 2
RI = 4
TC_ROWS = 1000


DBITS = 14


def _sc_gather_scatter(table, pidx, npad, h):
  k = pidx.shape[1]
  ng = k // G
  rows_per_sub = npad // NS
  chunks = rows_per_sub // BLK
  nv = BLK // 16

  def body(table_ref, pidx_ref, parts_ref,
           agg, pidx_v, gscr, dscr, buf0, buf1, sg0, sg1):
    bufs = (buf0, buf1)
    sg = (sg0, sg1)
    c = lax.axis_index("c")
    s = lax.axis_index("s")
    w = s * NC + c

    def unpack_g(j, slot):
      row = pidx_v.at[j]
      for t in range(nv):
        gscr[slot, pl.ds(t * 16, 16)] = (
            lax.shift_right_logical(row[pl.ds(t * 16, 16)], DBITS))

    def unpack_d(j):
      row = pidx_v.at[j]
      for t in range(nv):
        dscr[0, pl.ds(t * 16, 16)] = row[pl.ds(t * 16, 16)] & ((1 << DBITS) - 1)

    def zb(q, carry):
      for t in range(h // 16):
        buf0[q, pl.ds(t * 16, 16)] = jnp.zeros((16,), jnp.float32)
      return carry
    lax.fori_loop(0, BLK, zb, 0)
    for t in range(chunks):
      pltpu.sync_copy(buf0, agg.at[pl.ds(s * rows_per_sub + t * BLK, BLK)])

    pltpu.sync_copy(pidx_ref.at[w], pidx_v)
    for b in range(G):
      unpack_g(b, b)
      pltpu.async_copy(table_ref.at[gscr.at[b]], bufs[b], sg[b])
    plsc.subcore_barrier()

    def grp(o, carry):
      j0 = o * G
      for b in range(G):
        j = j0 + b
        pltpu.make_async_copy(table_ref.at[gscr.at[b]], bufs[b],
                              sg[b]).wait()
        unpack_d(j)
        pltpu.sync_copy(bufs[b], agg.at[dscr.at[0]], add=True)
        unpack_g(j + G, b)
        pltpu.async_copy(table_ref.at[gscr.at[b]], bufs[b], sg[b])
      return carry
    lax.fori_loop(0, ng - 1, grp, 0)
    for b in range(G):
      j = k - G + b
      pltpu.make_async_copy(table_ref.at[gscr.at[b]], bufs[b],
                            sg[b]).wait()
      unpack_d(j)
      pltpu.sync_copy(bufs[b], agg.at[dscr.at[0]], add=True)
    plsc.subcore_barrier()

    for t in range(chunks):
      r0 = s * rows_per_sub + t * BLK
      pltpu.sync_copy(agg.at[pl.ds(r0, BLK)], buf0)
      pltpu.sync_copy(buf0, parts_ref.at[c, pl.ds(r0, BLK)])

  mesh = plsc.VectorSubcoreMesh(core_axis_name="c", subcore_axis_name="s")
  return pl.kernel(
      body,
      out_type=jax.ShapeDtypeStruct((NC, npad, h), jnp.float32),
      mesh=mesh,
      scratch_types=[
          pltpu.VMEM_SHARED((npad, h), jnp.float32),
          pltpu.VMEM((k, BLK), jnp.int32),
          pltpu.VMEM((G, BLK), jnp.int32),
          pltpu.VMEM((1, BLK), jnp.int32),
          pltpu.VMEM((BLK, h), jnp.float32),
          pltpu.VMEM((BLK, h), jnp.float32),
          pltpu.SemaphoreType.DMA,
          pltpu.SemaphoreType.DMA,
      ],
  )(table, pidx)


def _proj_body(r, x_ref, w_ref, loop_ref, b_ref, xp_ref, sl_ref):
  xb = x_ref[...]
  for i in range(r):
    xp_ref[i] = jnp.dot(xb, w_ref[i], preferred_element_type=jnp.float32)
  sl_ref[...] = (jnp.dot(xb, loop_ref[...], preferred_element_type=jnp.float32)
                 + b_ref[...])


def _mid_body(r, p_ref, sl_ref, w_ref, loop_ref, b_ref, xp_ref, sl1_ref):
  hb = jnp.maximum(p_ref[0] + p_ref[1] + sl_ref[...], 0.0)
  for i in range(r):
    xp_ref[i] = jnp.dot(hb, w_ref[i], preferred_element_type=jnp.float32)
  sl1_ref[...] = (jnp.dot(hb, loop_ref[...],
                          preferred_element_type=jnp.float32) + b_ref[...])


def _fin_body(p_ref, sl_ref, out_ref):
  out_ref[...] = p_ref[0] + p_ref[1] + sl_ref[...]


def kernel(x, edge_index, edge_type, W0, b0, loop0, W1, b1, loop1):
  n, d = x.shape
  e = edge_type.shape[0]
  r, _, h = W0.shape
  assert n % TC_ROWS == 0
  grid = n // TC_ROWS

  epad = -(-e // (NW * BLK * G)) * (NW * BLK * G)
  k = epad // (NW * BLK)
  npad = -(-(n + 1) // (NS * BLK)) * (NS * BLK)
  assert npad <= (1 << DBITS)

  src = edge_index[0].astype(jnp.int32)
  dst = edge_index[1].astype(jnp.int32)
  et = edge_type.astype(jnp.int32)
  pad = epad - e
  src = jnp.concatenate([src, jnp.zeros((pad,), jnp.int32)])
  et = jnp.concatenate([et, jnp.zeros((pad,), jnp.int32)])
  dst = jnp.concatenate([dst, jnp.full((pad,), n, jnp.int32)])
  pidx = (((et * n + src) << DBITS) | dst).reshape(NW, k, BLK)

  wfull = pl.BlockSpec((r, d, h), lambda i: (0, 0, 0))
  lfull = pl.BlockSpec((d, h), lambda i: (0, 0))
  bfull = pl.BlockSpec((1, h), lambda i: (0, 0))
  rowblk = pl.BlockSpec((TC_ROWS, d), lambda i: (i, 0))
  xpblk = pl.BlockSpec((r, TC_ROWS, h), lambda i: (0, i, 0))

  proj = pl.pallas_call(
      functools.partial(_proj_body, r),
      grid=(grid,),
      in_specs=[rowblk, wfull, lfull, bfull],
      out_specs=[xpblk, rowblk],
      out_shape=[jax.ShapeDtypeStruct((r, n, h), jnp.float32),
                 jax.ShapeDtypeStruct((n, h), jnp.float32)],
  )
  mid = pl.pallas_call(
      functools.partial(_mid_body, r),
      grid=(grid,),
      in_specs=[pl.BlockSpec((NC, TC_ROWS, h), lambda i: (0, i, 0)),
                rowblk, wfull, lfull, bfull],
      out_specs=[xpblk, rowblk],
      out_shape=[jax.ShapeDtypeStruct((r, n, h), jnp.float32),
                 jax.ShapeDtypeStruct((n, h), jnp.float32)],
  )
  fin = pl.pallas_call(
      _fin_body,
      grid=(grid,),
      in_specs=[pl.BlockSpec((NC, TC_ROWS, h), lambda i: (0, i, 0)), rowblk],
      out_specs=rowblk,
      out_shape=jax.ShapeDtypeStruct((n, h), jnp.float32),
  )

  b0r = b0.reshape(1, h)
  b1r = b1.reshape(1, h)

  xp0, sl0 = proj(x, W0, loop0, b0r)
  parts0 = _sc_gather_scatter(xp0.reshape(r * n, h), pidx, npad, h)
  xp1, sl1 = mid(parts0, sl0, W1, loop1, b1r)
  parts1 = _sc_gather_scatter(xp1.reshape(r * n, h), pidx, npad, h)
  return fin(parts1, sl1)

# --- scband reference (transcript-rebuilt; emitter-appended) ---
"""Pipeline reference for scband-rgcn-7851200217493 (READ-ONLY COPY).

The authoritative reference and input builder live on the scoring server;
editing this copy changes nothing except your own understanding.
"""

import jax, jax.numpy as jnp
import numpy as np

N = 10000
E = 320000
D = 128
H = 128
R = 2


def setup_inputs(seed: int = 0) -> dict:
    key = jax.random.key(seed)
    ks = jax.random.split(key, 10)
    x = jax.random.normal(ks[0], (N, D), dtype=jnp.float32)
    edge_index = jax.random.randint(ks[1], (2, E), 0, N)
    edge_type = jnp.sort(jax.random.randint(ks[2], (E,), 0, R))
    # RelGraphConv layer 0 params: relation weights [R, in, out], bias, self-loop weight
    W0 = jax.random.normal(ks[3], (R, D, H), dtype=jnp.float32) * 0.05
    b0 = jnp.zeros((H,), dtype=jnp.float32)
    loop0 = jax.random.normal(ks[4], (D, H), dtype=jnp.float32) * 0.05
    # layer 1 params
    W1 = jax.random.normal(ks[5], (R, H, H), dtype=jnp.float32) * 0.05
    b1 = jnp.zeros((H,), dtype=jnp.float32)
    loop1 = jax.random.normal(ks[6], (H, H), dtype=jnp.float32) * 0.05
    return {"x": x, "edge_index": edge_index, "edge_type": edge_type,
            "W0": W0, "b0": b0, "loop0": loop0,
            "W1": W1, "b1": b1, "loop1": loop1}


def _rel_graph_conv(h, edge_index, edge_type, W, b, loop, activation):
    src = edge_index[0]
    dst = edge_index[1]
    # project node features by every relation weight, then gather per-edge by (etype, src)
    xp = jnp.einsum('nd,rdo->rno', h, W)          # [R, N, H]
    msgs = xp[edge_type, src]                      # [E, H]
    agg = jax.ops.segment_sum(msgs, dst, num_segments=N)  # sum aggregation
    out = agg + b                                  # bias
    out = out + h @ loop                           # self-loop
    if activation:
        out = jax.nn.relu(out)
    return out


def reference(x, edge_index, edge_type, W0, b0, loop0, W1, b1, loop1):
    # dropout p=0.0 and eval mode -> identity; layer_norm disabled (norm=None)
    h = _rel_graph_conv(x, edge_index, edge_type, W0, b0, loop0, activation=True)
    h = _rel_graph_conv(h, edge_index, edge_type, W1, b1, loop1, activation=False)
    return h

if __name__ == "__main__":
    import jax
    _d = setup_inputs()
    print(jax.jit(kernel)(*tuple(_d.values())))

</pallas_src>

<mosaic_0001>
#map = affine_map<(d0, d1) -> (0, 0)>
#map1 = affine_map<(d0, d1) -> (0, 0, 0)>
module attributes {stable_mosaic.version = 14 : i64} {
  func.func @body(%arg0: i32, %arg1: i32, %arg2: memref<20000x128xf32, #tpu.memory_space<hbm>>, %arg3: memref<32x80x128xi32, #tpu.memory_space<hbm>>, %arg4: memref<2x10240x128xf32, #tpu.memory_space<hbm>>, %arg5: memref<10240x128xf32, #tpu.memory_space<vmem_shared>>, %arg6: memref<80x128xi32, #tpu.memory_space<vmem>>, %arg7: memref<2x128xi32, #tpu.memory_space<vmem>>, %arg8: memref<1x128xi32, #tpu.memory_space<vmem>>, %arg9: memref<128x128xf32, #tpu.memory_space<vmem>>, %arg10: memref<128x128xf32, #tpu.memory_space<vmem>>, %arg11: memref<!tpu.dma_semaphore, #tpu.memory_space<semaphore_mem>>, %arg12: memref<!tpu.dma_semaphore, #tpu.memory_space<semaphore_mem>>) attributes {dimension_semantics = [#tpu.dimension_semantics<core_parallel>, #tpu.dimension_semantics<subcore_parallel>], iteration_bounds = array<i64: 2, 16>, scalar_prefetch = 0 : i64, scratch_operands = 8 : i64, tpu.core_type = #tpu.core_type<sc_vector_subcore>, window_params = [{transform_indices = #map}, {transform_indices = #map1}, {transform_indices = #map1}]} {
    %mul3A = arith.constant 2 : i32
    %mul3A_0 = arith.muli %arg1, %mul3A : i32
    %add3A = arith.addi %mul3A_0, %arg0 : i32
    %scan3A = arith.constant 0 : i32
    %scan3A_1 = arith.constant 0 : i32
    %scan3A_2 = arith.constant 128 : i32
    %scan3A_3 = arith.addi %scan3A_1, %scan3A_2 : i32
    %scan3A_4 = arith.constant 1 : i32
    scf.for %scan3A_588 = %scan3A_1 to %scan3A_3 step %scan3A_4  : i32 {
      %broadcast_in_dim3A = arith.constant 0.000000e+00 : f32
      %broadcast_in_dim3A_589 = vector.broadcast %broadcast_in_dim3A : f32 to vector<16xf32>
      %swap3A_590 = arith.index_cast %scan3A_588 : i32 to index
      %swap3A_591 = arith.constant 0 : index
      %swap3A_592 = tpu.vector_load %arg9[%swap3A_590, %swap3A_591] {strides = array<i32>} : memref<128x128xf32, #tpu.memory_space<vmem>>, vector<1x16xf32>,
      %swap3A_593 = vector.shape_cast %swap3A_592 : vector<1x16xf32> to vector<16xf32>
      %swap3A_594 = vector.shape_cast %broadcast_in_dim3A_589 : vector<16xf32> to vector<1x16xf32>
      tpu.vector_store %arg9[%swap3A_590, %swap3A_591], %swap3A_594 {strides = array<i32>} : memref<128x128xf32, #tpu.memory_space<vmem>>, vector<1x16xf32>,
      %broadcast_in_dim3A_595 = arith.constant 0.000000e+00 : f32
      %broadcast_in_dim3A_596 = vector.broadcast %broadcast_in_dim3A_595 : f32 to vector<16xf32>
      %swap3A_597 = arith.index_cast %scan3A_588 : i32 to index
      %swap3A_598 = arith.constant 16 : index
      %swap3A_599 = tpu.vector_load %arg9[%swap3A_597, %swap3A_598] {strides = array<i32>} : memref<128x128xf32, #tpu.memory_space<vmem>>, vector<1x16xf32>,
      %swap3A_600 = vector.shape_cast %swap3A_599 : vector<1x16xf32> to vector<16xf32>
      %swap3A_601 = vector.shape_cast %broadcast_in_dim3A_596 : vector<16xf32> to vector<1x16xf32>
      tpu.vector_store %arg9[%swap3A_597, %swap3A_598], %swap3A_601 {strides = array<i32>} : memref<128x128xf32, #tpu.memory_space<vmem>>, vector<1x16xf32>,
      %broadcast_in_dim3A_602 = arith.constant 0.000000e+00 : f32
      %broadcast_in_dim3A_603 = vector.broadcast %broadcast_in_dim3A_602 : f32 to vector<16xf32>
      %swap3A_604 = arith.index_cast %scan3A_588 : i32 to index
      %swap3A_605 = arith.constant 32 : index
      %swap3A_606 = tpu.vector_load %arg9[%swap3A_604, %swap3A_605] {strides = array<i32>} : memref<128x128xf32, #tpu.memory_space<vmem>>, vector<1x16xf32>,
      %swap3A_607 = vector.shape_cast %swap3A_606 : vector<1x16xf32> to vector<16xf32>
      %swap3A_608 = vector.shape_cast %broadcast_in_dim3A_603 : vector<16xf32> to vector<1x16xf32>
      tpu.vector_store %arg9[%swap3A_604, %swap3A_605], %swap3A_608 {strides = array<i32>} : memref<128x128xf32, #tpu.memory_space<vmem>>, vector<1x16xf32>,
      %broadcast_in_dim3A_609 = arith.constant 0.000000e+00 : f32
      %broadcast_in_dim3A_610 = vector.broadcast %broadcast_in_dim3A_609 : f32 to vector<16xf32>
      %swap3A_611 = arith.index_cast %scan3A_588 : i32 to index
      %swap3A_612 = arith.constant 48 : index
      %swap3A_613 = tpu.vector_load %arg9[%swap3A_611, %swap3A_612] {strides = array<i32>} : memref<128x128xf32, #tpu.memory_space<vmem>>, vector<1x16xf32>,
      %swap3A_614 = vector.shape_cast %swap3A_613 : vector<1x16xf32> to vector<16xf32>
      %swap3A_615 = vector.shape_cast %broadcast_in_dim3A_610 : vector<16xf32> to vector<1x16xf32>
      tpu.vector_store %arg9[%swap3A_611, %swap3A_612], %swap3A_615 {strides = array<i32>} : memref<128x128xf32, #tpu.memory_space<vmem>>, vector<1x16xf32>,
      %broadcast_in_dim3A_616 = arith.constant 0.000000e+00 : f32
      %broadcast_in_dim3A_617 = vector.broadcast %broadcast_in_dim3A_616 : f32 to vector<16xf32>
      %swap3A_618 = arith.index_cast %scan3A_588 : i32 to index
      %swap3A_619 = arith.constant 64 : index
      %swap3A_620 = tpu.vector_load %arg9[%swap3A_618, %swap3A_619] {strides = array<i32>} : memref<128x128xf32, #tpu.memory_space<vmem>>, vector<1x16xf32>,
      %swap3A_621 = vector.shape_cast %swap3A_620 : vector<1x16xf32> to vector<16xf32>
      %swap3A_622 = vector.shape_cast %broadcast_in_dim3A_617 : vector<16xf32> to vector<1x16xf32>
      tpu.vector_store %arg9[%swap3A_618, %swap3A_619], %swap3A_622 {strides = array<i32>} : memref<128x128xf32, #tpu.memory_space<vmem>>, vector<1x16xf32>,
      %broadcast_in_dim3A_623 = arith.constant 0.000000e+00 : f32
      %broadcast_in_dim3A_624 = vector.broadcast %broadcast_in_dim3A_623 : f32 to vector<16xf32>
      %swap3A_625 = arith.index_cast %scan3A_588 : i32 to index
      %swap3A_626 = arith.constant 80 : index
      %swap3A_627 = tpu.vector_load %arg9[%swap3A_625, %swap3A_626] {strides = array<i32>} : memref<128x128xf32, #tpu.memory_space<vmem>>, vector<1x16xf32>,
      %swap3A_628 = vector.shape_cast %swap3A_627 : vector<1x16xf32> to vector<16xf32>
      %swap3A_629 = vector.shape_cast %broadcast_in_dim3A_624 : vector<16xf32> to vector<1x16xf32>
      tpu.vector_store %arg9[%swap3A_625, %swap3A_626], %swap3A_629 {strides = array<i32>} : memref<128x128xf32, #tpu.memory_space<vmem>>, vector<1x16xf32>,
      %broadcast_in_dim3A_630 = arith.constant 0.000000e+00 : f32
      %broadcast_in_dim3A_631 = vector.broadcast %broadcast_in_dim3A_630 : f32 to vector<16xf32>
      %swap3A_632 = arith.index_cast %scan3A_588 : i32 to index
      %swap3A_633 = arith.constant 96 : index
      %swap3A_634 = tpu.vector_load %arg9[%swap3A_632, %swap3A_633] {strides = array<i32>} : memref<128x128xf32, #tpu.memory_space<vmem>>, vector<1x16xf32>,
      %swap3A_635 = vector.shape_cast %swap3A_634 : vector<1x16xf32> to vector<16xf32>
      %swap3A_636 = vector.shape_cast %broadcast_in_dim3A_631 : vector<16xf32> to vector<1x16xf32>
      tpu.vector_store %arg9[%swap3A_632, %swap3A_633], %swap3A_636 {strides = array<i32>} : memref<128x128xf32, #tpu.memory_space<vmem>>, vector<1x16xf32>,
      %broadcast_in_dim3A_637 = arith.constant 0.000000e+00 : f32
      %broadcast_in_dim3A_638 = vector.broadcast %broadcast_in_dim3A_637 : f32 to vector<16xf32>
      %swap3A_639 = arith.index_cast %scan3A_588 : i32 to index
      %swap3A_640 = arith.constant 112 : index
      %swap3A_641 = tpu.vector_load %arg9[%swap3A_639, %swap3A_640] {strides = array<i32>} : memref<128x128xf32, #tpu.memory_space<vmem>>, vector<1x16xf32>,
      %swap3A_642 = vector.shape_cast %swap3A_641 : vector<1x16xf32> to vector<16xf32>
      %swap3A_643 = vector.shape_cast %broadcast_in_dim3A_638 : vector<16xf32> to vector<1x16xf32>
      tpu.vector_store %arg9[%swap3A_639, %swap3A_640], %swap3A_643 {strides = array<i32>} : memref<128x128xf32, #tpu.memory_space<vmem>>, vector<1x16xf32>,
    }
    %scan3A_5 = arith.constant 128 : i32
    %mul3A_6 = arith.constant 640 : i32
    %mul3A_7 = arith.muli %arg1, %mul3A_6 : i32
    %add3A_8 = arith.constant 0 : i32
    %add3A_9 = arith.addi %mul3A_7, %add3A_8 : i32
    "tpu.region"() ({
      %run_scoped3A_588 = tpu.sem_alloc : memref<!tpu.dma_semaphore, #tpu.memory_space<semaphore_mem>>
      %dma_start3A_589 = arith.constant 0 : i32
      %dma_start3A_590 = tpu.memref_slice %arg5[%add3A_9, %dma_start3A_589] : memref<10240x128xf32, #tpu.memory_space<vmem_shared>> -> memref<128x128xf32, #tpu.memory_space<vmem_shared>>
      %dma_start3A_591 = arith.constant 0 : i32
      %dma_start3A_592 = tpu.memref_slice %arg5[%add3A_9, %dma_start3A_591] : memref<10240x128xf32, #tpu.memory_space<vmem_shared>> -> memref<128x128xf32, #tpu.memory_space<vmem_shared>>
      tpu.enqueue_dma source(%arg9 : memref<128x128xf32, #tpu.memory_space<vmem>>) target(%dma_start3A_592 : memref<128x128xf32, #tpu.memory_space<vmem_shared>>) target_semaphore(%run_scoped3A_588 : memref<!tpu.dma_semaphore, #tpu.memory_space<semaphore_mem>>)
      %dma_wait3A_593 = arith.constant 0 : i32
      %dma_wait3A_594 = tpu.memref_slice %arg5[%add3A_9, %dma_wait3A_593] : memref<10240x128xf32, #tpu.memory_space<vmem_shared>> -> memref<128x128xf32, #tpu.memory_space<vmem_shared>>
      %dma_wait3A_595 = arith.constant 0 : i32
      %dma_wait3A_596 = tpu.memref_slice %arg5[%add3A_9, %dma_wait3A_595] : memref<10240x128xf32, #tpu.memory_space<vmem_shared>> -> memref<128x128xf32, #tpu.memory_space<vmem_shared>>
      tpu.wait_dma2 semaphore(%run_scoped3A_588 : memref<!tpu.dma_semaphore, #tpu.memory_space<semaphore_mem>>) src(%arg9 : memref<128x128xf32, #tpu.memory_space<vmem>>) dst(%dma_wait3A_596 : memref<128x128xf32, #tpu.memory_space<vmem_shared>>)
      tpu.yield
    }) : () -> ()
    %mul3A_10 = arith.constant 640 : i32
    %mul3A_11 = arith.muli %arg1, %mul3A_10 : i32
    %add3A_12 = arith.constant 128 : i32
    %add3A_13 = arith.addi %mul3A_11, %add3A_12 : i32
    "tpu.region"() ({
      %run_scoped3A_588 = tpu.sem_alloc : memref<!tpu.dma_semaphore, #tpu.memory_space<semaphore_mem>>
      %dma_start3A_589 = arith.constant 0 : i32
      %dma_start3A_590 = tpu.memref_slice %arg5[%add3A_13, %dma_start3A_589] : memref<10240x128xf32, #tpu.memory_space<vmem_shared>> -> memref<128x128xf32, #tpu.memory_space<vmem_shared>>
      %dma_start3A_591 = arith.constant 0 : i32
      %dma_start3A_592 = tpu.memref_slice %arg5[%add3A_13, %dma_start3A_591] : memref<10240x128xf32, #tpu.memory_space<vmem_shared>> -> memref<128x128xf32, #tpu.memory_space<vmem_shared>>
      tpu.enqueue_dma source(%arg9 : memref<128x128xf32, #tpu.memory_space<vmem>>) target(%dma_start3A_592 : memref<128x128xf32, #tpu.memory_space<vmem_shared>>) target_semaphore(%run_scoped3A_588 : memref<!tpu.dma_semaphore, #tpu.memory_space<semaphore_mem>>)
      %dma_wait3A_593 = arith.constant 0 : i32
      %dma_wait3A_594 = tpu.memref_slice %arg5[%add3A_13, %dma_wait3A_593] : memref<10240x128xf32, #tpu.memory_space<vmem_shared>> -> memref<128x128xf32, #tpu.memory_space<vmem_shared>>
      %dma_wait3A_595 = arith.constant 0 : i32
      %dma_wait3A_596 = tpu.memref_slice %arg5[%add3A_13, %dma_wait3A_595] : memref<10240x128xf32, #tpu.memory_space<vmem_shared>> -> memref<128x128xf32, #tpu.memory_space<vmem_shared>>
      tpu.wait_dma2 semaphore(%run_scoped3A_588 : memref<!tpu.dma_semaphore, #tpu.memory_space<semaphore_mem>>) src(%arg9 : memref<128x128xf32, #tpu.memory_space<vmem>>) dst(%dma_wait3A_596 : memref<128x128xf32, #tpu.memory_space<vmem_shared>>)
      tpu.yield
    }) : () -> ()
    %mul3A_14 = arith.constant 640 : i32
    %mul3A_15 = arith.muli %arg1, %mul3A_14 : i32
    %add3A_16 = arith.constant 256 : i32
    %add3A_17 = arith.addi %mul3A_15, %add3A_16 : i32
    "tpu.region"() ({
      %run_scoped3A_588 = tpu.sem_alloc : memref<!tpu.dma_semaphore, #tpu.memory_space<semaphore_mem>>
      %dma_start3A_589 = arith.constant 0 : i32
      %dma_start3A_590 = tpu.memref_slice %arg5[%add3A_17, %dma_start3A_589] : memref<10240x128xf32, #tpu.memory_space<vmem_shared>> -> memref<128x128xf32, #tpu.memory_space<vmem_shared>>
      %dma_start3A_591 = arith.constant 0 : i32
      %dma_start3A_592 = tpu.memref_slice %arg5[%add3A_17, %dma_start3A_591] : memref<10240x128xf32, #tpu.memory_space<vmem_shared>> -> memref<128x128xf32, #tpu.memory_space<vmem_shared>>
      tpu.enqueue_dma source(%arg9 : memref<128x128xf32, #tpu.memory_space<vmem>>) target(%dma_start3A_592 : memref<128x128xf32, #tpu.memory_space<vmem_shared>>) target_semaphore(%run_scoped3A_588 : memref<!tpu.dma_semaphore, #tpu.memory_space<semaphore_mem>>)
      %dma_wait3A_593 = arith.constant 0 : i32
      %dma_wait3A_594 = tpu.memref_slice %arg5[%add3A_17, %dma_wait3A_593] : memref<10240x128xf32, #tpu.memory_space<vmem_shared>> -> memref<128x128xf32, #tpu.memory_space<vmem_shared>>
      %dma_wait3A_595 = arith.constant 0 : i32
      %dma_wait3A_596 = tpu.memref_slice %arg5[%add3A_17, %dma_wait3A_595] : memref<10240x128xf32, #tpu.memory_space<vmem_shared>> -> memref<128x128xf32, #tpu.memory_space<vmem_shared>>
      tpu.wait_dma2 semaphore(%run_scoped3A_588 : memref<!tpu.dma_semaphore, #tpu.memory_space<semaphore_mem>>) src(%arg9 : memref<128x128xf32, #tpu.memory_space<vmem>>) dst(%dma_wait3A_596 : memref<128x128xf32, #tpu.memory_space<vmem_shared>>)
      tpu.yield
    }) : () -> ()
    %mul3A_18 = arith.constant 640 : i32
    %mul3A_19 = arith.muli %arg1, %mul3A_18 : i32
    %add3A_20 = arith.constant 384 : i32
    %add3A_21 = arith.addi %mul3A_19, %add3A_20 : i32
    "tpu.region"() ({
      %run_scoped3A_588 = tpu.sem_alloc : memref<!tpu.dma_semaphore, #tpu.memory_space<semaphore_mem>>
      %dma_start3A_589 = arith.constant 0 : i32
      %dma_start3A_590 = tpu.memref_slice %arg5[%add3A_21, %dma_start3A_589] : memref<10240x128xf32, #tpu.memory_space<vmem_shared>> -> memref<128x128xf32, #tpu.memory_space<vmem_shared>>
      %dma_start3A_591 = arith.constant 0 : i32
      %dma_start3A_592 = tpu.memref_slice %arg5[%add3A_21, %dma_start3A_591] : memref<10240x128xf32, #tpu.memory_space<vmem_shared>> -> memref<128x128xf32, #tpu.memory_space<vmem_shared>>
      tpu.enqueue_dma source(%arg9 : memref<128x128xf32, #tpu.memory_space<vmem>>) target(%dma_start3A_592 : memref<128x128xf32, #tpu.memory_space<vmem_shared>>) target_semaphore(%run_scoped3A_588 : memref<!tpu.dma_semaphore, #tpu.memory_space<semaphore_mem>>)
      %dma_wait3A_593 = arith.constant 0 : i32
      %dma_wait3A_594 = tpu.memref_slice %arg5[%add3A_21, %dma_wait3A_593] : memref<10240x128xf32, #tpu.memory_space<vmem_shared>> -> memref<128x128xf32, #tpu.memory_space<vmem_shared>>
      %dma_wait3A_595 = arith.constant 0 : i32
      %dma_wait3A_596 = tpu.memref_slice %arg5[%add3A_21, %dma_wait3A_595] : memref<10240x128xf32, #tpu.memory_space<vmem_shared>> -> memref<128x128xf32, #tpu.memory_space<vmem_shared>>
      tpu.wait_dma2 semaphore(%run_scoped3A_588 : memref<!tpu.dma_semaphore, #tpu.memory_space<semaphore_mem>>) src(%arg9 : memref<128x128xf32, #tpu.memory_space<vmem>>) dst(%dma_wait3A_596 : memref<128x128xf32, #tpu.memory_space<vmem_shared>>)
      tpu.yield
    }) : () -> ()
    %mul3A_22 = arith.constant 640 : i32
    %mul3A_23 = arith.muli %arg1, %mul3A_22 : i32
    %add3A_24 = arith.constant 512 : i32
    %add3A_25 = arith.addi %mul3A_23, %add3A_24 : i32
    "tpu.region"() ({
      %run_scoped3A_588 = tpu.sem_alloc : memref<!tpu.dma_semaphore, #tpu.memory_space<semaphore_mem>>
      %dma_start3A_589 = arith.constant 0 : i32
      %dma_start3A_590 = tpu.memref_slice %arg5[%add3A_25, %dma_start3A_589] : memref<10240x128xf32, #tpu.memory_space<vmem_shared>> -> memref<128x128xf32, #tpu.memory_space<vmem_shared>>
      %dma_start3A_591 = arith.constant 0 : i32
      %dma_start3A_592 = tpu.memref_slice %arg5[%add3A_25, %dma_start3A_591] : memref<10240x128xf32, #tpu.memory_space<vmem_shared>> -> memref<128x128xf32, #tpu.memory_space<vmem_shared>>
      tpu.enqueue_dma source(%arg9 : memref<128x128xf32, #tpu.memory_space<vmem>>) target(%dma_start3A_592 : memref<128x128xf32, #tpu.memory_space<vmem_shared>>) target_semaphore(%run_scoped3A_588 : memref<!tpu.dma_semaphore, #tpu.memory_space<semaphore_mem>>)
      %dma_wait3A_593 = arith.constant 0 : i32
      %dma_wait3A_594 = tpu.memref_slice %arg5[%add3A_25, %dma_wait3A_593] : memref<10240x128xf32, #tpu.memory_space<vmem_shared>> -> memref<128x128xf32, #tpu.memory_space<vmem_shared>>
      %dma_wait3A_595 = arith.constant 0 : i32
      %dma_wait3A_596 = tpu.memref_slice %arg5[%add3A_25, %dma_wait3A_595] : memref<10240x128xf32, #tpu.memory_space<vmem_shared>> -> memref<128x128xf32, #tpu.memory_space<vmem_shared>>
      tpu.wait_dma2 semaphore(%run_scoped3A_588 : memref<!tpu.dma_semaphore, #tpu.memory_space<semaphore_mem>>) src(%arg9 : memref<128x128xf32, #tpu.memory_space<vmem>>) dst(%dma_wait3A_596 : memref<128x128xf32, #tpu.memory_space<vmem_shared>>)
      tpu.yield
    }) : () -> ()
    "tpu.region"() ({
      %run_scoped3A_588 = tpu.sem_alloc : memref<!tpu.dma_semaphore, #tpu.memory_space<semaphore_mem>>
      %dma_start3A_589 = arith.constant 0 : i32
      %dma_start3A_590 = arith.constant 0 : i32
      %dma_start3A_591 = tpu.memref_slice %arg3[%add3A, %dma_start3A_589, %dma_start3A_590] : memref<32x80x128xi32, #tpu.memory_space<hbm>> -> memref<1x80x128xi32, #tpu.memory_space<hbm>>
      %dma_start3A_592 = tpu.memref_squeeze %dma_start3A_591 : memref<1x80x128xi32, #tpu.memory_space<hbm>> -> memref<80x128xi32, #tpu.memory_space<hbm>>
      %dma_start3A_593 = arith.constant 0 : i32
      %dma_start3A_594 = arith.constant 0 : i32
      %dma_start3A_595 = tpu.memref_slice %arg3[%add3A, %dma_start3A_593, %dma_start3A_594] : memref<32x80x128xi32, #tpu.memory_space<hbm>> -> memref<1x80x128xi32, #tpu.memory_space<hbm>>
      %dma_start3A_596 = tpu.memref_squeeze %dma_start3A_595 : memref<1x80x128xi32, #tpu.memory_space<hbm>> -> memref<80x128xi32, #tpu.memory_space<hbm>>
      tpu.enqueue_dma source(%dma_start3A_596 : memref<80x128xi32, #tpu.memory_space<hbm>>) target(%arg6 : memref<80x128xi32, #tpu.memory_space<vmem>>) target_semaphore(%run_scoped3A_588 : memref<!tpu.dma_semaphore, #tpu.memory_space<semaphore_mem>>)
      %dma_wait3A_597 = arith.constant 0 : i32
      %dma_wait3A_598 = arith.constant 0 : i32
      %dma_wait3A_599 = tpu.memref_slice %arg3[%add3A, %dma_wait3A_597, %dma_wait3A_598] : memref<32x80x128xi32, #tpu.memory_space<hbm>> -> memref<1x80x128xi32, #tpu.memory_space<hbm>>
      %dma_wait3A_600 = tpu.memref_squeeze %dma_wait3A_599 : memref<1x80x128xi32, #tpu.memory_space<hbm>> -> memref<80x128xi32, #tpu.memory_space<hbm>>
      %dma_wait3A_601 = arith.constant 0 : i32
      %dma_wait3A_602 = arith.constant 0 : i32
      %dma_wait3A_603 = tpu.memref_slice %arg3[%add3A, %dma_wait3A_601, %dma_wait3A_602] : memref<32x80x128xi32, #tpu.memory_space<hbm>> -> memref<1x80x128xi32, #tpu.memory_space<hbm>>
      %dma_wait3A_604 = tpu.memref_squeeze %dma_wait3A_603 : memref<1x80x128xi32, #tpu.memory_space<hbm>> -> memref<80x128xi32, #tpu.memory_space<hbm>>
      tpu.wait_dma2 semaphore(%run_scoped3A_588 : memref<!tpu.dma_semaphore, #tpu.memory_space<semaphore_mem>>) src(%dma_wait3A_604 : memref<80x128xi32, #tpu.memory_space<hbm>>) dst(%arg6 : memref<80x128xi32, #tpu.memory_space<vmem>>)
      tpu.yield
    }) : () -> ()
    %get3A = arith.constant 0 : i32
    %get3A_26 = arith.constant 0 : i32
    %get3A_27 = tpu.memref_slice %arg6[%get3A, %get3A_26] : memref<80x128xi32, #tpu.memory_space<vmem>> -> memref<1x128xi32, #tpu.memory_space<vmem>>
    %get3A_28 = tpu.memref_squeeze %get3A_27 : memref<1x128xi32, #tpu.memory_space<vmem>> -> memref<128xi32, #tpu.memory_space<vmem>>
    %get3A_29 = arith.constant 0 : index
    %get3A_30 = tpu.vector_load %get3A_28[%get3A_29] {strides = array<i32>} : memref<128xi32, #tpu.memory_space<vmem>>, vector<16xi32>,
    %get3A_31 = vector.shape_cast %get3A_30 : vector<16xi32> to vector<16xi32>
    %shift_right_logical3A = arith.constant 14 : i32
    %shift_right_logical3A_32 = vector.broadcast %shift_right_logical3A : i32 to vector<16xi32>
    %shift_right_logical3A_33 = arith.shrui %get3A_31, %shift_right_logical3A_32 : vector<16xi32>
    %swap3A = arith.constant 0 : i32
    %swap3A_34 = arith.index_cast %swap3A : i32 to index
    %swap3A_35 = arith.constant 0 : index
    %swap3A_36 = tpu.vector_load %arg7[%swap3A_34, %swap3A_35] {strides = array<i32>} : memref<2x128xi32, #tpu.memory_space<vmem>>, vector<1x16xi32>,
    %swap3A_37 = vector.shape_cast %swap3A_36 : vector<1x16xi32> to vector<16xi32>
    %swap3A_38 = vector.shape_cast %shift_right_logical3A_33 : vector<16xi32> to vector<1x16xi32>
    tpu.vector_store %arg7[%swap3A_34, %swap3A_35], %swap3A_38 {strides = array<i32>} : memref<2x128xi32, #tpu.memory_space<vmem>>, vector<1x16xi32>,
    %get3A_39 = arith.constant 0 : i32
    %get3A_40 = arith.constant 0 : i32
    %get3A_41 = tpu.memref_slice %arg6[%get3A_39, %get3A_40] : memref<80x128xi32, #tpu.memory_space<vmem>> -> memref<1x128xi32, #tpu.memory_space<vmem>>
    %get3A_42 = tpu.memref_squeeze %get3A_41 : memref<1x128xi32, #tpu.memory_space<vmem>> -> memref<128xi32, #tpu.memory_space<vmem>>
    %get3A_43 = arith.constant 16 : index
    %get3A_44 = tpu.vector_load %get3A_42[%get3A_43] {strides = array<i32>} : memref<128xi32, #tpu.memory_space<vmem>>, vector<16xi32>,
    %get3A_45 = vector.shape_cast %get3A_44 : vector<16xi32> to vector<16xi32>
    %shift_right_logical3A_46 = arith.constant 14 : i32
    %shift_right_logical3A_47 = vector.broadcast %shift_right_logical3A_46 : i32 to vector<16xi32>
    %shift_right_logical3A_48 = arith.shrui %get3A_45, %shift_right_logical3A_47 : vector<16xi32>
    %swap3A_49 = arith.constant 0 : i32
    %swap3A_50 = arith.index_cast %swap3A_49 : i32 to index
    %swap3A_51 = arith.constant 16 : index
    %swap3A_52 = tpu.vector_load %arg7[%swap3A_50, %swap3A_51] {strides = array<i32>} : memref<2x128xi32, #tpu.memory_space<vmem>>, vector<1x16xi32>,
    %swap3A_53 = vector.shape_cast %swap3A_52 : vector<1x16xi32> to vector<16xi32>
    %swap3A_54 = vector.shape_cast %shift_right_logical3A_48 : vector<16xi32> to vector<1x16xi32>
    tpu.vector_store %arg7[%swap3A_50, %swap3A_51], %swap3A_54 {strides = array<i32>} : memref<2x128xi32, #tpu.memory_space<vmem>>, vector<1x16xi32>,
    %get3A_55 = arith.constant 0 : i32
    %get3A_56 = arith.constant 0 : i32
    %get3A_57 = tpu.memref_slice %arg6[%get3A_55, %get3A_56] : memref<80x128xi32, #tpu.memory_space<vmem>> -> memref<1x128xi32, #tpu.memory_space<vmem>>
    %get3A_58 = tpu.memref_squeeze %get3A_57 : memref<1x128xi32, #tpu.memory_space<vmem>> -> memref<128xi32, #tpu.memory_space<vmem>>
    %get3A_59 = arith.constant 32 : index
    %get3A_60 = tpu.vector_load %get3A_58[%get3A_59] {strides = array<i32>} : memref<128xi32, #tpu.memory_space<vmem>>, vector<16xi32>,
    %get3A_61 = vector.shape_cast %get3A_60 : vector<16xi32> to vector<16xi32>
    %shift_right_logical3A_62 = arith.constant 14 : i32
    %shift_right_logical3A_63 = vector.broadcast %shift_right_logical3A_62 : i32 to vector<16xi32>
    %shift_right_logical3A_64 = arith.shrui %get3A_61, %shift_right_logical3A_63 : vector<16xi32>
    %swap3A_65 = arith.constant 0 : i32
    %swap3A_66 = arith.index_cast %swap3A_65 : i32 to index
    %swap3A_67 = arith.constant 32 : index
    %swap3A_68 = tpu.vector_load %arg7[%swap3A_66, %swap3A_67] {strides = array<i32>} : memref<2x128xi32, #tpu.memory_space<vmem>>, vector<1x16xi32>,
    %swap3A_69 = vector.shape_cast %swap3A_68 : vector<1x16xi32> to vector<16xi32>
    %swap3A_70 = vector.shape_cast %shift_right_logical3A_64 : vector<16xi32> to vector<1x16xi32>
    tpu.vector_store %arg7[%swap3A_66, %swap3A_67], %swap3A_70 {strides = array<i32>} : memref<2x128xi32, #tpu.memory_space<vmem>>, vector<1x16xi32>,
    %get3A_71 = arith.constant 0 : i32
    %get3A_72 = arith.constant 0 : i32
    %get3A_73 = tpu.memref_slice %arg6[%get3A_71, %get3A_72] : memref<80x128xi32, #tpu.memory_space<vmem>> -> memref<1x128xi32, #tpu.memory_space<vmem>>
    %get3A_74 = tpu.memref_squeeze %get3A_73 : memref<1x128xi32, #tpu.memory_space<vmem>> -> memref<128xi32, #tpu.memory_space<vmem>>
    %get3A_75 = arith.constant 48 : index
    %get3A_76 = tpu.vector_load %get3A_74[%get3A_75] {strides = array<i32>} : memref<128xi32, #tpu.memory_space<vmem>>, vector<16xi32>,
    %get3A_77 = vector.shape_cast %get3A_76 : vector<16xi32> to vector<16xi32>
    %shift_right_logical3A_78 = arith.constant 14 : i32
    %shift_right_logical3A_79 = vector.broadcast %shift_right_logical3A_78 : i32 to vector<16xi32>
    %shift_right_logical3A_80 = arith.shrui %get3A_77, %shift_right_logical3A_79 : vector<16xi32>
    %swap3A_81 = arith.constant 0 : i32
    %swap3A_82 = arith.index_cast %swap3A_81 : i32 to index
    %swap3A_83 = arith.constant 48 : index
    %swap3A_84 = tpu.vector_load %arg7[%swap3A_82, %swap3A_83] {strides = array<i32>} : memref<2x128xi32, #tpu.memory_space<vmem>>, vector<1x16xi32>,
    %swap3A_85 = vector.shape_cast %swap3A_84 : vector<1x16xi32> to vector<16xi32>
    %swap3A_86 = vector.shape_cast %shift_right_logical3A_80 : vector<16xi32> to vector<1x16xi32>
    tpu.vector_store %arg7[%swap3A_82, %swap3A_83], %swap3A_86 {strides = array<i32>} : memref<2x128xi32, #tpu.memory_space<vmem>>, vector<1x16xi32>,
    %get3A_87 = arith.constant 0 : i32
    %get3A_88 = arith.constant 0 : i32
    %get3A_89 = tpu.memref_slice %arg6[%get3A_87, %get3A_88] : memref<80x128xi32, #tpu.memory_space<vmem>> -> memref<1x128xi32, #tpu.memory_space<vmem>>
    %get3A_90 = tpu.memref_squeeze %get3A_89 : memref<1x128xi32, #tpu.memory_space<vmem>> -> memref<128xi32, #tpu.memory_space<vmem>>
    %get3A_91 = arith.constant 64 : index
    %get3A_92 = tpu.vector_load %get3A_90[%get3A_91] {strides = array<i32>} : memref<128xi32, #tpu.memory_space<vmem>>, vector<16xi32>,
    %get3A_93 = vector.shape_cast %get3A_92 : vector<16xi32> to vector<16xi32>
    %shift_right_logical3A_94 = arith.constant 14 : i32
    %shift_right_logical3A_95 = vector.broadcast %shift_right_logical3A_94 : i32 to vector<16xi32>
    %shift_right_logical3A_96 = arith.shrui %get3A_93, %shift_right_logical3A_95 : vector<16xi32>
    %swap3A_97 = arith.constant 0 : i32
    %swap3A_98 = arith.index_cast %swap3A_97 : i32 to index
    %swap3A_99 = arith.constant 64 : index
    %swap3A_100 = tpu.vector_load %arg7[%swap3A_98, %swap3A_99] {strides = array<i32>} : memref<2x128xi32, #tpu.memory_space<vmem>>, vector<1x16xi32>,
    %swap3A_101 = vector.shape_cast %swap3A_100 : vector<1x16xi32> to vector<16xi32>
    %swap3A_102 = vector.shape_cast %shift_right_logical3A_96 : vector<16xi32> to vector<1x16xi32>
    tpu.vector_store %arg7[%swap3A_98, %swap3A_99], %swap3A_102 {strides = array<i32>} : memref<2x128xi32, #tpu.memory_space<vmem>>, vector<1x16xi32>,
    %get3A_103 = arith.constant 0 : i32
    %get3A_104 = arith.constant 0 : i32
    %get3A_105 = tpu.memref_slice %arg6[%get3A_103, %get3A_104] : memref<80x128xi32, #tpu.memory_space<vmem>> -> memref<1x128xi32, #tpu.memory_space<vmem>>
    %get3A_106 = tpu.memref_squeeze %get3A_105 : memref<1x128xi32, #tpu.memory_space<vmem>> -> memref<128xi32, #tpu.memory_space<vmem>>
    %get3A_107 = arith.constant 80 : index
    %get3A_108 = tpu.vector_load %get3A_106[%get3A_107] {strides = array<i32>} : memref<128xi32, #tpu.memory_space<vmem>>, vector<16xi32>,
    %get3A_109 = vector.shape_cast %get3A_108 : vector<16xi32> to vector<16xi32>
    %shift_right_logical3A_110 = arith.constant 14 : i32
    %shift_right_logical3A_111 = vector.broadcast %shift_right_logical3A_110 : i32 to vector<16xi32>
    %shift_right_logical3A_112 = arith.shrui %get3A_109, %shift_right_logical3A_111 : vector<16xi32>
    %swap3A_113 = arith.constant 0 : i32
    %swap3A_114 = arith.index_cast %swap3A_113 : i32 to index
    %swap3A_115 = arith.constant 80 : index
    %swap3A_116 = tpu.vector_load %arg7[%swap3A_114, %swap3A_115] {strides = array<i32>} : memref<2x128xi32, #tpu.memory_space<vmem>>, vector<1x16xi32>,
    %swap3A_117 = vector.shape_cast %swap3A_116 : vector<1x16xi32> to vector<16xi32>
    %swap3A_118 = vector.shape_cast %shift_right_logical3A_112 : vector<16xi32> to vector<1x16xi32>
    tpu.vector_store %arg7[%swap3A_114, %swap3A_115], %swap3A_118 {strides = array<i32>} : memref<2x128xi32, #tpu.memory_space<vmem>>, vector<1x16xi32>,
    %get3A_119 = arith.constant 0 : i32
    %get3A_120 = arith.constant 0 : i32
    %get3A_121 = tpu.memref_slice %arg6[%get3A_119, %get3A_120] : memref<80x128xi32, #tpu.memory_space<vmem>> -> memref<1x128xi32, #tpu.memory_space<vmem>>
    %get3A_122 = tpu.memref_squeeze %get3A_121 : memref<1x128xi32, #tpu.memory_space<vmem>> -> memref<128xi32, #tpu.memory_space<vmem>>
    %get3A_123 = arith.constant 96 : index
    %get3A_124 = tpu.vector_load %get3A_122[%get3A_123] {strides = array<i32>} : memref<128xi32, #tpu.memory_space<vmem>>, vector<16xi32>,
    %get3A_125 = vector.shape_cast %get3A_124 : vector<16xi32> to vector<16xi32>
    %shift_right_logical3A_126 = arith.constant 14 : i32
    %shift_right_logical3A_127 = vector.broadcast %shift_right_logical3A_126 : i32 to vector<16xi32>
    %shift_right_logical3A_128 = arith.shrui %get3A_125, %shift_right_logical3A_127 : vector<16xi32>
    %swap3A_129 = arith.constant 0 : i32
    %swap3A_130 = arith.index_cast %swap3A_129 : i32 to index
    %swap3A_131 = arith.constant 96 : index
    %swap3A_132 = tpu.vector_load %arg7[%swap3A_130, %swap3A_131] {strides = array<i32>} : memref<2x128xi32, #tpu.memory_space<vmem>>, vector<1x16xi32>,
    %swap3A_133 = vector.shape_cast %swap3A_132 : vector<1x16xi32> to vector<16xi32>
    %swap3A_134 = vector.shape_cast %shift_right_logical3A_128 : vector<16xi32> to vector<1x16xi32>
    tpu.vector_store %arg7[%swap3A_130, %swap3A_131], %swap3A_134 {strides = array<i32>} : memref<2x128xi32, #tpu.memory_space<vmem>>, vector<1x16xi32>,
    %get3A_135 = arith.constant 0 : i32
    %get3A_136 = arith.constant 0 : i32
    %get3A_137 = tpu.memref_slice %arg6[%get3A_135, %get3A_136] : memref<80x128xi32, #tpu.memory_space<vmem>> -> memref<1x128xi32, #tpu.memory_space<vmem>>
    %get3A_138 = tpu.memref_squeeze %get3A_137 : memref<1x128xi32, #tpu.memory_space<vmem>> -> memref<128xi32, #tpu.memory_space<vmem>>
    %get3A_139 = arith.constant 112 : index
    %get3A_140 = tpu.vector_load %get3A_138[%get3A_139] {strides = array<i32>} : memref<128xi32, #tpu.memory_space<vmem>>, vector<16xi32>,
    %get3A_141 = vector.shape_cast %get3A_140 : vector<16xi32> to vector<16xi32>
    %shift_right_logical3A_142 = arith.constant 14 : i32
    %shift_right_logical3A_143 = vector.broadcast %shift_right_logical3A_142 : i32 to vector<16xi32>
    %shift_right_logical3A_144 = arith.shrui %get3A_141, %shift_right_logical3A_143 : vector<16xi32>
    %swap3A_145 = arith.constant 0 : i32
    %swap3A_146 = arith.index_cast %swap3A_145 : i32 to index
    %swap3A_147 = arith.constant 112 : index
    %swap3A_148 = tpu.vector_load %arg7[%swap3A_146, %swap3A_147] {strides = array<i32>} : memref<2x128xi32, #tpu.memory_space<vmem>>, vector<1x16xi32>,
    %swap3A_149 = vector.shape_cast %swap3A_148 : vector<1x16xi32> to vector<16xi32>
    %swap3A_150 = vector.shape_cast %shift_right_logical3A_144 : vector<16xi32> to vector<1x16xi32>
    tpu.vector_store %arg7[%swap3A_146, %swap3A_147], %swap3A_150 {strides = array<i32>} : memref<2x128xi32, #tpu.memory_space<vmem>>, vector<1x16xi32>,
    %dma_start3A = arith.constant 0 : i32
    %dma_start3A_151 = arith.constant 0 : i32
    %dma_start3A_152 = tpu.memref_slice %arg7[%dma_start3A, %dma_start3A_151] : memref<2x128xi32, #tpu.memory_space<vmem>> -> memref<1x128xi32, #tpu.memory_space<vmem>>
    %dma_start3A_153 = tpu.memref_squeeze %dma_start3A_152 : memref<1x128xi32, #tpu.memory_space<vmem>> -> memref<128xi32, #tpu.memory_space<vmem>>
    %dma_start3A_154 = arith.constant 0 : i32
    %dma_start3A_155 = arith.constant 0 : i32
    %dma_start3A_156 = tpu.memref_slice %arg2[%dma_start3A_154, %dma_start3A_155] : memref<20000x128xf32, #tpu.memory_space<hbm>> -> memref<20000x128xf32, #tpu.memory_space<hbm>>
    tpu.enqueue_indirect_dma source(%dma_start3A_156 : memref<20000x128xf32, #tpu.memory_space<hbm>>) target(%arg9 : memref<128x128xf32, #tpu.memory_space<vmem>>) offsets(%dma_start3A_153 : memref<128xi32, #tpu.memory_space<vmem>>) semaphore(%arg11 : memref<!tpu.dma_semaphore, #tpu.memory_space<semaphore_mem>>)
    %get3A_157 = arith.constant 1 : i32
    %get3A_158 = arith.constant 0 : i32
    %get3A_159 = tpu.memref_slice %arg6[%get3A_157, %get3A_158] : memref<80x128xi32, #tpu.memory_space<vmem>> -> memref<1x128xi32, #tpu.memory_space<vmem>>
    %get3A_160 = tpu.memref_squeeze %get3A_159 : memref<1x128xi32, #tpu.memory_space<vmem>> -> memref<128xi32, #tpu.memory_space<vmem>>
    %get3A_161 = arith.constant 0 : index
    %get3A_162 = tpu.vector_load %get3A_160[%get3A_161] {strides = array<i32>} : memref<128xi32, #tpu.memory_space<vmem>>, vector<16xi32>,
    %get3A_163 = vector.shape_cast %get3A_162 : vector<16xi32> to vector<16xi32>
    %shift_right_logical3A_164 = arith.constant 14 : i32
    %shift_right_logical3A_165 = vector.broadcast %shift_right_logical3A_164 : i32 to vector<16xi32>
    %shift_right_logical3A_166 = arith.shrui %get3A_163, %shift_right_logical3A_165 : vector<16xi32>
    %swap3A_167 = arith.constant 1 : i32
    %swap3A_168 = arith.index_cast %swap3A_167 : i32 to index
    %swap3A_169 = arith.constant 0 : index
    %swap3A_170 = tpu.vector_load %arg7[%swap3A_168, %swap3A_169] {strides = array<i32>} : memref<2x128xi32, #tpu.memory_space<vmem>>, vector<1x16xi32>,
    %swap3A_171 = vector.shape_cast %swap3A_170 : vector<1x16xi32> to vector<16xi32>
    %swap3A_172 = vector.shape_cast %shift_right_logical3A_166 : vector<16xi32> to vector<1x16xi32>
    tpu.vector_store %arg7[%swap3A_168, %swap3A_169], %swap3A_172 {strides = array<i32>} : memref<2x128xi32, #tpu.memory_space<vmem>>, vector<1x16xi32>,
    %get3A_173 = arith.constant 1 : i32
    %get3A_174 = arith.constant 0 : i32
    %get3A_175 = tpu.memref_slice %arg6[%get3A_173, %get3A_174] : memref<80x128xi32, #tpu.memory_space<vmem>> -> memref<1x128xi32, #tpu.memory_space<vmem>>
    %get3A_176 = tpu.memref_squeeze %get3A_175 : memref<1x128xi32, #tpu.memory_space<vmem>> -> memref<128xi32, #tpu.memory_space<vmem>>
    %get3A_177 = arith.constant 16 : index
    %get3A_178 = tpu.vector_load %get3A_176[%get3A_177] {strides = array<i32>} : memref<128xi32, #tpu.memory_space<vmem>>, vector<16xi32>,
    %get3A_179 = vector.shape_cast %get3A_178 : vector<16xi32> to vector<16xi32>
    %shift_right_logical3A_180 = arith.constant 14 : i32
    %shift_right_logical3A_181 = vector.broadcast %shift_right_logical3A_180 : i32 to vector<16xi32>
    %shift_right_logical3A_182 = arith.shrui %get3A_179, %shift_right_logical3A_181 : vector<16xi32>
    %swap3A_183 = arith.constant 1 : i32
    %swap3A_184 = arith.index_cast %swap3A_183 : i32 to index
    %swap3A_185 = arith.constant 16 : index
    %swap3A_186 = tpu.vector_load %arg7[%swap3A_184, %swap3A_185] {strides = array<i32>} : memref<2x128xi32, #tpu.memory_space<vmem>>, vector<1x16xi32>,
    %swap3A_187 = vector.shape_cast %swap3A_186 : vector<1x16xi32> to vector<16xi32>
    %swap3A_188 = vector.shape_cast %shift_right_logical3A_182 : vector<16xi32> to vector<1x16xi32>
    tpu.vector_store %arg7[%swap3A_184, %swap3A_185], %swap3A_188 {strides = array<i32>} : memref<2x128xi32, #tpu.memory_space<vmem>>, vector<1x16xi32>,
    %get3A_189 = arith.constant 1 : i32
    %get3A_190 = arith.constant 0 : i32
    %get3A_191 = tpu.memref_slice %arg6[%get3A_189, %get3A_190] : memref<80x128xi32, #tpu.memory_space<vmem>> -> memref<1x128xi32, #tpu.memory_space<vmem>>
    %get3A_192 = tpu.memref_squeeze %get3A_191 : memref<1x128xi32, #tpu.memory_space<vmem>> -> memref<128xi32, #tpu.memory_space<vmem>>
    %get3A_193 = arith.constant 32 : index
    %get3A_194 = tpu.vector_load %get3A_192[%get3A_193] {strides = array<i32>} : memref<128xi32, #tpu.memory_space<vmem>>, vector<16xi32>,
    %get3A_195 = vector.shape_cast %get3A_194 : vector<16xi32> to vector<16xi32>
    %shift_right_logical3A_196 = arith.constant 14 : i32
    %shift_right_logical3A_197 = vector.broadcast %shift_right_logical3A_196 : i32 to vector<16xi32>
    %shift_right_logical3A_198 = arith.shrui %get3A_195, %shift_right_logical3A_197 : vector<16xi32>
    %swap3A_199 = arith.constant 1 : i32
    %swap3A_200 = arith.index_cast %swap3A_199 : i32 to index
    %swap3A_201 = arith.constant 32 : index
    %swap3A_202 = tpu.vector_load %arg7[%swap3A_200, %swap3A_201] {strides = array<i32>} : memref<2x128xi32, #tpu.memory_space<vmem>>, vector<1x16xi32>,
    %swap3A_203 = vector.shape_cast %swap3A_202 : vector<1x16xi32> to vector<16xi32>
    %swap3A_204 = vector.shape_cast %shift_right_logical3A_198 : vector<16xi32> to vector<1x16xi32>
    tpu.vector_store %arg7[%swap3A_200, %swap3A_201], %swap3A_204 {strides = array<i32>} : memref<2x128xi32, #tpu.memory_space<vmem>>, vector<1x16xi32>,
    %get3A_205 = arith.constant 1 : i32
    %get3A_206 = arith.constant 0 : i32
    %get3A_207 = tpu.memref_slice %arg6[%get3A_205, %get3A_206] : memref<80x128xi32, #tpu.memory_space<vmem>> -> memref<1x128xi32, #tpu.memory_space<vmem>>
    %get3A_208 = tpu.memref_squeeze %get3A_207 : memref<1x128xi32, #tpu.memory_space<vmem>> -> memref<128xi32, #tpu.memory_space<vmem>>
    %get3A_209 = arith.constant 48 : index
    %get3A_210 = tpu.vector_load %get3A_208[%get3A_209] {strides = array<i32>} : memref<128xi32, #tpu.memory_space<vmem>>, vector<16xi32>,
    %get3A_211 = vector.shape_cast %get3A_210 : vector<16xi32> to vector<16xi32>
    %shift_right_logical3A_212 = arith.constant 14 : i32
    %shift_right_logical3A_213 = vector.broadcast %shift_right_logical3A_212 : i32 to vector<16xi32>
    %shift_right_logical3A_214 = arith.shrui %get3A_211, %shift_right_logical3A_213 : vector<16xi32>
    %swap3A_215 = arith.constant 1 : i32
    %swap3A_216 = arith.index_cast %swap3A_215 : i32 to index
    %swap3A_217 = arith.constant 48 : index
    %swap3A_218 = tpu.vector_load %arg7[%swap3A_216, %swap3A_217] {strides = array<i32>} : memref<2x128xi32, #tpu.memory_space<vmem>>, vector<1x16xi32>,
    %swap3A_219 = vector.shape_cast %swap3A_218 : vector<1x16xi32> to vector<16xi32>
    %swap3A_220 = vector.shape_cast %shift_right_logical3A_214 : vector<16xi32> to vector<1x16xi32>
    tpu.vector_store %arg7[%swap3A_216, %swap3A_217], %swap3A_220 {strides = array<i32>} : memref<2x128xi32, #tpu.memory_space<vmem>>, vector<1x16xi32>,
    %get3A_221 = arith.constant 1 : i32
    %get3A_222 = arith.constant 0 : i32
    %get3A_223 = tpu.memref_slice %arg6[%get3A_221, %get3A_222] : memref<80x128xi32, #tpu.memory_space<vmem>> -> memref<1x128xi32, #tpu.memory_space<vmem>>
    %get3A_224 = tpu.memref_squeeze %get3A_223 : memref<1x128xi32, #tpu.memory_space<vmem>> -> memref<128xi32, #tpu.memory_space<vmem>>
    %get3A_225 = arith.constant 64 : index
    %get3A_226 = tpu.vector_load %get3A_224[%get3A_225] {strides = array<i32>} : memref<128xi32, #tpu.memory_space<vmem>>, vector<16xi32>,
    %get3A_227 = vector.shape_cast %get3A_226 : vector<16xi32> to vector<16xi32>
    %shift_right_logical3A_228 = arith.constant 14 : i32
    %shift_right_logical3A_229 = vector.broadcast %shift_right_logical3A_228 : i32 to vector<16xi32>
    %shift_right_logical3A_230 = arith.shrui %get3A_227, %shift_right_logical3A_229 : vector<16xi32>
    %swap3A_231 = arith.constant 1 : i32
    %swap3A_232 = arith.index_cast %swap3A_231 : i32 to index
    %swap3A_233 = arith.constant 64 : index
    %swap3A_234 = tpu.vector_load %arg7[%swap3A_232, %swap3A_233] {strides = array<i32>} : memref<2x128xi32, #tpu.memory_space<vmem>>, vector<1x16xi32>,
    %swap3A_235 = vector.shape_cast %swap3A_234 : vector<1x16xi32> to vector<16xi32>
    %swap3A_236 = vector.shape_cast %shift_right_logical3A_230 : vector<16xi32> to vector<1x16xi32>
    tpu.vector_store %arg7[%swap3A_232, %swap3A_233], %swap3A_236 {strides = array<i32>} : memref<2x128xi32, #tpu.memory_space<vmem>>, vector<1x16xi32>,
    %get3A_237 = arith.constant 1 : i32
    %get3A_238 = arith.constant 0 : i32
    %get3A_239 = tpu.memref_slice %arg6[%get3A_237, %get3A_238] : memref<80x128xi32, #tpu.memory_space<vmem>> -> memref<1x128xi32, #tpu.memory_space<vmem>>
    %get3A_240 = tpu.memref_squeeze %get3A_239 : memref<1x128xi32, #tpu.memory_space<vmem>> -> memref<128xi32, #tpu.memory_space<vmem>>
    %get3A_241 = arith.constant 80 : index
    %get3A_242 = tpu.vector_load %get3A_240[%get3A_241] {strides = array<i32>} : memref<128xi32, #tpu.memory_space<vmem>>, vector<16xi32>,
    %get3A_243 = vector.shape_cast %get3A_242 : vector<16xi32> to vector<16xi32>
    %shift_right_logical3A_244 = arith.constant 14 : i32
    %shift_right_logical3A_245 = vector.broadcast %shift_right_logical3A_244 : i32 to vector<16xi32>
    %shift_right_logical3A_246 = arith.shrui %get3A_243, %shift_right_logical3A_245 : vector<16xi32>
    %swap3A_247 = arith.constant 1 : i32
    %swap3A_248 = arith.index_cast %swap3A_247 : i32 to index
    %swap3A_249 = arith.constant 80 : index
    %swap3A_250 = tpu.vector_load %arg7[%swap3A_248, %swap3A_249] {strides = array<i32>} : memref<2x128xi32, #tpu.memory_space<vmem>>, vector<1x16xi32>,
    %swap3A_251 = vector.shape_cast %swap3A_250 : vector<1x16xi32> to vector<16xi32>
    %swap3A_252 = vector.shape_cast %shift_right_logical3A_246 : vector<16xi32> to vector<1x16xi32>
    tpu.vector_store %arg7[%swap3A_248, %swap3A_249], %swap3A_252 {strides = array<i32>} : memref<2x128xi32, #tpu.memory_space<vmem>>, vector<1x16xi32>,
    %get3A_253 = arith.constant 1 : i32
    %get3A_254 = arith.constant 0 : i32
    %get3A_255 = tpu.memref_slice %arg6[%get3A_253, %get3A_254] : memref<80x128xi32, #tpu.memory_space<vmem>> -> memref<1x128xi32, #tpu.memory_space<vmem>>
    %get3A_256 = tpu.memref_squeeze %get3A_255 : memref<1x128xi32, #tpu.memory_space<vmem>> -> memref<128xi32, #tpu.memory_space<vmem>>
    %get3A_257 = arith.constant 96 : index
    %get3A_258 = tpu.vector_load %get3A_256[%get3A_257] {strides = array<i32>} : memref<128xi32, #tpu.memory_space<vmem>>, vector<16xi32>,
    %get3A_259 = vector.shape_cast %get3A_258 : vector<16xi32> to vector<16xi32>
    %shift_right_logical3A_260 = arith.constant 14 : i32
    %shift_right_logical3A_261 = vector.broadcast %shift_right_logical3A_260 : i32 to vector<16xi32>
    %shift_right_logical3A_262 = arith.shrui %get3A_259, %shift_right_logical3A_261 : vector<16xi32>
    %swap3A_263 = arith.constant 1 : i32
    %swap3A_264 = arith.index_cast %swap3A_263 : i32 to index
    %swap3A_265 = arith.constant 96 : index
    %swap3A_266 = tpu.vector_load %arg7[%swap3A_264, %swap3A_265] {strides = array<i32>} : memref<2x128xi32, #tpu.memory_space<vmem>>, vector<1x16xi32>,
    %swap3A_267 = vector.shape_cast %swap3A_266 : vector<1x16xi32> to vector<16xi32>
    %swap3A_268 = vector.shape_cast %shift_right_logical3A_262 : vector<16xi32> to vector<1x16xi32>
    tpu.vector_store %arg7[%swap3A_264, %swap3A_265], %swap3A_268 {strides = array<i32>} : memref<2x128xi32, #tpu.memory_space<vmem>>, vector<1x16xi32>,
    %get3A_269 = arith.constant 1 : i32
    %get3A_270 = arith.constant 0 : i32
    %get3A_271 = tpu.memref_slice %arg6[%get3A_269, %get3A_270] : memref<80x128xi32, #tpu.memory_space<vmem>> -> memref<1x128xi32, #tpu.memory_space<vmem>>
    %get3A_272 = tpu.memref_squeeze %get3A_271 : memref<1x128xi32, #tpu.memory_space<vmem>> -> memref<128xi32, #tpu.memory_space<vmem>>
    %get3A_273 = arith.constant 112 : index
    %get3A_274 = tpu.vector_load %get3A_272[%get3A_273] {strides = array<i32>} : memref<128xi32, #tpu.memory_space<vmem>>, vector<16xi32>,
    %get3A_275 = vector.shape_cast %get3A_274 : vector<16xi32> to vector<16xi32>
    %shift_right_logical3A_276 = arith.constant 14 : i32
    %shift_right_logical3A_277 = vector.broadcast %shift_right_logical3A_276 : i32 to vector<16xi32>
    %shift_right_logical3A_278 = arith.shrui %get3A_275, %shift_right_logical3A_277 : vector<16xi32>
    %swap3A_279 = arith.constant 1 : i32
    %swap3A_280 = arith.index_cast %swap3A_279 : i32 to index
    %swap3A_281 = arith.constant 112 : index
    %swap3A_282 = tpu.vector_load %arg7[%swap3A_280, %swap3A_281] {strides = array<i32>} : memref<2x128xi32, #tpu.memory_space<vmem>>, vector<1x16xi32>,
    %swap3A_283 = vector.shape_cast %swap3A_282 : vector<1x16xi32> to vector<16xi32>
    %swap3A_284 = vector.shape_cast %shift_right_logical3A_278 : vector<16xi32> to vector<1x16xi32>
    tpu.vector_store %arg7[%swap3A_280, %swap3A_281], %swap3A_284 {strides = array<i32>} : memref<2x128xi32, #tpu.memory_space<vmem>>, vector<1x16xi32>,
    %dma_start3A_285 = arith.constant 1 : i32
    %dma_start3A_286 = arith.constant 0 : i32
    %dma_start3A_287 = tpu.memref_slice %arg7[%dma_start3A_285, %dma_start3A_286] : memref<2x128xi32, #tpu.memory_space<vmem>> -> memref<1x128xi32, #tpu.memory_space<vmem>>
    %dma_start3A_288 = tpu.memref_squeeze %dma_start3A_287 : memref<1x128xi32, #tpu.memory_space<vmem>> -> memref<128xi32, #tpu.memory_space<vmem>>
    %dma_start3A_289 = arith.constant 0 : i32
    %dma_start3A_290 = arith.constant 0 : i32
    %dma_start3A_291 = tpu.memref_slice %arg2[%dma_start3A_289, %dma_start3A_290] : memref<20000x128xf32, #tpu.memory_space<hbm>> -> memref<20000x128xf32, #tpu.memory_space<hbm>>
    tpu.enqueue_indirect_dma source(%dma_start3A_291 : memref<20000x128xf32, #tpu.memory_space<hbm>>) target(%arg10 : memref<128x128xf32, #tpu.memory_space<vmem>>) offsets(%dma_start3A_288 : memref<128xi32, #tpu.memory_space<vmem>>) semaphore(%arg12 : memref<!tpu.dma_semaphore, #tpu.memory_space<semaphore_mem>>)
    %barrier3A = arith.constant 0 : index
    tpu.barrier barrier_id(%barrier3A)
    %scan3A_292 = arith.constant 0 : i32
    %scan3A_293 = arith.constant 0 : i32
    %scan3A_294 = arith.constant 39 : i32
    %scan3A_295 = arith.addi %scan3A_293, %scan3A_294 : i32
    %scan3A_296 = arith.constant 1 : i32
    scf.for %scan3A_588 = %scan3A_293 to %scan3A_295 step %scan3A_296  : i32 {
      %mul3A_589 = arith.constant 2 : i32
      %mul3A_590 = arith.muli %scan3A_588, %mul3A_589 : i32
      %add3A_591 = arith.constant 0 : i32
      %add3A_592 = arith.addi %mul3A_590, %add3A_591 : i32
      %dma_wait3A_593 = arith.constant 0 : i32
      %dma_wait3A_594 = arith.constant 0 : i32
      %dma_wait3A_595 = tpu.memref_slice %arg7[%dma_wait3A_593, %dma_wait3A_594] : memref<2x128xi32, #tpu.memory_space<vmem>> -> memref<1x128xi32, #tpu.memory_space<vmem>>
      %dma_wait3A_596 = tpu.memref_squeeze %dma_wait3A_595 : memref<1x128xi32, #tpu.memory_space<vmem>> -> memref<128xi32, #tpu.memory_space<vmem>>
      %dma_wait3A_597 = arith.constant 0 : i32
      %dma_wait3A_598 = arith.constant 0 : i32
      %dma_wait3A_599 = tpu.memref_slice %arg2[%dma_wait3A_597, %dma_wait3A_598] : memref<20000x128xf32, #tpu.memory_space<hbm>> -> memref<20000x128xf32, #tpu.memory_space<hbm>>
      tpu.wait_indirect_dma semaphore(%arg11 : memref<!tpu.dma_semaphore, #tpu.memory_space<semaphore_mem>>) src(%dma_wait3A_599 : memref<20000x128xf32, #tpu.memory_space<hbm>>) dst(%arg9 : memref<128x128xf32, #tpu.memory_space<vmem>>)
      %get3A_600 = arith.constant 0 : i32
      %get3A_601 = tpu.memref_slice %arg6[%add3A_592, %get3A_600] : memref<80x128xi32, #tpu.memory_space<vmem>> -> memref<1x128xi32, #tpu.memory_space<vmem>>
      %get3A_602 = tpu.memref_squeeze %get3A_601 : memref<1x128xi32, #tpu.memory_space<vmem>> -> memref<128xi32, #tpu.memory_space<vmem>>
      %get3A_603 = arith.constant 0 : index
      %get3A_604 = tpu.vector_load %get3A_602[%get3A_603] {strides = array<i32>} : memref<128xi32, #tpu.memory_space<vmem>>, vector<16xi32>,
      %get3A_605 = vector.shape_cast %get3A_604 : vector<16xi32> to vector<16xi32>
      %and3A_606 = arith.constant 16383 : i32
      %and3A_607 = vector.broadcast %and3A_606 : i32 to vector<16xi32>
      %and3A_608 = arith.andi %get3A_605, %and3A_607 : vector<16xi32>
      %swap3A_609 = arith.constant 0 : i32
      %swap3A_610 = arith.index_cast %swap3A_609 : i32 to index
      %swap3A_611 = arith.constant 0 : index
      %swap3A_612 = tpu.vector_load %arg8[%swap3A_610, %swap3A_611] {strides = array<i32>} : memref<1x128xi32, #tpu.memory_space<vmem>>, vector<1x16xi32>,
      %swap3A_613 = vector.shape_cast %swap3A_612 : vector<1x16xi32> to vector<16xi32>
      %swap3A_614 = vector.shape_cast %and3A_608 : vector<16xi32> to vector<1x16xi32>
      tpu.vector_store %arg8[%swap3A_610, %swap3A_611], %swap3A_614 {strides = array<i32>} : memref<1x128xi32, #tpu.memory_space<vmem>>, vector<1x16xi32>,
      %get3A_615 = arith.constant 0 : i32
      %get3A_616 = tpu.memref_slice %arg6[%add3A_592, %get3A_615] : memref<80x128xi32, #tpu.memory_space<vmem>> -> memref<1x128xi32, #tpu.memory_space<vmem>>
      %get3A_617 = tpu.memref_squeeze %get3A_616 : memref<1x128xi32, #tpu.memory_space<vmem>> -> memref<128xi32, #tpu.memory_space<vmem>>
      %get3A_618 = arith.constant 16 : index
      %get3A_619 = tpu.vector_load %get3A_617[%get3A_618] {strides = array<i32>} : memref<128xi32, #tpu.memory_space<vmem>>, vector<16xi32>,
      %get3A_620 = vector.shape_cast %get3A_619 : vector<16xi32> to vector<16xi32>
      %and3A_621 = arith.constant 16383 : i32
      %and3A_622 = vector.broadcast %and3A_621 : i32 to vector<16xi32>
      %and3A_623 = arith.andi %get3A_620, %and3A_622 : vector<16xi32>
      %swap3A_624 = arith.constant 0 : i32
      %swap3A_625 = arith.index_cast %swap3A_624 : i32 to index
      %swap3A_626 = arith.constant 16 : index
      %swap3A_627 = tpu.vector_load %arg8[%swap3A_625, %swap3A_626] {strides = array<i32>} : memref<1x128xi32, #tpu.memory_space<vmem>>, vector<1x16xi32>,
      %swap3A_628 = vector.shape_cast %swap3A_627 : vector<1x16xi32> to vector<16xi32>
      %swap3A_629 = vector.shape_cast %and3A_623 : vector<16xi32> to vector<1x16xi32>
      tpu.vector_store %arg8[%swap3A_625, %swap3A_626], %swap3A_629 {strides = array<i32>} : memref<1x128xi32, #tpu.memory_space<vmem>>, vector<1x16xi32>,
      %get3A_630 = arith.constant 0 : i32
      %get3A_631 = tpu.memref_slice %arg6[%add3A_592, %get3A_630] : memref<80x128xi32, #tpu.memory_space<vmem>> -> memref<1x128xi32, #tpu.memory_space<vmem>>
      %get3A_632 = tpu.memref_squeeze %get3A_631 : memref<1x128xi32, #tpu.memory_space<vmem>> -> memref<128xi32, #tpu.memory_space<vmem>>
      %get3A_633 = arith.constant 32 : index
      %get3A_634 = tpu.vector_load %get3A_632[%get3A_633] {strides = array<i32>} : memref<128xi32, #tpu.memory_space<vmem>>, vector<16xi32>,
      %get3A_635 = vector.shape_cast %get3A_634 : vector<16xi32> to vector<16xi32>
      %and3A_636 = arith.constant 16383 : i32
      %and3A_637 = vector.broadcast %and3A_636 : i32 to vector<16xi32>
      %and3A_638 = arith.andi %get3A_635, %and3A_637 : vector<16xi32>
      %swap3A_639 = arith.constant 0 : i32
      %swap3A_640 = arith.index_cast %swap3A_639 : i32 to index
      %swap3A_641 = arith.constant 32 : index
      %swap3A_642 = tpu.vector_load %arg8[%swap3A_640, %swap3A_641] {strides = array<i32>} : memref<1x128xi32, #tpu.memory_space<vmem>>, vector<1x16xi32>,
      %swap3A_643 = vector.shape_cast %swap3A_642 : vector<1x16xi32> to vector<16xi32>
      %swap3A_644 = vector.shape_cast %and3A_638 : vector<16xi32> to vector<1x16xi32>
      tpu.vector_store %arg8[%swap3A_640, %swap3A_641], %swap3A_644 {strides = array<i32>} : memref<1x128xi32, #tpu.memory_space<vmem>>, vector<1x16xi32>,
      %get3A_645 = arith.constant 0 : i32
      %get3A_646 = tpu.memref_slice %arg6[%add3A_592, %get3A_645] : memref<80x128xi32, #tpu.memory_space<vmem>> -> memref<1x128xi32, #tpu.memory_space<vmem>>
      %get3A_647 = tpu.memref_squeeze %get3A_646 : memref<1x128xi32, #tpu.memory_space<vmem>> -> memref<128xi32, #tpu.memory_space<vmem>>
      %get3A_648 = arith.constant 48 : index
      %get3A_649 = tpu.vector_load %get3A_647[%get3A_648] {strides = array<i32>} : memref<128xi32, #tpu.memory_space<vmem>>, vector<16xi32>,
      %get3A_650 = vector.shape_cast %get3A_649 : vector<16xi32> to vector<16xi32>
      %and3A_651 = arith.constant 16383 : i32
      %and3A_652 = vector.broadcast %and3A_651 : i32 to vector<16xi32>
      %and3A_653 = arith.andi %get3A_650, %and3A_652 : vector<16xi32>
      %swap3A_654 = arith.constant 0 : i32
      %swap3A_655 = arith.index_cast %swap3A_654 : i32 to index
      %swap3A_656 = arith.constant 48 : index
      %swap3A_657 = tpu.vector_load %arg8[%swap3A_655, %swap3A_656] {strides = array<i32>} : memref<1x128xi32, #tpu.memory_space<vmem>>, vector<1x16xi32>,
      %swap3A_658 = vector.shape_cast %swap3A_657 : vector<1x16xi32> to vector<16xi32>
      %swap3A_659 = vector.shape_cast %and3A_653 : vector<16xi32> to vector<1x16xi32>
      tpu.vector_store %arg8[%swap3A_655, %swap3A_656], %swap3A_659 {strides = array<i32>} : memref<1x128xi32, #tpu.memory_space<vmem>>, vector<1x16xi32>,
      %get3A_660 = arith.constant 0 : i32
      %get3A_661 = tpu.memref_slice %arg6[%add3A_592, %get3A_660] : memref<80x128xi32, #tpu.memory_space<vmem>> -> memref<1x128xi32, #tpu.memory_space<vmem>>
      %get3A_662 = tpu.memref_squeeze %get3A_661 : memref<1x128xi32, #tpu.memory_space<vmem>> -> memref<128xi32, #tpu.memory_space<vmem>>
      %get3A_663 = arith.constant 64 : index
      %get3A_664 = tpu.vector_load %get3A_662[%get3A_663] {strides = array<i32>} : memref<128xi32, #tpu.memory_space<vmem>>, vector<16xi32>,
      %get3A_665 = vector.shape_cast %get3A_664 : vector<16xi32> to vector<16xi32>
      %and3A_666 = arith.constant 16383 : i32
      %and3A_667 = vector.broadcast %and3A_666 : i32 to vector<16xi32>
      %and3A_668 = arith.andi %get3A_665, %and3A_667 : vector<16xi32>
      %swap3A_669 = arith.constant 0 : i32
      %swap3A_670 = arith.index_cast %swap3A_669 : i32 to index
      %swap3A_671 = arith.constant 64 : index
      %swap3A_672 = tpu.vector_load %arg8[%swap3A_670, %swap3A_671] {strides = array<i32>} : memref<1x128xi32, #tpu.memory_space<vmem>>, vector<1x16xi32>,
      %swap3A_673 = vector.shape_cast %swap3A_672 : vector<1x16xi32> to vector<16xi32>
      %swap3A_674 = vector.shape_cast %and3A_668 : vector<16xi32> to vector<1x16xi32>
      tpu.vector_store %arg8[%swap3A_670, %swap3A_671], %swap3A_674 {strides = array<i32>} : memref<1x128xi32, #tpu.memory_space<vmem>>, vector<1x16xi32>,
      %get3A_675 = arith.constant 0 : i32
      %get3A_676 = tpu.memref_slice %arg6[%add3A_592, %get3A_675] : memref<80x128xi32, #tpu.memory_space<vmem>> -> memref<1x128xi32, #tpu.memory_space<vmem>>
      %get3A_677 = tpu.memref_squeeze %get3A_676 : memref<1x128xi32, #tpu.memory_space<vmem>> -> memref<128xi32, #tpu.memory_space<vmem>>
      %get3A_678 = arith.constant 80 : index
      %get3A_679 = tpu.vector_load %get3A_677[%get3A_678] {strides = array<i32>} : memref<128xi32, #tpu.memory_space<vmem>>, vector<16xi32>,
      %get3A_680 = vector.shape_cast %get3A_679 : vector<16xi32> to vector<16xi32>
      %and3A_681 = arith.constant 16383 : i32
      %and3A_682 = vector.broadcast %and3A_681 : i32 to vector<16xi32>
      %and3A_683 = arith.andi %get3A_680, %and3A_682 : vector<16xi32>
      %swap3A_684 = arith.constant 0 : i32
      %swap3A_685 = arith.index_cast %swap3A_684 : i32 to index
      %swap3A_686 = arith.constant 80 : index
      %swap3A_687 = tpu.vector_load %arg8[%swap3A_685, %swap3A_686] {strides = array<i32>} : memref<1x128xi32, #tpu.memory_space<vmem>>, vector<1x16xi32>,
      %swap3A_688 = vector.shape_cast %swap3A_687 : vector<1x16xi32> to vector<16xi32>
      %swap3A_689 = vector.shape_cast %and3A_683 : vector<16xi32> to vector<1x16xi32>
      tpu.vector_store %arg8[%swap3A_685, %swap3A_686], %swap3A_689 {strides = array<i32>} : memref<1x128xi32, #tpu.memory_space<vmem>>, vector<1x16xi32>,
      %get3A_690 = arith.constant 0 : i32
      %get3A_691 = tpu.memref_slice %arg6[%add3A_592, %get3A_690] : memref<80x128xi32, #tpu.memory_space<vmem>> -> memref<1x128xi32, #tpu.memory_space<vmem>>
      %get3A_692 = tpu.memref_squeeze %get3A_691 : memref<1x128xi32, #tpu.memory_space<vmem>> -> memref<128xi32, #tpu.memory_space<vmem>>
      %get3A_693 = arith.constant 96 : index
      %get3A_694 = tpu.vector_load %get3A_692[%get3A_693] {strides = array<i32>} : memref<128xi32, #tpu.memory_space<vmem>>, vector<16xi32>,
      %get3A_695 = vector.shape_cast %get3A_694 : vector<16xi32> to vector<16xi32>
      %and3A_696 = arith.constant 16383 : i32
      %and3A_697 = vector.broadcast %and3A_696 : i32 to vector<16xi32>
      %and3A_698 = arith.andi %get3A_695, %and3A_697 : vector<16xi32>
      %swap3A_699 = arith.constant 0 : i32
      %swap3A_700 = arith.index_cast %swap3A_699 : i32 to index
      %swap3A_701 = arith.constant 96 : index
      %swap3A_702 = tpu.vector_load %arg8[%swap3A_700, %swap3A_701] {strides = array<i32>} : memref<1x128xi32, #tpu.memory_space<vmem>>, vector<1x16xi32>,
      %swap3A_703 = vector.shape_cast %swap3A_702 : vector<1x16xi32> to vector<16xi32>
      %swap3A_704 = vector.shape_cast %and3A_698 : vector<16xi32> to vector<1x16xi32>
      tpu.vector_store %arg8[%swap3A_700, %swap3A_701], %swap3A_704 {strides = array<i32>} : memref<1x128xi32, #tpu.memory_space<vmem>>, vector<1x16xi32>,
      %get3A_705 = arith.constant 0 : i32
      %get3A_706 = tpu.memref_slice %arg6[%add3A_592, %get3A_705] : memref<80x128xi32, #tpu.memory_space<vmem>> -> memref<1x128xi32, #tpu.memory_space<vmem>>
      %get3A_707 = tpu.memref_squeeze %get3A_706 : memref<1x128xi32, #tpu.memory_space<vmem>> -> memref<128xi32, #tpu.memory_space<vmem>>
      %get3A_708 = arith.constant 112 : index
      %get3A_709 = tpu.vector_load %get3A_707[%get3A_708] {strides = array<i32>} : memref<128xi32, #tpu.memory_space<vmem>>, vector<16xi32>,
      %get3A_710 = vector.shape_cast %get3A_709 : vector<16xi32> to vector<16xi32>
      %and3A_711 = arith.constant 16383 : i32
      %and3A_712 = vector.broadcast %and3A_711 : i32 to vector<16xi32>
      %and3A_713 = arith.andi %get3A_710, %and3A_712 : vector<16xi32>
      %swap3A_714 = arith.constant 0 : i32
      %swap3A_715 = arith.index_cast %swap3A_714 : i32 to index
      %swap3A_716 = arith.constant 112 : index
      %swap3A_717 = tpu.vector_load %arg8[%swap3A_715, %swap3A_716] {strides = array<i32>} : memref<1x128xi32, #tpu.memory_space<vmem>>, vector<1x16xi32>,
      %swap3A_718 = vector.shape_cast %swap3A_717 : vector<1x16xi32> to vector<16xi32>
      %swap3A_719 = vector.shape_cast %and3A_713 : vector<16xi32> to vector<1x16xi32>
      tpu.vector_store %arg8[%swap3A_715, %swap3A_716], %swap3A_719 {strides = array<i32>} : memref<1x128xi32, #tpu.memory_space<vmem>>, vector<1x16xi32>,
      %run_scoped3A_720 = arith.constant 0 : i32
      "tpu.region"() ({
        %run_scoped3A_1109 = tpu.sem_alloc : memref<!tpu.dma_semaphore, #tpu.memory_space<semaphore_mem>>
        %dma_start3A_1110 = arith.constant 0 : i32
        %dma_start3A_1111 = tpu.memref_slice %arg8[%run_scoped3A_720, %dma_start3A_1110] : memref<1x128xi32, #tpu.memory_space<vmem>> -> memref<1x128xi32, #tpu.memory_space<vmem>>
        %dma_start3A_1112 = tpu.memref_squeeze %dma_start3A_1111 : memref<1x128xi32, #tpu.memory_space<vmem>> -> memref<128xi32, #tpu.memory_space<vmem>>
        %dma_start3A_1113 = arith.constant 0 : i32
        %dma_start3A_1114 = arith.constant 0 : i32
        %dma_start3A_1115 = tpu.memref_slice %arg5[%dma_start3A_1113, %dma_start3A_1114] : memref<10240x128xf32, #tpu.memory_space<vmem_shared>> -> memref<10240x128xf32, #tpu.memory_space<vmem_shared>>
        tpu.enqueue_indirect_dma source(%arg9 : memref<128x128xf32, #tpu.memory_space<vmem>>) target(%dma_start3A_1115 : memref<10240x128xf32, #tpu.memory_space<vmem_shared>>) offsets(%dma_start3A_1112 : memref<128xi32, #tpu.memory_space<vmem>>) semaphore(%run_scoped3A_1109 : memref<!tpu.dma_semaphore, #tpu.memory_space<semaphore_mem>>) {add = true}
        %dma_wait3A_1116 = arith.constant 0 : i32
        %dma_wait3A_1117 = tpu.memref_slice %arg8[%run_scoped3A_720, %dma_wait3A_1116] : memref<1x128xi32, #tpu.memory_space<vmem>> -> memref<1x128xi32, #tpu.memory_space<vmem>>
        %dma_wait3A_1118 = tpu.memref_squeeze %dma_wait3A_1117 : memref<1x128xi32, #tpu.memory_space<vmem>> -> memref<128xi32, #tpu.memory_space<vmem>>
        %dma_wait3A_1119 = arith.constant 0 : i32
        %dma_wait3A_1120 = arith.constant 0 : i32
        %dma_wait3A_1121 = tpu.memref_slice %arg5[%dma_wait3A_1119, %dma_wait3A_1120] : memref<10240x128xf32, #tpu.memory_space<vmem_shared>> -> memref<10240x128xf32, #tpu.memory_space<vmem_shared>>
        tpu.wait_indirect_dma semaphore(%run_scoped3A_1109 : memref<!tpu.dma_semaphore, #tpu.memory_space<semaphore_mem>>) src(%arg9 : memref<128x128xf32, #tpu.memory_space<vmem>>) dst(%dma_wait3A_1121 : memref<10240x128xf32, #tpu.memory_space<vmem_shared>>)
        tpu.yield
      }) : () -> ()
      %add3A_721 = arith.constant 2 : i32
      %add3A_722 = arith.addi %add3A_592, %add3A_721 : i32
      %get3A_723 = arith.constant 0 : i32
      %get3A_724 = tpu.memref_slice %arg6[%add3A_722, %get3A_723] : memref<80x128xi32, #tpu.memory_space<vmem>> -> memref<1x128xi32, #tpu.memory_space<vmem>>
      %get3A_725 = tpu.memref_squeeze %get3A_724 : memref<1x128xi32, #tpu.memory_space<vmem>> -> memref<128xi32, #tpu.memory_space<vmem>>
      %get3A_726 = arith.constant 0 : index
      %get3A_727 = tpu.vector_load %get3A_725[%get3A_726] {strides = array<i32>} : memref<128xi32, #tpu.memory_space<vmem>>, vector<16xi32>,
      %get3A_728 = vector.shape_cast %get3A_727 : vector<16xi32> to vector<16xi32>
      %shift_right_logical3A_729 = arith.constant 14 : i32
      %shift_right_logical3A_730 = vector.broadcast %shift_right_logical3A_729 : i32 to vector<16xi32>
      %shift_right_logical3A_731 = arith.shrui %get3A_728, %shift_right_logical3A_730 : vector<16xi32>
      %swap3A_732 = arith.constant 0 : i32
      %swap3A_733 = arith.index_cast %swap3A_732 : i32 to index
      %swap3A_734 = arith.constant 0 : index
      %swap3A_735 = tpu.vector_load %arg7[%swap3A_733, %swap3A_734] {strides = array<i32>} : memref<2x128xi32, #tpu.memory_space<vmem>>, vector<1x16xi32>,
      %swap3A_736 = vector.shape_cast %swap3A_735 : vector<1x16xi32> to vector<16xi32>
      %swap3A_737 = vector.shape_cast %shift_right_logical3A_731 : vector<16xi32> to vector<1x16xi32>
      tpu.vector_store %arg7[%swap3A_733, %swap3A_734], %swap3A_737 {strides = array<i32>} : memref<2x128xi32, #tpu.memory_space<vmem>>, vector<1x16xi32>,
      %get3A_738 = arith.constant 0 : i32
      %get3A_739 = tpu.memref_slice %arg6[%add3A_722, %get3A_738] : memref<80x128xi32, #tpu.memory_space<vmem>> -> memref<1x128xi32, #tpu.memory_space<vmem>>
      %get3A_740 = tpu.memref_squeeze %get3A_739 : memref<1x128xi32, #tpu.memory_space<vmem>> -> memref<128xi32, #tpu.memory_space<vmem>>
      %get3A_741 = arith.constant 16 : index
      %get3A_742 = tpu.vector_load %get3A_740[%get3A_741] {strides = array<i32>} : memref<128xi32, #tpu.memory_space<vmem>>, vector<16xi32>,
      %get3A_743 = vector.shape_cast %get3A_742 : vector<16xi32> to vector<16xi32>
      %shift_right_logical3A_744 = arith.constant 14 : i32
      %shift_right_logical3A_745 = vector.broadcast %shift_right_logical3A_744 : i32 to vector<16xi32>
      %shift_right_logical3A_746 = arith.shrui %get3A_743, %shift_right_logical3A_745 : vector<16xi32>
      %swap3A_747 = arith.constant 0 : i32
      %swap3A_748 = arith.index_cast %swap3A_747 : i32 to index
      %swap3A_749 = arith.constant 16 : index
      %swap3A_750 = tpu.vector_load %arg7[%swap3A_748, %swap3A_749] {strides = array<i32>} : memref<2x128xi32, #tpu.memory_space<vmem>>, vector<1x16xi32>,
      %swap3A_751 = vector.shape_cast %swap3A_750 : vector<1x16xi32> to vector<16xi32>
      %swap3A_752 = vector.shape_cast %shift_right_logical3A_746 : vector<16xi32> to vector<1x16xi32>
      tpu.vector_store %arg7[%swap3A_748, %swap3A_749], %swap3A_752 {strides = array<i32>} : memref<2x128xi32, #tpu.memory_space<vmem>>, vector<1x16xi32>,
      %get3A_753 = arith.constant 0 : i32
      %get3A_754 = tpu.memref_slice %arg6[%add3A_722, %get3A_753] : memref<80x128xi32, #tpu.memory_space<vmem>> -> memref<1x128xi32, #tpu.memory_space<vmem>>
      %get3A_755 = tpu.memref_squeeze %get3A_754 : memref<1x128xi32, #tpu.memory_space<vmem>> -> memref<128xi32, #tpu.memory_space<vmem>>
      %get3A_756 = arith.constant 32 : index
      %get3A_757 = tpu.vector_load %get3A_755[%get3A_756] {strides = array<i32>} : memref<128xi32, #tpu.memory_space<vmem>>, vector<16xi32>,
      %get3A_758 = vector.shape_cast %get3A_757 : vector<16xi32> to vector<16xi32>
      %shift_right_logical3A_759 = arith.constant 14 : i32
      %shift_right_logical3A_760 = vector.broadcast %shift_right_logical3A_759 : i32 to vector<16xi32>
      %shift_right_logical3A_761 = arith.shrui %get3A_758, %shift_right_logical3A_760 : vector<16xi32>
      %swap3A_762 = arith.constant 0 : i32
      %swap3A_763 = arith.index_cast %swap3A_762 : i32 to index
      %swap3A_764 = arith.constant 32 : index
      %swap3A_765 = tpu.vector_load %arg7[%swap3A_763, %swap3A_764] {strides = array<i32>} : memref<2x128xi32, #tpu.memory_space<vmem>>, vector<1x16xi32>,
      %swap3A_766 = vector.shape_cast %swap3A_765 : vector<1x16xi32> to vector<16xi32>
      %swap3A_767 = vector.shape_cast %shift_right_logical3A_761 : vector<16xi32> to vector<1x16xi32>
      tpu.vector_store %arg7[%swap3A_763, %swap3A_764], %swap3A_767 {strides = array<i32>} : memref<2x128xi32, #tpu.memory_space<vmem>>, vector<1x16xi32>,
      %get3A_768 = arith.constant 0 : i32
      %get3A_769 = tpu.memref_slice %arg6[%add3A_722, %get3A_768] : memref<80x128xi32, #tpu.memory_space<vmem>> -> memref<1x128xi32, #tpu.memory_space<vmem>>
      %get3A_770 = tpu.memref_squeeze %get3A_769 : memref<1x128xi32, #tpu.memory_space<vmem>> -> memref<128xi32, #tpu.memory_space<vmem>>
      %get3A_771 = arith.constant 48 : index
      %get3A_772 = tpu.vector_load %get3A_770[%get3A_771] {strides = array<i32>} : memref<128xi32, #tpu.memory_space<vmem>>, vector<16xi32>,
      %get3A_773 = vector.shape_cast %get3A_772 : vector<16xi32> to vector<16xi32>
      %shift_right_logical3A_774 = arith.constant 14 : i32
      %shift_right_logical3A_775 = vector.broadcast %shift_right_logical3A_774 : i32 to vector<16xi32>
      %shift_right_logical3A_776 = arith.shrui %get3A_773, %shift_right_logical3A_775 : vector<16xi32>
      %swap3A_777 = arith.constant 0 : i32
      %swap3A_778 = arith.index_cast %swap3A_777 : i32 to index
      %swap3A_779 = arith.constant 48 : index
      %swap3A_780 = tpu.vector_load %arg7[%swap3A_778, %swap3A_779] {strides = array<i32>} : memref<2x128xi32, #tpu.memory_space<vmem>>, vector<1x16xi32>,
      %swap3A_781 = vector.shape_cast %swap3A_780 : vector<1x16xi32> to vector<16xi32>
      %swap3A_782 = vector.shape_cast %shift_right_logical3A_776 : vector<16xi32> to vector<1x16xi32>
      tpu.vector_store %arg7[%swap3A_778, %swap3A_779], %swap3A_782 {strides = array<i32>} : memref<2x128xi32, #tpu.memory_space<vmem>>, vector<1x16xi32>,
      %get3A_783 = arith.constant 0 : i32
      %get3A_784 = tpu.memref_slice %arg6[%add3A_722, %get3A_783] : memref<80x128xi32, #tpu.memory_space<vmem>> -> memref<1x128xi32, #tpu.memory_space<vmem>>
      %get3A_785 = tpu.memref_squeeze %get3A_784 : memref<1x128xi32, #tpu.memory_space<vmem>> -> memref<128xi32, #tpu.memory_space<vmem>>
      %get3A_786 = arith.constant 64 : index
      %get3A_787 = tpu.vector_load %get3A_785[%get3A_786] {strides = array<i32>} : memref<128xi32, #tpu.memory_space<vmem>>, vector<16xi32>,
      %get3A_788 = vector.shape_cast %get3A_787 : vector<16xi32> to vector<16xi32>
      %shift_right_logical3A_789 = arith.constant 14 : i32
      %shift_right_logical3A_790 = vector.broadcast %shift_right_logical3A_789 : i32 to vector<16xi32>
      %shift_right_logical3A_791 = arith.shrui %get3A_788, %shift_right_logical3A_790 : vector<16xi32>
      %swap3A_792 = arith.constant 0 : i32
      %swap3A_793 = arith.index_cast %swap3A_792 : i32 to index
      %swap3A_794 = arith.constant 64 : index
      %swap3A_795 = tpu.vector_load %arg7[%swap3A_793, %swap3A_794] {strides = array<i32>} : memref<2x128xi32, #tpu.memory_space<vmem>>, vector<1x16xi32>,
      %swap3A_796 = vector.shape_cast %swap3A_795 : vector<1x16xi32> to vector<16xi32>
      %swap3A_797 = vector.shape_cast %shift_right_logical3A_791 : vector<16xi32> to vector<1x16xi32>
      tpu.vector_store %arg7[%swap3A_793, %swap3A_794], %swap3A_797 {strides = array<i32>} : memref<2x128xi32, #tpu.memory_space<vmem>>, vector<1x16xi32>,
      %get3A_798 = arith.constant 0 : i32
      %get3A_799 = tpu.memref_slice %arg6[%add3A_722, %get3A_798] : memref<80x128xi32, #tpu.memory_space<vmem>> -> memref<1x128xi32, #tpu.memory_space<vmem>>
      %get3A_800 = tpu.memref_squeeze %get3A_799 : memref<1x128xi32, #tpu.memory_space<vmem>> -> memref<128xi32, #tpu.memory_space<vmem>>
      %get3A_801 = arith.constant 80 : index
      %get3A_802 = tpu.vector_load %get3A_800[%get3A_801] {strides = array<i32>} : memref<128xi32, #tpu.memory_space<vmem>>, vector<16xi32>,
      %get3A_803 = vector.shape_cast %get3A_802 : vector<16xi32> to vector<16xi32>
      %shift_right_logical3A_804 = arith.constant 14 : i32
      %shift_right_logical3A_805 = vector.broadcast %shift_right_logical3A_804 : i32 to vector<16xi32>
      %shift_right_logical3A_806 = arith.shrui %get3A_803, %shift_right_logical3A_805 : vector<16xi32>
      %swap3A_807 = arith.constant 0 : i32
      %swap3A_808 = arith.index_cast %swap3A_807 : i32 to index
      %swap3A_809 = arith.constant 80 : index
      %swap3A_810 = tpu.vector_load %arg7[%swap3A_808, %swap3A_809] {strides = array<i32>} : memref<2x128xi32, #tpu.memory_space<vmem>>, vector<1x16xi32>,
      %swap3A_811 = vector.shape_cast %swap3A_810 : vector<1x16xi32> to vector<16xi32>
      %swap3A_812 = vector.shape_cast %shift_right_logical3A_806 : vector<16xi32> to vector<1x16xi32>
      tpu.vector_store %arg7[%swap3A_808, %swap3A_809], %swap3A_812 {strides = array<i32>} : memref<2x128xi32, #tpu.memory_space<vmem>>, vector<1x16xi32>,
      %get3A_813 = arith.constant 0 : i32
      %get3A_814 = tpu.memref_slice %arg6[%add3A_722, %get3A_813] : memref<80x128xi32, #tpu.memory_space<vmem>> -> memref<1x128xi32, #tpu.memory_space<vmem>>
      %get3A_815 = tpu.memref_squeeze %get3A_814 : memref<1x128xi32, #tpu.memory_space<vmem>> -> memref<128xi32, #tpu.memory_space<vmem>>
      %get3A_816 = arith.constant 96 : index
      %get3A_817 = tpu.vector_load %get3A_815[%get3A_816] {strides = array<i32>} : memref<128xi32, #tpu.memory_space<vmem>>, vector<16xi32>,
      %get3A_818 = vector.shape_cast %get3A_817 : vector<16xi32> to vector<16xi32>
      %shift_right_logical3A_819 = arith.constant 14 : i32
      %shift_right_logical3A_820 = vector.broadcast %shift_right_logical3A_819 : i32 to vector<16xi32>
      %shift_right_logical3A_821 = arith.shrui %get3A_818, %shift_right_logical3A_820 : vector<16xi32>
      %swap3A_822 = arith.constant 0 : i32
      %swap3A_823 = arith.index_cast %swap3A_822 : i32 to index
      %swap3A_824 = arith.constant 96 : index
      %swap3A_825 = tpu.vector_load %arg7[%swap3A_823, %swap3A_824] {strides = array<i32>} : memref<2x128xi32, #tpu.memory_space<vmem>>, vector<1x16xi32>,
      %swap3A_826 = vector.shape_cast %swap3A_825 : vector<1x16xi32> to vector<16xi32>
      %swap3A_827 = vector.shape_cast %shift_right_logical3A_821 : vector<16xi32> to vector<1x16xi32>
      tpu.vector_store %arg7[%swap3A_823, %swap3A_824], %swap3A_827 {strides = array<i32>} : memref<2x128xi32, #tpu.memory_space<vmem>>, vector<1x16xi32>,
      %get3A_828 = arith.constant 0 : i32
      %get3A_829 = tpu.memref_slice %arg6[%add3A_722, %get3A_828] : memref<80x128xi32, #tpu.memory_space<vmem>> -> memref<1x128xi32, #tpu.memory_space<vmem>>
      %get3A_830 = tpu.memref_squeeze %get3A_829 : memref<1x128xi32, #tpu.memory_space<vmem>> -> memref<128xi32, #tpu.memory_space<vmem>>
      %get3A_831 = arith.constant 112 : index
      %get3A_832 = tpu.vector_load %get3A_830[%get3A_831] {strides = array<i32>} : memref<128xi32, #tpu.memory_space<vmem>>, vector<16xi32>,
      %get3A_833 = vector.shape_cast %get3A_832 : vector<16xi32> to vector<16xi32>
      %shift_right_logical3A_834 = arith.constant 14 : i32
      %shift_right_logical3A_835 = vector.broadcast %shift_right_logical3A_834 : i32 to vector<16xi32>
      %shift_right_logical3A_836 = arith.shrui %get3A_833, %shift_right_logical3A_835 : vector<16xi32>
      %swap3A_837 = arith.constant 0 : i32
      %swap3A_838 = arith.index_cast %swap3A_837 : i32 to index
      %swap3A_839 = arith.constant 112 : index
      %swap3A_840 = tpu.vector_load %arg7[%swap3A_838, %swap3A_839] {strides = array<i32>} : memref<2x128xi32, #tpu.memory_space<vmem>>, vector<1x16xi32>,
      %swap3A_841 = vector.shape_cast %swap3A_840 : vector<1x16xi32> to vector<16xi32>
      %swap3A_842 = vector.shape_cast %shift_right_logical3A_836 : vector<16xi32> to vector<1x16xi32>
      tpu.vector_store %arg7[%swap3A_838, %swap3A_839], %swap3A_842 {strides = array<i32>} : memref<2x128xi32, #tpu.memory_space<vmem>>, vector<1x16xi32>,
      %dma_start3A_843 = arith.constant 0 : i32
      %dma_start3A_844 = arith.constant 0 : i32
      %dma_start3A_845 = tpu.memref_slice %arg7[%dma_start3A_843, %dma_start3A_844] : memref<2x128xi32, #tpu.memory_space<vmem>> -> memref<1x128xi32, #tpu.memory_space<vmem>>
      %dma_start3A_846 = tpu.memref_squeeze %dma_start3A_845 : memref<1x128xi32, #tpu.memory_space<vmem>> -> memref<128xi32, #tpu.memory_space<vmem>>
      %dma_start3A_847 = arith.constant 0 : i32
      %dma_start3A_848 = arith.constant 0 : i32
      %dma_start3A_849 = tpu.memref_slice %arg2[%dma_start3A_847, %dma_start3A_848] : memref<20000x128xf32, #tpu.memory_space<hbm>> -> memref<20000x128xf32, #tpu.memory_space<hbm>>
      tpu.enqueue_indirect_dma source(%dma_start3A_849 : memref<20000x128xf32, #tpu.memory_space<hbm>>) target(%arg9 : memref<128x128xf32, #tpu.memory_space<vmem>>) offsets(%dma_start3A_846 : memref<128xi32, #tpu.memory_space<vmem>>) semaphore(%arg11 : memref<!tpu.dma_semaphore, #tpu.memory_space<semaphore_mem>>)
      %add3A_850 = arith.constant 1 : i32
      %add3A_851 = arith.addi %mul3A_590, %add3A_850 : i32
      %dma_wait3A_852 = arith.constant 1 : i32
      %dma_wait3A_853 = arith.constant 0 : i32
      %dma_wait3A_854 = tpu.memref_slice %arg7[%dma_wait3A_852, %dma_wait3A_853] : memref<2x128xi32, #tpu.memory_space<vmem>> -> memref<1x128xi32, #tpu.memory_space<vmem>>
      %dma_wait3A_855 = tpu.memref_squeeze %dma_wait3A_854 : memref<1x128xi32, #tpu.memory_space<vmem>> -> memref<128xi32, #tpu.memory_space<vmem>>
      %dma_wait3A_856 = arith.constant 0 : i32
      %dma_wait3A_857 = arith.constant 0 : i32
      %dma_wait3A_858 = tpu.memref_slice %arg2[%dma_wait3A_856, %dma_wait3A_857] : memref<20000x128xf32, #tpu.memory_space<hbm>> -> memref<20000x128xf32, #tpu.memory_space<hbm>>
      tpu.wait_indirect_dma semaphore(%arg12 : memref<!tpu.dma_semaphore, #tpu.memory_space<semaphore_mem>>) src(%dma_wait3A_858 : memref<20000x128xf32, #tpu.memory_space<hbm>>) dst(%arg10 : memref<128x128xf32, #tpu.memory_space<vmem>>)
      %get3A_859 = arith.constant 0 : i32
      %get3A_860 = tpu.memref_slice %arg6[%add3A_851, %get3A_859] : memref<80x128xi32, #tpu.memory_space<vmem>> -> memref<1x128xi32, #tpu.memory_space<vmem>>
      %get3A_861 = tpu.memref_squeeze %get3A_860 : memref<1x128xi32, #tpu.memory_space<vmem>> -> memref<128xi32, #tpu.memory_space<vmem>>
      %get3A_862 = arith.constant 0 : index
      %get3A_863 = tpu.vector_load %get3A_861[%get3A_862] {strides = array<i32>} : memref<128xi32, #tpu.memory_space<vmem>>, vector<16xi32>,
      %get3A_864 = vector.shape_cast %get3A_863 : vector<16xi32> to vector<16xi32>
      %and3A_865 = arith.constant 16383 : i32
      %and3A_866 = vector.broadcast %and3A_865 : i32 to vector<16xi32>
      %and3A_867 = arith.andi %get3A_864, %and3A_866 : vector<16xi32>
      %swap3A_868 = arith.constant 0 : i32
      %swap3A_869 = arith.index_cast %swap3A_868 : i32 to index
      %swap3A_870 = arith.constant 0 : index
      %swap3A_871 = tpu.vector_load %arg8[%swap3A_869, %swap3A_870] {strides = array<i32>} : memref<1x128xi32, #tpu.memory_space<vmem>>, vector<1x16xi32>,
      %swap3A_872 = vector.shape_cast %swap3A_871 : vector<1x16xi32> to vector<16xi32>
      %swap3A_873 = vector.shape_cast %and3A_867 : vector<16xi32> to vector<1x16xi32>
      tpu.vector_store %arg8[%swap3A_869, %swap3A_870], %swap3A_873 {strides = array<i32>} : memref<1x128xi32, #tpu.memory_space<vmem>>, vector<1x16xi32>,
      %get3A_874 = arith.constant 0 : i32
      %get3A_875 = tpu.memref_slice %arg6[%add3A_851, %get3A_874] : memref<80x128xi32, #tpu.memory_space<vmem>> -> memref<1x128xi32, #tpu.memory_space<vmem>>
      %get3A_876 = tpu.memref_squeeze %get3A_875 : memref<1x128xi32, #tpu.memory_space<vmem>> -> memref<128xi32, #tpu.memory_space<vmem>>
      %get3A_877 = arith.constant 16 : index
      %get3A_878 = tpu.vector_load %get3A_876[%get3A_877] {strides = array<i32>} : memref<128xi32, #tpu.memory_space<vmem>>, vector<16xi32>,
      %get3A_879 = vector.shape_cast %get3A_878 : vector<16xi32> to vector<16xi32>
      %and3A_880 = arith.constant 16383 : i32
      %and3A_881 = vector.broadcast %and3A_880 : i32 to vector<16xi32>
      %and3A_882 = arith.andi %get3A_879, %and3A_881 : vector<16xi32>
      %swap3A_883 = arith.constant 0 : i32
      %swap3A_884 = arith.index_cast %swap3A_883 : i32 to index
      %swap3A_885 = arith.constant 16 : index
      %swap3A_886 = tpu.vector_load %arg8[%swap3A_884, %swap3A_885] {strides = array<i32>} : memref<1x128xi32, #tpu.memory_space<vmem>>, vector<1x16xi32>,
      %swap3A_887 = vector.shape_cast %swap3A_886 : vector<1x16xi32> to vector<16xi32>
      %swap3A_888 = vector.shape_cast %and3A_882 : vector<16xi32> to vector<1x16xi32>
      tpu.vector_store %arg8[%swap3A_884, %swap3A_885], %swap3A_888 {strides = array<i32>} : memref<1x128xi32, #tpu.memory_space<vmem>>, vector<1x16xi32>,
      %get3A_889 = arith.constant 0 : i32
      %get3A_890 = tpu.memref_slice %arg6[%add3A_851, %get3A_889] : memref<80x128xi32, #tpu.memory_space<vmem>> -> memref<1x128xi32, #tpu.memory_space<vmem>>
      %get3A_891 = tpu.memref_squeeze %get3A_890 : memref<1x128xi32, #tpu.memory_space<vmem>> -> memref<128xi32, #tpu.memory_space<vmem>>
      %get3A_892 = arith.constant 32 : index
      %get3A_893 = tpu.vector_load %get3A_891[%get3A_892] {strides = array<i32>} : memref<128xi32, #tpu.memory_space<vmem>>, vector<16xi32>,
      %get3A_894 = vector.shape_cast %get3A_893 : vector<16xi32> to vector<16xi32>
      %and3A_895 = arith.constant 16383 : i32
      %and3A_896 = vector.broadcast %and3A_895 : i32 to vector<16xi32>
      %and3A_897 = arith.andi %get3A_894, %and3A_896 : vector<16xi32>
      %swap3A_898 = arith.constant 0 : i32
      %swap3A_899 = arith.index_cast %swap3A_898 : i32 to index
      %swap3A_900 = arith.constant 32 : index
      %swap3A_901 = tpu.vector_load %arg8[%swap3A_899, %swap3A_900] {strides = array<i32>} : memref<1x128xi32, #tpu.memory_space<vmem>>, vector<1x16xi32>,
      %swap3A_902 = vector.shape_cast %swap3A_901 : vector<1x16xi32> to vector<16xi32>
      %swap3A_903 = vector.shape_cast %and3A_897 : vector<16xi32> to vector<1x16xi32>
      tpu.vector_store %arg8[%swap3A_899, %swap3A_900], %swap3A_903 {strides = array<i32>} : memref<1x128xi32, #tpu.memory_space<vmem>>, vector<1x16xi32>,
      %get3A_904 = arith.constant 0 : i32
      %get3A_905 = tpu.memref_slice %arg6[%add3A_851, %get3A_904] : memref<80x128xi32, #tpu.memory_space<vmem>> -> memref<1x128xi32, #tpu.memory_space<vmem>>
      %get3A_906 = tpu.memref_squeeze %get3A_905 : memref<1x128xi32, #tpu.memory_space<vmem>> -> memref<128xi32, #tpu.memory_space<vmem>>
      %get3A_907 = arith.constant 48 : index
      %get3A_908 = tpu.vector_load %get3A_906[%get3A_907] {strides = array<i32>} : memref<128xi32, #tpu.memory_space<vmem>>, vector<16xi32>,
      %get3A_909 = vector.shape_cast %get3A_908 : vector<16xi32> to vector<16xi32>
      %and3A_910 = arith.constant 16383 : i32
      %and3A_911 = vector.broadcast %and3A_910 : i32 to vector<16xi32>
      %and3A_912 = arith.andi %get3A_909, %and3A_911 : vector<16xi32>
      %swap3A_913 = arith.constant 0 : i32
      %swap3A_914 = arith.index_cast %swap3A_913 : i32 to index
      %swap3A_915 = arith.constant 48 : index
      %swap3A_916 = tpu.vector_load %arg8[%swap3A_914, %swap3A_915] {strides = array<i32>} : memref<1x128xi32, #tpu.memory_space<vmem>>, vector<1x16xi32>,
      %swap3A_917 = vector.shape_cast %swap3A_916 : vector<1x16xi32> to vector<16xi32>
      %swap3A_918 = vector.shape_cast %and3A_912 : vector<16xi32> to vector<1x16xi32>
      tpu.vector_store %arg8[%swap3A_914, %swap3A_915], %swap3A_918 {strides = array<i32>} : memref<1x128xi32, #tpu.memory_space<vmem>>, vector<1x16xi32>,
      %get3A_919 = arith.constant 0 : i32
      %get3A_920 = tpu.memref_slice %arg6[%add3A_851, %get3A_919] : memref<80x128xi32, #tpu.memory_space<vmem>> -> memref<1x128xi32, #tpu.memory_space<vmem>>
      %get3A_921 = tpu.memref_squeeze %get3A_920 : memref<1x128xi32, #tpu.memory_space<vmem>> -> memref<128xi32, #tpu.memory_space<vmem>>
      %get3A_922 = arith.constant 64 : index
      %get3A_923 = tpu.vector_load %get3A_921[%get3A_922] {strides = array<i32>} : memref<128xi32, #tpu.memory_space<vmem>>, vector<16xi32>,
      %get3A_924 = vector.shape_cast %get3A_923 : vector<16xi32> to vector<16xi32>
      %and3A_925 = arith.constant 16383 : i32
      %and3A_926 = vector.broadcast %and3A_925 : i32 to vector<16xi32>
      %and3A_927 = arith.andi %get3A_924, %and3A_926 : vector<16xi32>
      %swap3A_928 = arith.constant 0 : i32
      %swap3A_929 = arith.index_cast %swap3A_928 : i32 to index
      %swap3A_930 = arith.constant 64 : index
      %swap3A_931 = tpu.vector_load %arg8[%swap3A_929, %swap3A_930] {strides = array<i32>} : memref<1x128xi32, #tpu.memory_space<vmem>>, vector<1x16xi32>,
      %swap3A_932 = vector.shape_cast %swap3A_931 : vector<1x16xi32> to vector<16xi32>
      %swap3A_933 = vector.shape_cast %and3A_927 : vector<16xi32> to vector<1x16xi32>
      tpu.vector_store %arg8[%swap3A_929, %swap3A_930], %swap3A_933 {strides = array<i32>} : memref<1x128xi32, #tpu.memory_space<vmem>>, vector<1x16xi32>,
      %get3A_934 = arith.constant 0 : i32
      %get3A_935 = tpu.memref_slice %arg6[%add3A_851, %get3A_934] : memref<80x128xi32, #tpu.memory_space<vmem>> -> memref<1x128xi32, #tpu.memory_space<vmem>>
      %get3A_936 = tpu.memref_squeeze %get3A_935 : memref<1x128xi32, #tpu.memory_space<vmem>> -> memref<128xi32, #tpu.memory_space<vmem>>
      %get3A_937 = arith.constant 80 : index
      %get3A_938 = tpu.vector_load %get3A_936[%get3A_937] {strides = array<i32>} : memref<128xi32, #tpu.memory_space<vmem>>, vector<16xi32>,
      %get3A_939 = vector.shape_cast %get3A_938 : vector<16xi32> to vector<16xi32>
      %and3A_940 = arith.constant 16383 : i32
      %and3A_941 = vector.broadcast %and3A_940 : i32 to vector<16xi32>
      %and3A_942 = arith.andi %get3A_939, %and3A_941 : vector<16xi32>
      %swap3A_943 = arith.constant 0 : i32
      %swap3A_944 = arith.index_cast %swap3A_943 : i32 to index
      %swap3A_945 = arith.constant 80 : index
      %swap3A_946 = tpu.vector_load %arg8[%swap3A_944, %swap3A_945] {strides = array<i32>} : memref<1x128xi32, #tpu.memory_space<vmem>>, vector<1x16xi32>,
      %swap3A_947 = vector.shape_cast %swap3A_946 : vector<1x16xi32> to vector<16xi32>
      %swap3A_948 = vector.shape_cast %and3A_942 : vector<16xi32> to vector<1x16xi32>
      tpu.vector_store %arg8[%swap3A_944, %swap3A_945], %swap3A_948 {strides = array<i32>} : memref<1x128xi32, #tpu.memory_space<vmem>>, vector<1x16xi32>,
      %get3A_949 = arith.constant 0 : i32
      %get3A_950 = tpu.memref_slice %arg6[%add3A_851, %get3A_949] : memref<80x128xi32, #tpu.memory_space<vmem>> -> memref<1x128xi32, #tpu.memory_space<vmem>>
      %get3A_951 = tpu.memref_squeeze %get3A_950 : memref<1x128xi32, #tpu.memory_space<vmem>> -> memref<128xi32, #tpu.memory_space<vmem>>
      %get3A_952 = arith.constant 96 : index
      %get3A_953 = tpu.vector_load %get3A_951[%get3A_952] {strides = array<i32>} : memref<128xi32, #tpu.memory_space<vmem>>, vector<16xi32>,
      %get3A_954 = vector.shape_cast %get3A_953 : vector<16xi32> to vector<16xi32>
      %and3A_955 = arith.constant 16383 : i32
      %and3A_956 = vector.broadcast %and3A_955 : i32 to vector<16xi32>
      %and3A_957 = arith.andi %get3A_954, %and3A_956 : vector<16xi32>
      %swap3A_958 = arith.constant 0 : i32
      %swap3A_959 = arith.index_cast %swap3A_958 : i32 to index
      %swap3A_960 = arith.constant 96 : index
      %swap3A_961 = tpu.vector_load %arg8[%swap3A_959, %swap3A_960] {strides = array<i32>} : memref<1x128xi32, #tpu.memory_space<vmem>>, vector<1x16xi32>,
      %swap3A_962 = vector.shape_cast %swap3A_961 : vector<1x16xi32> to vector<16xi32>
      %swap3A_963 = vector.shape_cast %and3A_957 : vector<16xi32> to vector<1x16xi32>
      tpu.vector_store %arg8[%swap3A_959, %swap3A_960], %swap3A_963 {strides = array<i32>} : memref<1x128xi32, #tpu.memory_space<vmem>>, vector<1x16xi32>,
      %get3A_964 = arith.constant 0 : i32
      %get3A_965 = tpu.memref_slice %arg6[%add3A_851, %get3A_964] : memref<80x128xi32, #tpu.memory_space<vmem>> -> memref<1x128xi32, #tpu.memory_space<vmem>>
      %get3A_966 = tpu.memref_squeeze %get3A_965 : memref<1x128xi32, #tpu.memory_space<vmem>> -> memref<128xi32, #tpu.memory_space<vmem>>
      %get3A_967 = arith.constant 112 : index
      %get3A_968 = tpu.vector_load %get3A_966[%get3A_967] {strides = array<i32>} : memref<128xi32, #tpu.memory_space<vmem>>, vector<16xi32>,
      %get3A_969 = vector.shape_cast %get3A_968 : vector<16xi32> to vector<16xi32>
      %and3A_970 = arith.constant 16383 : i32
      %and3A_971 = vector.broadcast %and3A_970 : i32 to vector<16xi32>
      %and3A_972 = arith.andi %get3A_969, %and3A_971 : vector<16xi32>
      %swap3A_973 = arith.constant 0 : i32
      %swap3A_974 = arith.index_cast %swap3A_973 : i32 to index
      %swap3A_975 = arith.constant 112 : index
      %swap3A_976 = tpu.vector_load %arg8[%swap3A_974, %swap3A_975] {strides = array<i32>} : memref<1x128xi32, #tpu.memory_space<vmem>>, vector<1x16xi32>,
      %swap3A_977 = vector.shape_cast %swap3A_976 : vector<1x16xi32> to vector<16xi32>
      %swap3A_978 = vector.shape_cast %and3A_972 : vector<16xi32> to vector<1x16xi32>
      tpu.vector_store %arg8[%swap3A_974, %swap3A_975], %swap3A_978 {strides = array<i32>} : memref<1x128xi32, #tpu.memory_space<vmem>>, vector<1x16xi32>,
      %run_scoped3A_979 = arith.constant 0 : i32
      "tpu.region"() ({
        %run_scoped3A_1109 = tpu.sem_alloc : memref<!tpu.dma_semaphore, #tpu.memory_space<semaphore_mem>>
        %dma_start3A_1110 = arith.constant 0 : i32
        %dma_start3A_1111 = tpu.memref_slice %arg8[%run_scoped3A_979, %dma_start3A_1110] : memref<1x128xi32, #tpu.memory_space<vmem>> -> memref<1x128xi32, #tpu.memory_space<vmem>>
        %dma_start3A_1112 = tpu.memref_squeeze %dma_start3A_1111 : memref<1x128xi32, #tpu.memory_space<vmem>> -> memref<128xi32, #tpu.memory_space<vmem>>
        %dma_start3A_1113 = arith.constant 0 : i32
        %dma_start3A_1114 = arith.constant 0 : i32
        %dma_start3A_1115 = tpu.memref_slice %arg5[%dma_start3A_1113, %dma_start3A_1114] : memref<10240x128xf32, #tpu.memory_space<vmem_shared>> -> memref<10240x128xf32, #tpu.memory_space<vmem_shared>>
        tpu.enqueue_indirect_dma source(%arg10 : memref<128x128xf32, #tpu.memory_space<vmem>>) target(%dma_start3A_1115 : memref<10240x128xf32, #tpu.memory_space<vmem_shared>>) offsets(%dma_start3A_1112 : memref<128xi32, #tpu.memory_space<vmem>>) semaphore(%run_scoped3A_1109 : memref<!tpu.dma_semaphore, #tpu.memory_space<semaphore_mem>>) {add = true}
        %dma_wait3A_1116 = arith.constant 0 : i32
        %dma_wait3A_1117 = tpu.memref_slice %arg8[%run_scoped3A_979, %dma_wait3A_1116] : memref<1x128xi32, #tpu.memory_space<vmem>> -> memref<1x128xi32, #tpu.memory_space<vmem>>
        %dma_wait3A_1118 = tpu.memref_squeeze %dma_wait3A_1117 : memref<1x128xi32, #tpu.memory_space<vmem>> -> memref<128xi32, #tpu.memory_space<vmem>>
        %dma_wait3A_1119 = arith.constant 0 : i32
        %dma_wait3A_1120 = arith.constant 0 : i32
        %dma_wait3A_1121 = tpu.memref_slice %arg5[%dma_wait3A_1119, %dma_wait3A_1120] : memref<10240x128xf32, #tpu.memory_space<vmem_shared>> -> memref<10240x128xf32, #tpu.memory_space<vmem_shared>>
        tpu.wait_indirect_dma semaphore(%run_scoped3A_1109 : memref<!tpu.dma_semaphore, #tpu.memory_space<semaphore_mem>>) src(%arg10 : memref<128x128xf32, #tpu.memory_space<vmem>>) dst(%dma_wait3A_1121 : memref<10240x128xf32, #tpu.memory_space<vmem_shared>>)
        tpu.yield
      }) : () -> ()
      %add3A_980 = arith.constant 2 : i32
      %add3A_981 = arith.addi %add3A_851, %add3A_980 : i32
      %get3A_982 = arith.constant 0 : i32
      %get3A_983 = tpu.memref_slice %arg6[%add3A_981, %get3A_982] : memref<80x128xi32, #tpu.memory_space<vmem>> -> memref<1x128xi32, #tpu.memory_space<vmem>>
      %get3A_984 = tpu.memref_squeeze %get3A_983 : memref<1x128xi32, #tpu.memory_space<vmem>> -> memref<128xi32, #tpu.memory_space<vmem>>
      %get3A_985 = arith.constant 0 : index
      %get3A_986 = tpu.vector_load %get3A_984[%get3A_985] {strides = array<i32>} : memref<128xi32, #tpu.memory_space<vmem>>, vector<16xi32>,
      %get3A_987 = vector.shape_cast %get3A_986 : vector<16xi32> to vector<16xi32>
      %shift_right_logical3A_988 = arith.constant 14 : i32
      %shift_right_logical3A_989 = vector.broadcast %shift_right_logical3A_988 : i32 to vector<16xi32>
      %shift_right_logical3A_990 = arith.shrui %get3A_987, %shift_right_logical3A_989 : vector<16xi32>
      %swap3A_991 = arith.constant 1 : i32
      %swap3A_992 = arith.index_cast %swap3A_991 : i32 to index
      %swap3A_993 = arith.constant 0 : index
      %swap3A_994 = tpu.vector_load %arg7[%swap3A_992, %swap3A_993] {strides = array<i32>} : memref<2x128xi32, #tpu.memory_space<vmem>>, vector<1x16xi32>,
      %swap3A_995 = vector.shape_cast %swap3A_994 : vector<1x16xi32> to vector<16xi32>
      %swap3A_996 = vector.shape_cast %shift_right_logical3A_990 : vector<16xi32> to vector<1x16xi32>
      tpu.vector_store %arg7[%swap3A_992, %swap3A_993], %swap3A_996 {strides = array<i32>} : memref<2x128xi32, #tpu.memory_space<vmem>>, vector<1x16xi32>,
      %get3A_997 = arith.constant 0 : i32
      %get3A_998 = tpu.memref_slice %arg6[%add3A_981, %get3A_997] : memref<80x128xi32, #tpu.memory_space<vmem>> -> memref<1x128xi32, #tpu.memory_space<vmem>>
      %get3A_999 = tpu.memref_squeeze %get3A_998 : memref<1x128xi32, #tpu.memory_space<vmem>> -> memref<128xi32, #tpu.memory_space<vmem>>
      %get3A_1000 = arith.constant 16 : index
      %get3A_1001 = tpu.vector_load %get3A_999[%get3A_1000] {strides = array<i32>} : memref<128xi32, #tpu.memory_space<vmem>>, vector<16xi32>,
      %get3A_1002 = vector.shape_cast %get3A_1001 : vector<16xi32> to vector<16xi32>
      %shift_right_logical3A_1003 = arith.constant 14 : i32
      %shift_right_logical3A_1004 = vector.broadcast %shift_right_logical3A_1003 : i32 to vector<16xi32>
      %shift_right_logical3A_1005 = arith.shrui %get3A_1002, %shift_right_logical3A_1004 : vector<16xi32>
      %swap3A_1006 = arith.constant 1 : i32
      %swap3A_1007 = arith.index_cast %swap3A_1006 : i32 to index
      %swap3A_1008 = arith.constant 16 : index
      %swap3A_1009 = tpu.vector_load %arg7[%swap3A_1007, %swap3A_1008] {strides = array<i32>} : memref<2x128xi32, #tpu.memory_space<vmem>>, vector<1x16xi32>,
      %swap3A_1010 = vector.shape_cast %swap3A_1009 : vector<1x16xi32> to vector<16xi32>
      %swap3A_1011 = vector.shape_cast %shift_right_logical3A_1005 : vector<16xi32> to vector<1x16xi32>
      tpu.vector_store %arg7[%swap3A_1007, %swap3A_1008], %swap3A_1011 {strides = array<i32>} : memref<2x128xi32, #tpu.memory_space<vmem>>, vector<1x16xi32>,
      %get3A_1012 = arith.constant 0 : i32
      %get3A_1013 = tpu.memref_slice %arg6[%add3A_981, %get3A_1012] : memref<80x128xi32, #tpu.memory_space<vmem>> -> memref<1x128xi32, #tpu.memory_space<vmem>>
      %get3A_1014 = tpu.memref_squeeze %get3A_1013 : memref<1x128xi32, #tpu.memory_space<vmem>> -> memref<128xi32, #tpu.memory_space<vmem>>
      %get3A_1015 = arith.constant 32 : index
      %get3A_1016 = tpu.vector_load %get3A_1014[%get3A_1015] {strides = array<i32>} : memref<128xi32, #tpu.memory_space<vmem>>, vector<16xi32>,
      %get3A_1017 = vector.shape_cast %get3A_1016 : vector<16xi32> to vector<16xi32>
      %shift_right_logical3A_1018 = arith.constant 14 : i32
      %shift_right_logical3A_1019 = vector.broadcast %shift_right_logical3A_1018 : i32 to vector<16xi32>
      %shift_right_logical3A_1020 = arith.shrui %get3A_1017, %shift_right_logical3A_1019 : vector<16xi32>
      %swap3A_1021 = arith.constant 1 : i32
      %swap3A_1022 = arith.index_cast %swap3A_1021 : i32 to index
      %swap3A_1023 = arith.constant 32 : index
      %swap3A_1024 = tpu.vector_load %arg7[%swap3A_1022, %swap3A_1023] {strides = array<i32>} : memref<2x128xi32, #tpu.memory_space<vmem>>, vector<1x16xi32>,
      %swap3A_1025 = vector.shape_cast %swap3A_1024 : vector<1x16xi32> to vector<16xi32>
      %swap3A_1026 = vector.shape_cast %shift_right_logical3A_1020 : vector<16xi32> to vector<1x16xi32>
      tpu.vector_store %arg7[%swap3A_1022, %swap3A_1023], %swap3A_1026 {strides = array<i32>} : memref<2x128xi32, #tpu.memory_space<vmem>>, vector<1x16xi32>,
      %get3A_1027 = arith.constant 0 : i32
      %get3A_1028 = tpu.memref_slice %arg6[%add3A_981, %get3A_1027] : memref<80x128xi32, #tpu.memory_space<vmem>> -> memref<1x128xi32, #tpu.memory_space<vmem>>
      %get3A_1029 = tpu.memref_squeeze %get3A_1028 : memref<1x128xi32, #tpu.memory_space<vmem>> -> memref<128xi32, #tpu.memory_space<vmem>>
      %get3A_1030 = arith.constant 48 : index
      %get3A_1031 = tpu.vector_load %get3A_1029[%get3A_1030] {strides = array<i32>} : memref<128xi32, #tpu.memory_space<vmem>>, vector<16xi32>,
      %get3A_1032 = vector.shape_cast %get3A_1031 : vector<16xi32> to vector<16xi32>
      %shift_right_logical3A_1033 = arith.constant 14 : i32
      %shift_right_logical3A_1034 = vector.broadcast %shift_right_logical3A_1033 : i32 to vector<16xi32>
      %shift_right_logical3A_1035 = arith.shrui %get3A_1032, %shift_right_logical3A_1034 : vector<16xi32>
      %swap3A_1036 = arith.constant 1 : i32
      %swap3A_1037 = arith.index_cast %swap3A_1036 : i32 to index
      %swap3A_1038 = arith.constant 48 : index
      %swap3A_1039 = tpu.vector_load %arg7[%swap3A_1037, %swap3A_1038] {strides = array<i32>} : memref<2x128xi32, #tpu.memory_space<vmem>>, vector<1x16xi32>,
      %swap3A_1040 = vector.shape_cast %swap3A_1039 : vector<1x16xi32> to vector<16xi32>
      %swap3A_1041 = vector.shape_cast %shift_right_logical3A_1035 : vector<16xi32> to vector<1x16xi32>
      tpu.vector_store %arg7[%swap3A_1037, %swap3A_1038], %swap3A_1041 {strides = array<i32>} : memref<2x128xi32, #tpu.memory_space<vmem>>, vector<1x16xi32>,
      %get3A_1042 = arith.constant 0 : i32
      %get3A_1043 = tpu.memref_slice %arg6[%add3A_981, %get3A_1042] : memref<80x128xi32, #tpu.memory_space<vmem>> -> memref<1x128xi32, #tpu.memory_space<vmem>>
      %get3A_1044 = tpu.memref_squeeze %get3A_1043 : memref<1x128xi32, #tpu.memory_space<vmem>> -> memref<128xi32, #tpu.memory_space<vmem>>
      %get3A_1045 = arith.constant 64 : index
      %get3A_1046 = tpu.vector_load %get3A_1044[%get3A_1045] {strides = array<i32>} : memref<128xi32, #tpu.memory_space<vmem>>, vector<16xi32>,
      %get3A_1047 = vector.shape_cast %get3A_1046 : vector<16xi32> to vector<16xi32>
      %shift_right_logical3A_1048 = arith.constant 14 : i32
      %shift_right_logical3A_1049 = vector.broadcast %shift_right_logical3A_1048 : i32 to vector<16xi32>
      %shift_right_logical3A_1050 = arith.shrui %get3A_1047, %shift_right_logical3A_1049 : vector<16xi32>
      %swap3A_1051 = arith.constant 1 : i32
      %swap3A_1052 = arith.index_cast %swap3A_1051 : i32 to index
      %swap3A_1053 = arith.constant 64 : index
      %swap3A_1054 = tpu.vector_load %arg7[%swap3A_1052, %swap3A_1053] {strides = array<i32>} : memref<2x128xi32, #tpu.memory_space<vmem>>, vector<1x16xi32>,
      %swap3A_1055 = vector.shape_cast %swap3A_1054 : vector<1x16xi32> to vector<16xi32>
      %swap3A_1056 = vector.shape_cast %shift_right_logical3A_1050 : vector<16xi32> to vector<1x16xi32>
      tpu.vector_store %arg7[%swap3A_1052, %swap3A_1053], %swap3A_1056 {strides = array<i32>} : memref<2x128xi32, #tpu.memory_space<vmem>>, vector<1x16xi32>,
      %get3A_1057 = arith.constant 0 : i32
      %get3A_1058 = tpu.memref_slice %arg6[%add3A_981, %get3A_1057] : memref<80x128xi32, #tpu.memory_space<vmem>> -> memref<1x128xi32, #tpu.memory_space<vmem>>
      %get3A_1059 = tpu.memref_squeeze %get3A_1058 : memref<1x128xi32, #tpu.memory_space<vmem>> -> memref<128xi32, #tpu.memory_space<vmem>>
      %get3A_1060 = arith.constant 80 : index
      %get3A_1061 = tpu.vector_load %get3A_1059[%get3A_1060] {strides = array<i32>} : memref<128xi32, #tpu.memory_space<vmem>>, vector<16xi32>,
      %get3A_1062 = vector.shape_cast %get3A_1061 : vector<16xi32> to vector<16xi32>
      %shift_right_logical3A_1063 = arith.constant 14 : i32
      %shift_right_logical3A_1064 = vector.broadcast %shift_right_logical3A_1063 : i32 to vector<16xi32>
      %shift_right_logical3A_1065 = arith.shrui %get3A_1062, %shift_right_logical3A_1064 : vector<16xi32>
      %swap3A_1066 = arith.constant 1 : i32
      %swap3A_1067 = arith.index_cast %swap3A_1066 : i32 to index
      %swap3A_1068 = arith.constant 80 : index
      %swap3A_1069 = tpu.vector_load %arg7[%swap3A_1067, %swap3A_1068] {strides = array<i32>} : memref<2x128xi32, #tpu.memory_space<vmem>>, vector<1x16xi32>,
      %swap3A_1070 = vector.shape_cast %swap3A_1069 : vector<1x16xi32> to vector<16xi32>
      %swap3A_1071 = vector.shape_cast %shift_right_logical3A_1065 : vector<16xi32> to vector<1x16xi32>
      tpu.vector_store %arg7[%swap3A_1067, %swap3A_1068], %swap3A_1071 {strides = array<i32>} : memref<2x128xi32, #tpu.memory_space<vmem>>, vector<1x16xi32>,
      %get3A_1072 = arith.constant 0 : i32
      %get3A_1073 = tpu.memref_slice %arg6[%add3A_981, %get3A_1072] : memref<80x128xi32, #tpu.memory_space<vmem>> -> memref<1x128xi32, #tpu.memory_space<vmem>>
      %get3A_1074 = tpu.memref_squeeze %get3A_1073 : memref<1x128xi32, #tpu.memory_space<vmem>> -> memref<128xi32, #tpu.memory_space<vmem>>
      %get3A_1075 = arith.constant 96 : index
      %get3A_1076 = tpu.vector_load %get3A_1074[%get3A_1075] {strides = array<i32>} : memref<128xi32, #tpu.memory_space<vmem>>, vector<16xi32>,
      %get3A_1077 = vector.shape_cast %get3A_1076 : vector<16xi32> to vector<16xi32>
      %shift_right_logical3A_1078 = arith.constant 14 : i32
      %shift_right_logical3A_1079 = vector.broadcast %shift_right_logical3A_1078 : i32 to vector<16xi32>
      %shift_right_logical3A_1080 = arith.shrui %get3A_1077, %shift_right_logical3A_1079 : vector<16xi32>
      %swap3A_1081 = arith.constant 1 : i32
      %swap3A_1082 = arith.index_cast %swap3A_1081 : i32 to index
      %swap3A_1083 = arith.constant 96 : index
      %swap3A_1084 = tpu.vector_load %arg7[%swap3A_1082, %swap3A_1083] {strides = array<i32>} : memref<2x128xi32, #tpu.memory_space<vmem>>, vector<1x16xi32>,
      %swap3A_1085 = vector.shape_cast %swap3A_1084 : vector<1x16xi32> to vector<16xi32>
      %swap3A_1086 = vector.shape_cast %shift_right_logical3A_1080 : vector<16xi32> to vector<1x16xi32>
      tpu.vector_store %arg7[%swap3A_1082, %swap3A_1083], %swap3A_1086 {strides = array<i32>} : memref<2x128xi32, #tpu.memory_space<vmem>>, vector<1x16xi32>,
      %get3A_1087 = arith.constant 0 : i32
      %get3A_1088 = tpu.memref_slice %arg6[%add3A_981, %get3A_1087] : memref<80x128xi32, #tpu.memory_space<vmem>> -> memref<1x128xi32, #tpu.memory_space<vmem>>
      %get3A_1089 = tpu.memref_squeeze %get3A_1088 : memref<1x128xi32, #tpu.memory_space<vmem>> -> memref<128xi32, #tpu.memory_space<vmem>>
      %get3A_1090 = arith.constant 112 : index
      %get3A_1091 = tpu.vector_load %get3A_1089[%get3A_1090] {strides = array<i32>} : memref<128xi32, #tpu.memory_space<vmem>>, vector<16xi32>,
      %get3A_1092 = vector.shape_cast %get3A_1091 : vector<16xi32> to vector<16xi32>
      %shift_right_logical3A_1093 = arith.constant 14 : i32
      %shift_right_logical3A_1094 = vector.broadcast %shift_right_logical3A_1093 : i32 to vector<16xi32>
      %shift_right_logical3A_1095 = arith.shrui %get3A_1092, %shift_right_logical3A_1094 : vector<16xi32>
      %swap3A_1096 = arith.constant 1 : i32
      %swap3A_1097 = arith.index_cast %swap3A_1096 : i32 to index
      %swap3A_1098 = arith.constant 112 : index
      %swap3A_1099 = tpu.vector_load %arg7[%swap3A_1097, %swap3A_1098] {strides = array<i32>} : memref<2x128xi32, #tpu.memory_space<vmem>>, vector<1x16xi32>,
      %swap3A_1100 = vector.shape_cast %swap3A_1099 : vector<1x16xi32> to vector<16xi32>
      %swap3A_1101 = vector.shape_cast %shift_right_logical3A_1095 : vector<16xi32> to vector<1x16xi32>
      tpu.vector_store %arg7[%swap3A_1097, %swap3A_1098], %swap3A_1101 {strides = array<i32>} : memref<2x128xi32, #tpu.memory_space<vmem>>, vector<1x16xi32>,
      %dma_start3A_1102 = arith.constant 1 : i32
      %dma_start3A_1103 = arith.constant 0 : i32
      %dma_start3A_1104 = tpu.memref_slice %arg7[%dma_start3A_1102, %dma_start3A_1103] : memref<2x128xi32, #tpu.memory_space<vmem>> -> memref<1x128xi32, #tpu.memory_space<vmem>>
      %dma_start3A_1105 = tpu.memref_squeeze %dma_start3A_1104 : memref<1x128xi32, #tpu.memory_space<vmem>> -> memref<128xi32, #tpu.memory_space<vmem>>
      %dma_start3A_1106 = arith.constant 0 : i32
      %dma_start3A_1107 = arith.constant 0 : i32
      %dma_start3A_1108 = tpu.memref_slice %arg2[%dma_start3A_1106, %dma_start3A_1107] : memref<20000x128xf32, #tpu.memory_space<hbm>> -> memref<20000x128xf32, #tpu.memory_space<hbm>>
      tpu.enqueue_indirect_dma source(%dma_start3A_1108 : memref<20000x128xf32, #tpu.memory_space<hbm>>) target(%arg10 : memref<128x128xf32, #tpu.memory_space<vmem>>) offsets(%dma_start3A_1105 : memref<128xi32, #tpu.memory_space<vmem>>) semaphore(%arg12 : memref<!tpu.dma_semaphore, #tpu.memory_space<semaphore_mem>>)
    }
    %scan3A_297 = arith.constant 39 : i32
    %dma_wait3A = arith.constant 0 : i32
    %dma_wait3A_298 = arith.constant 0 : i32
    %dma_wait3A_299 = tpu.memref_slice %arg7[%dma_wait3A, %dma_wait3A_298] : memref<2x128xi32, #tpu.memory_space<vmem>> -> memref<1x128xi32, #tpu.memory_space<vmem>>
    %dma_wait3A_300 = tpu.memref_squeeze %dma_wait3A_299 : memref<1x128xi32, #tpu.memory_space<vmem>> -> memref<128xi32, #tpu.memory_space<vmem>>
    %dma_wait3A_301 = arith.constant 0 : i32
    %dma_wait3A_302 = arith.constant 0 : i32
    %dma_wait3A_303 = tpu.memref_slice %arg2[%dma_wait3A_301, %dma_wait3A_302] : memref<20000x128xf32, #tpu.memory_space<hbm>> -> memref<20000x128xf32, #tpu.memory_space<hbm>>
    tpu.wait_indirect_dma semaphore(%arg11 : memref<!tpu.dma_semaphore, #tpu.memory_space<semaphore_mem>>) src(%dma_wait3A_303 : memref<20000x128xf32, #tpu.memory_space<hbm>>) dst(%arg9 : memref<128x128xf32, #tpu.memory_space<vmem>>)
    %get3A_304 = arith.constant 78 : i32
    %get3A_305 = arith.constant 0 : i32
    %get3A_306 = tpu.memref_slice %arg6[%get3A_304, %get3A_305] : memref<80x128xi32, #tpu.memory_space<vmem>> -> memref<1x128xi32, #tpu.memory_space<vmem>>
    %get3A_307 = tpu.memref_squeeze %get3A_306 : memref<1x128xi32, #tpu.memory_space<vmem>> -> memref<128xi32, #tpu.memory_space<vmem>>
    %get3A_308 = arith.constant 0 : index
    %get3A_309 = tpu.vector_load %get3A_307[%get3A_308] {strides = array<i32>} : memref<128xi32, #tpu.memory_space<vmem>>, vector<16xi32>,
    %get3A_310 = vector.shape_cast %get3A_309 : vector<16xi32> to vector<16xi32>
    %and3A = arith.constant 16383 : i32
    %and3A_311 = vector.broadcast %and3A : i32 to vector<16xi32>
    %and3A_312 = arith.andi %get3A_310, %and3A_311 : vector<16xi32>
    %swap3A_313 = arith.constant 0 : i32
    %swap3A_314 = arith.index_cast %swap3A_313 : i32 to index
    %swap3A_315 = arith.constant 0 : index
    %swap3A_316 = tpu.vector_load %arg8[%swap3A_314, %swap3A_315] {strides = array<i32>} : memref<1x128xi32, #tpu.memory_space<vmem>>, vector<1x16xi32>,
    %swap3A_317 = vector.shape_cast %swap3A_316 : vector<1x16xi32> to vector<16xi32>
    %swap3A_318 = vector.shape_cast %and3A_312 : vector<16xi32> to vector<1x16xi32>
    tpu.vector_store %arg8[%swap3A_314, %swap3A_315], %swap3A_318 {strides = array<i32>} : memref<1x128xi32, #tpu.memory_space<vmem>>, vector<1x16xi32>,
    %get3A_319 = arith.constant 78 : i32
    %get3A_320 = arith.constant 0 : i32
    %get3A_321 = tpu.memref_slice %arg6[%get3A_319, %get3A_320] : memref<80x128xi32, #tpu.memory_space<vmem>> -> memref<1x128xi32, #tpu.memory_space<vmem>>
    %get3A_322 = tpu.memref_squeeze %get3A_321 : memref<1x128xi32, #tpu.memory_space<vmem>> -> memref<128xi32, #tpu.memory_space<vmem>>
    %get3A_323 = arith.constant 16 : index
    %get3A_324 = tpu.vector_load %get3A_322[%get3A_323] {strides = array<i32>} : memref<128xi32, #tpu.memory_space<vmem>>, vector<16xi32>,
    %get3A_325 = vector.shape_cast %get3A_324 : vector<16xi32> to vector<16xi32>
    %and3A_326 = arith.constant 16383 : i32
    %and3A_327 = vector.broadcast %and3A_326 : i32 to vector<16xi32>
    %and3A_328 = arith.andi %get3A_325, %and3A_327 : vector<16xi32>
    %swap3A_329 = arith.constant 0 : i32
    %swap3A_330 = arith.index_cast %swap3A_329 : i32 to index
    %swap3A_331 = arith.constant 16 : index
    %swap3A_332 = tpu.vector_load %arg8[%swap3A_330, %swap3A_331] {strides = array<i32>} : memref<1x128xi32, #tpu.memory_space<vmem>>, vector<1x16xi32>,
    %swap3A_333 = vector.shape_cast %swap3A_332 : vector<1x16xi32> to vector<16xi32>
    %swap3A_334 = vector.shape_cast %and3A_328 : vector<16xi32> to vector<1x16xi32>
    tpu.vector_store %arg8[%swap3A_330, %swap3A_331], %swap3A_334 {strides = array<i32>} : memref<1x128xi32, #tpu.memory_space<vmem>>, vector<1x16xi32>,
    %get3A_335 = arith.constant 78 : i32
    %get3A_336 = arith.constant 0 : i32
    %get3A_337 = tpu.memref_slice %arg6[%get3A_335, %get3A_336] : memref<80x128xi32, #tpu.memory_space<vmem>> -> memref<1x128xi32, #tpu.memory_space<vmem>>
    %get3A_338 = tpu.memref_squeeze %get3A_337 : memref<1x128xi32, #tpu.memory_space<vmem>> -> memref<128xi32, #tpu.memory_space<vmem>>
    %get3A_339 = arith.constant 32 : index
    %get3A_340 = tpu.vector_load %get3A_338[%get3A_339] {strides = array<i32>} : memref<128xi32, #tpu.memory_space<vmem>>, vector<16xi32>,
    %get3A_341 = vector.shape_cast %get3A_340 : vector<16xi32> to vector<16xi32>
    %and3A_342 = arith.constant 16383 : i32
    %and3A_343 = vector.broadcast %and3A_342 : i32 to vector<16xi32>
    %and3A_344 = arith.andi %get3A_341, %and3A_343 : vector<16xi32>
    %swap3A_345 = arith.constant 0 : i32
    %swap3A_346 = arith.index_cast %swap3A_345 : i32 to index
    %swap3A_347 = arith.constant 32 : index
    %swap3A_348 = tpu.vector_load %arg8[%swap3A_346, %swap3A_347] {strides = array<i32>} : memref<1x128xi32, #tpu.memory_space<vmem>>, vector<1x16xi32>,
    %swap3A_349 = vector.shape_cast %swap3A_348 : vector<1x16xi32> to vector<16xi32>
    %swap3A_350 = vector.shape_cast %and3A_344 : vector<16xi32> to vector<1x16xi32>
    tpu.vector_store %arg8[%swap3A_346, %swap3A_347], %swap3A_350 {strides = array<i32>} : memref<1x128xi32, #tpu.memory_space<vmem>>, vector<1x16xi32>,
    %get3A_351 = arith.constant 78 : i32
    %get3A_352 = arith.constant 0 : i32
    %get3A_353 = tpu.memref_slice %arg6[%get3A_351, %get3A_352] : memref<80x128xi32, #tpu.memory_space<vmem>> -> memref<1x128xi32, #tpu.memory_space<vmem>>
    %get3A_354 = tpu.memref_squeeze %get3A_353 : memref<1x128xi32, #tpu.memory_space<vmem>> -> memref<128xi32, #tpu.memory_space<vmem>>
    %get3A_355 = arith.constant 48 : index
    %get3A_356 = tpu.vector_load %get3A_354[%get3A_355] {strides = array<i32>} : memref<128xi32, #tpu.memory_space<vmem>>, vector<16xi32>,
    %get3A_357 = vector.shape_cast %get3A_356 : vector<16xi32> to vector<16xi32>
    %and3A_358 = arith.constant 16383 : i32
    %and3A_359 = vector.broadcast %and3A_358 : i32 to vector<16xi32>
    %and3A_360 = arith.andi %get3A_357, %and3A_359 : vector<16xi32>
    %swap3A_361 = arith.constant 0 : i32
    %swap3A_362 = arith.index_cast %swap3A_361 : i32 to index
    %swap3A_363 = arith.constant 48 : index
    %swap3A_364 = tpu.vector_load %arg8[%swap3A_362, %swap3A_363] {strides = array<i32>} : memref<1x128xi32, #tpu.memory_space<vmem>>, vector<1x16xi32>,
    %swap3A_365 = vector.shape_cast %swap3A_364 : vector<1x16xi32> to vector<16xi32>
    %swap3A_366 = vector.shape_cast %and3A_360 : vector<16xi32> to vector<1x16xi32>
    tpu.vector_store %arg8[%swap3A_362, %swap3A_363], %swap3A_366 {strides = array<i32>} : memref<1x128xi32, #tpu.memory_space<vmem>>, vector<1x16xi32>,
    %get3A_367 = arith.constant 78 : i32
    %get3A_368 = arith.constant 0 : i32
    %get3A_369 = tpu.memref_slice %arg6[%get3A_367, %get3A_368] : memref<80x128xi32, #tpu.memory_space<vmem>> -> memref<1x128xi32, #tpu.memory_space<vmem>>
    %get3A_370 = tpu.memref_squeeze %get3A_369 : memref<1x128xi32, #tpu.memory_space<vmem>> -> memref<128xi32, #tpu.memory_space<vmem>>
    %get3A_371 = arith.constant 64 : index
    %get3A_372 = tpu.vector_load %get3A_370[%get3A_371] {strides = array<i32>} : memref<128xi32, #tpu.memory_space<vmem>>, vector<16xi32>,
    %get3A_373 = vector.shape_cast %get3A_372 : vector<16xi32> to vector<16xi32>
    %and3A_374 = arith.constant 16383 : i32
    %and3A_375 = vector.broadcast %and3A_374 : i32 to vector<16xi32>
    %and3A_376 = arith.andi %get3A_373, %and3A_375 : vector<16xi32>
    %swap3A_377 = arith.constant 0 : i32
    %swap3A_378 = arith.index_cast %swap3A_377 : i32 to index
    %swap3A_379 = arith.constant 64 : index
    %swap3A_380 = tpu.vector_load %arg8[%swap3A_378, %swap3A_379] {strides = array<i32>} : memref<1x128xi32, #tpu.memory_space<vmem>>, vector<1x16xi32>,
    %swap3A_381 = vector.shape_cast %swap3A_380 : vector<1x16xi32> to vector<16xi32>
    %swap3A_382 = vector.shape_cast %and3A_376 : vector<16xi32> to vector<1x16xi32>
    tpu.vector_store %arg8[%swap3A_378, %swap3A_379], %swap3A_382 {strides = array<i32>} : memref<1x128xi32, #tpu.memory_space<vmem>>, vector<1x16xi32>,
    %get3A_383 = arith.constant 78 : i32
    %get3A_384 = arith.constant 0 : i32
    %get3A_385 = tpu.memref_slice %arg6[%get3A_383, %get3A_384] : memref<80x128xi32, #tpu.memory_space<vmem>> -> memref<1x128xi32, #tpu.memory_space<vmem>>
    %get3A_386 = tpu.memref_squeeze %get3A_385 : memref<1x128xi32, #tpu.memory_space<vmem>> -> memref<128xi32, #tpu.memory_space<vmem>>
    %get3A_387 = arith.constant 80 : index
    %get3A_388 = tpu.vector_load %get3A_386[%get3A_387] {strides = array<i32>} : memref<128xi32, #tpu.memory_space<vmem>>, vector<16xi32>,
    %get3A_389 = vector.shape_cast %get3A_388 : vector<16xi32> to vector<16xi32>
    %and3A_390 = arith.constant 16383 : i32
    %and3A_391 = vector.broadcast %and3A_390 : i32 to vector<16xi32>
    %and3A_392 = arith.andi %get3A_389, %and3A_391 : vector<16xi32>
    %swap3A_393 = arith.constant 0 : i32
    %swap3A_394 = arith.index_cast %swap3A_393 : i32 to index
    %swap3A_395 = arith.constant 80 : index
    %swap3A_396 = tpu.vector_load %arg8[%swap3A_394, %swap3A_395] {strides = array<i32>} : memref<1x128xi32, #tpu.memory_space<vmem>>, vector<1x16xi32>,
    %swap3A_397 = vector.shape_cast %swap3A_396 : vector<1x16xi32> to vector<16xi32>
    %swap3A_398 = vector.shape_cast %and3A_392 : vector<16xi32> to vector<1x16xi32>
    tpu.vector_store %arg8[%swap3A_394, %swap3A_395], %swap3A_398 {strides = array<i32>} : memref<1x128xi32, #tpu.memory_space<vmem>>, vector<1x16xi32>,
    %get3A_399 = arith.constant 78 : i32
    %get3A_400 = arith.constant 0 : i32
    %get3A_401 = tpu.memref_slice %arg6[%get3A_399, %get3A_400] : memref<80x128xi32, #tpu.memory_space<vmem>> -> memref<1x128xi32, #tpu.memory_space<vmem>>
    %get3A_402 = tpu.memref_squeeze %get3A_401 : memref<1x128xi32, #tpu.memory_space<vmem>> -> memref<128xi32, #tpu.memory_space<vmem>>
    %get3A_403 = arith.constant 96 : index
    %get3A_404 = tpu.vector_load %get3A_402[%get3A_403] {strides = array<i32>} : memref<128xi32, #tpu.memory_space<vmem>>, vector<16xi32>,
    %get3A_405 = vector.shape_cast %get3A_404 : vector<16xi32> to vector<16xi32>
    %and3A_406 = arith.constant 16383 : i32
    %and3A_407 = vector.broadcast %and3A_406 : i32 to vector<16xi32>
    %and3A_408 = arith.andi %get3A_405, %and3A_407 : vector<16xi32>
    %swap3A_409 = arith.constant 0 : i32
    %swap3A_410 = arith.index_cast %swap3A_409 : i32 to index
    %swap3A_411 = arith.constant 96 : index
    %swap3A_412 = tpu.vector_load %arg8[%swap3A_410, %swap3A_411] {strides = array<i32>} : memref<1x128xi32, #tpu.memory_space<vmem>>, vector<1x16xi32>,
    %swap3A_413 = vector.shape_cast %swap3A_412 : vector<1x16xi32> to vector<16xi32>
    %swap3A_414 = vector.shape_cast %and3A_408 : vector<16xi32> to vector<1x16xi32>
    tpu.vector_store %arg8[%swap3A_410, %swap3A_411], %swap3A_414 {strides = array<i32>} : memref<1x128xi32, #tpu.memory_space<vmem>>, vector<1x16xi32>,
    %get3A_415 = arith.constant 78 : i32
    %get3A_416 = arith.constant 0 : i32
    %get3A_417 = tpu.memref_slice %arg6[%get3A_415, %get3A_416] : memref<80x128xi32, #tpu.memory_space<vmem>> -> memref<1x128xi32, #tpu.memory_space<vmem>>
    %get3A_418 = tpu.memref_squeeze %get3A_417 : memref<1x128xi32, #tpu.memory_space<vmem>> -> memref<128xi32, #tpu.memory_space<vmem>>
    %get3A_419 = arith.constant 112 : index
    %get3A_420 = tpu.vector_load %get3A_418[%get3A_419] {strides = array<i32>} : memref<128xi32, #tpu.memory_space<vmem>>, vector<16xi32>,
    %get3A_421 = vector.shape_cast %get3A_420 : vector<16xi32> to vector<16xi32>
    %and3A_422 = arith.constant 16383 : i32
    %and3A_423 = vector.broadcast %and3A_422 : i32 to vector<16xi32>
    %and3A_424 = arith.andi %get3A_421, %and3A_423 : vector<16xi32>
    %swap3A_425 = arith.constant 0 : i32
    %swap3A_426 = arith.index_cast %swap3A_425 : i32 to index
    %swap3A_427 = arith.constant 112 : index
    %swap3A_428 = tpu.vector_load %arg8[%swap3A_426, %swap3A_427] {strides = array<i32>} : memref<1x128xi32, #tpu.memory_space<vmem>>, vector<1x16xi32>,
    %swap3A_429 = vector.shape_cast %swap3A_428 : vector<1x16xi32> to vector<16xi32>
    %swap3A_430 = vector.shape_cast %and3A_424 : vector<16xi32> to vector<1x16xi32>
    tpu.vector_store %arg8[%swap3A_426, %swap3A_427], %swap3A_430 {strides = array<i32>} : memref<1x128xi32, #tpu.memory_space<vmem>>, vector<1x16xi32>,
    %run_scoped3A = arith.constant 0 : i32
    "tpu.region"() ({
      %run_scoped3A_588 = tpu.sem_alloc : memref<!tpu.dma_semaphore, #tpu.memory_space<semaphore_mem>>
      %dma_start3A_589 = arith.constant 0 : i32
      %dma_start3A_590 = tpu.memref_slice %arg8[%run_scoped3A, %dma_start3A_589] : memref<1x128xi32, #tpu.memory_space<vmem>> -> memref<1x128xi32, #tpu.memory_space<vmem>>
      %dma_start3A_591 = tpu.memref_squeeze %dma_start3A_590 : memref<1x128xi32, #tpu.memory_space<vmem>> -> memref<128xi32, #tpu.memory_space<vmem>>
      %dma_start3A_592 = arith.constant 0 : i32
      %dma_start3A_593 = arith.constant 0 : i32
      %dma_start3A_594 = tpu.memref_slice %arg5[%dma_start3A_592, %dma_start3A_593] : memref<10240x128xf32, #tpu.memory_space<vmem_shared>> -> memref<10240x128xf32, #tpu.memory_space<vmem_shared>>
      tpu.enqueue_indirect_dma source(%arg9 : memref<128x128xf32, #tpu.memory_space<vmem>>) target(%dma_start3A_594 : memref<10240x128xf32, #tpu.memory_space<vmem_shared>>) offsets(%dma_start3A_591 : memref<128xi32, #tpu.memory_space<vmem>>) semaphore(%run_scoped3A_588 : memref<!tpu.dma_semaphore, #tpu.memory_space<semaphore_mem>>) {add = true}
      %dma_wait3A_595 = arith.constant 0 : i32
      %dma_wait3A_596 = tpu.memref_slice %arg8[%run_scoped3A, %dma_wait3A_595] : memref<1x128xi32, #tpu.memory_space<vmem>> -> memref<1x128xi32, #tpu.memory_space<vmem>>
      %dma_wait3A_597 = tpu.memref_squeeze %dma_wait3A_596 : memref<1x128xi32, #tpu.memory_space<vmem>> -> memref<128xi32, #tpu.memory_space<vmem>>
      %dma_wait3A_598 = arith.constant 0 : i32
      %dma_wait3A_599 = arith.constant 0 : i32
      %dma_wait3A_600 = tpu.memref_slice %arg5[%dma_wait3A_598, %dma_wait3A_599] : memref<10240x128xf32, #tpu.memory_space<vmem_shared>> -> memref<10240x128xf32, #tpu.memory_space<vmem_shared>>
      tpu.wait_indirect_dma semaphore(%run_scoped3A_588 : memref<!tpu.dma_semaphore, #tpu.memory_space<semaphore_mem>>) src(%arg9 : memref<128x128xf32, #tpu.memory_space<vmem>>) dst(%dma_wait3A_600 : memref<10240x128xf32, #tpu.memory_space<vmem_shared>>)
      tpu.yield
    }) : () -> ()
    %dma_wait3A_431 = arith.constant 1 : i32
    %dma_wait3A_432 = arith.constant 0 : i32
    %dma_wait3A_433 = tpu.memref_slice %arg7[%dma_wait3A_431, %dma_wait3A_432] : memref<2x128xi32, #tpu.memory_space<vmem>> -> memref<1x128xi32, #tpu.memory_space<vmem>>
    %dma_wait3A_434 = tpu.memref_squeeze %dma_wait3A_433 : memref<1x128xi32, #tpu.memory_space<vmem>> -> memref<128xi32, #tpu.memory_space<vmem>>
    %dma_wait3A_435 = arith.constant 0 : i32
    %dma_wait3A_436 = arith.constant 0 : i32
    %dma_wait3A_437 = tpu.memref_slice %arg2[%dma_wait3A_435, %dma_wait3A_436] : memref<20000x128xf32, #tpu.memory_space<hbm>> -> memref<20000x128xf32, #tpu.memory_space<hbm>>
    tpu.wait_indirect_dma semaphore(%arg12 : memref<!tpu.dma_semaphore, #tpu.memory_space<semaphore_mem>>) src(%dma_wait3A_437 : memref<20000x128xf32, #tpu.memory_space<hbm>>) dst(%arg10 : memref<128x128xf32, #tpu.memory_space<vmem>>)
    %get3A_438 = arith.constant 79 : i32
    %get3A_439 = arith.constant 0 : i32
    %get3A_440 = tpu.memref_slice %arg6[%get3A_438, %get3A_439] : memref<80x128xi32, #tpu.memory_space<vmem>> -> memref<1x128xi32, #tpu.memory_space<vmem>>
    %get3A_441 = tpu.memref_squeeze %get3A_440 : memref<1x128xi32, #tpu.memory_space<vmem>> -> memref<128xi32, #tpu.memory_space<vmem>>
    %get3A_442 = arith.constant 0 : index
    %get3A_443 = tpu.vector_load %get3A_441[%get3A_442] {strides = array<i32>} : memref<128xi32, #tpu.memory_space<vmem>>, vector<16xi32>,
    %get3A_444 = vector.shape_cast %get3A_443 : vector<16xi32> to vector<16xi32>
    %and3A_445 = arith.constant 16383 : i32
    %and3A_446 = vector.broadcast %and3A_445 : i32 to vector<16xi32>
    %and3A_447 = arith.andi %get3A_444, %and3A_446 : vector<16xi32>
    %swap3A_448 = arith.constant 0 : i32
    %swap3A_449 = arith.index_cast %swap3A_448 : i32 to index
    %swap3A_450 = arith.constant 0 : index
    %swap3A_451 = tpu.vector_load %arg8[%swap3A_449, %swap3A_450] {strides = array<i32>} : memref<1x128xi32, #tpu.memory_space<vmem>>, vector<1x16xi32>,
    %swap3A_452 = vector.shape_cast %swap3A_451 : vector<1x16xi32> to vector<16xi32>
    %swap3A_453 = vector.shape_cast %and3A_447 : vector<16xi32> to vector<1x16xi32>
    tpu.vector_store %arg8[%swap3A_449, %swap3A_450], %swap3A_453 {strides = array<i32>} : memref<1x128xi32, #tpu.memory_space<vmem>>, vector<1x16xi32>,
    %get3A_454 = arith.constant 79 : i32
    %get3A_455 = arith.constant 0 : i32
    %get3A_456 = tpu.memref_slice %arg6[%get3A_454, %get3A_455] : memref<80x128xi32, #tpu.memory_space<vmem>> -> memref<1x128xi32, #tpu.memory_space<vmem>>
    %get3A_457 = tpu.memref_squeeze %get3A_456 : memref<1x128xi32, #tpu.memory_space<vmem>> -> memref<128xi32, #tpu.memory_space<vmem>>
    %get3A_458 = arith.constant 16 : index
    %get3A_459 = tpu.vector_load %get3A_457[%get3A_458] {strides = array<i32>} : memref<128xi32, #tpu.memory_space<vmem>>, vector<16xi32>,
    %get3A_460 = vector.shape_cast %get3A_459 : vector<16xi32> to vector<16xi32>
    %and3A_461 = arith.constant 16383 : i32
    %and3A_462 = vector.broadcast %and3A_461 : i32 to vector<16xi32>
    %and3A_463 = arith.andi %get3A_460, %and3A_462 : vector<16xi32>
    %swap3A_464 = arith.constant 0 : i32
    %swap3A_465 = arith.index_cast %swap3A_464 : i32 to index
    %swap3A_466 = arith.constant 16 : index
    %swap3A_467 = tpu.vector_load %arg8[%swap3A_465, %swap3A_466] {strides = array<i32>} : memref<1x128xi32, #tpu.memory_space<vmem>>, vector<1x16xi32>,
    %swap3A_468 = vector.shape_cast %swap3A_467 : vector<1x16xi32> to vector<16xi32>
    %swap3A_469 = vector.shape_cast %and3A_463 : vector<16xi32> to vector<1x16xi32>
    tpu.vector_store %arg8[%swap3A_465, %swap3A_466], %swap3A_469 {strides = array<i32>} : memref<1x128xi32, #tpu.memory_space<vmem>>, vector<1x16xi32>,
    %get3A_470 = arith.constant 79 : i32
    %get3A_471 = arith.constant 0 : i32
    %get3A_472 = tpu.memref_slice %arg6[%get3A_470, %get3A_471] : memref<80x128xi32, #tpu.memory_space<vmem>> -> memref<1x128xi32, #tpu.memory_space<vmem>>
    %get3A_473 = tpu.memref_squeeze %get3A_472 : memref<1x128xi32, #tpu.memory_space<vmem>> -> memref<128xi32, #tpu.memory_space<vmem>>
    %get3A_474 = arith.constant 32 : index
    %get3A_475 = tpu.vector_load %get3A_473[%get3A_474] {strides = array<i32>} : memref<128xi32, #tpu.memory_space<vmem>>, vector<16xi32>,
    %get3A_476 = vector.shape_cast %get3A_475 : vector<16xi32> to vector<16xi32>
    %and3A_477 = arith.constant 16383 : i32
    %and3A_478 = vector.broadcast %and3A_477 : i32 to vector<16xi32>
    %and3A_479 = arith.andi %get3A_476, %and3A_478 : vector<16xi32>
    %swap3A_480 = arith.constant 0 : i32
    %swap3A_481 = arith.index_cast %swap3A_480 : i32 to index
    %swap3A_482 = arith.constant 32 : index
    %swap3A_483 = tpu.vector_load %arg8[%swap3A_481, %swap3A_482] {strides = array<i32>} : memref<1x128xi32, #tpu.memory_space<vmem>>, vector<1x16xi32>,
    %swap3A_484 = vector.shape_cast %swap3A_483 : vector<1x16xi32> to vector<16xi32>
    %swap3A_485 = vector.shape_cast %and3A_479 : vector<16xi32> to vector<1x16xi32>
    tpu.vector_store %arg8[%swap3A_481, %swap3A_482], %swap3A_485 {strides = array<i32>} : memref<1x128xi32, #tpu.memory_space<vmem>>, vector<1x16xi32>,
    %get3A_486 = arith.constant 79 : i32
    %get3A_487 = arith.constant 0 : i32
    %get3A_488 = tpu.memref_slice %arg6[%get3A_486, %get3A_487] : memref<80x128xi32, #tpu.memory_space<vmem>> -> memref<1x128xi32, #tpu.memory_space<vmem>>
    %get3A_489 = tpu.memref_squeeze %get3A_488 : memref<1x128xi32, #tpu.memory_space<vmem>> -> memref<128xi32, #tpu.memory_space<vmem>>
    %get3A_490 = arith.constant 48 : index
    %get3A_491 = tpu.vector_load %get3A_489[%get3A_490] {strides = array<i32>} : memref<128xi32, #tpu.memory_space<vmem>>, vector<16xi32>,
    %get3A_492 = vector.shape_cast %get3A_491 : vector<16xi32> to vector<16xi32>
    %and3A_493 = arith.constant 16383 : i32
    %and3A_494 = vector.broadcast %and3A_493 : i32 to vector<16xi32>
    %and3A_495 = arith.andi %get3A_492, %and3A_494 : vector<16xi32>
    %swap3A_496 = arith.constant 0 : i32
    %swap3A_497 = arith.index_cast %swap3A_496 : i32 to index
    %swap3A_498 = arith.constant 48 : index
    %swap3A_499 = tpu.vector_load %arg8[%swap3A_497, %swap3A_498] {strides = array<i32>} : memref<1x128xi32, #tpu.memory_space<vmem>>, vector<1x16xi32>,
    %swap3A_500 = vector.shape_cast %swap3A_499 : vector<1x16xi32> to vector<16xi32>
    %swap3A_501 = vector.shape_cast %and3A_495 : vector<16xi32> to vector<1x16xi32>
    tpu.vector_store %arg8[%swap3A_497, %swap3A_498], %swap3A_501 {strides = array<i32>} : memref<1x128xi32, #tpu.memory_space<vmem>>, vector<1x16xi32>,
    %get3A_502 = arith.constant 79 : i32
    %get3A_503 = arith.constant 0 : i32
    %get3A_504 = tpu.memref_slice %arg6[%get3A_502, %get3A_503] : memref<80x128xi32, #tpu.memory_space<vmem>> -> memref<1x128xi32, #tpu.memory_space<vmem>>
    %get3A_505 = tpu.memref_squeeze %get3A_504 : memref<1x128xi32, #tpu.memory_space<vmem>> -> memref<128xi32, #tpu.memory_space<vmem>>
    %get3A_506 = arith.constant 64 : index
    %get3A_507 = tpu.vector_load %get3A_505[%get3A_506] {strides = array<i32>} : memref<128xi32, #tpu.memory_space<vmem>>, vector<16xi32>,
    %get3A_508 = vector.shape_cast %get3A_507 : vector<16xi32> to vector<16xi32>
    %and3A_509 = arith.constant 16383 : i32
    %and3A_510 = vector.broadcast %and3A_509 : i32 to vector<16xi32>
    %and3A_511 = arith.andi %get3A_508, %and3A_510 : vector<16xi32>
    %swap3A_512 = arith.constant 0 : i32
    %swap3A_513 = arith.index_cast %swap3A_512 : i32 to index
    %swap3A_514 = arith.constant 64 : index
    %swap3A_515 = tpu.vector_load %arg8[%swap3A_513, %swap3A_514] {strides = array<i32>} : memref<1x128xi32, #tpu.memory_space<vmem>>, vector<1x16xi32>,
    %swap3A_516 = vector.shape_cast %swap3A_515 : vector<1x16xi32> to vector<16xi32>
    %swap3A_517 = vector.shape_cast %and3A_511 : vector<16xi32> to vector<1x16xi32>
    tpu.vector_store %arg8[%swap3A_513, %swap3A_514], %swap3A_517 {strides = array<i32>} : memref<1x128xi32, #tpu.memory_space<vmem>>, vector<1x16xi32>,
    %get3A_518 = arith.constant 79 : i32
    %get3A_519 = arith.constant 0 : i32
    %get3A_520 = tpu.memref_slice %arg6[%get3A_518, %get3A_519] : memref<80x128xi32, #tpu.memory_space<vmem>> -> memref<1x128xi32, #tpu.memory_space<vmem>>
    %get3A_521 = tpu.memref_squeeze %get3A_520 : memref<1x128xi32, #tpu.memory_space<vmem>> -> memref<128xi32, #tpu.memory_space<vmem>>
    %get3A_522 = arith.constant 80 : index
    %get3A_523 = tpu.vector_load %get3A_521[%get3A_522] {strides = array<i32>} : memref<128xi32, #tpu.memory_space<vmem>>, vector<16xi32>,
    %get3A_524 = vector.shape_cast %get3A_523 : vector<16xi32> to vector<16xi32>
    %and3A_525 = arith.constant 16383 : i32
    %and3A_526 = vector.broadcast %and3A_525 : i32 to vector<16xi32>
    %and3A_527 = arith.andi %get3A_524, %and3A_526 : vector<16xi32>
    %swap3A_528 = arith.constant 0 : i32
    %swap3A_529 = arith.index_cast %swap3A_528 : i32 to index
    %swap3A_530 = arith.constant 80 : index
    %swap3A_531 = tpu.vector_load %arg8[%swap3A_529, %swap3A_530] {strides = array<i32>} : memref<1x128xi32, #tpu.memory_space<vmem>>, vector<1x16xi32>,
    %swap3A_532 = vector.shape_cast %swap3A_531 : vector<1x16xi32> to vector<16xi32>
    %swap3A_533 = vector.shape_cast %and3A_527 : vector<16xi32> to vector<1x16xi32>
    tpu.vector_store %arg8[%swap3A_529, %swap3A_530], %swap3A_533 {strides = array<i32>} : memref<1x128xi32, #tpu.memory_space<vmem>>, vector<1x16xi32>,
    %get3A_534 = arith.constant 79 : i32
    %get3A_535 = arith.constant 0 : i32
    %get3A_536 = tpu.memref_slice %arg6[%get3A_534, %get3A_535] : memref<80x128xi32, #tpu.memory_space<vmem>> -> memref<1x128xi32, #tpu.memory_space<vmem>>
    %get3A_537 = tpu.memref_squeeze %get3A_536 : memref<1x128xi32, #tpu.memory_space<vmem>> -> memref<128xi32, #tpu.memory_space<vmem>>
    %get3A_538 = arith.constant 96 : index
    %get3A_539 = tpu.vector_load %get3A_537[%get3A_538] {strides = array<i32>} : memref<128xi32, #tpu.memory_space<vmem>>, vector<16xi32>,
    %get3A_540 = vector.shape_cast %get3A_539 : vector<16xi32> to vector<16xi32>
    %and3A_541 = arith.constant 16383 : i32
    %and3A_542 = vector.broadcast %and3A_541 : i32 to vector<16xi32>
    %and3A_543 = arith.andi %get3A_540, %and3A_542 : vector<16xi32>
    %swap3A_544 = arith.constant 0 : i32
    %swap3A_545 = arith.index_cast %swap3A_544 : i32 to index
    %swap3A_546 = arith.constant 96 : index
    %swap3A_547 = tpu.vector_load %arg8[%swap3A_545, %swap3A_546] {strides = array<i32>} : memref<1x128xi32, #tpu.memory_space<vmem>>, vector<1x16xi32>,
    %swap3A_548 = vector.shape_cast %swap3A_547 : vector<1x16xi32> to vector<16xi32>
    %swap3A_549 = vector.shape_cast %and3A_543 : vector<16xi32> to vector<1x16xi32>
    tpu.vector_store %arg8[%swap3A_545, %swap3A_546], %swap3A_549 {strides = array<i32>} : memref<1x128xi32, #tpu.memory_space<vmem>>, vector<1x16xi32>,
    %get3A_550 = arith.constant 79 : i32
    %get3A_551 = arith.constant 0 : i32
    %get3A_552 = tpu.memref_slice %arg6[%get3A_550, %get3A_551] : memref<80x128xi32, #tpu.memory_space<vmem>> -> memref<1x128xi32, #tpu.memory_space<vmem>>
    %get3A_553 = tpu.memref_squeeze %get3A_552 : memref<1x128xi32, #tpu.memory_space<vmem>> -> memref<128xi32, #tpu.memory_space<vmem>>
    %get3A_554 = arith.constant 112 : index
    %get3A_555 = tpu.vector_load %get3A_553[%get3A_554] {strides = array<i32>} : memref<128xi32, #tpu.memory_space<vmem>>, vector<16xi32>,
    %get3A_556 = vector.shape_cast %get3A_555 : vector<16xi32> to vector<16xi32>
    %and3A_557 = arith.constant 16383 : i32
    %and3A_558 = vector.broadcast %and3A_557 : i32 to vector<16xi32>
    %and3A_559 = arith.andi %get3A_556, %and3A_558 : vector<16xi32>
    %swap3A_560 = arith.constant 0 : i32
    %swap3A_561 = arith.index_cast %swap3A_560 : i32 to index
    %swap3A_562 = arith.constant 112 : index
    %swap3A_563 = tpu.vector_load %arg8[%swap3A_561, %swap3A_562] {strides = array<i32>} : memref<1x128xi32, #tpu.memory_space<vmem>>, vector<1x16xi32>,
    %swap3A_564 = vector.shape_cast %swap3A_563 : vector<1x16xi32> to vector<16xi32>
    %swap3A_565 = vector.shape_cast %and3A_559 : vector<16xi32> to vector<1x16xi32>
    tpu.vector_store %arg8[%swap3A_561, %swap3A_562], %swap3A_565 {strides = array<i32>} : memref<1x128xi32, #tpu.memory_space<vmem>>, vector<1x16xi32>,
    %run_scoped3A_566 = arith.constant 0 : i32
    "tpu.region"() ({
      %run_scoped3A_588 = tpu.sem_alloc : memref<!tpu.dma_semaphore, #tpu.memory_space<semaphore_mem>>
      %dma_start3A_589 = arith.constant 0 : i32
      %dma_start3A_590 = tpu.memref_slice %arg8[%run_scoped3A_566, %dma_start3A_589] : memref<1x128xi32, #tpu.memory_space<vmem>> -> memref<1x128xi32, #tpu.memory_space<vmem>>
      %dma_start3A_591 = tpu.memref_squeeze %dma_start3A_590 : memref<1x128xi32, #tpu.memory_space<vmem>> -> memref<128xi32, #tpu.memory_space<vmem>>
      %dma_start3A_592 = arith.constant 0 : i32
      %dma_start3A_593 = arith.constant 0 : i32
      %dma_start3A_594 = tpu.memref_slice %arg5[%dma_start3A_592, %dma_start3A_593] : memref<10240x128xf32, #tpu.memory_space<vmem_shared>> -> memref<10240x128xf32, #tpu.memory_space<vmem_shared>>
      tpu.enqueue_indirect_dma source(%arg10 : memref<128x128xf32, #tpu.memory_space<vmem>>) target(%dma_start3A_594 : memref<10240x128xf32, #tpu.memory_space<vmem_shared>>) offsets(%dma_start3A_591 : memref<128xi32, #tpu.memory_space<vmem>>) semaphore(%run_scoped3A_588 : memref<!tpu.dma_semaphore, #tpu.memory_space<semaphore_mem>>) {add = true}
      %dma_wait3A_595 = arith.constant 0 : i32
      %dma_wait3A_596 = tpu.memref_slice %arg8[%run_scoped3A_566, %dma_wait3A_595] : memref<1x128xi32, #tpu.memory_space<vmem>> -> memref<1x128xi32, #tpu.memory_space<vmem>>
      %dma_wait3A_597 = tpu.memref_squeeze %dma_wait3A_596 : memref<1x128xi32, #tpu.memory_space<vmem>> -> memref<128xi32, #tpu.memory_space<vmem>>
      %dma_wait3A_598 = arith.constant 0 : i32
      %dma_wait3A_599 = arith.constant 0 : i32
      %dma_wait3A_600 = tpu.memref_slice %arg5[%dma_wait3A_598, %dma_wait3A_599] : memref<10240x128xf32, #tpu.memory_space<vmem_shared>> -> memref<10240x128xf32, #tpu.memory_space<vmem_shared>>
      tpu.wait_indirect_dma semaphore(%run_scoped3A_588 : memref<!tpu.dma_semaphore, #tpu.memory_space<semaphore_mem>>) src(%arg10 : memref<128x128xf32, #tpu.memory_space<vmem>>) dst(%dma_wait3A_600 : memref<10240x128xf32, #tpu.memory_space<vmem_shared>>)
      tpu.yield
    }) : () -> ()
    %barrier3A_567 = arith.constant 0 : index
    tpu.barrier barrier_id(%barrier3A_567)
    %mul3A_568 = arith.constant 640 : i32
    %mul3A_569 = arith.muli %arg1, %mul3A_568 : i32
    %add3A_570 = arith.constant 0 : i32
    %add3A_571 = arith.addi %mul3A_569, %add3A_570 : i32
    "tpu.region"() ({
      %run_scoped3A_588 = tpu.sem_alloc : memref<!tpu.dma_semaphore, #tpu.memory_space<semaphore_mem>>
      %dma_start3A_589 = arith.constant 0 : i32
      %dma_start3A_590 = tpu.memref_slice %arg5[%add3A_571, %dma_start3A_589] : memref<10240x128xf32, #tpu.memory_space<vmem_shared>> -> memref<128x128xf32, #tpu.memory_space<vmem_shared>>
      %dma_start3A_591 = arith.constant 0 : i32
      %dma_start3A_592 = tpu.memref_slice %arg5[%add3A_571, %dma_start3A_591] : memref<10240x128xf32, #tpu.memory_space<vmem_shared>> -> memref<128x128xf32, #tpu.memory_space<vmem_shared>>
      tpu.enqueue_dma source(%dma_start3A_592 : memref<128x128xf32, #tpu.memory_space<vmem_shared>>) target(%arg9 : memref<128x128xf32, #tpu.memory_space<vmem>>) target_semaphore(%run_scoped3A_588 : memref<!tpu.dma_semaphore, #tpu.memory_space<semaphore_mem>>)
      %dma_wait3A_593 = arith.constant 0 : i32
      %dma_wait3A_594 = tpu.memref_slice %arg5[%add3A_571, %dma_wait3A_593] : memref<10240x128xf32, #tpu.memory_space<vmem_shared>> -> memref<128x128xf32, #tpu.memory_space<vmem_shared>>
      %dma_wait3A_595 = arith.constant 0 : i32
      %dma_wait3A_596 = tpu.memref_slice %arg5[%add3A_571, %dma_wait3A_595] : memref<10240x128xf32, #tpu.memory_space<vmem_shared>> -> memref<128x128xf32, #tpu.memory_space<vmem_shared>>
      tpu.wait_dma2 semaphore(%run_scoped3A_588 : memref<!tpu.dma_semaphore, #tpu.memory_space<semaphore_mem>>) src(%dma_wait3A_596 : memref<128x128xf32, #tpu.memory_space<vmem_shared>>) dst(%arg9 : memref<128x128xf32, #tpu.memory_space<vmem>>)
      tpu.yield
    }) : () -> ()
    "tpu.region"() ({
      %run_scoped3A_588 = tpu.sem_alloc : memref<!tpu.dma_semaphore, #tpu.memory_space<semaphore_mem>>
      %dma_start3A_589 = arith.constant 0 : i32
      %dma_start3A_590 = tpu.memref_slice %arg4[%arg0, %add3A_571, %dma_start3A_589] : memref<2x10240x128xf32, #tpu.memory_space<hbm>> -> memref<1x128x128xf32, #tpu.memory_space<hbm>>
      %dma_start3A_591 = tpu.memref_squeeze %dma_start3A_590 : memref<1x128x128xf32, #tpu.memory_space<hbm>> -> memref<128x128xf32, #tpu.memory_space<hbm>>
      %dma_start3A_592 = arith.constant 0 : i32
      %dma_start3A_593 = tpu.memref_slice %arg4[%arg0, %add3A_571, %dma_start3A_592] : memref<2x10240x128xf32, #tpu.memory_space<hbm>> -> memref<1x128x128xf32, #tpu.memory_space<hbm>>
      %dma_start3A_594 = tpu.memref_squeeze %dma_start3A_593 : memref<1x128x128xf32, #tpu.memory_space<hbm>> -> memref<128x128xf32, #tpu.memory_space<hbm>>
      tpu.enqueue_dma source(%arg9 : memref<128x128xf32, #tpu.memory_space<vmem>>) target(%dma_start3A_594 : memref<128x128xf32, #tpu.memory_space<hbm>>) target_semaphore(%run_scoped3A_588 : memref<!tpu.dma_semaphore, #tpu.memory_space<semaphore_mem>>)
      %dma_wait3A_595 = arith.constant 0 : i32
      %dma_wait3A_596 = tpu.memref_slice %arg4[%arg0, %add3A_571, %dma_wait3A_595] : memref<2x10240x128xf32, #tpu.memory_space<hbm>> -> memref<1x128x128xf32, #tpu.memory_space<hbm>>
      %dma_wait3A_597 = tpu.memref_squeeze %dma_wait3A_596 : memref<1x128x128xf32, #tpu.memory_space<hbm>> -> memref<128x128xf32, #tpu.memory_space<hbm>>
      %dma_wait3A_598 = arith.constant 0 : i32
      %dma_wait3A_599 = tpu.memref_slice %arg4[%arg0, %add3A_571, %dma_wait3A_598] : memref<2x10240x128xf32, #tpu.memory_space<hbm>> -> memref<1x128x128xf32, #tpu.memory_space<hbm>>
      %dma_wait3A_600 = tpu.memref_squeeze %dma_wait3A_599 : memref<1x128x128xf32, #tpu.memory_space<hbm>> -> memref<128x128xf32, #tpu.memory_space<hbm>>
      tpu.wait_dma2 semaphore(%run_scoped3A_588 : memref<!tpu.dma_semaphore, #tpu.memory_space<semaphore_mem>>) src(%arg9 : memref<128x128xf32, #tpu.memory_space<vmem>>) dst(%dma_wait3A_600 : memref<128x128xf32, #tpu.memory_space<hbm>>)
      tpu.yield
    }) : () -> ()
    %mul3A_572 = arith.constant 640 : i32
    %mul3A_573 = arith.muli %arg1, %mul3A_572 : i32
    %add3A_574 = arith.constant 128 : i32
    %add3A_575 = arith.addi %mul3A_573, %add3A_574 : i32
    "tpu.region"() ({
      %run_scoped3A_588 = tpu.sem_alloc : memref<!tpu.dma_semaphore, #tpu.memory_space<semaphore_mem>>
      %dma_start3A_589 = arith.constant 0 : i32
      %dma_start3A_590 = tpu.memref_slice %arg5[%add3A_575, %dma_start3A_589] : memref<10240x128xf32, #tpu.memory_space<vmem_shared>> -> memref<128x128xf32, #tpu.memory_space<vmem_shared>>
      %dma_start3A_591 = arith.constant 0 : i32
      %dma_start3A_592 = tpu.memref_slice %arg5[%add3A_575, %dma_start3A_591] : memref<10240x128xf32, #tpu.memory_space<vmem_shared>> -> memref<128x128xf32, #tpu.memory_space<vmem_shared>>
      tpu.enqueue_dma source(%dma_start3A_592 : memref<128x128xf32, #tpu.memory_space<vmem_shared>>) target(%arg9 : memref<128x128xf32, #tpu.memory_space<vmem>>) target_semaphore(%run_scoped3A_588 : memref<!tpu.dma_semaphore, #tpu.memory_space<semaphore_mem>>)
      %dma_wait3A_593 = arith.constant 0 : i32
      %dma_wait3A_594 = tpu.memref_slice %arg5[%add3A_575, %dma_wait3A_593] : memref<10240x128xf32, #tpu.memory_space<vmem_shared>> -> memref<128x128xf32, #tpu.memory_space<vmem_shared>>
      %dma_wait3A_595 = arith.constant 0 : i32
      %dma_wait3A_596 = tpu.memref_slice %arg5[%add3A_575, %dma_wait3A_595] : memref<10240x128xf32, #tpu.memory_space<vmem_shared>> -> memref<128x128xf32, #tpu.memory_space<vmem_shared>>
      tpu.wait_dma2 semaphore(%run_scoped3A_588 : memref<!tpu.dma_semaphore, #tpu.memory_space<semaphore_mem>>) src(%dma_wait3A_596 : memref<128x128xf32, #tpu.memory_space<vmem_shared>>) dst(%arg9 : memref<128x128xf32, #tpu.memory_space<vmem>>)
      tpu.yield
    }) : () -> ()
    "tpu.region"() ({
      %run_scoped3A_588 = tpu.sem_alloc : memref<!tpu.dma_semaphore, #tpu.memory_space<semaphore_mem>>
      %dma_start3A_589 = arith.constant 0 : i32
      %dma_start3A_590 = tpu.memref_slice %arg4[%arg0, %add3A_575, %dma_start3A_589] : memref<2x10240x128xf32, #tpu.memory_space<hbm>> -> memref<1x128x128xf32, #tpu.memory_space<hbm>>
      %dma_start3A_591 = tpu.memref_squeeze %dma_start3A_590 : memref<1x128x128xf32, #tpu.memory_space<hbm>> -> memref<128x128xf32, #tpu.memory_space<hbm>>
      %dma_start3A_592 = arith.constant 0 : i32
      %dma_start3A_593 = tpu.memref_slice %arg4[%arg0, %add3A_575, %dma_start3A_592] : memref<2x10240x128xf32, #tpu.memory_space<hbm>> -> memref<1x128x128xf32, #tpu.memory_space<hbm>>
      %dma_start3A_594 = tpu.memref_squeeze %dma_start3A_593 : memref<1x128x128xf32, #tpu.memory_space<hbm>> -> memref<128x128xf32, #tpu.memory_space<hbm>>
      tpu.enqueue_dma source(%arg9 : memref<128x128xf32, #tpu.memory_space<vmem>>) target(%dma_start3A_594 : memref<128x128xf32, #tpu.memory_space<hbm>>) target_semaphore(%run_scoped3A_588 : memref<!tpu.dma_semaphore, #tpu.memory_space<semaphore_mem>>)
      %dma_wait3A_595 = arith.constant 0 : i32
      %dma_wait3A_596 = tpu.memref_slice %arg4[%arg0, %add3A_575, %dma_wait3A_595] : memref<2x10240x128xf32, #tpu.memory_space<hbm>> -> memref<1x128x128xf32, #tpu.memory_space<hbm>>
      %dma_wait3A_597 = tpu.memref_squeeze %dma_wait3A_596 : memref<1x128x128xf32, #tpu.memory_space<hbm>> -> memref<128x128xf32, #tpu.memory_space<hbm>>
      %dma_wait3A_598 = arith.constant 0 : i32
      %dma_wait3A_599 = tpu.memref_slice %arg4[%arg0, %add3A_575, %dma_wait3A_598] : memref<2x10240x128xf32, #tpu.memory_space<hbm>> -> memref<1x128x128xf32, #tpu.memory_space<hbm>>
      %dma_wait3A_600 = tpu.memref_squeeze %dma_wait3A_599 : memref<1x128x128xf32, #tpu.memory_space<hbm>> -> memref<128x128xf32, #tpu.memory_space<hbm>>
      tpu.wait_dma2 semaphore(%run_scoped3A_588 : memref<!tpu.dma_semaphore, #tpu.memory_space<semaphore_mem>>) src(%arg9 : memref<128x128xf32, #tpu.memory_space<vmem>>) dst(%dma_wait3A_600 : memref<128x128xf32, #tpu.memory_space<hbm>>)
      tpu.yield
    }) : () -> ()
    %mul3A_576 = arith.constant 640 : i32
    %mul3A_577 = arith.muli %arg1, %mul3A_576 : i32
    %add3A_578 = arith.constant 256 : i32
    %add3A_579 = arith.addi %mul3A_577, %add3A_578 : i32
    "tpu.region"() ({
      %run_scoped3A_588 = tpu.sem_alloc : memref<!tpu.dma_semaphore, #tpu.memory_space<semaphore_mem>>
      %dma_start3A_589 = arith.constant 0 : i32
      %dma_start3A_590 = tpu.memref_slice %arg5[%add3A_579, %dma_start3A_589] : memref<10240x128xf32, #tpu.memory_space<vmem_shared>> -> memref<128x128xf32, #tpu.memory_space<vmem_shared>>
      %dma_start3A_591 = arith.constant 0 : i32
      %dma_start3A_592 = tpu.memref_slice %arg5[%add3A_579, %dma_start3A_591] : memref<10240x128xf32, #tpu.memory_space<vmem_shared>> -> memref<128x128xf32, #tpu.memory_space<vmem_shared>>
      tpu.enqueue_dma source(%dma_start3A_592 : memref<128x128xf32, #tpu.memory_space<vmem_shared>>) target(%arg9 : memref<128x128xf32, #tpu.memory_space<vmem>>) target_semaphore(%run_scoped3A_588 : memref<!tpu.dma_semaphore, #tpu.memory_space<semaphore_mem>>)
      %dma_wait3A_593 = arith.constant 0 : i32
      %dma_wait3A_594 = tpu.memref_slice %arg5[%add3A_579, %dma_wait3A_593] : memref<10240x128xf32, #tpu.memory_space<vmem_shared>> -> memref<128x128xf32, #tpu.memory_space<vmem_shared>>
      %dma_wait3A_595 = arith.constant 0 : i32
      %dma_wait3A_596 = tpu.memref_slice %arg5[%add3A_579, %dma_wait3A_595] : memref<10240x128xf32, #tpu.memory_space<vmem_shared>> -> memref<128x128xf32, #tpu.memory_space<vmem_shared>>
      tpu.wait_dma2 semaphore(%run_scoped3A_588 : memref<!tpu.dma_semaphore, #tpu.memory_space<semaphore_mem>>) src(%dma_wait3A_596 : memref<128x128xf32, #tpu.memory_space<vmem_shared>>) dst(%arg9 : memref<128x128xf32, #tpu.memory_space<vmem>>)
      tpu.yield
    }) : () -> ()
    "tpu.region"() ({
      %run_scoped3A_588 = tpu.sem_alloc : memref<!tpu.dma_semaphore, #tpu.memory_space<semaphore_mem>>
      %dma_start3A_589 = arith.constant 0 : i32
      %dma_start3A_590 = tpu.memref_slice %arg4[%arg0, %add3A_579, %dma_start3A_589] : memref<2x10240x128xf32, #tpu.memory_space<hbm>> -> memref<1x128x128xf32, #tpu.memory_space<hbm>>
      %dma_start3A_591 = tpu.memref_squeeze %dma_start3A_590 : memref<1x128x128xf32, #tpu.memory_space<hbm>> -> memref<128x128xf32, #tpu.memory_space<hbm>>
      %dma_start3A_592 = arith.constant 0 : i32
      %dma_start3A_593 = tpu.memref_slice %arg4[%arg0, %add3A_579, %dma_start3A_592] : memref<2x10240x128xf32, #tpu.memory_space<hbm>> -> memref<1x128x128xf32, #tpu.memory_space<hbm>>
      %dma_start3A_594 = tpu.memref_squeeze %dma_start3A_593 : memref<1x128x128xf32, #tpu.memory_space<hbm>> -> memref<128x128xf32, #tpu.memory_space<hbm>>
      tpu.enqueue_dma source(%arg9 : memref<128x128xf32, #tpu.memory_space<vmem>>) target(%dma_start3A_594 : memref<128x128xf32, #tpu.memory_space<hbm>>) target_semaphore(%run_scoped3A_588 : memref<!tpu.dma_semaphore, #tpu.memory_space<semaphore_mem>>)
      %dma_wait3A_595 = arith.constant 0 : i32
      %dma_wait3A_596 = tpu.memref_slice %arg4[%arg0, %add3A_579, %dma_wait3A_595] : memref<2x10240x128xf32, #tpu.memory_space<hbm>> -> memref<1x128x128xf32, #tpu.memory_space<hbm>>
      %dma_wait3A_597 = tpu.memref_squeeze %dma_wait3A_596 : memref<1x128x128xf32, #tpu.memory_space<hbm>> -> memref<128x128xf32, #tpu.memory_space<hbm>>
      %dma_wait3A_598 = arith.constant 0 : i32
      %dma_wait3A_599 = tpu.memref_slice %arg4[%arg0, %add3A_579, %dma_wait3A_598] : memref<2x10240x128xf32, #tpu.memory_space<hbm>> -> memref<1x128x128xf32, #tpu.memory_space<hbm>>
      %dma_wait3A_600 = tpu.memref_squeeze %dma_wait3A_599 : memref<1x128x128xf32, #tpu.memory_space<hbm>> -> memref<128x128xf32, #tpu.memory_space<hbm>>
      tpu.wait_dma2 semaphore(%run_scoped3A_588 : memref<!tpu.dma_semaphore, #tpu.memory_space<semaphore_mem>>) src(%arg9 : memref<128x128xf32, #tpu.memory_space<vmem>>) dst(%dma_wait3A_600 : memref<128x128xf32, #tpu.memory_space<hbm>>)
      tpu.yield
    }) : () -> ()
    %mul3A_580 = arith.constant 640 : i32
    %mul3A_581 = arith.muli %arg1, %mul3A_580 : i32
    %add3A_582 = arith.constant 384 : i32
    %add3A_583 = arith.addi %mul3A_581, %add3A_582 : i32
    "tpu.region"() ({
      %run_scoped3A_588 = tpu.sem_alloc : memref<!tpu.dma_semaphore, #tpu.memory_space<semaphore_mem>>
      %dma_start3A_589 = arith.constant 0 : i32
      %dma_start3A_590 = tpu.memref_slice %arg5[%add3A_583, %dma_start3A_589] : memref<10240x128xf32, #tpu.memory_space<vmem_shared>> -> memref<128x128xf32, #tpu.memory_space<vmem_shared>>
      %dma_start3A_591 = arith.constant 0 : i32
      %dma_start3A_592 = tpu.memref_slice %arg5[%add3A_583, %dma_start3A_591] : memref<10240x128xf32, #tpu.memory_space<vmem_shared>> -> memref<128x128xf32, #tpu.memory_space<vmem_shared>>
      tpu.enqueue_dma source(%dma_start3A_592 : memref<128x128xf32, #tpu.memory_space<vmem_shared>>) target(%arg9 : memref<128x128xf32, #tpu.memory_space<vmem>>) target_semaphore(%run_scoped3A_588 : memref<!tpu.dma_semaphore, #tpu.memory_space<semaphore_mem>>)
      %dma_wait3A_593 = arith.constant 0 : i32
      %dma_wait3A_594 = tpu.memref_slice %arg5[%add3A_583, %dma_wait3A_593] : memref<10240x128xf32, #tpu.memory_space<vmem_shared>> -> memref<128x128xf32, #tpu.memory_space<vmem_shared>>
      %dma_wait3A_595 = arith.constant 0 : i32
      %dma_wait3A_596 = tpu.memref_slice %arg5[%add3A_583, %dma_wait3A_595] : memref<10240x128xf32, #tpu.memory_space<vmem_shared>> -> memref<128x128xf32, #tpu.memory_space<vmem_shared>>
      tpu.wait_dma2 semaphore(%run_scoped3A_588 : memref<!tpu.dma_semaphore, #tpu.memory_space<semaphore_mem>>) src(%dma_wait3A_596 : memref<128x128xf32, #tpu.memory_space<vmem_shared>>) dst(%arg9 : memref<128x128xf32, #tpu.memory_space<vmem>>)
      tpu.yield
    }) : () -> ()
    "tpu.region"() ({
      %run_scoped3A_588 = tpu.sem_alloc : memref<!tpu.dma_semaphore, #tpu.memory_space<semaphore_mem>>
      %dma_start3A_589 = arith.constant 0 : i32
      %dma_start3A_590 = tpu.memref_slice %arg4[%arg0, %add3A_583, %dma_start3A_589] : memref<2x10240x128xf32, #tpu.memory_space<hbm>> -> memref<1x128x128xf32, #tpu.memory_space<hbm>>
      %dma_start3A_591 = tpu.memref_squeeze %dma_start3A_590 : memref<1x128x128xf32, #tpu.memory_space<hbm>> -> memref<128x128xf32, #tpu.memory_space<hbm>>
      %dma_start3A_592 = arith.constant 0 : i32
      %dma_start3A_593 = tpu.memref_slice %arg4[%arg0, %add3A_583, %dma_start3A_592] : memref<2x10240x128xf32, #tpu.memory_space<hbm>> -> memref<1x128x128xf32, #tpu.memory_space<hbm>>
      %dma_start3A_594 = tpu.memref_squeeze %dma_start3A_593 : memref<1x128x128xf32, #tpu.memory_space<hbm>> -> memref<128x128xf32, #tpu.memory_space<hbm>>
      tpu.enqueue_dma source(%arg9 : memref<128x128xf32, #tpu.memory_space<vmem>>) target(%dma_start3A_594 : memref<128x128xf32, #tpu.memory_space<hbm>>) target_semaphore(%run_scoped3A_588 : memref<!tpu.dma_semaphore, #tpu.memory_space<semaphore_mem>>)
      %dma_wait3A_595 = arith.constant 0 : i32
      %dma_wait3A_596 = tpu.memref_slice %arg4[%arg0, %add3A_583, %dma_wait3A_595] : memref<2x10240x128xf32, #tpu.memory_space<hbm>> -> memref<1x128x128xf32, #tpu.memory_space<hbm>>
      %dma_wait3A_597 = tpu.memref_squeeze %dma_wait3A_596 : memref<1x128x128xf32, #tpu.memory_space<hbm>> -> memref<128x128xf32, #tpu.memory_space<hbm>>
      %dma_wait3A_598 = arith.constant 0 : i32
      %dma_wait3A_599 = tpu.memref_slice %arg4[%arg0, %add3A_583, %dma_wait3A_598] : memref<2x10240x128xf32, #tpu.memory_space<hbm>> -> memref<1x128x128xf32, #tpu.memory_space<hbm>>
      %dma_wait3A_600 = tpu.memref_squeeze %dma_wait3A_599 : memref<1x128x128xf32, #tpu.memory_space<hbm>> -> memref<128x128xf32, #tpu.memory_space<hbm>>
      tpu.wait_dma2 semaphore(%run_scoped3A_588 : memref<!tpu.dma_semaphore, #tpu.memory_space<semaphore_mem>>) src(%arg9 : memref<128x128xf32, #tpu.memory_space<vmem>>) dst(%dma_wait3A_600 : memref<128x128xf32, #tpu.memory_space<hbm>>)
      tpu.yield
    }) : () -> ()
    %mul3A_584 = arith.constant 640 : i32
    %mul3A_585 = arith.muli %arg1, %mul3A_584 : i32
    %add3A_586 = arith.constant 512 : i32
    %add3A_587 = arith.addi %mul3A_585, %add3A_586 : i32
    "tpu.region"() ({
      %run_scoped3A_588 = tpu.sem_alloc : memref<!tpu.dma_semaphore, #tpu.memory_space<semaphore_mem>>
      %dma_start3A_589 = arith.constant 0 : i32
      %dma_start3A_590 = tpu.memref_slice %arg5[%add3A_587, %dma_start3A_589] : memref<10240x128xf32, #tpu.memory_space<vmem_shared>> -> memref<128x128xf32, #tpu.memory_space<vmem_shared>>
      %dma_start3A_591 = arith.constant 0 : i32
      %dma_start3A_592 = tpu.memref_slice %arg5[%add3A_587, %dma_start3A_591] : memref<10240x128xf32, #tpu.memory_space<vmem_shared>> -> memref<128x128xf32, #tpu.memory_space<vmem_shared>>
      tpu.enqueue_dma source(%dma_start3A_592 : memref<128x128xf32, #tpu.memory_space<vmem_shared>>) target(%arg9 : memref<128x128xf32, #tpu.memory_space<vmem>>) target_semaphore(%run_scoped3A_588 : memref<!tpu.dma_semaphore, #tpu.memory_space<semaphore_mem>>)
      %dma_wait3A_593 = arith.constant 0 : i32
      %dma_wait3A_594 = tpu.memref_slice %arg5[%add3A_587, %dma_wait3A_593] : memref<10240x128xf32, #tpu.memory_space<vmem_shared>> -> memref<128x128xf32, #tpu.memory_space<vmem_shared>>
      %dma_wait3A_595 = arith.constant 0 : i32
      %dma_wait3A_596 = tpu.memref_slice %arg5[%add3A_587, %dma_wait3A_595] : memref<10240x128xf32, #tpu.memory_space<vmem_shared>> -> memref<128x128xf32, #tpu.memory_space<vmem_shared>>
      tpu.wait_dma2 semaphore(%run_scoped3A_588 : memref<!tpu.dma_semaphore, #tpu.memory_space<semaphore_mem>>) src(%dma_wait3A_596 : memref<128x128xf32, #tpu.memory_space<vmem_shared>>) dst(%arg9 : memref<128x128xf32, #tpu.memory_space<vmem>>)
      tpu.yield
    }) : () -> ()
    "tpu.region"() ({
      %run_scoped3A_588 = tpu.sem_alloc : memref<!tpu.dma_semaphore, #tpu.memory_space<semaphore_mem>>
      %dma_start3A_589 = arith.constant 0 : i32
      %dma_start3A_590 = tpu.memref_slice %arg4[%arg0, %add3A_587, %dma_start3A_589] : memref<2x10240x128xf32, #tpu.memory_space<hbm>> -> memref<1x128x128xf32, #tpu.memory_space<hbm>>
      %dma_start3A_591 = tpu.memref_squeeze %dma_start3A_590 : memref<1x128x128xf32, #tpu.memory_space<hbm>> -> memref<128x128xf32, #tpu.memory_space<hbm>>
      %dma_start3A_592 = arith.constant 0 : i32
      %dma_start3A_593 = tpu.memref_slice %arg4[%arg0, %add3A_587, %dma_start3A_592] : memref<2x10240x128xf32, #tpu.memory_space<hbm>> -> memref<1x128x128xf32, #tpu.memory_space<hbm>>
      %dma_start3A_594 = tpu.memref_squeeze %dma_start3A_593 : memref<1x128x128xf32, #tpu.memory_space<hbm>> -> memref<128x128xf32, #tpu.memory_space<hbm>>
      tpu.enqueue_dma source(%arg9 : memref<128x128xf32, #tpu.memory_space<vmem>>) target(%dma_start3A_594 : memref<128x128xf32, #tpu.memory_space<hbm>>) target_semaphore(%run_scoped3A_588 : memref<!tpu.dma_semaphore, #tpu.memory_space<semaphore_mem>>)
      %dma_wait3A_595 = arith.constant 0 : i32
      %dma_wait3A_596 = tpu.memref_slice %arg4[%arg0, %add3A_587, %dma_wait3A_595] : memref<2x10240x128xf32, #tpu.memory_space<hbm>> -> memref<1x128x128xf32, #tpu.memory_space<hbm>>
      %dma_wait3A_597 = tpu.memref_squeeze %dma_wait3A_596 : memref<1x128x128xf32, #tpu.memory_space<hbm>> -> memref<128x128xf32, #tpu.memory_space<hbm>>
      %dma_wait3A_598 = arith.constant 0 : i32
      %dma_wait3A_599 = tpu.memref_slice %arg4[%arg0, %add3A_587, %dma_wait3A_598] : memref<2x10240x128xf32, #tpu.memory_space<hbm>> -> memref<1x128x128xf32, #tpu.memory_space<hbm>>
      %dma_wait3A_600 = tpu.memref_squeeze %dma_wait3A_599 : memref<1x128x128xf32, #tpu.memory_space<hbm>> -> memref<128x128xf32, #tpu.memory_space<hbm>>
      tpu.wait_dma2 semaphore(%run_scoped3A_588 : memref<!tpu.dma_semaphore, #tpu.memory_space<semaphore_mem>>) src(%arg9 : memref<128x128xf32, #tpu.memory_space<vmem>>) dst(%dma_wait3A_600 : memref<128x128xf32, #tpu.memory_space<hbm>>)
      tpu.yield
    }) : () -> ()
    return
  }
}

#map = affine_map<(d0, d1) -> (0, 0)>
#map1 = affine_map<(d0, d1) -> (0, 0, 0)>
module attributes {stable_mosaic.version = 14 : i64} {
  func.func @body(%arg0: i32, %arg1: i32, %arg2: memref<20000x128xf32, #tpu.memory_space<hbm>>, %arg3: memref<32x80x128xi32, #tpu.memory_space<hbm>>, %arg4: memref<2x10240x128xf32, #tpu.memory_space<hbm>>, %arg5: memref<10240x128xf32, #tpu.memory_space<vmem_shared>>, %arg6: memref<80x128xi32, #tpu.memory_space<vmem>>, %arg7: memref<2x128xi32, #tpu.memory_space<vmem>>, %arg8: memref<1x128xi32, #tpu.memory_space<vmem>>, %arg9: memref<128x128xf32, #tpu.memory_space<vmem>>, %arg10: memref<128x128xf32, #tpu.memory_space<vmem>>, %arg11: memref<!tpu.dma_semaphore, #tpu.memory_space<semaphore_mem>>, %arg12: memref<!tpu.dma_semaphore, #tpu.memory_space<semaphore_mem>>) attributes {dimension_semantics = [#tpu.dimension_semantics<core_parallel>, #tpu.dimension_semantics<subcore_parallel>], iteration_bounds = array<i64: 2, 16>, scalar_prefetch = 0 : i64, scratch_operands = 8 : i64, tpu.core_type = #tpu.core_type<sc_vector_subcore>, window_params = [{transform_indices = #map}, {transform_indices = #map1}, {transform_indices = #map1}]} {
    %mul3A = arith.constant 2 : i32
    %mul3A_0 = arith.muli %arg1, %mul3A : i32
    %add3A = arith.addi %mul3A_0, %arg0 : i32
    %scan3A = arith.constant 0 : i32
    %scan3A_1 = arith.constant 0 : i32
    %scan3A_2 = arith.constant 128 : i32
    %scan3A_3 = arith.addi %scan3A_1, %scan3A_2 : i32
    %scan3A_4 = arith.constant 1 : i32
    scf.for %scan3A_588 = %scan3A_1 to %scan3A_3 step %scan3A_4  : i32 {
      %broadcast_in_dim3A = arith.constant 0.000000e+00 : f32
      %broadcast_in_dim3A_589 = vector.broadcast %broadcast_in_dim3A : f32 to vector<16xf32>
      %swap3A_590 = arith.index_cast %scan3A_588 : i32 to index
      %swap3A_591 = arith.constant 0 : index
      %swap3A_592 = tpu.vector_load %arg9[%swap3A_590, %swap3A_591] {strides = array<i32>} : memref<128x128xf32, #tpu.memory_space<vmem>>, vector<1x16xf32>,
      %swap3A_593 = vector.shape_cast %swap3A_592 : vector<1x16xf32> to vector<16xf32>
      %swap3A_594 = vector.shape_cast %broadcast_in_dim3A_589 : vector<16xf32> to vector<1x16xf32>
      tpu.vector_store %arg9[%swap3A_590, %swap3A_591], %swap3A_594 {strides = array<i32>} : memref<128x128xf32, #tpu.memory_space<vmem>>, vector<1x16xf32>,
      %broadcast_in_dim3A_595 = arith.constant 0.000000e+00 : f32
      %broadcast_in_dim3A_596 = vector.broadcast %broadcast_in_dim3A_595 : f32 to vector<16xf32>
      %swap3A_597 = arith.index_cast %scan3A_588 : i32 to index
      %swap3A_598 = arith.constant 16 : index
      %swap3A_599 = tpu.vector_load %arg9[%swap3A_597, %swap3A_598] {strides = array<i32>} : memref<128x128xf32, #tpu.memory_space<vmem>>, vector<1x16xf32>,
      %swap3A_600 = vector.shape_cast %swap3A_599 : vector<1x16xf32> to vector<16xf32>
      %swap3A_601 = vector.shape_cast %broadcast_in_dim3A_596 : vector<16xf32> to vector<1x16xf32>
      tpu.vector_store %arg9[%swap3A_597, %swap3A_598], %swap3A_601 {strides = array<i32>} : memref<128x128xf32, #tpu.memory_space<vmem>>, vector<1x16xf32>,
      %broadcast_in_dim3A_602 = arith.constant 0.000000e+00 : f32
      %broadcast_in_dim3A_603 = vector.broadcast %broadcast_in_dim3A_602 : f32 to vector<16xf32>
      %swap3A_604 = arith.index_cast %scan3A_588 : i32 to index
      %swap3A_605 = arith.constant 32 : index
      %swap3A_606 = tpu.vector_load %arg9[%swap3A_604, %swap3A_605] {strides = array<i32>} : memref<128x128xf32, #tpu.memory_space<vmem>>, vector<1x16xf32>,
      %swap3A_607 = vector.shape_cast %swap3A_606 : vector<1x16xf32> to vector<16xf32>
      %swap3A_608 = vector.shape_cast %broadcast_in_dim3A_603 : vector<16xf32> to vector<1x16xf32>
      tpu.vector_store %arg9[%swap3A_604, %swap3A_605], %swap3A_608 {strides = array<i32>} : memref<128x128xf32, #tpu.memory_space<vmem>>, vector<1x16xf32>,
      %broadcast_in_dim3A_609 = arith.constant 0.000000e+00 : f32
      %broadcast_in_dim3A_610 = vector.broadcast %broadcast_in_dim3A_609 : f32 to vector<16xf32>
      %swap3A_611 = arith.index_cast %scan3A_588 : i32 to index
      %swap3A_612 = arith.constant 48 : index
      %swap3A_613 = tpu.vector_load %arg9[%swap3A_611, %swap3A_612] {strides = array<i32>} : memref<128x128xf32, #tpu.memory_space<vmem>>, vector<1x16xf32>,
      %swap3A_614 = vector.shape_cast %swap3A_613 : vector<1x16xf32> to vector<16xf32>
      %swap3A_615 = vector.shape_cast %broadcast_in_dim3A_610 : vector<16xf32> to vector<1x16xf32>
      tpu.vector_store %arg9[%swap3A_611, %swap3A_612], %swap3A_615 {strides = array<i32>} : memref<128x128xf32, #tpu.memory_space<vmem>>, vector<1x16xf32>,
      %broadcast_in_dim3A_616 = arith.constant 0.000000e+00 : f32
      %broadcast_in_dim3A_617 = vector.broadcast %broadcast_in_dim3A_616 : f32 to vector<16xf32>
      %swap3A_618 = arith.index_cast %scan3A_588 : i32 to index
      %swap3A_619 = arith.constant 64 : index
      %swap3A_620 = tpu.vector_load %arg9[%swap3A_618, %swap3A_619] {strides = array<i32>} : memref<128x128xf32, #tpu.memory_space<vmem>>, vector<1x16xf32>,
      %swap3A_621 = vector.shape_cast %swap3A_620 : vector<1x16xf32> to vector<16xf32>
      %swap3A_622 = vector.shape_cast %broadcast_in_dim3A_617 : vector<16xf32> to vector<1x16xf32>
      tpu.vector_store %arg9[%swap3A_618, %swap3A_619], %swap3A_622 {strides = array<i32>} : memref<128x128xf32, #tpu.memory_space<vmem>>, vector<1x16xf32>,
      %broadcast_in_dim3A_623 = arith.constant 0.000000e+00 : f32
      %broadcast_in_dim3A_624 = vector.broadcast %broadcast_in_dim3A_623 : f32 to vector<16xf32>
      %swap3A_625 = arith.index_cast %scan3A_588 : i32 to index
      %swap3A_626 = arith.constant 80 : index
      %swap3A_627 = tpu.vector_load %arg9[%swap3A_625, %swap3A_626] {strides = array<i32>} : memref<128x128xf32, #tpu.memory_space<vmem>>, vector<1x16xf32>,
      %swap3A_628 = vector.shape_cast %swap3A_627 : vector<1x16xf32> to vector<16xf32>
      %swap3A_629 = vector.shape_cast %broadcast_in_dim3A_624 : vector<16xf32> to vector<1x16xf32>
      tpu.vector_store %arg9[%swap3A_625, %swap3A_626], %swap3A_629 {strides = array<i32>} : memref<128x128xf32, #tpu.memory_space<vmem>>, vector<1x16xf32>,
      %broadcast_in_dim3A_630 = arith.constant 0.000000e+00 : f32
      %broadcast_in_dim3A_631 = vector.broadcast %broadcast_in_dim3A_630 : f32 to vector<16xf32>
      %swap3A_632 = arith.index_cast %scan3A_588 : i32 to index
      %swap3A_633 = arith.constant 96 : index
      %swap3A_634 = tpu.vector_load %arg9[%swap3A_632, %swap3A_633] {strides = array<i32>} : memref<128x128xf32, #tpu.memory_space<vmem>>, vector<1x16xf32>,
      %swap3A_635 = vector.shape_cast %swap3A_634 : vector<1x16xf32> to vector<16xf32>
      %swap3A_636 = vector.shape_cast %broadcast_in_dim3A_631 : vector<16xf32> to vector<1x16xf32>
      tpu.vector_store %arg9[%swap3A_632, %swap3A_633], %swap3A_636 {strides = array<i32>} : memref<128x128xf32, #tpu.memory_space<vmem>>, vector<1x16xf32>,
      %broadcast_in_dim3A_637 = arith.constant 0.000000e+00 : f32
      %broadcast_in_dim3A_638 = vector.broadcast %broadcast_in_dim3A_637 : f32 to vector<16xf32>
      %swap3A_639 = arith.index_cast %scan3A_588 : i32 to index
      %swap3A_640 = arith.constant 112 : index
      %swap3A_641 = tpu.vector_load %arg9[%swap3A_639, %swap3A_640] {strides = array<i32>} : memref<128x128xf32, #tpu.memory_space<vmem>>, vector<1x16xf32>,
      %swap3A_642 = vector.shape_cast %swap3A_641 : vector<1x16xf32> to vector<16xf32>
      %swap3A_643 = vector.shape_cast %broadcast_in_dim3A_638 : vector<16xf32> to vector<1x16xf32>
      tpu.vector_store %arg9[%swap3A_639, %swap3A_640], %swap3A_643 {strides = array<i32>} : memref<128x128xf32, #tpu.memory_space<vmem>>, vector<1x16xf32>,
    }
    %scan3A_5 = arith.constant 128 : i32
    %mul3A_6 = arith.constant 640 : i32
    %mul3A_7 = arith.muli %arg1, %mul3A_6 : i32
    %add3A_8 = arith.constant 0 : i32
    %add3A_9 = arith.addi %mul3A_7, %add3A_8 : i32
    "tpu.region"() ({
      %run_scoped3A_588 = tpu.sem_alloc : memref<!tpu.dma_semaphore, #tpu.memory_space<semaphore_mem>>
      %dma_start3A_589 = arith.constant 0 : i32
      %dma_start3A_590 = tpu.memref_slice %arg5[%add3A_9, %dma_start3A_589] : memref<10240x128xf32, #tpu.memory_space<vmem_shared>> -> memref<128x128xf32, #tpu.memory_space<vmem_shared>>
      %dma_start3A_591 = arith.constant 0 : i32
      %dma_start3A_592 = tpu.memref_slice %arg5[%add3A_9, %dma_start3A_591] : memref<10240x128xf32, #tpu.memory_space<vmem_shared>> -> memref<128x128xf32, #tpu.memory_space<vmem_shared>>
      tpu.enqueue_dma source(%arg9 : memref<128x128xf32, #tpu.memory_space<vmem>>) target(%dma_start3A_592 : memref<128x128xf32, #tpu.memory_space<vmem_shared>>) target_semaphore(%run_scoped3A_588 : memref<!tpu.dma_semaphore, #tpu.memory_space<semaphore_mem>>)
      %dma_wait3A_593 = arith.constant 0 : i32
      %dma_wait3A_594 = tpu.memref_slice %arg5[%add3A_9, %dma_wait3A_593] : memref<10240x128xf32, #tpu.memory_space<vmem_shared>> -> memref<128x128xf32, #tpu.memory_space<vmem_shared>>
      %dma_wait3A_595 = arith.constant 0 : i32
      %dma_wait3A_596 = tpu.memref_slice %arg5[%add3A_9, %dma_wait3A_595] : memref<10240x128xf32, #tpu.memory_space<vmem_shared>> -> memref<128x128xf32, #tpu.memory_space<vmem_shared>>
      tpu.wait_dma2 semaphore(%run_scoped3A_588 : memref<!tpu.dma_semaphore, #tpu.memory_space<semaphore_mem>>) src(%arg9 : memref<128x128xf32, #tpu.memory_space<vmem>>) dst(%dma_wait3A_596 : memref<128x128xf32, #tpu.memory_space<vmem_shared>>)
      tpu.yield
    }) : () -> ()
    %mul3A_10 = arith.constant 640 : i32
    %mul3A_11 = arith.muli %arg1, %mul3A_10 : i32
    %add3A_12 = arith.constant 128 : i32
    %add3A_13 = arith.addi %mul3A_11, %add3A_12 : i32
    "tpu.region"() ({
      %run_scoped3A_588 = tpu.sem_alloc : memref<!tpu.dma_semaphore, #tpu.memory_space<semaphore_mem>>
      %dma_start3A_589 = arith.constant 0 : i32
      %dma_start3A_590 = tpu.memref_slice %arg5[%add3A_13, %dma_start3A_589] : memref<10240x128xf32, #tpu.memory_space<vmem_shared>> -> memref<128x128xf32, #tpu.memory_space<vmem_shared>>
      %dma_start3A_591 = arith.constant 0 : i32
      %dma_start3A_592 = tpu.memref_slice %arg5[%add3A_13, %dma_start3A_591] : memref<10240x128xf32, #tpu.memory_space<vmem_shared>> -> memref<128x128xf32, #tpu.memory_space<vmem_shared>>
      tpu.enqueue_dma source(%arg9 : memref<128x128xf32, #tpu.memory_space<vmem>>) target(%dma_start3A_592 : memref<128x128xf32, #tpu.memory_space<vmem_shared>>) target_semaphore(%run_scoped3A_588 : memref<!tpu.dma_semaphore, #tpu.memory_space<semaphore_mem>>)
      %dma_wait3A_593 = arith.constant 0 : i32
      %dma_wait3A_594 = tpu.memref_slice %arg5[%add3A_13, %dma_wait3A_593] : memref<10240x128xf32, #tpu.memory_space<vmem_shared>> -> memref<128x128xf32, #tpu.memory_space<vmem_shared>>
      %dma_wait3A_595 = arith.constant 0 : i32
      %dma_wait3A_596 = tpu.memref_slice %arg5[%add3A_13, %dma_wait3A_595] : memref<10240x128xf32, #tpu.memory_space<vmem_shared>> -> memref<128x128xf32, #tpu.memory_space<vmem_shared>>
      tpu.wait_dma2 semaphore(%run_scoped3A_588 : memref<!tpu.dma_semaphore, #tpu.memory_space<semaphore_mem>>) src(%arg9 : memref<128x128xf32, #tpu.memory_space<vmem>>) dst(%dma_wait3A_596 : memref<128x128xf32, #tpu.memory_space<vmem_shared>>)
      tpu.yield
    }) : () -> ()
    %mul3A_14 = arith.constant 640 : i32
    %mul3A_15 = arith.muli %arg1, %mul3A_14 : i32
    %add3A_16 = arith.constant 256 : i32
    %add3A_17 = arith.addi %mul3A_15, %add3A_16 : i32
    "tpu.region"() ({
      %run_scoped3A_588 = tpu.sem_alloc : memref<!tpu.dma_semaphore, #tpu.memory_space<semaphore_mem>>
      %dma_start3A_589 = arith.constant 0 : i32
      %dma_start3A_590 = tpu.memref_slice %arg5[%add3A_17, %dma_start3A_589] : memref<10240x128xf32, #tpu.memory_space<vmem_shared>> -> memref<128x128xf32, #tpu.memory_space<vmem_shared>>
      %dma_start3A_591 = arith.constant 0 : i32
      %dma_start3A_592 = tpu.memref_slice %arg5[%add3A_17, %dma_start3A_591] : memref<10240x128xf32, #tpu.memory_space<vmem_shared>> -> memref<128x128xf32, #tpu.memory_space<vmem_shared>>
      tpu.enqueue_dma source(%arg9 : memref<128x128xf32, #tpu.memory_space<vmem>>) target(%dma_start3A_592 : memref<128x128xf32, #tpu.memory_space<vmem_shared>>) target_semaphore(%run_scoped3A_588 : memref<!tpu.dma_semaphore, #tpu.memory_space<semaphore_mem>>)
      %dma_wait3A_593 = arith.constant 0 : i32
      %dma_wait3A_594 = tpu.memref_slice %arg5[%add3A_17, %dma_wait3A_593] : memref<10240x128xf32, #tpu.memory_space<vmem_shared>> -> memref<128x128xf32, #tpu.memory_space<vmem_shared>>
      %dma_wait3A_595 = arith.constant 0 : i32
      %dma_wait3A_596 = tpu.memref_slice %arg5[%add3A_17, %dma_wait3A_595] : memref<10240x128xf32, #tpu.memory_space<vmem_shared>> -> memref<128x128xf32, #tpu.memory_space<vmem_shared>>
      tpu.wait_dma2 semaphore(%run_scoped3A_588 : memref<!tpu.dma_semaphore, #tpu.memory_space<semaphore_mem>>) src(%arg9 : memref<128x128xf32, #tpu.memory_space<vmem>>) dst(%dma_wait3A_596 : memref<128x128xf32, #tpu.memory_space<vmem_shared>>)
      tpu.yield
    }) : () -> ()
    %mul3A_18 = arith.constant 640 : i32
    %mul3A_19 = arith.muli %arg1, %mul3A_18 : i32
    %add3A_20 = arith.constant 384 : i32
    %add3A_21 = arith.addi %mul3A_19, %add3A_20 : i32
    "tpu.region"() ({
      %run_scoped3A_588 = tpu.sem_alloc : memref<!tpu.dma_semaphore, #tpu.memory_space<semaphore_mem>>
      %dma_start3A_589 = arith.constant 0 : i32
      %dma_start3A_590 = tpu.memref_slice %arg5[%add3A_21, %dma_start3A_589] : memref<10240x128xf32, #tpu.memory_space<vmem_shared>> -> memref<128x128xf32, #tpu.memory_space<vmem_shared>>
      %dma_start3A_591 = arith.constant 0 : i32
      %dma_start3A_592 = tpu.memref_slice %arg5[%add3A_21, %dma_start3A_591] : memref<10240x128xf32, #tpu.memory_space<vmem_shared>> -> memref<128x128xf32, #tpu.memory_space<vmem_shared>>
      tpu.enqueue_dma source(%arg9 : memref<128x128xf32, #tpu.memory_space<vmem>>) target(%dma_start3A_592 : memref<128x128xf32, #tpu.memory_space<vmem_shared>>) target_semaphore(%run_scoped3A_588 : memref<!tpu.dma_semaphore, #tpu.memory_space<semaphore_mem>>)
      %dma_wait3A_593 = arith.constant 0 : i32
      %dma_wait3A_594 = tpu.memref_slice %arg5[%add3A_21, %dma_wait3A_593] : memref<10240x128xf32, #tpu.memory_space<vmem_shared>> -> memref<128x128xf32, #tpu.memory_space<vmem_shared>>
      %dma_wait3A_595 = arith.constant 0 : i32
      %dma_wait3A_596 = tpu.memref_slice %arg5[%add3A_21, %dma_wait3A_595] : memref<10240x128xf32, #tpu.memory_space<vmem_shared>> -> memref<128x128xf32, #tpu.memory_space<vmem_shared>>
      tpu.wait_dma2 semaphore(%run_scoped3A_588 : memref<!tpu.dma_semaphore, #tpu.memory_space<semaphore_mem>>) src(%arg9 : memref<128x128xf32, #tpu.memory_space<vmem>>) dst(%dma_wait3A_596 : memref<128x128xf32, #tpu.memory_space<vmem_shared>>)
      tpu.yield
    }) : () -> ()
    %mul3A_22 = arith.constant 640 : i32
    %mul3A_23 = arith.muli %arg1, %mul3A_22 : i32
    %add3A_24 = arith.constant 512 : i32
    %add3A_25 = arith.addi %mul3A_23, %add3A_24 : i32
    "tpu.region"() ({
      %run_scoped3A_588 = tpu.sem_alloc : memref<!tpu.dma_semaphore, #tpu.memory_space<semaphore_mem>>
      %dma_start3A_589 = arith.constant 0 : i32
      %dma_start3A_590 = tpu.memref_slice %arg5[%add3A_25, %dma_start3A_589] : memref<10240x128xf32, #tpu.memory_space<vmem_shared>> -> memref<128x128xf32, #tpu.memory_space<vmem_shared>>
      %dma_start3A_591 = arith.constant 0 : i32
      %dma_start3A_592 = tpu.memref_slice %arg5[%add3A_25, %dma_start3A_591] : memref<10240x128xf32, #tpu.memory_space<vmem_shared>> -> memref<128x128xf32, #tpu.memory_space<vmem_shared>>
      tpu.enqueue_dma source(%arg9 : memref<128x128xf32, #tpu.memory_space<vmem>>) target(%dma_start3A_592 : memref<128x128xf32, #tpu.memory_space<vmem_shared>>) target_semaphore(%run_scoped3A_588 : memref<!tpu.dma_semaphore, #tpu.memory_space<semaphore_mem>>)
      %dma_wait3A_593 = arith.constant 0 : i32
      %dma_wait3A_594 = tpu.memref_slice %arg5[%add3A_25, %dma_wait3A_593] : memref<10240x128xf32, #tpu.memory_space<vmem_shared>> -> memref<128x128xf32, #tpu.memory_space<vmem_shared>>
      %dma_wait3A_595 = arith.constant 0 : i32
      %dma_wait3A_596 = tpu.memref_slice %arg5[%add3A_25, %dma_wait3A_595] : memref<10240x128xf32, #tpu.memory_space<vmem_shared>> -> memref<128x128xf32, #tpu.memory_space<vmem_shared>>
      tpu.wait_dma2 semaphore(%run_scoped3A_588 : memref<!tpu.dma_semaphore, #tpu.memory_space<semaphore_mem>>) src(%arg9 : memref<128x128xf32, #tpu.memory_space<vmem>>) dst(%dma_wait3A_596 : memref<128x128xf32, #tpu.memory_space<vmem_shared>>)
      tpu.yield
    }) : () -> ()
    "tpu.region"() ({
      %run_scoped3A_588 = tpu.sem_alloc : memref<!tpu.dma_semaphore, #tpu.memory_space<semaphore_mem>>
      %dma_start3A_589 = arith.constant 0 : i32
      %dma_start3A_590 = arith.constant 0 : i32
      %dma_start3A_591 = tpu.memref_slice %arg3[%add3A, %dma_start3A_589, %dma_start3A_590] : memref<32x80x128xi32, #tpu.memory_space<hbm>> -> memref<1x80x128xi32, #tpu.memory_space<hbm>>
      %dma_start3A_592 = tpu.memref_squeeze %dma_start3A_591 : memref<1x80x128xi32, #tpu.memory_space<hbm>> -> memref<80x128xi32, #tpu.memory_space<hbm>>
      %dma_start3A_593 = arith.constant 0 : i32
      %dma_start3A_594 = arith.constant 0 : i32
      %dma_start3A_595 = tpu.memref_slice %arg3[%add3A, %dma_start3A_593, %dma_start3A_594] : memref<32x80x128xi32, #tpu.memory_space<hbm>> -> memref<1x80x128xi32, #tpu.memory_space<hbm>>
      %dma_start3A_596 = tpu.memref_squeeze %dma_start3A_595 : memref<1x80x128xi32, #tpu.memory_space<hbm>> -> memref<80x128xi32, #tpu.memory_space<hbm>>
      tpu.enqueue_dma source(%dma_start3A_596 : memref<80x128xi32, #tpu.memory_space<hbm>>) target(%arg6 : memref<80x128xi32, #tpu.memory_space<vmem>>) target_semaphore(%run_scoped3A_588 : memref<!tpu.dma_semaphore, #tpu.memory_space<semaphore_mem>>)
      %dma_wait3A_597 = arith.constant 0 : i32
      %dma_wait3A_598 = arith.constant 0 : i32
      %dma_wait3A_599 = tpu.memref_slice %arg3[%add3A, %dma_wait3A_597, %dma_wait3A_598] : memref<32x80x128xi32, #tpu.memory_space<hbm>> -> memref<1x80x128xi32, #tpu.memory_space<hbm>>
      %dma_wait3A_600 = tpu.memref_squeeze %dma_wait3A_599 : memref<1x80x128xi32, #tpu.memory_space<hbm>> -> memref<80x128xi32, #tpu.memory_space<hbm>>
      %dma_wait3A_601 = arith.constant 0 : i32
      %dma_wait3A_602 = arith.constant 0 : i32
      %dma_wait3A_603 = tpu.memref_slice %arg3[%add3A, %dma_wait3A_601, %dma_wait3A_602] : memref<32x80x128xi32, #tpu.memory_space<hbm>> -> memref<1x80x128xi32, #tpu.memory_space<hbm>>
      %dma_wait3A_604 = tpu.memref_squeeze %dma_wait3A_603 : memref<1x80x128xi32, #tpu.memory_space<hbm>> -> memref<80x128xi32, #tpu.memory_space<hbm>>
      tpu.wait_dma2 semaphore(%run_scoped3A_588 : memref<!tpu.dma_semaphore, #tpu.memory_space<semaphore_mem>>) src(%dma_wait3A_604 : memref<80x128xi32, #tpu.memory_space<hbm>>) dst(%arg6 : memref<80x128xi32, #tpu.memory_space<vmem>>)
      tpu.yield
    }) : () -> ()
    %get3A = arith.constant 0 : i32
    %get3A_26 = arith.constant 0 : i32
    %get3A_27 = tpu.memref_slice %arg6[%get3A, %get3A_26] : memref<80x128xi32, #tpu.memory_space<vmem>> -> memref<1x128xi32, #tpu.memory_space<vmem>>
    %get3A_28 = tpu.memref_squeeze %get3A_27 : memref<1x128xi32, #tpu.memory_space<vmem>> -> memref<128xi32, #tpu.memory_space<vmem>>
    %get3A_29 = arith.constant 0 : index
    %get3A_30 = tpu.vector_load %get3A_28[%get3A_29] {strides = array<i32>} : memref<128xi32, #tpu.memory_space<vmem>>, vector<16xi32>,
    %get3A_31 = vector.shape_cast %get3A_30 : vector<16xi32> to vector<16xi32>
    %shift_right_logical3A = arith.constant 14 : i32
    %shift_right_logical3A_32 = vector.broadcast %shift_right_logical3A : i32 to vector<16xi32>
    %shift_right_logical3A_33 = arith.shrui %get3A_31, %shift_right_logical3A_32 : vector<16xi32>
    %swap3A = arith.constant 0 : i32
    %swap3A_34 = arith.index_cast %swap3A : i32 to index
    %swap3A_35 = arith.constant 0 : index
    %swap3A_36 = tpu.vector_load %arg7[%swap3A_34, %swap3A_35] {strides = array<i32>} : memref<2x128xi32, #tpu.memory_space<vmem>>, vector<1x16xi32>,
    %swap3A_37 = vector.shape_cast %swap3A_36 : vector<1x16xi32> to vector<16xi32>
    %swap3A_38 = vector.shape_cast %shift_right_logical3A_33 : vector<16xi32> to vector<1x16xi32>
    tpu.vector_store %arg7[%swap3A_34, %swap3A_35], %swap3A_38 {strides = array<i32>} : memref<2x128xi32, #tpu.memory_space<vmem>>, vector<1x16xi32>,
    %get3A_39 = arith.constant 0 : i32
    %get3A_40 = arith.constant 0 : i32
    %get3A_41 = tpu.memref_slice %arg6[%get3A_39, %get3A_40] : memref<80x128xi32, #tpu.memory_space<vmem>> -> memref<1x128xi32, #tpu.memory_space<vmem>>
    %get3A_42 = tpu.memref_squeeze %get3A_41 : memref<1x128xi32, #tpu.memory_space<vmem>> -> memref<128xi32, #tpu.memory_space<vmem>>
    %get3A_43 = arith.constant 16 : index
    %get3A_44 = tpu.vector_load %get3A_42[%get3A_43] {strides = array<i32>} : memref<128xi32, #tpu.memory_space<vmem>>, vector<16xi32>,
    %get3A_45 = vector.shape_cast %get3A_44 : vector<16xi32> to vector<16xi32>
    %shift_right_logical3A_46 = arith.constant 14 : i32
    %shift_right_logical3A_47 = vector.broadcast %shift_right_logical3A_46 : i32 to vector<16xi32>
    %shift_right_logical3A_48 = arith.shrui %get3A_45, %shift_right_logical3A_47 : vector<16xi32>
    %swap3A_49 = arith.constant 0 : i32
    %swap3A_50 = arith.index_cast %swap3A_49 : i32 to index
    %swap3A_51 = arith.constant 16 : index
    %swap3A_52 = tpu.vector_load %arg7[%swap3A_50, %swap3A_51] {strides = array<i32>} : memref<2x128xi32, #tpu.memory_space<vmem>>, vector<1x16xi32>,
    %swap3A_53 = vector.shape_cast %swap3A_52 : vector<1x16xi32> to vector<16xi32>
    %swap3A_54 = vector.shape_cast %shift_right_logical3A_48 : vector<16xi32> to vector<1x16xi32>
    tpu.vector_store %arg7[%swap3A_50, %swap3A_51], %swap3A_54 {strides = array<i32>} : memref<2x128xi32, #tpu.memory_space<vmem>>, vector<1x16xi32>,
    %get3A_55 = arith.constant 0 : i32
    %get3A_56 = arith.constant 0 : i32
    %get3A_57 = tpu.memref_slice %arg6[%get3A_55, %get3A_56] : memref<80x128xi32, #tpu.memory_space<vmem>> -> memref<1x128xi32, #tpu.memory_space<vmem>>
    %get3A_58 = tpu.memref_squeeze %get3A_57 : memref<1x128xi32, #tpu.memory_space<vmem>> -> memref<128xi32, #tpu.memory_space<vmem>>
    %get3A_59 = arith.constant 32 : index
    %get3A_60 = tpu.vector_load %get3A_58[%get3A_59] {strides = array<i32>} : memref<128xi32, #tpu.memory_space<vmem>>, vector<16xi32>,
    %get3A_61 = vector.shape_cast %get3A_60 : vector<16xi32> to vector<16xi32>
    %shift_right_logical3A_62 = arith.constant 14 : i32
    %shift_right_logical3A_63 = vector.broadcast %shift_right_logical3A_62 : i32 to vector<16xi32>
    %shift_right_logical3A_64 = arith.shrui %get3A_61, %shift_right_logical3A_63 : vector<16xi32>
    %swap3A_65 = arith.constant 0 : i32
    %swap3A_66 = arith.index_cast %swap3A_65 : i32 to index
    %swap3A_67 = arith.constant 32 : index
    %swap3A_68 = tpu.vector_load %arg7[%swap3A_66, %swap3A_67] {strides = array<i32>} : memref<2x128xi32, #tpu.memory_space<vmem>>, vector<1x16xi32>,
    %swap3A_69 = vector.shape_cast %swap3A_68 : vector<1x16xi32> to vector<16xi32>
    %swap3A_70 = vector.shape_cast %shift_right_logical3A_64 : vector<16xi32> to vector<1x16xi32>
    tpu.vector_store %arg7[%swap3A_66, %swap3A_67], %swap3A_70 {strides = array<i32>} : memref<2x128xi32, #tpu.memory_space<vmem>>, vector<1x16xi32>,
    %get3A_71 = arith.constant 0 : i32
    %get3A_72 = arith.constant 0 : i32
    %get3A_73 = tpu.memref_slice %arg6[%get3A_71, %get3A_72] : memref<80x128xi32, #tpu.memory_space<vmem>> -> memref<1x128xi32, #tpu.memory_space<vmem>>
    %get3A_74 = tpu.memref_squeeze %get3A_73 : memref<1x128xi32, #tpu.memory_space<vmem>> -> memref<128xi32, #tpu.memory_space<vmem>>
    %get3A_75 = arith.constant 48 : index
    %get3A_76 = tpu.vector_load %get3A_74[%get3A_75] {strides = array<i32>} : memref<128xi32, #tpu.memory_space<vmem>>, vector<16xi32>,
    %get3A_77 = vector.shape_cast %get3A_76 : vector<16xi32> to vector<16xi32>
    %shift_right_logical3A_78 = arith.constant 14 : i32
    %shift_right_logical3A_79 = vector.broadcast %shift_right_logical3A_78 : i32 to vector<16xi32>
    %shift_right_logical3A_80 = arith.shrui %get3A_77, %shift_right_logical3A_79 : vector<16xi32>
    %swap3A_81 = arith.constant 0 : i32
    %swap3A_82 = arith.index_cast %swap3A_81 : i32 to index
    %swap3A_83 = arith.constant 48 : index
    %swap3A_84 = tpu.vector_load %arg7[%swap3A_82, %swap3A_83] {strides = array<i32>} : memref<2x128xi32, #tpu.memory_space<vmem>>, vector<1x16xi32>,
    %swap3A_85 = vector.shape_cast %swap3A_84 : vector<1x16xi32> to vector<16xi32>
    %swap3A_86 = vector.shape_cast %shift_right_logical3A_80 : vector<16xi32> to vector<1x16xi32>
    tpu.vector_store %arg7[%swap3A_82, %swap3A_83], %swap3A_86 {strides = array<i32>} : memref<2x128xi32, #tpu.memory_space<vmem>>, vector<1x16xi32>,
    %get3A_87 = arith.constant 0 : i32
    %get3A_88 = arith.constant 0 : i32
    %get3A_89 = tpu.memref_slice %arg6[%get3A_87, %get3A_88] : memref<80x128xi32, #tpu.memory_space<vmem>> -> memref<1x128xi32, #tpu.memory_space<vmem>>
    %get3A_90 = tpu.memref_squeeze %get3A_89 : memref<1x128xi32, #tpu.memory_space<vmem>> -> memref<128xi32, #tpu.memory_space<vmem>>
    %get3A_91 = arith.constant 64 : index
    %get3A_92 = tpu.vector_load %get3A_90[%get3A_91] {strides = array<i32>} : memref<128xi32, #tpu.memory_space<vmem>>, vector<16xi32>,
    %get3A_93 = vector.shape_cast %get3A_92 : vector<16xi32> to vector<16xi32>
    %shift_right_logical3A_94 = arith.constant 14 : i32
    %shift_right_logical3A_95 = vector.broadcast %shift_right_logical3A_94 : i32 to vector<16xi32>
    %shift_right_logical3A_96 = arith.shrui %get3A_93, %shift_right_logical3A_95 : vector<16xi32>
    %swap3A_97 = arith.constant 0 : i32
    %swap3A_98 = arith.index_cast %swap3A_97 : i32 to index
    %swap3A_99 = arith.constant 64 : index
    %swap3A_100 = tpu.vector_load %arg7[%swap3A_98, %swap3A_99] {strides = array<i32>} : memref<2x128xi32, #tpu.memory_space<vmem>>, vector<1x16xi32>,
    %swap3A_101 = vector.shape_cast %swap3A_100 : vector<1x16xi32> to vector<16xi32>
    %swap3A_102 = vector.shape_cast %shift_right_logical3A_96 : vector<16xi32> to vector<1x16xi32>
    tpu.vector_store %arg7[%swap3A_98, %swap3A_99], %swap3A_102 {strides = array<i32>} : memref<2x128xi32, #tpu.memory_space<vmem>>, vector<1x16xi32>,
    %get3A_103 = arith.constant 0 : i32
    %get3A_104 = arith.constant 0 : i32
    %get3A_105 = tpu.memref_slice %arg6[%get3A_103, %get3A_104] : memref<80x128xi32, #tpu.memory_space<vmem>> -> memref<1x128xi32, #tpu.memory_space<vmem>>
    %get3A_106 = tpu.memref_squeeze %get3A_105 : memref<1x128xi32, #tpu.memory_space<vmem>> -> memref<128xi32, #tpu.memory_space<vmem>>
    %get3A_107 = arith.constant 80 : index
    %get3A_108 = tpu.vector_load %get3A_106[%get3A_107] {strides = array<i32>} : memref<128xi32, #tpu.memory_space<vmem>>, vector<16xi32>,
    %get3A_109 = vector.shape_cast %get3A_108 : vector<16xi32> to vector<16xi32>
    %shift_right_logical3A_110 = arith.constant 14 : i32
    %shift_right_logical3A_111 = vector.broadcast %shift_right_logical3A_110 : i32 to vector<16xi32>
    %shift_right_logical3A_112 = arith.shrui %get3A_109, %shift_right_logical3A_111 : vector<16xi32>
    %swap3A_113 = arith.constant 0 : i32
    %swap3A_114 = arith.index_cast %swap3A_113 : i32 to index
    %swap3A_115 = arith.constant 80 : index
    %swap3A_116 = tpu.vector_load %arg7[%swap3A_114, %swap3A_115] {strides = array<i32>} : memref<2x128xi32, #tpu.memory_space<vmem>>, vector<1x16xi32>,
    %swap3A_117 = vector.shape_cast %swap3A_116 : vector<1x16xi32> to vector<16xi32>
    %swap3A_118 = vector.shape_cast %shift_right_logical3A_112 : vector<16xi32> to vector<1x16xi32>
    tpu.vector_store %arg7[%swap3A_114, %swap3A_115], %swap3A_118 {strides = array<i32>} : memref<2x128xi32, #tpu.memory_space<vmem>>, vector<1x16xi32>,
    %get3A_119 = arith.constant 0 : i32
    %get3A_120 = arith.constant 0 : i32
    %get3A_121 = tpu.memref_slice %arg6[%get3A_119, %get3A_120] : memref<80x128xi32, #tpu.memory_space<vmem>> -> memref<1x128xi32, #tpu.memory_space<vmem>>
    %get3A_122 = tpu.memref_squeeze %get3A_121 : memref<1x128xi32, #tpu.memory_space<vmem>> -> memref<128xi32, #tpu.memory_space<vmem>>
    %get3A_123 = arith.constant 96 : index
    %get3A_124 = tpu.vector_load %get3A_122[%get3A_123] {strides = array<i32>} : memref<128xi32, #tpu.memory_space<vmem>>, vector<16xi32>,
    %get3A_125 = vector.shape_cast %get3A_124 : vector<16xi32> to vector<16xi32>
    %shift_right_logical3A_126 = arith.constant 14 : i32
    %shift_right_logical3A_127 = vector.broadcast %shift_right_logical3A_126 : i32 to vector<16xi32>
    %shift_right_logical3A_128 = arith.shrui %get3A_125, %shift_right_logical3A_127 : vector<16xi32>
    %swap3A_129 = arith.constant 0 : i32
    %swap3A_130 = arith.index_cast %swap3A_129 : i32 to index
    %swap3A_131 = arith.constant 96 : index
    %swap3A_132 = tpu.vector_load %arg7[%swap3A_130, %swap3A_131] {strides = array<i32>} : memref<2x128xi32, #tpu.memory_space<vmem>>, vector<1x16xi32>,
    %swap3A_133 = vector.shape_cast %swap3A_132 : vector<1x16xi32> to vector<16xi32>
    %swap3A_134 = vector.shape_cast %shift_right_logical3A_128 : vector<16xi32> to vector<1x16xi32>
    tpu.vector_store %arg7[%swap3A_130, %swap3A_131], %swap3A_134 {strides = array<i32>} : memref<2x128xi32, #tpu.memory_space<vmem>>, vector<1x16xi32>,
    %get3A_135 = arith.constant 0 : i32
    %get3A_136 = arith.constant 0 : i32
    %get3A_137 = tpu.memref_slice %arg6[%get3A_135, %get3A_136] : memref<80x128xi32, #tpu.memory_space<vmem>> -> memref<1x128xi32, #tpu.memory_space<vmem>>
    %get3A_138 = tpu.memref_squeeze %get3A_137 : memref<1x128xi32, #tpu.memory_space<vmem>> -> memref<128xi32, #tpu.memory_space<vmem>>
    %get3A_139 = arith.constant 112 : index
    %get3A_140 = tpu.vector_load %get3A_138[%get3A_139] {strides = array<i32>} : memref<128xi32, #tpu.memory_space<vmem>>, vector<16xi32>,
    %get3A_141 = vector.shape_cast %get3A_140 : vector<16xi32> to vector<16xi32>
    %shift_right_logical3A_142 = arith.constant 14 : i32
    %shift_right_logical3A_143 = vector.broadcast %shift_right_logical3A_142 : i32 to vector<16xi32>
    %shift_right_logical3A_144 = arith.shrui %get3A_141, %shift_right_logical3A_143 : vector<16xi32>
    %swap3A_145 = arith.constant 0 : i32
    %swap3A_146 = arith.index_cast %swap3A_145 : i32 to index
    %swap3A_147 = arith.constant 112 : index
    %swap3A_148 = tpu.vector_load %arg7[%swap3A_146, %swap3A_147] {strides = array<i32>} : memref<2x128xi32, #tpu.memory_space<vmem>>, vector<1x16xi32>,
    %swap3A_149 = vector.shape_cast %swap3A_148 : vector<1x16xi32> to vector<16xi32>
    %swap3A_150 = vector.shape_cast %shift_right_logical3A_144 : vector<16xi32> to vector<1x16xi32>
    tpu.vector_store %arg7[%swap3A_146, %swap3A_147], %swap3A_150 {strides = array<i32>} : memref<2x128xi32, #tpu.memory_space<vmem>>, vector<1x16xi32>,
    %dma_start3A = arith.constant 0 : i32
    %dma_start3A_151 = arith.constant 0 : i32
    %dma_start3A_152 = tpu.memref_slice %arg7[%dma_start3A, %dma_start3A_151] : memref<2x128xi32, #tpu.memory_space<vmem>> -> memref<1x128xi32, #tpu.memory_space<vmem>>
    %dma_start3A_153 = tpu.memref_squeeze %dma_start3A_152 : memref<1x128xi32, #tpu.memory_space<vmem>> -> memref<128xi32, #tpu.memory_space<vmem>>
    %dma_start3A_154 = arith.constant 0 : i32
    %dma_start3A_155 = arith.constant 0 : i32
    %dma_start3A_156 = tpu.memref_slice %arg2[%dma_start3A_154, %dma_start3A_155] : memref<20000x128xf32, #tpu.memory_space<hbm>> -> memref<20000x128xf32, #tpu.memory_space<hbm>>
    tpu.enqueue_indirect_dma source(%dma_start3A_156 : memref<20000x128xf32, #tpu.memory_space<hbm>>) target(%arg9 : memref<128x128xf32, #tpu.memory_space<vmem>>) offsets(%dma_start3A_153 : memref<128xi32, #tpu.memory_space<vmem>>) semaphore(%arg11 : memref<!tpu.dma_semaphore, #tpu.memory_space<semaphore_mem>>)
    %get3A_157 = arith.constant 1 : i32
    %get3A_158 = arith.constant 0 : i32
    %get3A_159 = tpu.memref_slice %arg6[%get3A_157, %get3A_158] : memref<80x128xi32, #tpu.memory_space<vmem>> -> memref<1x128xi32, #tpu.memory_space<vmem>>
    %get3A_160 = tpu.memref_squeeze %get3A_159 : memref<1x128xi32, #tpu.memory_space<vmem>> -> memref<128xi32, #tpu.memory_space<vmem>>
    %get3A_161 = arith.constant 0 : index
    %get3A_162 = tpu.vector_load %get3A_160[%get3A_161] {strides = array<i32>} : memref<128xi32, #tpu.memory_space<vmem>>, vector<16xi32>,
    %get3A_163 = vector.shape_cast %get3A_162 : vector<16xi32> to vector<16xi32>
    %shift_right_logical3A_164 = arith.constant 14 : i32
    %shift_right_logical3A_165 = vector.broadcast %shift_right_logical3A_164 : i32 to vector<16xi32>
    %shift_right_logical3A_166 = arith.shrui %get3A_163, %shift_right_logical3A_165 : vector<16xi32>
    %swap3A_167 = arith.constant 1 : i32
    %swap3A_168 = arith.index_cast %swap3A_167 : i32 to index
    %swap3A_169 = arith.constant 0 : index
    %swap3A_170 = tpu.vector_load %arg7[%swap3A_168, %swap3A_169] {strides = array<i32>} : memref<2x128xi32, #tpu.memory_space<vmem>>, vector<1x16xi32>,
    %swap3A_171 = vector.shape_cast %swap3A_170 : vector<1x16xi32> to vector<16xi32>
    %swap3A_172 = vector.shape_cast %shift_right_logical3A_166 : vector<16xi32> to vector<1x16xi32>
    tpu.vector_store %arg7[%swap3A_168, %swap3A_169], %swap3A_172 {strides = array<i32>} : memref<2x128xi32, #tpu.memory_space<vmem>>, vector<1x16xi32>,
    %get3A_173 = arith.constant 1 : i32
    %get3A_174 = arith.constant 0 : i32
    %get3A_175 = tpu.memref_slice %arg6[%get3A_173, %get3A_174] : memref<80x128xi32, #tpu.memory_space<vmem>> -> memref<1x128xi32, #tpu.memory_space<vmem>>
    %get3A_176 = tpu.memref_squeeze %get3A_175 : memref<1x128xi32, #tpu.memory_space<vmem>> -> memref<128xi32, #tpu.memory_space<vmem>>
    %get3A_177 = arith.constant 16 : index
    %get3A_178 = tpu.vector_load %get3A_176[%get3A_177] {strides = array<i32>} : memref<128xi32, #tpu.memory_space<vmem>>, vector<16xi32>,
    %get3A_179 = vector.shape_cast %get3A_178 : vector<16xi32> to vector<16xi32>
    %shift_right_logical3A_180 = arith.constant 14 : i32
    %shift_right_logical3A_181 = vector.broadcast %shift_right_logical3A_180 : i32 to vector<16xi32>
    %shift_right_logical3A_182 = arith.shrui %get3A_179, %shift_right_logical3A_181 : vector<16xi32>
    %swap3A_183 = arith.constant 1 : i32
    %swap3A_184 = arith.index_cast %swap3A_183 : i32 to index
    %swap3A_185 = arith.constant 16 : index
    %swap3A_186 = tpu.vector_load %arg7[%swap3A_184, %swap3A_185] {strides = array<i32>} : memref<2x128xi32, #tpu.memory_space<vmem>>, vector<1x16xi32>,
    %swap3A_187 = vector.shape_cast %swap3A_186 : vector<1x16xi32> to vector<16xi32>
    %swap3A_188 = vector.shape_cast %shift_right_logical3A_182 : vector<16xi32> to vector<1x16xi32>
    tpu.vector_store %arg7[%swap3A_184, %swap3A_185], %swap3A_188 {strides = array<i32>} : memref<2x128xi32, #tpu.memory_space<vmem>>, vector<1x16xi32>,
    %get3A_189 = arith.constant 1 : i32
    %get3A_190 = arith.constant 0 : i32
    %get3A_191 = tpu.memref_slice %arg6[%get3A_189, %get3A_190] : memref<80x128xi32, #tpu.memory_space<vmem>> -> memref<1x128xi32, #tpu.memory_space<vmem>>
    %get3A_192 = tpu.memref_squeeze %get3A_191 : memref<1x128xi32, #tpu.memory_space<vmem>> -> memref<128xi32, #tpu.memory_space<vmem>>
    %get3A_193 = arith.constant 32 : index
    %get3A_194 = tpu.vector_load %get3A_192[%get3A_193] {strides = array<i32>} : memref<128xi32, #tpu.memory_space<vmem>>, vector<16xi32>,
    %get3A_195 = vector.shape_cast %get3A_194 : vector<16xi32> to vector<16xi32>
    %shift_right_logical3A_196 = arith.constant 14 : i32
    %shift_right_logical3A_197 = vector.broadcast %shift_right_logical3A_196 : i32 to vector<16xi32>
    %shift_right_logical3A_198 = arith.shrui %get3A_195, %shift_right_logical3A_197 : vector<16xi32>
    %swap3A_199 = arith.constant 1 : i32
    %swap3A_200 = arith.index_cast %swap3A_199 : i32 to index
    %swap3A_201 = arith.constant 32 : index
    %swap3A_202 = tpu.vector_load %arg7[%swap3A_200, %swap3A_201] {strides = array<i32>} : memref<2x128xi32, #tpu.memory_space<vmem>>, vector<1x16xi32>,
    %swap3A_203 = vector.shape_cast %swap3A_202 : vector<1x16xi32> to vector<16xi32>
    %swap3A_204 = vector.shape_cast %shift_right_logical3A_198 : vector<16xi32> to vector<1x16xi32>
    tpu.vector_store %arg7[%swap3A_200, %swap3A_201], %swap3A_204 {strides = array<i32>} : memref<2x128xi32, #tpu.memory_space<vmem>>, vector<1x16xi32>,
    %get3A_205 = arith.constant 1 : i32
    %get3A_206 = arith.constant 0 : i32
    %get3A_207 = tpu.memref_slice %arg6[%get3A_205, %get3A_206] : memref<80x128xi32, #tpu.memory_space<vmem>> -> memref<1x128xi32, #tpu.memory_space<vmem>>
    %get3A_208 = tpu.memref_squeeze %get3A_207 : memref<1x128xi32, #tpu.memory_space<vmem>> -> memref<128xi32, #tpu.memory_space<vmem>>
    %get3A_209 = arith.constant 48 : index
    %get3A_210 = tpu.vector_load %get3A_208[%get3A_209] {strides = array<i32>} : memref<128xi32, #tpu.memory_space<vmem>>, vector<16xi32>,
    %get3A_211 = vector.shape_cast %get3A_210 : vector<16xi32> to vector<16xi32>
    %shift_right_logical3A_212 = arith.constant 14 : i32
    %shift_right_logical3A_213 = vector.broadcast %shift_right_logical3A_212 : i32 to vector<16xi32>
    %shift_right_logical3A_214 = arith.shrui %get3A_211, %shift_right_logical3A_213 : vector<16xi32>
    %swap3A_215 = arith.constant 1 : i32
    %swap3A_216 = arith.index_cast %swap3A_215 : i32 to index
    %swap3A_217 = arith.constant 48 : index
    %swap3A_218 = tpu.vector_load %arg7[%swap3A_216, %swap3A_217] {strides = array<i32>} : memref<2x128xi32, #tpu.memory_space<vmem>>, vector<1x16xi32>,
    %swap3A_219 = vector.shape_cast %swap3A_218 : vector<1x16xi32> to vector<16xi32>
    %swap3A_220 = vector.shape_cast %shift_right_logical3A_214 : vector<16xi32> to vector<1x16xi32>
    tpu.vector_store %arg7[%swap3A_216, %swap3A_217], %swap3A_220 {strides = array<i32>} : memref<2x128xi32, #tpu.memory_space<vmem>>, vector<1x16xi32>,
    %get3A_221 = arith.constant 1 : i32
    %get3A_222 = arith.constant 0 : i32
    %get3A_223 = tpu.memref_slice %arg6[%get3A_221, %get3A_222] : memref<80x128xi32, #tpu.memory_space<vmem>> -> memref<1x128xi32, #tpu.memory_space<vmem>>
    %get3A_224 = tpu.memref_squeeze %get3A_223 : memref<1x128xi32, #tpu.memory_space<vmem>> -> memref<128xi32, #tpu.memory_space<vmem>>
    %get3A_225 = arith.constant 64 : index
    %get3A_226 = tpu.vector_load %get3A_224[%get3A_225] {strides = array<i32>} : memref<128xi32, #tpu.memory_space<vmem>>, vector<16xi32>,
    %get3A_227 = vector.shape_cast %get3A_226 : vector<16xi32> to vector<16xi32>
    %shift_right_logical3A_228 = arith.constant 14 : i32
    %shift_right_logical3A_229 = vector.broadcast %shift_right_logical3A_228 : i32 to vector<16xi32>
    %shift_right_logical3A_230 = arith.shrui %get3A_227, %shift_right_logical3A_229 : vector<16xi32>
    %swap3A_231 = arith.constant 1 : i32
    %swap3A_232 = arith.index_cast %swap3A_231 : i32 to index
    %swap3A_233 = arith.constant 64 : index
    %swap3A_234 = tpu.vector_load %arg7[%swap3A_232, %swap3A_233] {strides = array<i32>} : memref<2x128xi32, #tpu.memory_space<vmem>>, vector<1x16xi32>,
    %swap3A_235 = vector.shape_cast %swap3A_234 : vector<1x16xi32> to vector<16xi32>
    %swap3A_236 = vector.shape_cast %shift_right_logical3A_230 : vector<16xi32> to vector<1x16xi32>
    tpu.vector_store %arg7[%swap3A_232, %swap3A_233], %swap3A_236 {strides = array<i32>} : memref<2x128xi32, #tpu.memory_space<vmem>>, vector<1x16xi32>,
    %get3A_237 = arith.constant 1 : i32
    %get3A_238 = arith.constant 0 : i32
    %get3A_239 = tpu.memref_slice %arg6[%get3A_237, %get3A_238] : memref<80x128xi32, #tpu.memory_space<vmem>> -> memref<1x128xi32, #tpu.memory_space<vmem>>
    %get3A_240 = tpu.memref_squeeze %get3A_239 : memref<1x128xi32, #tpu.memory_space<vmem>> -> memref<128xi32, #tpu.memory_space<vmem>>
    %get3A_241 = arith.constant 80 : index
    %get3A_242 = tpu.vector_load %get3A_240[%get3A_241] {strides = array<i32>} : memref<128xi32, #tpu.memory_space<vmem>>, vector<16xi32>,
    %get3A_243 = vector.shape_cast %get3A_242 : vector<16xi32> to vector<16xi32>
    %shift_right_logical3A_244 = arith.constant 14 : i32
    %shift_right_logical3A_245 = vector.broadcast %shift_right_logical3A_244 : i32 to vector<16xi32>
    %shift_right_logical3A_246 = arith.shrui %get3A_243, %shift_right_logical3A_245 : vector<16xi32>
    %swap3A_247 = arith.constant 1 : i32
    %swap3A_248 = arith.index_cast %swap3A_247 : i32 to index
    %swap3A_249 = arith.constant 80 : index
    %swap3A_250 = tpu.vector_load %arg7[%swap3A_248, %swap3A_249] {strides = array<i32>} : memref<2x128xi32, #tpu.memory_space<vmem>>, vector<1x16xi32>,
    %swap3A_251 = vector.shape_cast %swap3A_250 : vector<1x16xi32> to vector<16xi32>
    %swap3A_252 = vector.shape_cast %shift_right_logical3A_246 : vector<16xi32> to vector<1x16xi32>
    tpu.vector_store %arg7[%swap3A_248, %swap3A_249], %swap3A_252 {strides = array<i32>} : memref<2x128xi32, #tpu.memory_space<vmem>>, vector<1x16xi32>,
    %get3A_253 = arith.constant 1 : i32
    %get3A_254 = arith.constant 0 : i32
    %get3A_255 = tpu.memref_slice %arg6[%get3A_253, %get3A_254] : memref<80x128xi32, #tpu.memory_space<vmem>> -> memref<1x128xi32, #tpu.memory_space<vmem>>
    %get3A_256 = tpu.memref_squeeze %get3A_255 : memref<1x128xi32, #tpu.memory_space<vmem>> -> memref<128xi32, #tpu.memory_space<vmem>>
    %get3A_257 = arith.constant 96 : index
    %get3A_258 = tpu.vector_load %get3A_256[%get3A_257] {strides = array<i32>} : memref<128xi32, #tpu.memory_space<vmem>>, vector<16xi32>,
    %get3A_259 = vector.shape_cast %get3A_258 : vector<16xi32> to vector<16xi32>
    %shift_right_logical3A_260 = arith.constant 14 : i32
    %shift_right_logical3A_261 = vector.broadcast %shift_right_logical3A_260 : i32 to vector<16xi32>
    %shift_right_logical3A_262 = arith.shrui %get3A_259, %shift_right_logical3A_261 : vector<16xi32>
    %swap3A_263 = arith.constant 1 : i32
    %swap3A_264 = arith.index_cast %swap3A_263 : i32 to index
    %swap3A_265 = arith.constant 96 : index
    %swap3A_266 = tpu.vector_load %arg7[%swap3A_264, %swap3A_265] {strides = array<i32>} : memref<2x128xi32, #tpu.memory_space<vmem>>, vector<1x16xi32>,
    %swap3A_267 = vector.shape_cast %swap3A_266 : vector<1x16xi32> to vector<16xi32>
    %swap3A_268 = vector.shape_cast %shift_right_logical3A_262 : vector<16xi32> to vector<1x16xi32>
    tpu.vector_store %arg7[%swap3A_264, %swap3A_265], %swap3A_268 {strides = array<i32>} : memref<2x128xi32, #tpu.memory_space<vmem>>, vector<1x16xi32>,
    %get3A_269 = arith.constant 1 : i32
    %get3A_270 = arith.constant 0 : i32
    %get3A_271 = tpu.memref_slice %arg6[%get3A_269, %get3A_270] : memref<80x128xi32, #tpu.memory_space<vmem>> -> memref<1x128xi32, #tpu.memory_space<vmem>>
    %get3A_272 = tpu.memref_squeeze %get3A_271 : memref<1x128xi32, #tpu.memory_space<vmem>> -> memref<128xi32, #tpu.memory_space<vmem>>
    %get3A_273 = arith.constant 112 : index
    %get3A_274 = tpu.vector_load %get3A_272[%get3A_273] {strides = array<i32>} : memref<128xi32, #tpu.memory_space<vmem>>, vector<16xi32>,
    %get3A_275 = vector.shape_cast %get3A_274 : vector<16xi32> to vector<16xi32>
    %shift_right_logical3A_276 = arith.constant 14 : i32
    %shift_right_logical3A_277 = vector.broadcast %shift_right_logical3A_276 : i32 to vector<16xi32>
    %shift_right_logical3A_278 = arith.shrui %get3A_275, %shift_right_logical3A_277 : vector<16xi32>
    %swap3A_279 = arith.constant 1 : i32
    %swap3A_280 = arith.index_cast %swap3A_279 : i32 to index
    %swap3A_281 = arith.constant 112 : index
    %swap3A_282 = tpu.vector_load %arg7[%swap3A_280, %swap3A_281] {strides = array<i32>} : memref<2x128xi32, #tpu.memory_space<vmem>>, vector<1x16xi32>,
    %swap3A_283 = vector.shape_cast %swap3A_282 : vector<1x16xi32> to vector<16xi32>
    %swap3A_284 = vector.shape_cast %shift_right_logical3A_278 : vector<16xi32> to vector<1x16xi32>
    tpu.vector_store %arg7[%swap3A_280, %swap3A_281], %swap3A_284 {strides = array<i32>} : memref<2x128xi32, #tpu.memory_space<vmem>>, vector<1x16xi32>,
    %dma_start3A_285 = arith.constant 1 : i32
    %dma_start3A_286 = arith.constant 0 : i32
    %dma_start3A_287 = tpu.memref_slice %arg7[%dma_start3A_285, %dma_start3A_286] : memref<2x128xi32, #tpu.memory_space<vmem>> -> memref<1x128xi32, #tpu.memory_space<vmem>>
    %dma_start3A_288 = tpu.memref_squeeze %dma_start3A_287 : memref<1x128xi32, #tpu.memory_space<vmem>> -> memref<128xi32, #tpu.memory_space<vmem>>
    %dma_start3A_289 = arith.constant 0 : i32
    %dma_start3A_290 = arith.constant 0 : i32
    %dma_start3A_291 = tpu.memref_slice %arg2[%dma_start3A_289, %dma_start3A_290] : memref<20000x128xf32, #tpu.memory_space<hbm>> -> memref<20000x128xf32, #tpu.memory_space<hbm>>
    tpu.enqueue_indirect_dma source(%dma_start3A_291 : memref<20000x128xf32, #tpu.memory_space<hbm>>) target(%arg10 : memref<128x128xf32, #tpu.memory_space<vmem>>) offsets(%dma_start3A_288 : memref<128xi32, #tpu.memory_space<vmem>>) semaphore(%arg12 : memref<!tpu.dma_semaphore, #tpu.memory_space<semaphore_mem>>)
    %barrier3A = arith.constant 0 : index
    tpu.barrier barrier_id(%barrier3A)
    %scan3A_292 = arith.constant 0 : i32
    %scan3A_293 = arith.constant 0 : i32
    %scan3A_294 = arith.constant 39 : i32
    %scan3A_295 = arith.addi %scan3A_293, %scan3A_294 : i32
    %scan3A_296 = arith.constant 1 : i32
    scf.for %scan3A_588 = %scan3A_293 to %scan3A_295 step %scan3A_296  : i32 {
      %mul3A_589 = arith.constant 2 : i32
      %mul3A_590 = arith.muli %scan3A_588, %mul3A_589 : i32
      %add3A_591 = arith.constant 0 : i32
      %add3A_592 = arith.addi %mul3A_590, %add3A_591 : i32
      %dma_wait3A_593 = arith.constant 0 : i32
      %dma_wait3A_594 = arith.constant 0 : i32
      %dma_wait3A_595 = tpu.memref_slice %arg7[%dma_wait3A_593, %dma_wait3A_594] : memref<2x128xi32, #tpu.memory_space<vmem>> -> memref<1x128xi32, #tpu.memory_space<vmem>>
      %dma_wait3A_596 = tpu.memref_squeeze %dma_wait3A_595 : memref<1x128xi32, #tpu.memory_space<vmem>> -> memref<128xi32, #tpu.memory_space<vmem>>
      %dma_wait3A_597 = arith.constant 0 : i32
      %dma_wait3A_598 = arith.constant 0 : i32
      %dma_wait3A_599 = tpu.memref_slice %arg2[%dma_wait3A_597, %dma_wait3A_598] : memref<20000x128xf32, #tpu.memory_space<hbm>> -> memref<20000x128xf32, #tpu.memory_space<hbm>>
      tpu.wait_indirect_dma semaphore(%arg11 : memref<!tpu.dma_semaphore, #tpu.memory_space<semaphore_mem>>) src(%dma_wait3A_599 : memref<20000x128xf32, #tpu.memory_space<hbm>>) dst(%arg9 : memref<128x128xf32, #tpu.memory_space<vmem>>)
      %get3A_600 = arith.constant 0 : i32
      %get3A_601 = tpu.memref_slice %arg6[%add3A_592, %get3A_600] : memref<80x128xi32, #tpu.memory_space<vmem>> -> memref<1x128xi32, #tpu.memory_space<vmem>>
      %get3A_602 = tpu.memref_squeeze %get3A_601 : memref<1x128xi32, #tpu.memory_space<vmem>> -> memref<128xi32, #tpu.memory_space<vmem>>
      %get3A_603 = arith.constant 0 : index
      %get3A_604 = tpu.vector_load %get3A_602[%get3A_603] {strides = array<i32>} : memref<128xi32, #tpu.memory_space<vmem>>, vector<16xi32>,
      %get3A_605 = vector.shape_cast %get3A_604 : vector<16xi32> to vector<16xi32>
      %and3A_606 = arith.constant 16383 : i32
      %and3A_607 = vector.broadcast %and3A_606 : i32 to vector<16xi32>
      %and3A_608 = arith.andi %get3A_605, %and3A_607 : vector<16xi32>
      %swap3A_609 = arith.constant 0 : i32
      %swap3A_610 = arith.index_cast %swap3A_609 : i32 to index
      %swap3A_611 = arith.constant 0 : index
      %swap3A_612 = tpu.vector_load %arg8[%swap3A_610, %swap3A_611] {strides = array<i32>} : memref<1x128xi32, #tpu.memory_space<vmem>>, vector<1x16xi32>,
      %swap3A_613 = vector.shape_cast %swap3A_612 : vector<1x16xi32> to vector<16xi32>
      %swap3A_614 = vector.shape_cast %and3A_608 : vector<16xi32> to vector<1x16xi32>
      tpu.vector_store %arg8[%swap3A_610, %swap3A_611], %swap3A_614 {strides = array<i32>} : memref<1x128xi32, #tpu.memory_space<vmem>>, vector<1x16xi32>,
      %get3A_615 = arith.constant 0 : i32
      %get3A_616 = tpu.memref_slice %arg6[%add3A_592, %get3A_615] : memref<80x128xi32, #tpu.memory_space<vmem>> -> memref<1x128xi32, #tpu.memory_space<vmem>>
      %get3A_617 = tpu.memref_squeeze %get3A_616 : memref<1x128xi32, #tpu.memory_space<vmem>> -> memref<128xi32, #tpu.memory_space<vmem>>
      %get3A_618 = arith.constant 16 : index
      %get3A_619 = tpu.vector_load %get3A_617[%get3A_618] {strides = array<i32>} : memref<128xi32, #tpu.memory_space<vmem>>, vector<16xi32>,
      %get3A_620 = vector.shape_cast %get3A_619 : vector<16xi32> to vector<16xi32>
      %and3A_621 = arith.constant 16383 : i32
      %and3A_622 = vector.broadcast %and3A_621 : i32 to vector<16xi32>
      %and3A_623 = arith.andi %get3A_620, %and3A_622 : vector<16xi32>
      %swap3A_624 = arith.constant 0 : i32
      %swap3A_625 = arith.index_cast %swap3A_624 : i32 to index
      %swap3A_626 = arith.constant 16 : index
      %swap3A_627 = tpu.vector_load %arg8[%swap3A_625, %swap3A_626] {strides = array<i32>} : memref<1x128xi32, #tpu.memory_space<vmem>>, vector<1x16xi32>,
      %swap3A_628 = vector.shape_cast %swap3A_627 : vector<1x16xi32> to vector<16xi32>
      %swap3A_629 = vector.shape_cast %and3A_623 : vector<16xi32> to vector<1x16xi32>
      tpu.vector_store %arg8[%swap3A_625, %swap3A_626], %swap3A_629 {strides = array<i32>} : memref<1x128xi32, #tpu.memory_space<vmem>>, vector<1x16xi32>,
      %get3A_630 = arith.constant 0 : i32
      %get3A_631 = tpu.memref_slice %arg6[%add3A_592, %get3A_630] : memref<80x128xi32, #tpu.memory_space<vmem>> -> memref<1x128xi32, #tpu.memory_space<vmem>>
      %get3A_632 = tpu.memref_squeeze %get3A_631 : memref<1x128xi32, #tpu.memory_space<vmem>> -> memref<128xi32, #tpu.memory_space<vmem>>
      %get3A_633 = arith.constant 32 : index
      %get3A_634 = tpu.vector_load %get3A_632[%get3A_633] {strides = array<i32>} : memref<128xi32, #tpu.memory_space<vmem>>, vector<16xi32>,
      %get3A_635 = vector.shape_cast %get3A_634 : vector<16xi32> to vector<16xi32>
      %and3A_636 = arith.constant 16383 : i32
      %and3A_637 = vector.broadcast %and3A_636 : i32 to vector<16xi32>
      %and3A_638 = arith.andi %get3A_635, %and3A_637 : vector<16xi32>
      %swap3A_639 = arith.constant 0 : i32
      %swap3A_640 = arith.index_cast %swap3A_639 : i32 to index
      %swap3A_641 = arith.constant 32 : index
      %swap3A_642 = tpu.vector_load %arg8[%swap3A_640, %swap3A_641] {strides = array<i32>} : memref<1x128xi32, #tpu.memory_space<vmem>>, vector<1x16xi32>,
      %swap3A_643 = vector.shape_cast %swap3A_642 : vector<1x16xi32> to vector<16xi32>
      %swap3A_644 = vector.shape_cast %and3A_638 : vector<16xi32> to vector<1x16xi32>
      tpu.vector_store %arg8[%swap3A_640, %swap3A_641], %swap3A_644 {strides = array<i32>} : memref<1x128xi32, #tpu.memory_space<vmem>>, vector<1x16xi32>,
      %get3A_645 = arith.constant 0 : i32
      %get3A_646 = tpu.memref_slice %arg6[%add3A_592, %get3A_645] : memref<80x128xi32, #tpu.memory_space<vmem>> -> memref<1x128xi32, #tpu.memory_space<vmem>>
      %get3A_647 = tpu.memref_squeeze %get3A_646 : memref<1x128xi32, #tpu.memory_space<vmem>> -> memref<128xi32, #tpu.memory_space<vmem>>
      %get3A_648 = arith.constant 48 : index
      %get3A_649 = tpu.vector_load %get3A_647[%get3A_648] {strides = array<i32>} : memref<128xi32, #tpu.memory_space<vmem>>, vector<16xi32>,
      %get3A_650 = vector.shape_cast %get3A_649 : vector<16xi32> to vector<16xi32>
      %and3A_651 = arith.constant 16383 : i32
      %and3A_652 = vector.broadcast %and3A_651 : i32 to vector<16xi32>
      %and3A_653 = arith.andi %get3A_650, %and3A_652 : vector<16xi32>
      %swap3A_654 = arith.constant 0 : i32
      %swap3A_655 = arith.index_cast %swap3A_654 : i32 to index
      %swap3A_656 = arith.constant 48 : index
      %swap3A_657 = tpu.vector_load %arg8[%swap3A_655, %swap3A_656] {strides = array<i32>} : memref<1x128xi32, #tpu.memory_space<vmem>>, vector<1x16xi32>,
      %swap3A_658 = vector.shape_cast %swap3A_657 : vector<1x16xi32> to vector<16xi32>
      %swap3A_659 = vector.shape_cast %and3A_653 : vector<16xi32> to vector<1x16xi32>
      tpu.vector_store %arg8[%swap3A_655, %swap3A_656], %swap3A_659 {strides = array<i32>} : memref<1x128xi32, #tpu.memory_space<vmem>>, vector<1x16xi32>,
      %get3A_660 = arith.constant 0 : i32
      %get3A_661 = tpu.memref_slice %arg6[%add3A_592, %get3A_660] : memref<80x128xi32, #tpu.memory_space<vmem>> -> memref<1x128xi32, #tpu.memory_space<vmem>>
      %get3A_662 = tpu.memref_squeeze %get3A_661 : memref<1x128xi32, #tpu.memory_space<vmem>> -> memref<128xi32, #tpu.memory_space<vmem>>
      %get3A_663 = arith.constant 64 : index
      %get3A_664 = tpu.vector_load %get3A_662[%get3A_663] {strides = array<i32>} : memref<128xi32, #tpu.memory_space<vmem>>, vector<16xi32>,
      %get3A_665 = vector.shape_cast %get3A_664 : vector<16xi32> to vector<16xi32>
      %and3A_666 = arith.constant 16383 : i32
      %and3A_667 = vector.broadcast %and3A_666 : i32 to vector<16xi32>
      %and3A_668 = arith.andi %get3A_665, %and3A_667 : vector<16xi32>
      %swap3A_669 = arith.constant 0 : i32
      %swap3A_670 = arith.index_cast %swap3A_669 : i32 to index
      %swap3A_671 = arith.constant 64 : index
      %swap3A_672 = tpu.vector_load %arg8[%swap3A_670, %swap3A_671] {strides = array<i32>} : memref<1x128xi32, #tpu.memory_space<vmem>>, vector<1x16xi32>,
      %swap3A_673 = vector.shape_cast %swap3A_672 : vector<1x16xi32> to vector<16xi32>
      %swap3A_674 = vector.shape_cast %and3A_668 : vector<16xi32> to vector<1x16xi32>
      tpu.vector_store %arg8[%swap3A_670, %swap3A_671], %swap3A_674 {strides = array<i32>} : memref<1x128xi32, #tpu.memory_space<vmem>>, vector<1x16xi32>,
      %get3A_675 = arith.constant 0 : i32
      %get3A_676 = tpu.memref_slice %arg6[%add3A_592, %get3A_675] : memref<80x128xi32, #tpu.memory_space<vmem>> -> memref<1x128xi32, #tpu.memory_space<vmem>>
      %get3A_677 = tpu.memref_squeeze %get3A_676 : memref<1x128xi32, #tpu.memory_space<vmem>> -> memref<128xi32, #tpu.memory_space<vmem>>
      %get3A_678 = arith.constant 80 : index
      %get3A_679 = tpu.vector_load %get3A_677[%get3A_678] {strides = array<i32>} : memref<128xi32, #tpu.memory_space<vmem>>, vector<16xi32>,
      %get3A_680 = vector.shape_cast %get3A_679 : vector<16xi32> to vector<16xi32>
      %and3A_681 = arith.constant 16383 : i32
      %and3A_682 = vector.broadcast %and3A_681 : i32 to vector<16xi32>
      %and3A_683 = arith.andi %get3A_680, %and3A_682 : vector<16xi32>
      %swap3A_684 = arith.constant 0 : i32
      %swap3A_685 = arith.index_cast %swap3A_684 : i32 to index
      %swap3A_686 = arith.constant 80 : index
      %swap3A_687 = tpu.vector_load %arg8[%swap3A_685, %swap3A_686] {strides = array<i32>} : memref<1x128xi32, #tpu.memory_space<vmem>>, vector<1x16xi32>,
      %swap3A_688 = vector.shape_cast %swap3A_687 : vector<1x16xi32> to vector<16xi32>
      %swap3A_689 = vector.shape_cast %and3A_683 : vector<16xi32> to vector<1x16xi32>
      tpu.vector_store %arg8[%swap3A_685, %swap3A_686], %swap3A_689 {strides = array<i32>} : memref<1x128xi32, #tpu.memory_space<vmem>>, vector<1x16xi32>,
      %get3A_690 = arith.constant 0 : i32
      %get3A_691 = tpu.memref_slice %arg6[%add3A_592, %get3A_690] : memref<80x128xi32, #tpu.memory_space<vmem>> -> memref<1x128xi32, #tpu.memory_space<vmem>>
      %get3A_692 = tpu.memref_squeeze %get3A_691 : memref<1x128xi32, #tpu.memory_space<vmem>> -> memref<128xi32, #tpu.memory_space<vmem>>
      %get3A_693 = arith.constant 96 : index
      %get3A_694 = tpu.vector_load %get3A_692[%get3A_693] {strides = array<i32>} : memref<128xi32, #tpu.memory_space<vmem>>, vector<16xi32>,
      %get3A_695 = vector.shape_cast %get3A_694 : vector<16xi32> to vector<16xi32>
      %and3A_696 = arith.constant 16383 : i32
      %and3A_697 = vector.broadcast %and3A_696 : i32 to vector<16xi32>
      %and3A_698 = arith.andi %get3A_695, %and3A_697 : vector<16xi32>
      %swap3A_699 = arith.constant 0 : i32
      %swap3A_700 = arith.index_cast %swap3A_699 : i32 to index
      %swap3A_701 = arith.constant 96 : index
      %swap3A_702 = tpu.vector_load %arg8[%swap3A_700, %swap3A_701] {strides = array<i32>} : memref<1x128xi32, #tpu.memory_space<vmem>>, vector<1x16xi32>,
      %swap3A_703 = vector.shape_cast %swap3A_702 : vector<1x16xi32> to vector<16xi32>
      %swap3A_704 = vector.shape_cast %and3A_698 : vector<16xi32> to vector<1x16xi32>
      tpu.vector_store %arg8[%swap3A_700, %swap3A_701], %swap3A_704 {strides = array<i32>} : memref<1x128xi32, #tpu.memory_space<vmem>>, vector<1x16xi32>,
      %get3A_705 = arith.constant 0 : i32
      %get3A_706 = tpu.memref_slice %arg6[%add3A_592, %get3A_705] : memref<80x128xi32, #tpu.memory_space<vmem>> -> memref<1x128xi32, #tpu.memory_space<vmem>>
      %get3A_707 = tpu.memref_squeeze %get3A_706 : memref<1x128xi32, #tpu.memory_space<vmem>> -> memref<128xi32, #tpu.memory_space<vmem>>
      %get3A_708 = arith.constant 112 : index
      %get3A_709 = tpu.vector_load %get3A_707[%get3A_708] {strides = array<i32>} : memref<128xi32, #tpu.memory_space<vmem>>, vector<16xi32>,
      %get3A_710 = vector.shape_cast %get3A_709 : vector<16xi32> to vector<16xi32>
      %and3A_711 = arith.constant 16383 : i32
      %and3A_712 = vector.broadcast %and3A_711 : i32 to vector<16xi32>
      %and3A_713 = arith.andi %get3A_710, %and3A_712 : vector<16xi32>
      %swap3A_714 = arith.constant 0 : i32
      %swap3A_715 = arith.index_cast %swap3A_714 : i32 to index
      %swap3A_716 = arith.constant 112 : index
      %swap3A_717 = tpu.vector_load %arg8[%swap3A_715, %swap3A_716] {strides = array<i32>} : memref<1x128xi32, #tpu.memory_space<vmem>>, vector<1x16xi32>,
      %swap3A_718 = vector.shape_cast %swap3A_717 : vector<1x16xi32> to vector<16xi32>
      %swap3A_719 = vector.shape_cast %and3A_713 : vector<16xi32> to vector<1x16xi32>
      tpu.vector_store %arg8[%swap3A_715, %swap3A_716], %swap3A_719 {strides = array<i32>} : memref<1x128xi32, #tpu.memory_space<vmem>>, vector<1x16xi32>,
      %run_scoped3A_720 = arith.constant 0 : i32
      "tpu.region"() ({
        %run_scoped3A_1109 = tpu.sem_alloc : memref<!tpu.dma_semaphore, #tpu.memory_space<semaphore_mem>>
        %dma_start3A_1110 = arith.constant 0 : i32
        %dma_start3A_1111 = tpu.memref_slice %arg8[%run_scoped3A_720, %dma_start3A_1110] : memref<1x128xi32, #tpu.memory_space<vmem>> -> memref<1x128xi32, #tpu.memory_space<vmem>>
        %dma_start3A_1112 = tpu.memref_squeeze %dma_start3A_1111 : memref<1x128xi32, #tpu.memory_space<vmem>> -> memref<128xi32, #tpu.memory_space<vmem>>
        %dma_start3A_1113 = arith.constant 0 : i32
        %dma_start3A_1114 = arith.constant 0 : i32
        %dma_start3A_1115 = tpu.memref_slice %arg5[%dma_start3A_1113, %dma_start3A_1114] : memref<10240x128xf32, #tpu.memory_space<vmem_shared>> -> memref<10240x128xf32, #tpu.memory_space<vmem_shared>>
        tpu.enqueue_indirect_dma source(%arg9 : memref<128x128xf32, #tpu.memory_space<vmem>>) target(%dma_start3A_1115 : memref<10240x128xf32, #tpu.memory_space<vmem_shared>>) offsets(%dma_start3A_1112 : memref<128xi32, #tpu.memory_space<vmem>>) semaphore(%run_scoped3A_1109 : memref<!tpu.dma_semaphore, #tpu.memory_space<semaphore_mem>>) {add = true}
        %dma_wait3A_1116 = arith.constant 0 : i32
        %dma_wait3A_1117 = tpu.memref_slice %arg8[%run_scoped3A_720, %dma_wait3A_1116] : memref<1x128xi32, #tpu.memory_space<vmem>> -> memref<1x128xi32, #tpu.memory_space<vmem>>
        %dma_wait3A_1118 = tpu.memref_squeeze %dma_wait3A_1117 : memref<1x128xi32, #tpu.memory_space<vmem>> -> memref<128xi32, #tpu.memory_space<vmem>>
        %dma_wait3A_1119 = arith.constant 0 : i32
        %dma_wait3A_1120 = arith.constant 0 : i32
        %dma_wait3A_1121 = tpu.memref_slice %arg5[%dma_wait3A_1119, %dma_wait3A_1120] : memref<10240x128xf32, #tpu.memory_space<vmem_shared>> -> memref<10240x128xf32, #tpu.memory_space<vmem_shared>>
        tpu.wait_indirect_dma semaphore(%run_scoped3A_1109 : memref<!tpu.dma_semaphore, #tpu.memory_space<semaphore_mem>>) src(%arg9 : memref<128x128xf32, #tpu.memory_space<vmem>>) dst(%dma_wait3A_1121 : memref<10240x128xf32, #tpu.memory_space<vmem_shared>>)
        tpu.yield
      }) : () -> ()
      %add3A_721 = arith.constant 2 : i32
      %add3A_722 = arith.addi %add3A_592, %add3A_721 : i32
      %get3A_723 = arith.constant 0 : i32
      %get3A_724 = tpu.memref_slice %arg6[%add3A_722, %get3A_723] : memref<80x128xi32, #tpu.memory_space<vmem>> -> memref<1x128xi32, #tpu.memory_space<vmem>>
      %get3A_725 = tpu.memref_squeeze %get3A_724 : memref<1x128xi32, #tpu.memory_space<vmem>> -> memref<128xi32, #tpu.memory_space<vmem>>
      %get3A_726 = arith.constant 0 : index
      %get3A_727 = tpu.vector_load %get3A_725[%get3A_726] {strides = array<i32>} : memref<128xi32, #tpu.memory_space<vmem>>, vector<16xi32>,
      %get3A_728 = vector.shape_cast %get3A_727 : vector<16xi32> to vector<16xi32>
      %shift_right_logical3A_729 = arith.constant 14 : i32
      %shift_right_logical3A_730 = vector.broadcast %shift_right_logical3A_729 : i32 to vector<16xi32>
      %shift_right_logical3A_731 = arith.shrui %get3A_728, %shift_right_logical3A_730 : vector<16xi32>
      %swap3A_732 = arith.constant 0 : i32
      %swap3A_733 = arith.index_cast %swap3A_732 : i32 to index
      %swap3A_734 = arith.constant 0 : index
      %swap3A_735 = tpu.vector_load %arg7[%swap3A_733, %swap3A_734] {strides = array<i32>} : memref<2x128xi32, #tpu.memory_space<vmem>>, vector<1x16xi32>,
      %swap3A_736 = vector.shape_cast %swap3A_735 : vector<1x16xi32> to vector<16xi32>
      %swap3A_737 = vector.shape_cast %shift_right_logical3A_731 : vector<16xi32> to vector<1x16xi32>
      tpu.vector_store %arg7[%swap3A_733, %swap3A_734], %swap3A_737 {strides = array<i32>} : memref<2x128xi32, #tpu.memory_space<vmem>>, vector<1x16xi32>,
      %get3A_738 = arith.constant 0 : i32
      %get3A_739 = tpu.memref_slice %arg6[%add3A_722, %get3A_738] : memref<80x128xi32, #tpu.memory_space<vmem>> -> memref<1x128xi32, #tpu.memory_space<vmem>>
      %get3A_740 = tpu.memref_squeeze %get3A_739 : memref<1x128xi32, #tpu.memory_space<vmem>> -> memref<128xi32, #tpu.memory_space<vmem>>
      %get3A_741 = arith.constant 16 : index
      %get3A_742 = tpu.vector_load %get3A_740[%get3A_741] {strides = array<i32>} : memref<128xi32, #tpu.memory_space<vmem>>, vector<16xi32>,
      %get3A_743 = vector.shape_cast %get3A_742 : vector<16xi32> to vector<16xi32>
      %shift_right_logical3A_744 = arith.constant 14 : i32
      %shift_right_logical3A_745 = vector.broadcast %shift_right_logical3A_744 : i32 to vector<16xi32>
      %shift_right_logical3A_746 = arith.shrui %get3A_743, %shift_right_logical3A_745 : vector<16xi32>
      %swap3A_747 = arith.constant 0 : i32
      %swap3A_748 = arith.index_cast %swap3A_747 : i32 to index
      %swap3A_749 = arith.constant 16 : index
      %swap3A_750 = tpu.vector_load %arg7[%swap3A_748, %swap3A_749] {strides = array<i32>} : memref<2x128xi32, #tpu.memory_space<vmem>>, vector<1x16xi32>,
      %swap3A_751 = vector.shape_cast %swap3A_750 : vector<1x16xi32> to vector<16xi32>
      %swap3A_752 = vector.shape_cast %shift_right_logical3A_746 : vector<16xi32> to vector<1x16xi32>
      tpu.vector_store %arg7[%swap3A_748, %swap3A_749], %swap3A_752 {strides = array<i32>} : memref<2x128xi32, #tpu.memory_space<vmem>>, vector<1x16xi32>,
      %get3A_753 = arith.constant 0 : i32
      %get3A_754 = tpu.memref_slice %arg6[%add3A_722, %get3A_753] : memref<80x128xi32, #tpu.memory_space<vmem>> -> memref<1x128xi32, #tpu.memory_space<vmem>>
      %get3A_755 = tpu.memref_squeeze %get3A_754 : memref<1x128xi32, #tpu.memory_space<vmem>> -> memref<128xi32, #tpu.memory_space<vmem>>
      %get3A_756 = arith.constant 32 : index
      %get3A_757 = tpu.vector_load %get3A_755[%get3A_756] {strides = array<i32>} : memref<128xi32, #tpu.memory_space<vmem>>, vector<16xi32>,
      %get3A_758 = vector.shape_cast %get3A_757 : vector<16xi32> to vector<16xi32>
      %shift_right_logical3A_759 = arith.constant 14 : i32
      %shift_right_logical3A_760 = vector.broadcast %shift_right_logical3A_759 : i32 to vector<16xi32>
      %shift_right_logical3A_761 = arith.shrui %get3A_758, %shift_right_logical3A_760 : vector<16xi32>
      %swap3A_762 = arith.constant 0 : i32
      %swap3A_763 = arith.index_cast %swap3A_762 : i32 to index
      %swap3A_764 = arith.constant 32 : index
      %swap3A_765 = tpu.vector_load %arg7[%swap3A_763, %swap3A_764] {strides = array<i32>} : memref<2x128xi32, #tpu.memory_space<vmem>>, vector<1x16xi32>,
      %swap3A_766 = vector.shape_cast %swap3A_765 : vector<1x16xi32> to vector<16xi32>
      %swap3A_767 = vector.shape_cast %shift_right_logical3A_761 : vector<16xi32> to vector<1x16xi32>
      tpu.vector_store %arg7[%swap3A_763, %swap3A_764], %swap3A_767 {strides = array<i32>} : memref<2x128xi32, #tpu.memory_space<vmem>>, vector<1x16xi32>,
      %get3A_768 = arith.constant 0 : i32
      %get3A_769 = tpu.memref_slice %arg6[%add3A_722, %get3A_768] : memref<80x128xi32, #tpu.memory_space<vmem>> -> memref<1x128xi32, #tpu.memory_space<vmem>>
      %get3A_770 = tpu.memref_squeeze %get3A_769 : memref<1x128xi32, #tpu.memory_space<vmem>> -> memref<128xi32, #tpu.memory_space<vmem>>
      %get3A_771 = arith.constant 48 : index
      %get3A_772 = tpu.vector_load %get3A_770[%get3A_771] {strides = array<i32>} : memref<128xi32, #tpu.memory_space<vmem>>, vector<16xi32>,
      %get3A_773 = vector.shape_cast %get3A_772 : vector<16xi32> to vector<16xi32>
      %shift_right_logical3A_774 = arith.constant 14 : i32
      %shift_right_logical3A_775 = vector.broadcast %shift_right_logical3A_774 : i32 to vector<16xi32>
      %shift_right_logical3A_776 = arith.shrui %get3A_773, %shift_right_logical3A_775 : vector<16xi32>
      %swap3A_777 = arith.constant 0 : i32
      %swap3A_778 = arith.index_cast %swap3A_777 : i32 to index
      %swap3A_779 = arith.constant 48 : index
      %swap3A_780 = tpu.vector_load %arg7[%swap3A_778, %swap3A_779] {strides = array<i32>} : memref<2x128xi32, #tpu.memory_space<vmem>>, vector<1x16xi32>,
      %swap3A_781 = vector.shape_cast %swap3A_780 : vector<1x16xi32> to vector<16xi32>
      %swap3A_782 = vector.shape_cast %shift_right_logical3A_776 : vector<16xi32> to vector<1x16xi32>
      tpu.vector_store %arg7[%swap3A_778, %swap3A_779], %swap3A_782 {strides = array<i32>} : memref<2x128xi32, #tpu.memory_space<vmem>>, vector<1x16xi32>,
      %get3A_783 = arith.constant 0 : i32
      %get3A_784 = tpu.memref_slice %arg6[%add3A_722, %get3A_783] : memref<80x128xi32, #tpu.memory_space<vmem>> -> memref<1x128xi32, #tpu.memory_space<vmem>>
      %get3A_785 = tpu.memref_squeeze %get3A_784 : memref<1x128xi32, #tpu.memory_space<vmem>> -> memref<128xi32, #tpu.memory_space<vmem>>
      %get3A_786 = arith.constant 64 : index
      %get3A_787 = tpu.vector_load %get3A_785[%get3A_786] {strides = array<i32>} : memref<128xi32, #tpu.memory_space<vmem>>, vector<16xi32>,
      %get3A_788 = vector.shape_cast %get3A_787 : vector<16xi32> to vector<16xi32>
      %shift_right_logical3A_789 = arith.constant 14 : i32
      %shift_right_logical3A_790 = vector.broadcast %shift_right_logical3A_789 : i32 to vector<16xi32>
      %shift_right_logical3A_791 = arith.shrui %get3A_788, %shift_right_logical3A_790 : vector<16xi32>
      %swap3A_792 = arith.constant 0 : i32
      %swap3A_793 = arith.index_cast %swap3A_792 : i32 to index
      %swap3A_794 = arith.constant 64 : index
      %swap3A_795 = tpu.vector_load %arg7[%swap3A_793, %swap3A_794] {strides = array<i32>} : memref<2x128xi32, #tpu.memory_space<vmem>>, vector<1x16xi32>,
      %swap3A_796 = vector.shape_cast %swap3A_795 : vector<1x16xi32> to vector<16xi32>
      %swap3A_797 = vector.shape_cast %shift_right_logical3A_791 : vector<16xi32> to vector<1x16xi32>
      tpu.vector_store %arg7[%swap3A_793, %swap3A_794], %swap3A_797 {strides = array<i32>} : memref<2x128xi32, #tpu.memory_space<vmem>>, vector<1x16xi32>,
      %get3A_798 = arith.constant 0 : i32
      %get3A_799 = tpu.memref_slice %arg6[%add3A_722, %get3A_798] : memref<80x128xi32, #tpu.memory_space<vmem>> -> memref<1x128xi32, #tpu.memory_space<vmem>>
      %get3A_800 = tpu.memref_squeeze %get3A_799 : memref<1x128xi32, #tpu.memory_space<vmem>> -> memref<128xi32, #tpu.memory_space<vmem>>
      %get3A_801 = arith.constant 80 : index
      %get3A_802 = tpu.vector_load %get3A_800[%get3A_801] {strides = array<i32>} : memref<128xi32, #tpu.memory_space<vmem>>, vector<16xi32>,
      %get3A_803 = vector.shape_cast %get3A_802 : vector<16xi32> to vector<16xi32>
      %shift_right_logical3A_804 = arith.constant 14 : i32
      %shift_right_logical3A_805 = vector.broadcast %shift_right_logical3A_804 : i32 to vector<16xi32>
      %shift_right_logical3A_806 = arith.shrui %get3A_803, %shift_right_logical3A_805 : vector<16xi32>
      %swap3A_807 = arith.constant 0 : i32
      %swap3A_808 = arith.index_cast %swap3A_807 : i32 to index
      %swap3A_809 = arith.constant 80 : index
      %swap3A_810 = tpu.vector_load %arg7[%swap3A_808, %swap3A_809] {strides = array<i32>} : memref<2x128xi32, #tpu.memory_space<vmem>>, vector<1x16xi32>,
      %swap3A_811 = vector.shape_cast %swap3A_810 : vector<1x16xi32> to vector<16xi32>
      %swap3A_812 = vector.shape_cast %shift_right_logical3A_806 : vector<16xi32> to vector<1x16xi32>
      tpu.vector_store %arg7[%swap3A_808, %swap3A_809], %swap3A_812 {strides = array<i32>} : memref<2x128xi32, #tpu.memory_space<vmem>>, vector<1x16xi32>,
      %get3A_813 = arith.constant 0 : i32
      %get3A_814 = tpu.memref_slice %arg6[%add3A_722, %get3A_813] : memref<80x128xi32, #tpu.memory_space<vmem>> -> memref<1x128xi32, #tpu.memory_space<vmem>>
      %get3A_815 = tpu.memref_squeeze %get3A_814 : memref<1x128xi32, #tpu.memory_space<vmem>> -> memref<128xi32, #tpu.memory_space<vmem>>
      %get3A_816 = arith.constant 96 : index
      %get3A_817 = tpu.vector_load %get3A_815[%get3A_816] {strides = array<i32>} : memref<128xi32, #tpu.memory_space<vmem>>, vector<16xi32>,
      %get3A_818 = vector.shape_cast %get3A_817 : vector<16xi32> to vector<16xi32>
      %shift_right_logical3A_819 = arith.constant 14 : i32
      %shift_right_logical3A_820 = vector.broadcast %shift_right_logical3A_819 : i32 to vector<16xi32>
      %shift_right_logical3A_821 = arith.shrui %get3A_818, %shift_right_logical3A_820 : vector<16xi32>
      %swap3A_822 = arith.constant 0 : i32
      %swap3A_823 = arith.index_cast %swap3A_822 : i32 to index
      %swap3A_824 = arith.constant 96 : index
      %swap3A_825 = tpu.vector_load %arg7[%swap3A_823, %swap3A_824] {strides = array<i32>} : memref<2x128xi32, #tpu.memory_space<vmem>>, vector<1x16xi32>,
      %swap3A_826 = vector.shape_cast %swap3A_825 : vector<1x16xi32> to vector<16xi32>
      %swap3A_827 = vector.shape_cast %shift_right_logical3A_821 : vector<16xi32> to vector<1x16xi32>
      tpu.vector_store %arg7[%swap3A_823, %swap3A_824], %swap3A_827 {strides = array<i32>} : memref<2x128xi32, #tpu.memory_space<vmem>>, vector<1x16xi32>,
      %get3A_828 = arith.constant 0 : i32
      %get3A_829 = tpu.memref_slice %arg6[%add3A_722, %get3A_828] : memref<80x128xi32, #tpu.memory_space<vmem>> -> memref<1x128xi32, #tpu.memory_space<vmem>>
      %get3A_830 = tpu.memref_squeeze %get3A_829 : memref<1x128xi32, #tpu.memory_space<vmem>> -> memref<128xi32, #tpu.memory_space<vmem>>
      %get3A_831 = arith.constant 112 : index
      %get3A_832 = tpu.vector_load %get3A_830[%get3A_831] {strides = array<i32>} : memref<128xi32, #tpu.memory_space<vmem>>, vector<16xi32>,
      %get3A_833 = vector.shape_cast %get3A_832 : vector<16xi32> to vector<16xi32>
      %shift_right_logical3A_834 = arith.constant 14 : i32
      %shift_right_logical3A_835 = vector.broadcast %shift_right_logical3A_834 : i32 to vector<16xi32>
      %shift_right_logical3A_836 = arith.shrui %get3A_833, %shift_right_logical3A_835 : vector<16xi32>
      %swap3A_837 = arith.constant 0 : i32
      %swap3A_838 = arith.index_cast %swap3A_837 : i32 to index
      %swap3A_839 = arith.constant 112 : index
      %swap3A_840 = tpu.vector_load %arg7[%swap3A_838, %swap3A_839] {strides = array<i32>} : memref<2x128xi32, #tpu.memory_space<vmem>>, vector<1x16xi32>,
      %swap3A_841 = vector.shape_cast %swap3A_840 : vector<1x16xi32> to vector<16xi32>
      %swap3A_842 = vector.shape_cast %shift_right_logical3A_836 : vector<16xi32> to vector<1x16xi32>
      tpu.vector_store %arg7[%swap3A_838, %swap3A_839], %swap3A_842 {strides = array<i32>} : memref<2x128xi32, #tpu.memory_space<vmem>>, vector<1x16xi32>,
      %dma_start3A_843 = arith.constant 0 : i32
      %dma_start3A_844 = arith.constant 0 : i32
      %dma_start3A_845 = tpu.memref_slice %arg7[%dma_start3A_843, %dma_start3A_844] : memref<2x128xi32, #tpu.memory_space<vmem>> -> memref<1x128xi32, #tpu.memory_space<vmem>>
      %dma_start3A_846 = tpu.memref_squeeze %dma_start3A_845 : memref<1x128xi32, #tpu.memory_space<vmem>> -> memref<128xi32, #tpu.memory_space<vmem>>
      %dma_start3A_847 = arith.constant 0 : i32
      %dma_start3A_848 = arith.constant 0 : i32
      %dma_start3A_849 = tpu.memref_slice %arg2[%dma_start3A_847, %dma_start3A_848] : memref<20000x128xf32, #tpu.memory_space<hbm>> -> memref<20000x128xf32, #tpu.memory_space<hbm>>
      tpu.enqueue_indirect_dma source(%dma_start3A_849 : memref<20000x128xf32, #tpu.memory_space<hbm>>) target(%arg9 : memref<128x128xf32, #tpu.memory_space<vmem>>) offsets(%dma_start3A_846 : memref<128xi32, #tpu.memory_space<vmem>>) semaphore(%arg11 : memref<!tpu.dma_semaphore, #tpu.memory_space<semaphore_mem>>)
      %add3A_850 = arith.constant 1 : i32
      %add3A_851 = arith.addi %mul3A_590, %add3A_850 : i32
      %dma_wait3A_852 = arith.constant 1 : i32
      %dma_wait3A_853 = arith.constant 0 : i32
      %dma_wait3A_854 = tpu.memref_slice %arg7[%dma_wait3A_852, %dma_wait3A_853] : memref<2x128xi32, #tpu.memory_space<vmem>> -> memref<1x128xi32, #tpu.memory_space<vmem>>
      %dma_wait3A_855 = tpu.memref_squeeze %dma_wait3A_854 : memref<1x128xi32, #tpu.memory_space<vmem>> -> memref<128xi32, #tpu.memory_space<vmem>>
      %dma_wait3A_856 = arith.constant 0 : i32
      %dma_wait3A_857 = arith.constant 0 : i32
      %dma_wait3A_858 = tpu.memref_slice %arg2[%dma_wait3A_856, %dma_wait3A_857] : memref<20000x128xf32, #tpu.memory_space<hbm>> -> memref<20000x128xf32, #tpu.memory_space<hbm>>
      tpu.wait_indirect_dma semaphore(%arg12 : memref<!tpu.dma_semaphore, #tpu.memory_space<semaphore_mem>>) src(%dma_wait3A_858 : memref<20000x128xf32, #tpu.memory_space<hbm>>) dst(%arg10 : memref<128x128xf32, #tpu.memory_space<vmem>>)
      %get3A_859 = arith.constant 0 : i32
      %get3A_860 = tpu.memref_slice %arg6[%add3A_851, %get3A_859] : memref<80x128xi32, #tpu.memory_space<vmem>> -> memref<1x128xi32, #tpu.memory_space<vmem>>
      %get3A_861 = tpu.memref_squeeze %get3A_860 : memref<1x128xi32, #tpu.memory_space<vmem>> -> memref<128xi32, #tpu.memory_space<vmem>>
      %get3A_862 = arith.constant 0 : index
      %get3A_863 = tpu.vector_load %get3A_861[%get3A_862] {strides = array<i32>} : memref<128xi32, #tpu.memory_space<vmem>>, vector<16xi32>,
      %get3A_864 = vector.shape_cast %get3A_863 : vector<16xi32> to vector<16xi32>
      %and3A_865 = arith.constant 16383 : i32
      %and3A_866 = vector.broadcast %and3A_865 : i32 to vector<16xi32>
      %and3A_867 = arith.andi %get3A_864, %and3A_866 : vector<16xi32>
      %swap3A_868 = arith.constant 0 : i32
      %swap3A_869 = arith.index_cast %swap3A_868 : i32 to index
      %swap3A_870 = arith.constant 0 : index
      %swap3A_871 = tpu.vector_load %arg8[%swap3A_869, %swap3A_870] {strides = array<i32>} : memref<1x128xi32, #tpu.memory_space<vmem>>, vector<1x16xi32>,
      %swap3A_872 = vector.shape_cast %swap3A_871 : vector<1x16xi32> to vector<16xi32>
      %swap3A_873 = vector.shape_cast %and3A_867 : vector<16xi32> to vector<1x16xi32>
      tpu.vector_store %arg8[%swap3A_869, %swap3A_870], %swap3A_873 {strides = array<i32>} : memref<1x128xi32, #tpu.memory_space<vmem>>, vector<1x16xi32>,
      %get3A_874 = arith.constant 0 : i32
      %get3A_875 = tpu.memref_slice %arg6[%add3A_851, %get3A_874] : memref<80x128xi32, #tpu.memory_space<vmem>> -> memref<1x128xi32, #tpu.memory_space<vmem>>
      %get3A_876 = tpu.memref_squeeze %get3A_875 : memref<1x128xi32, #tpu.memory_space<vmem>> -> memref<128xi32, #tpu.memory_space<vmem>>
      %get3A_877 = arith.constant 16 : index
      %get3A_878 = tpu.vector_load %get3A_876[%get3A_877] {strides = array<i32>} : memref<128xi32, #tpu.memory_space<vmem>>, vector<16xi32>,
      %get3A_879 = vector.shape_cast %get3A_878 : vector<16xi32> to vector<16xi32>
      %and3A_880 = arith.constant 16383 : i32
      %and3A_881 = vector.broadcast %and3A_880 : i32 to vector<16xi32>
      %and3A_882 = arith.andi %get3A_879, %and3A_881 : vector<16xi32>
      %swap3A_883 = arith.constant 0 : i32
      %swap3A_884 = arith.index_cast %swap3A_883 : i32 to index
      %swap3A_885 = arith.constant 16 : index
      %swap3A_886 = tpu.vector_load %arg8[%swap3A_884, %swap3A_885] {strides = array<i32>} : memref<1x128xi32, #tpu.memory_space<vmem>>, vector<1x16xi32>,
      %swap3A_887 = vector.shape_cast %swap3A_886 : vector<1x16xi32> to vector<16xi32>
      %swap3A_888 = vector.shape_cast %and3A_882 : vector<16xi32> to vector<1x16xi32>
      tpu.vector_store %arg8[%swap3A_884, %swap3A_885], %swap3A_888 {strides = array<i32>} : memref<1x128xi32, #tpu.memory_space<vmem>>, vector<1x16xi32>,
      %get3A_889 = arith.constant 0 : i32
      %get3A_890 = tpu.memref_slice %arg6[%add3A_851, %get3A_889] : memref<80x128xi32, #tpu.memory_space<vmem>> -> memref<1x128xi32, #tpu.memory_space<vmem>>
      %get3A_891 = tpu.memref_squeeze %get3A_890 : memref<1x128xi32, #tpu.memory_space<vmem>> -> memref<128xi32, #tpu.memory_space<vmem>>
      %get3A_892 = arith.constant 32 : index
      %get3A_893 = tpu.vector_load %get3A_891[%get3A_892] {strides = array<i32>} : memref<128xi32, #tpu.memory_space<vmem>>, vector<16xi32>,
      %get3A_894 = vector.shape_cast %get3A_893 : vector<16xi32> to vector<16xi32>
      %and3A_895 = arith.constant 16383 : i32
      %and3A_896 = vector.broadcast %and3A_895 : i32 to vector<16xi32>
      %and3A_897 = arith.andi %get3A_894, %and3A_896 : vector<16xi32>
      %swap3A_898 = arith.constant 0 : i32
      %swap3A_899 = arith.index_cast %swap3A_898 : i32 to index
      %swap3A_900 = arith.constant 32 : index
      %swap3A_901 = tpu.vector_load %arg8[%swap3A_899, %swap3A_900] {strides = array<i32>} : memref<1x128xi32, #tpu.memory_space<vmem>>, vector<1x16xi32>,
      %swap3A_902 = vector.shape_cast %swap3A_901 : vector<1x16xi32> to vector<16xi32>
      %swap3A_903 = vector.shape_cast %and3A_897 : vector<16xi32> to vector<1x16xi32>
      tpu.vector_store %arg8[%swap3A_899, %swap3A_900], %swap3A_903 {strides = array<i32>} : memref<1x128xi32, #tpu.memory_space<vmem>>, vector<1x16xi32>,
      %get3A_904 = arith.constant 0 : i32
      %get3A_905 = tpu.memref_slice %arg6[%add3A_851, %get3A_904] : memref<80x128xi32, #tpu.memory_space<vmem>> -> memref<1x128xi32, #tpu.memory_space<vmem>>
      %get3A_906 = tpu.memref_squeeze %get3A_905 : memref<1x128xi32, #tpu.memory_space<vmem>> -> memref<128xi32, #tpu.memory_space<vmem>>
      %get3A_907 = arith.constant 48 : index
      %get3A_908 = tpu.vector_load %get3A_906[%get3A_907] {strides = array<i32>} : memref<128xi32, #tpu.memory_space<vmem>>, vector<16xi32>,
      %get3A_909 = vector.shape_cast %get3A_908 : vector<16xi32> to vector<16xi32>
      %and3A_910 = arith.constant 16383 : i32
      %and3A_911 = vector.broadcast %and3A_910 : i32 to vector<16xi32>
      %and3A_912 = arith.andi %get3A_909, %and3A_911 : vector<16xi32>
      %swap3A_913 = arith.constant 0 : i32
      %swap3A_914 = arith.index_cast %swap3A_913 : i32 to index
      %swap3A_915 = arith.constant 48 : index
      %swap3A_916 = tpu.vector_load %arg8[%swap3A_914, %swap3A_915] {strides = array<i32>} : memref<1x128xi32, #tpu.memory_space<vmem>>, vector<1x16xi32>,
      %swap3A_917 = vector.shape_cast %swap3A_916 : vector<1x16xi32> to vector<16xi32>
      %swap3A_918 = vector.shape_cast %and3A_912 : vector<16xi32> to vector<1x16xi32>
      tpu.vector_store %arg8[%swap3A_914, %swap3A_915], %swap3A_918 {strides = array<i32>} : memref<1x128xi32, #tpu.memory_space<vmem>>, vector<1x16xi32>,
      %get3A_919 = arith.constant 0 : i32
      %get3A_920 = tpu.memref_slice %arg6[%add3A_851, %get3A_919] : memref<80x128xi32, #tpu.memory_space<vmem>> -> memref<1x128xi32, #tpu.memory_space<vmem>>
      %get3A_921 = tpu.memref_squeeze %get3A_920 : memref<1x128xi32, #tpu.memory_space<vmem>> -> memref<128xi32, #tpu.memory_space<vmem>>
      %get3A_922 = arith.constant 64 : index
      %get3A_923 = tpu.vector_load %get3A_921[%get3A_922] {strides = array<i32>} : memref<128xi32, #tpu.memory_space<vmem>>, vector<16xi32>,
      %get3A_924 = vector.shape_cast %get3A_923 : vector<16xi32> to vector<16xi32>
      %and3A_925 = arith.constant 16383 : i32
      %and3A_926 = vector.broadcast %and3A_925 : i32 to vector<16xi32>
      %and3A_927 = arith.andi %get3A_924, %and3A_926 : vector<16xi32>
      %swap3A_928 = arith.constant 0 : i32
      %swap3A_929 = arith.index_cast %swap3A_928 : i32 to index
      %swap3A_930 = arith.constant 64 : index
      %swap3A_931 = tpu.vector_load %arg8[%swap3A_929, %swap3A_930] {strides = array<i32>} : memref<1x128xi32, #tpu.memory_space<vmem>>, vector<1x16xi32>,
      %swap3A_932 = vector.shape_cast %swap3A_931 : vector<1x16xi32> to vector<16xi32>
      %swap3A_933 = vector.shape_cast %and3A_927 : vector<16xi32> to vector<1x16xi32>
      tpu.vector_store %arg8[%swap3A_929, %swap3A_930], %swap3A_933 {strides = array<i32>} : memref<1x128xi32, #tpu.memory_space<vmem>>, vector<1x16xi32>,
      %get3A_934 = arith.constant 0 : i32
      %get3A_935 = tpu.memref_slice %arg6[%add3A_851, %get3A_934] : memref<80x128xi32, #tpu.memory_space<vmem>> -> memref<1x128xi32, #tpu.memory_space<vmem>>
      %get3A_936 = tpu.memref_squeeze %get3A_935 : memref<1x128xi32, #tpu.memory_space<vmem>> -> memref<128xi32, #tpu.memory_space<vmem>>
      %get3A_937 = arith.constant 80 : index
      %get3A_938 = tpu.vector_load %get3A_936[%get3A_937] {strides = array<i32>} : memref<128xi32, #tpu.memory_space<vmem>>, vector<16xi32>,
      %get3A_939 = vector.shape_cast %get3A_938 : vector<16xi32> to vector<16xi32>
      %and3A_940 = arith.constant 16383 : i32
      %and3A_941 = vector.broadcast %and3A_940 : i32 to vector<16xi32>
      %and3A_942 = arith.andi %get3A_939, %and3A_941 : vector<16xi32>
      %swap3A_943 = arith.constant 0 : i32
      %swap3A_944 = arith.index_cast %swap3A_943 : i32 to index
      %swap3A_945 = arith.constant 80 : index
      %swap3A_946 = tpu.vector_load %arg8[%swap3A_944, %swap3A_945] {strides = array<i32>} : memref<1x128xi32, #tpu.memory_space<vmem>>, vector<1x16xi32>,
      %swap3A_947 = vector.shape_cast %swap3A_946 : vector<1x16xi32> to vector<16xi32>
      %swap3A_948 = vector.shape_cast %and3A_942 : vector<16xi32> to vector<1x16xi32>
      tpu.vector_store %arg8[%swap3A_944, %swap3A_945], %swap3A_948 {strides = array<i32>} : memref<1x128xi32, #tpu.memory_space<vmem>>, vector<1x16xi32>,
      %get3A_949 = arith.constant 0 : i32
      %get3A_950 = tpu.memref_slice %arg6[%add3A_851, %get3A_949] : memref<80x128xi32, #tpu.memory_space<vmem>> -> memref<1x128xi32, #tpu.memory_space<vmem>>
      %get3A_951 = tpu.memref_squeeze %get3A_950 : memref<1x128xi32, #tpu.memory_space<vmem>> -> memref<128xi32, #tpu.memory_space<vmem>>
      %get3A_952 = arith.constant 96 : index
      %get3A_953 = tpu.vector_load %get3A_951[%get3A_952] {strides = array<i32>} : memref<128xi32, #tpu.memory_space<vmem>>, vector<16xi32>,
      %get3A_954 = vector.shape_cast %get3A_953 : vector<16xi32> to vector<16xi32>
      %and3A_955 = arith.constant 16383 : i32
      %and3A_956 = vector.broadcast %and3A_955 : i32 to vector<16xi32>
      %and3A_957 = arith.andi %get3A_954, %and3A_956 : vector<16xi32>
      %swap3A_958 = arith.constant 0 : i32
      %swap3A_959 = arith.index_cast %swap3A_958 : i32 to index
      %swap3A_960 = arith.constant 96 : index
      %swap3A_961 = tpu.vector_load %arg8[%swap3A_959, %swap3A_960] {strides = array<i32>} : memref<1x128xi32, #tpu.memory_space<vmem>>, vector<1x16xi32>,
      %swap3A_962 = vector.shape_cast %swap3A_961 : vector<1x16xi32> to vector<16xi32>
      %swap3A_963 = vector.shape_cast %and3A_957 : vector<16xi32> to vector<1x16xi32>
      tpu.vector_store %arg8[%swap3A_959, %swap3A_960], %swap3A_963 {strides = array<i32>} : memref<1x128xi32, #tpu.memory_space<vmem>>, vector<1x16xi32>,
      %get3A_964 = arith.constant 0 : i32
      %get3A_965 = tpu.memref_slice %arg6[%add3A_851, %get3A_964] : memref<80x128xi32, #tpu.memory_space<vmem>> -> memref<1x128xi32, #tpu.memory_space<vmem>>
      %get3A_966 = tpu.memref_squeeze %get3A_965 : memref<1x128xi32, #tpu.memory_space<vmem>> -> memref<128xi32, #tpu.memory_space<vmem>>
      %get3A_967 = arith.constant 112 : index
      %get3A_968 = tpu.vector_load %get3A_966[%get3A_967] {strides = array<i32>} : memref<128xi32, #tpu.memory_space<vmem>>, vector<16xi32>,
      %get3A_969 = vector.shape_cast %get3A_968 : vector<16xi32> to vector<16xi32>
      %and3A_970 = arith.constant 16383 : i32
      %and3A_971 = vector.broadcast %and3A_970 : i32 to vector<16xi32>
      %and3A_972 = arith.andi %get3A_969, %and3A_971 : vector<16xi32>
      %swap3A_973 = arith.constant 0 : i32
      %swap3A_974 = arith.index_cast %swap3A_973 : i32 to index
      %swap3A_975 = arith.constant 112 : index
      %swap3A_976 = tpu.vector_load %arg8[%swap3A_974, %swap3A_975] {strides = array<i32>} : memref<1x128xi32, #tpu.memory_space<vmem>>, vector<1x16xi32>,
      %swap3A_977 = vector.shape_cast %swap3A_976 : vector<1x16xi32> to vector<16xi32>
      %swap3A_978 = vector.shape_cast %and3A_972 : vector<16xi32> to vector<1x16xi32>
      tpu.vector_store %arg8[%swap3A_974, %swap3A_975], %swap3A_978 {strides = array<i32>} : memref<1x128xi32, #tpu.memory_space<vmem>>, vector<1x16xi32>,
      %run_scoped3A_979 = arith.constant 0 : i32
      "tpu.region"() ({
        %run_scoped3A_1109 = tpu.sem_alloc : memref<!tpu.dma_semaphore, #tpu.memory_space<semaphore_mem>>
        %dma_start3A_1110 = arith.constant 0 : i32
        %dma_start3A_1111 = tpu.memref_slice %arg8[%run_scoped3A_979, %dma_start3A_1110] : memref<1x128xi32, #tpu.memory_space<vmem>> -> memref<1x128xi32, #tpu.memory_space<vmem>>
        %dma_start3A_1112 = tpu.memref_squeeze %dma_start3A_1111 : memref<1x128xi32, #tpu.memory_space<vmem>> -> memref<128xi32, #tpu.memory_space<vmem>>
        %dma_start3A_1113 = arith.constant 0 : i32
        %dma_start3A_1114 = arith.constant 0 : i32
        %dma_start3A_1115 = tpu.memref_slice %arg5[%dma_start3A_1113, %dma_start3A_1114] : memref<10240x128xf32, #tpu.memory_space<vmem_shared>> -> memref<10240x128xf32, #tpu.memory_space<vmem_shared>>
        tpu.enqueue_indirect_dma source(%arg10 : memref<128x128xf32, #tpu.memory_space<vmem>>) target(%dma_start3A_1115 : memref<10240x128xf32, #tpu.memory_space<vmem_shared>>) offsets(%dma_start3A_1112 : memref<128xi32, #tpu.memory_space<vmem>>) semaphore(%run_scoped3A_1109 : memref<!tpu.dma_semaphore, #tpu.memory_space<semaphore_mem>>) {add = true}
        %dma_wait3A_1116 = arith.constant 0 : i32
        %dma_wait3A_1117 = tpu.memref_slice %arg8[%run_scoped3A_979, %dma_wait3A_1116] : memref<1x128xi32, #tpu.memory_space<vmem>> -> memref<1x128xi32, #tpu.memory_space<vmem>>
        %dma_wait3A_1118 = tpu.memref_squeeze %dma_wait3A_1117 : memref<1x128xi32, #tpu.memory_space<vmem>> -> memref<128xi32, #tpu.memory_space<vmem>>
        %dma_wait3A_1119 = arith.constant 0 : i32
        %dma_wait3A_1120 = arith.constant 0 : i32
        %dma_wait3A_1121 = tpu.memref_slice %arg5[%dma_wait3A_1119, %dma_wait3A_1120] : memref<10240x128xf32, #tpu.memory_space<vmem_shared>> -> memref<10240x128xf32, #tpu.memory_space<vmem_shared>>
        tpu.wait_indirect_dma semaphore(%run_scoped3A_1109 : memref<!tpu.dma_semaphore, #tpu.memory_space<semaphore_mem>>) src(%arg10 : memref<128x128xf32, #tpu.memory_space<vmem>>) dst(%dma_wait3A_1121 : memref<10240x128xf32, #tpu.memory_space<vmem_shared>>)
        tpu.yield
      }) : () -> ()
      %add3A_980 = arith.constant 2 : i32
      %add3A_981 = arith.addi %add3A_851, %add3A_980 : i32
      %get3A_982 = arith.constant 0 : i32
      %get3A_983 = tpu.memref_slice %arg6[%add3A_981, %get3A_982] : memref<80x128xi32, #tpu.memory_space<vmem>> -> memref<1x128xi32, #tpu.memory_space<vmem>>
      %get3A_984 = tpu.memref_squeeze %get3A_983 : memref<1x128xi32, #tpu.memory_space<vmem>> -> memref<128xi32, #tpu.memory_space<vmem>>
      %get3A_985 = arith.constant 0 : index
      %get3A_986 = tpu.vector_load %get3A_984[%get3A_985] {strides = array<i32>} : memref<128xi32, #tpu.memory_space<vmem>>, vector<16xi32>,
      %get3A_987 = vector.shape_cast %get3A_986 : vector<16xi32> to vector<16xi32>
      %shift_right_logical3A_988 = arith.constant 14 : i32
      %shift_right_logical3A_989 = vector.broadcast %shift_right_logical3A_988 : i32 to vector<16xi32>
      %shift_right_logical3A_990 = arith.shrui %get3A_987, %shift_right_logical3A_989 : vector<16xi32>
      %swap3A_991 = arith.constant 1 : i32
      %swap3A_992 = arith.index_cast %swap3A_991 : i32 to index
      %swap3A_993 = arith.constant 0 : index
      %swap3A_994 = tpu.vector_load %arg7[%swap3A_992, %swap3A_993] {strides = array<i32>} : memref<2x128xi32, #tpu.memory_space<vmem>>, vector<1x16xi32>,
      %swap3A_995 = vector.shape_cast %swap3A_994 : vector<1x16xi32> to vector<16xi32>
      %swap3A_996 = vector.shape_cast %shift_right_logical3A_990 : vector<16xi32> to vector<1x16xi32>
      tpu.vector_store %arg7[%swap3A_992, %swap3A_993], %swap3A_996 {strides = array<i32>} : memref<2x128xi32, #tpu.memory_space<vmem>>, vector<1x16xi32>,
      %get3A_997 = arith.constant 0 : i32
      %get3A_998 = tpu.memref_slice %arg6[%add3A_981, %get3A_997] : memref<80x128xi32, #tpu.memory_space<vmem>> -> memref<1x128xi32, #tpu.memory_space<vmem>>
      %get3A_999 = tpu.memref_squeeze %get3A_998 : memref<1x128xi32, #tpu.memory_space<vmem>> -> memref<128xi32, #tpu.memory_space<vmem>>
      %get3A_1000 = arith.constant 16 : index
      %get3A_1001 = tpu.vector_load %get3A_999[%get3A_1000] {strides = array<i32>} : memref<128xi32, #tpu.memory_space<vmem>>, vector<16xi32>,
      %get3A_1002 = vector.shape_cast %get3A_1001 : vector<16xi32> to vector<16xi32>
      %shift_right_logical3A_1003 = arith.constant 14 : i32
      %shift_right_logical3A_1004 = vector.broadcast %shift_right_logical3A_1003 : i32 to vector<16xi32>
      %shift_right_logical3A_1005 = arith.shrui %get3A_1002, %shift_right_logical3A_1004 : vector<16xi32>
      %swap3A_1006 = arith.constant 1 : i32
      %swap3A_1007 = arith.index_cast %swap3A_1006 : i32 to index
      %swap3A_1008 = arith.constant 16 : index
      %swap3A_1009 = tpu.vector_load %arg7[%swap3A_1007, %swap3A_1008] {strides = array<i32>} : memref<2x128xi32, #tpu.memory_space<vmem>>, vector<1x16xi32>,
      %swap3A_1010 = vector.shape_cast %swap3A_1009 : vector<1x16xi32> to vector<16xi32>
      %swap3A_1011 = vector.shape_cast %shift_right_logical3A_1005 : vector<16xi32> to vector<1x16xi32>
      tpu.vector_store %arg7[%swap3A_1007, %swap3A_1008], %swap3A_1011 {strides = array<i32>} : memref<2x128xi32, #tpu.memory_space<vmem>>, vector<1x16xi32>,
      %get3A_1012 = arith.constant 0 : i32
      %get3A_1013 = tpu.memref_slice %arg6[%add3A_981, %get3A_1012] : memref<80x128xi32, #tpu.memory_space<vmem>> -> memref<1x128xi32, #tpu.memory_space<vmem>>
      %get3A_1014 = tpu.memref_squeeze %get3A_1013 : memref<1x128xi32, #tpu.memory_space<vmem>> -> memref<128xi32, #tpu.memory_space<vmem>>
      %get3A_1015 = arith.constant 32 : index
      %get3A_1016 = tpu.vector_load %get3A_1014[%get3A_1015] {strides = array<i32>} : memref<128xi32, #tpu.memory_space<vmem>>, vector<16xi32>,
      %get3A_1017 = vector.shape_cast %get3A_1016 : vector<16xi32> to vector<16xi32>
      %shift_right_logical3A_1018 = arith.constant 14 : i32
      %shift_right_logical3A_1019 = vector.broadcast %shift_right_logical3A_1018 : i32 to vector<16xi32>
      %shift_right_logical3A_1020 = arith.shrui %get3A_1017, %shift_right_logical3A_1019 : vector<16xi32>
      %swap3A_1021 = arith.constant 1 : i32
      %swap3A_1022 = arith.index_cast %swap3A_1021 : i32 to index
      %swap3A_1023 = arith.constant 32 : index
      %swap3A_1024 = tpu.vector_load %arg7[%swap3A_1022, %swap3A_1023] {strides = array<i32>} : memref<2x128xi32, #tpu.memory_space<vmem>>, vector<1x16xi32>,
      %swap3A_1025 = vector.shape_cast %swap3A_1024 : vector<1x16xi32> to vector<16xi32>
      %swap3A_1026 = vector.shape_cast %shift_right_logical3A_1020 : vector<16xi32> to vector<1x16xi32>
      tpu.vector_store %arg7[%swap3A_1022, %swap3A_1023], %swap3A_1026 {strides = array<i32>} : memref<2x128xi32, #tpu.memory_space<vmem>>, vector<1x16xi32>,
      %get3A_1027 = arith.constant 0 : i32
      %get3A_1028 = tpu.memref_slice %arg6[%add3A_981, %get3A_1027] : memref<80x128xi32, #tpu.memory_space<vmem>> -> memref<1x128xi32, #tpu.memory_space<vmem>>
      %get3A_1029 = tpu.memref_squeeze %get3A_1028 : memref<1x128xi32, #tpu.memory_space<vmem>> -> memref<128xi32, #tpu.memory_space<vmem>>
      %get3A_1030 = arith.constant 48 : index
      %get3A_1031 = tpu.vector_load %get3A_1029[%get3A_1030] {strides = array<i32>} : memref<128xi32, #tpu.memory_space<vmem>>, vector<16xi32>,
      %get3A_1032 = vector.shape_cast %get3A_1031 : vector<16xi32> to vector<16xi32>
      %shift_right_logical3A_1033 = arith.constant 14 : i32
      %shift_right_logical3A_1034 = vector.broadcast %shift_right_logical3A_1033 : i32 to vector<16xi32>
      %shift_right_logical3A_1035 = arith.shrui %get3A_1032, %shift_right_logical3A_1034 : vector<16xi32>
      %swap3A_1036 = arith.constant 1 : i32
      %swap3A_1037 = arith.index_cast %swap3A_1036 : i32 to index
      %swap3A_1038 = arith.constant 48 : index
      %swap3A_1039 = tpu.vector_load %arg7[%swap3A_1037, %swap3A_1038] {strides = array<i32>} : memref<2x128xi32, #tpu.memory_space<vmem>>, vector<1x16xi32>,
      %swap3A_1040 = vector.shape_cast %swap3A_1039 : vector<1x16xi32> to vector<16xi32>
      %swap3A_1041 = vector.shape_cast %shift_right_logical3A_1035 : vector<16xi32> to vector<1x16xi32>
      tpu.vector_store %arg7[%swap3A_1037, %swap3A_1038], %swap3A_1041 {strides = array<i32>} : memref<2x128xi32, #tpu.memory_space<vmem>>, vector<1x16xi32>,
      %get3A_1042 = arith.constant 0 : i32
      %get3A_1043 = tpu.memref_slice %arg6[%add3A_981, %get3A_1042] : memref<80x128xi32, #tpu.memory_space<vmem>> -> memref<1x128xi32, #tpu.memory_space<vmem>>
      %get3A_1044 = tpu.memref_squeeze %get3A_1043 : memref<1x128xi32, #tpu.memory_space<vmem>> -> memref<128xi32, #tpu.memory_space<vmem>>
      %get3A_1045 = arith.constant 64 : index
      %get3A_1046 = tpu.vector_load %get3A_1044[%get3A_1045] {strides = array<i32>} : memref<128xi32, #tpu.memory_space<vmem>>, vector<16xi32>,
      %get3A_1047 = vector.shape_cast %get3A_1046 : vector<16xi32> to vector<16xi32>
      %shift_right_logical3A_1048 = arith.constant 14 : i32
      %shift_right_logical3A_1049 = vector.broadcast %shift_right_logical3A_1048 : i32 to vector<16xi32>
      %shift_right_logical3A_1050 = arith.shrui %get3A_1047, %shift_right_logical3A_1049 : vector<16xi32>
      %swap3A_1051 = arith.constant 1 : i32
      %swap3A_1052 = arith.index_cast %swap3A_1051 : i32 to index
      %swap3A_1053 = arith.constant 64 : index
      %swap3A_1054 = tpu.vector_load %arg7[%swap3A_1052, %swap3A_1053] {strides = array<i32>} : memref<2x128xi32, #tpu.memory_space<vmem>>, vector<1x16xi32>,
      %swap3A_1055 = vector.shape_cast %swap3A_1054 : vector<1x16xi32> to vector<16xi32>
      %swap3A_1056 = vector.shape_cast %shift_right_logical3A_1050 : vector<16xi32> to vector<1x16xi32>
      tpu.vector_store %arg7[%swap3A_1052, %swap3A_1053], %swap3A_1056 {strides = array<i32>} : memref<2x128xi32, #tpu.memory_space<vmem>>, vector<1x16xi32>,
      %get3A_1057 = arith.constant 0 : i32
      %get3A_1058 = tpu.memref_slice %arg6[%add3A_981, %get3A_1057] : memref<80x128xi32, #tpu.memory_space<vmem>> -> memref<1x128xi32, #tpu.memory_space<vmem>>
      %get3A_1059 = tpu.memref_squeeze %get3A_1058 : memref<1x128xi32, #tpu.memory_space<vmem>> -> memref<128xi32, #tpu.memory_space<vmem>>
      %get3A_1060 = arith.constant 80 : index
      %get3A_1061 = tpu.vector_load %get3A_1059[%get3A_1060] {strides = array<i32>} : memref<128xi32, #tpu.memory_space<vmem>>, vector<16xi32>,
      %get3A_1062 = vector.shape_cast %get3A_1061 : vector<16xi32> to vector<16xi32>
      %shift_right_logical3A_1063 = arith.constant 14 : i32
      %shift_right_logical3A_1064 = vector.broadcast %shift_right_logical3A_1063 : i32 to vector<16xi32>
      %shift_right_logical3A_1065 = arith.shrui %get3A_1062, %shift_right_logical3A_1064 : vector<16xi32>
      %swap3A_1066 = arith.constant 1 : i32
      %swap3A_1067 = arith.index_cast %swap3A_1066 : i32 to index
      %swap3A_1068 = arith.constant 80 : index
      %swap3A_1069 = tpu.vector_load %arg7[%swap3A_1067, %swap3A_1068] {strides = array<i32>} : memref<2x128xi32, #tpu.memory_space<vmem>>, vector<1x16xi32>,
      %swap3A_1070 = vector.shape_cast %swap3A_1069 : vector<1x16xi32> to vector<16xi32>
      %swap3A_1071 = vector.shape_cast %shift_right_logical3A_1065 : vector<16xi32> to vector<1x16xi32>
      tpu.vector_store %arg7[%swap3A_1067, %swap3A_1068], %swap3A_1071 {strides = array<i32>} : memref<2x128xi32, #tpu.memory_space<vmem>>, vector<1x16xi32>,
      %get3A_1072 = arith.constant 0 : i32
      %get3A_1073 = tpu.memref_slice %arg6[%add3A_981, %get3A_1072] : memref<80x128xi32, #tpu.memory_space<vmem>> -> memref<1x128xi32, #tpu.memory_space<vmem>>
      %get3A_1074 = tpu.memref_squeeze %get3A_1073 : memref<1x128xi32, #tpu.memory_space<vmem>> -> memref<128xi32, #tpu.memory_space<vmem>>
      %get3A_1075 = arith.constant 96 : index
      %get3A_1076 = tpu.vector_load %get3A_1074[%get3A_1075] {strides = array<i32>} : memref<128xi32, #tpu.memory_space<vmem>>, vector<16xi32>,
      %get3A_1077 = vector.shape_cast %get3A_1076 : vector<16xi32> to vector<16xi32>
      %shift_right_logical3A_1078 = arith.constant 14 : i32
      %shift_right_logical3A_1079 = vector.broadcast %shift_right_logical3A_1078 : i32 to vector<16xi32>
      %shift_right_logical3A_1080 = arith.shrui %get3A_1077, %shift_right_logical3A_1079 : vector<16xi32>
      %swap3A_1081 = arith.constant 1 : i32
      %swap3A_1082 = arith.index_cast %swap3A_1081 : i32 to index
      %swap3A_1083 = arith.constant 96 : index
      %swap3A_1084 = tpu.vector_load %arg7[%swap3A_1082, %swap3A_1083] {strides = array<i32>} : memref<2x128xi32, #tpu.memory_space<vmem>>, vector<1x16xi32>,
      %swap3A_1085 = vector.shape_cast %swap3A_1084 : vector<1x16xi32> to vector<16xi32>
      %swap3A_1086 = vector.shape_cast %shift_right_logical3A_1080 : vector<16xi32> to vector<1x16xi32>
      tpu.vector_store %arg7[%swap3A_1082, %swap3A_1083], %swap3A_1086 {strides = array<i32>} : memref<2x128xi32, #tpu.memory_space<vmem>>, vector<1x16xi32>,
      %get3A_1087 = arith.constant 0 : i32
      %get3A_1088 = tpu.memref_slice %arg6[%add3A_981, %get3A_1087] : memref<80x128xi32, #tpu.memory_space<vmem>> -> memref<1x128xi32, #tpu.memory_space<vmem>>
      %get3A_1089 = tpu.memref_squeeze %get3A_1088 : memref<1x128xi32, #tpu.memory_space<vmem>> -> memref<128xi32, #tpu.memory_space<vmem>>
      %get3A_1090 = arith.constant 112 : index
      %get3A_1091 = tpu.vector_load %get3A_1089[%get3A_1090] {strides = array<i32>} : memref<128xi32, #tpu.memory_space<vmem>>, vector<16xi32>,
      %get3A_1092 = vector.shape_cast %get3A_1091 : vector<16xi32> to vector<16xi32>
      %shift_right_logical3A_1093 = arith.constant 14 : i32
      %shift_right_logical3A_1094 = vector.broadcast %shift_right_logical3A_1093 : i32 to vector<16xi32>
      %shift_right_logical3A_1095 = arith.shrui %get3A_1092, %shift_right_logical3A_1094 : vector<16xi32>
      %swap3A_1096 = arith.constant 1 : i32
      %swap3A_1097 = arith.index_cast %swap3A_1096 : i32 to index
      %swap3A_1098 = arith.constant 112 : index
      %swap3A_1099 = tpu.vector_load %arg7[%swap3A_1097, %swap3A_1098] {strides = array<i32>} : memref<2x128xi32, #tpu.memory_space<vmem>>, vector<1x16xi32>,
      %swap3A_1100 = vector.shape_cast %swap3A_1099 : vector<1x16xi32> to vector<16xi32>
      %swap3A_1101 = vector.shape_cast %shift_right_logical3A_1095 : vector<16xi32> to vector<1x16xi32>
      tpu.vector_store %arg7[%swap3A_1097, %swap3A_1098], %swap3A_1101 {strides = array<i32>} : memref<2x128xi32, #tpu.memory_space<vmem>>, vector<1x16xi32>,
      %dma_start3A_1102 = arith.constant 1 : i32
      %dma_start3A_1103 = arith.constant 0 : i32
      %dma_start3A_1104 = tpu.memref_slice %arg7[%dma_start3A_1102, %dma_start3A_1103] : memref<2x128xi32, #tpu.memory_space<vmem>> -> memref<1x128xi32, #tpu.memory_space<vmem>>
      %dma_start3A_1105 = tpu.memref_squeeze %dma_start3A_1104 : memref<1x128xi32, #tpu.memory_space<vmem>> -> memref<128xi32, #tpu.memory_space<vmem>>
      %dma_start3A_1106 = arith.constant 0 : i32
      %dma_start3A_1107 = arith.constant 0 : i32
      %dma_start3A_1108 = tpu.memref_slice %arg2[%dma_start3A_1106, %dma_start3A_1107] : memref<20000x128xf32, #tpu.memory_space<hbm>> -> memref<20000x128xf32, #tpu.memory_space<hbm>>
      tpu.enqueue_indirect_dma source(%dma_start3A_1108 : memref<20000x128xf32, #tpu.memory_space<hbm>>) target(%arg10 : memref<128x128xf32, #tpu.memory_space<vmem>>) offsets(%dma_start3A_1105 : memref<128xi32, #tpu.memory_space<vmem>>) semaphore(%arg12 : memref<!tpu.dma_semaphore, #tpu.memory_space<semaphore_mem>>)
    }
    %scan3A_297 = arith.constant 39 : i32
    %dma_wait3A = arith.constant 0 : i32
    %dma_wait3A_298 = arith.constant 0 : i32
    %dma_wait3A_299 = tpu.memref_slice %arg7[%dma_wait3A, %dma_wait3A_298] : memref<2x128xi32, #tpu.memory_space<vmem>> -> memref<1x128xi32, #tpu.memory_space<vmem>>
    %dma_wait3A_300 = tpu.memref_squeeze %dma_wait3A_299 : memref<1x128xi32, #tpu.memory_space<vmem>> -> memref<128xi32, #tpu.memory_space<vmem>>
    %dma_wait3A_301 = arith.constant 0 : i32
    %dma_wait3A_302 = arith.constant 0 : i32
    %dma_wait3A_303 = tpu.memref_slice %arg2[%dma_wait3A_301, %dma_wait3A_302] : memref<20000x128xf32, #tpu.memory_space<hbm>> -> memref<20000x128xf32, #tpu.memory_space<hbm>>
    tpu.wait_indirect_dma semaphore(%arg11 : memref<!tpu.dma_semaphore, #tpu.memory_space<semaphore_mem>>) src(%dma_wait3A_303 : memref<20000x128xf32, #tpu.memory_space<hbm>>) dst(%arg9 : memref<128x128xf32, #tpu.memory_space<vmem>>)
    %get3A_304 = arith.constant 78 : i32
    %get3A_305 = arith.constant 0 : i32
    %get3A_306 = tpu.memref_slice %arg6[%get3A_304, %get3A_305] : memref<80x128xi32, #tpu.memory_space<vmem>> -> memref<1x128xi32, #tpu.memory_space<vmem>>
    %get3A_307 = tpu.memref_squeeze %get3A_306 : memref<1x128xi32, #tpu.memory_space<vmem>> -> memref<128xi32, #tpu.memory_space<vmem>>
    %get3A_308 = arith.constant 0 : index
    %get3A_309 = tpu.vector_load %get3A_307[%get3A_308] {strides = array<i32>} : memref<128xi32, #tpu.memory_space<vmem>>, vector<16xi32>,
    %get3A_310 = vector.shape_cast %get3A_309 : vector<16xi32> to vector<16xi32>
    %and3A = arith.constant 16383 : i32
    %and3A_311 = vector.broadcast %and3A : i32 to vector<16xi32>
    %and3A_312 = arith.andi %get3A_310, %and3A_311 : vector<16xi32>
    %swap3A_313 = arith.constant 0 : i32
    %swap3A_314 = arith.index_cast %swap3A_313 : i32 to index
    %swap3A_315 = arith.constant 0 : index
    %swap3A_316 = tpu.vector_load %arg8[%swap3A_314, %swap3A_315] {strides = array<i32>} : memref<1x128xi32, #tpu.memory_space<vmem>>, vector<1x16xi32>,
    %swap3A_317 = vector.shape_cast %swap3A_316 : vector<1x16xi32> to vector<16xi32>
    %swap3A_318 = vector.shape_cast %and3A_312 : vector<16xi32> to vector<1x16xi32>
    tpu.vector_store %arg8[%swap3A_314, %swap3A_315], %swap3A_318 {strides = array<i32>} : memref<1x128xi32, #tpu.memory_space<vmem>>, vector<1x16xi32>,
    %get3A_319 = arith.constant 78 : i32
    %get3A_320 = arith.constant 0 : i32
    %get3A_321 = tpu.memref_slice %arg6[%get3A_319, %get3A_320] : memref<80x128xi32, #tpu.memory_space<vmem>> -> memref<1x128xi32, #tpu.memory_space<vmem>>
    %get3A_322 = tpu.memref_squeeze %get3A_321 : memref<1x128xi32, #tpu.memory_space<vmem>> -> memref<128xi32, #tpu.memory_space<vmem>>
    %get3A_323 = arith.constant 16 : index
    %get3A_324 = tpu.vector_load %get3A_322[%get3A_323] {strides = array<i32>} : memref<128xi32, #tpu.memory_space<vmem>>, vector<16xi32>,
    %get3A_325 = vector.shape_cast %get3A_324 : vector<16xi32> to vector<16xi32>
    %and3A_326 = arith.constant 16383 : i32
    %and3A_327 = vector.broadcast %and3A_326 : i32 to vector<16xi32>
    %and3A_328 = arith.andi %get3A_325, %and3A_327 : vector<16xi32>
    %swap3A_329 = arith.constant 0 : i32
    %swap3A_330 = arith.index_cast %swap3A_329 : i32 to index
    %swap3A_331 = arith.constant 16 : index
    %swap3A_332 = tpu.vector_load %arg8[%swap3A_330, %swap3A_331] {strides = array<i32>} : memref<1x128xi32, #tpu.memory_space<vmem>>, vector<1x16xi32>,
    %swap3A_333 = vector.shape_cast %swap3A_332 : vector<1x16xi32> to vector<16xi32>
    %swap3A_334 = vector.shape_cast %and3A_328 : vector<16xi32> to vector<1x16xi32>
    tpu.vector_store %arg8[%swap3A_330, %swap3A_331], %swap3A_334 {strides = array<i32>} : memref<1x128xi32, #tpu.memory_space<vmem>>, vector<1x16xi32>,
    %get3A_335 = arith.constant 78 : i32
    %get3A_336 = arith.constant 0 : i32
    %get3A_337 = tpu.memref_slice %arg6[%get3A_335, %get3A_336] : memref<80x128xi32, #tpu.memory_space<vmem>> -> memref<1x128xi32, #tpu.memory_space<vmem>>
    %get3A_338 = tpu.memref_squeeze %get3A_337 : memref<1x128xi32, #tpu.memory_space<vmem>> -> memref<128xi32, #tpu.memory_space<vmem>>
    %get3A_339 = arith.constant 32 : index
    %get3A_340 = tpu.vector_load %get3A_338[%get3A_339] {strides = array<i32>} : memref<128xi32, #tpu.memory_space<vmem>>, vector<16xi32>,
    %get3A_341 = vector.shape_cast %get3A_340 : vector<16xi32> to vector<16xi32>
    %and3A_342 = arith.constant 16383 : i32
    %and3A_343 = vector.broadcast %and3A_342 : i32 to vector<16xi32>
    %and3A_344 = arith.andi %get3A_341, %and3A_343 : vector<16xi32>
    %swap3A_345 = arith.constant 0 : i32
    %swap3A_346 = arith.index_cast %swap3A_345 : i32 to index
    %swap3A_347 = arith.constant 32 : index
    %swap3A_348 = tpu.vector_load %arg8[%swap3A_346, %swap3A_347] {strides = array<i32>} : memref<1x128xi32, #tpu.memory_space<vmem>>, vector<1x16xi32>,
    %swap3A_349 = vector.shape_cast %swap3A_348 : vector<1x16xi32> to vector<16xi32>
    %swap3A_350 = vector.shape_cast %and3A_344 : vector<16xi32> to vector<1x16xi32>
    tpu.vector_store %arg8[%swap3A_346, %swap3A_347], %swap3A_350 {strides = array<i32>} : memref<1x128xi32, #tpu.memory_space<vmem>>, vector<1x16xi32>,
    %get3A_351 = arith.constant 78 : i32
    %get3A_352 = arith.constant 0 : i32
    %get3A_353 = tpu.memref_slice %arg6[%get3A_351, %get3A_352] : memref<80x128xi32, #tpu.memory_space<vmem>> -> memref<1x128xi32, #tpu.memory_space<vmem>>
    %get3A_354 = tpu.memref_squeeze %get3A_353 : memref<1x128xi32, #tpu.memory_space<vmem>> -> memref<128xi32, #tpu.memory_space<vmem>>
    %get3A_355 = arith.constant 48 : index
    %get3A_356 = tpu.vector_load %get3A_354[%get3A_355] {strides = array<i32>} : memref<128xi32, #tpu.memory_space<vmem>>, vector<16xi32>,
    %get3A_357 = vector.shape_cast %get3A_356 : vector<16xi32> to vector<16xi32>
    %and3A_358 = arith.constant 16383 : i32
    %and3A_359 = vector.broadcast %and3A_358 : i32 to vector<16xi32>
    %and3A_360 = arith.andi %get3A_357, %and3A_359 : vector<16xi32>
    %swap3A_361 = arith.constant 0 : i32
    %swap3A_362 = arith.index_cast %swap3A_361 : i32 to index
    %swap3A_363 = arith.constant 48 : index
    %swap3A_364 = tpu.vector_load %arg8[%swap3A_362, %swap3A_363] {strides = array<i32>} : memref<1x128xi32, #tpu.memory_space<vmem>>, vector<1x16xi32>,
    %swap3A_365 = vector.shape_cast %swap3A_364 : vector<1x16xi32> to vector<16xi32>
    %swap3A_366 = vector.shape_cast %and3A_360 : vector<16xi32> to vector<1x16xi32>
    tpu.vector_store %arg8[%swap3A_362, %swap3A_363], %swap3A_366 {strides = array<i32>} : memref<1x128xi32, #tpu.memory_space<vmem>>, vector<1x16xi32>,
    %get3A_367 = arith.constant 78 : i32
    %get3A_368 = arith.constant 0 : i32
    %get3A_369 = tpu.memref_slice %arg6[%get3A_367, %get3A_368] : memref<80x128xi32, #tpu.memory_space<vmem>> -> memref<1x128xi32, #tpu.memory_space<vmem>>
    %get3A_370 = tpu.memref_squeeze %get3A_369 : memref<1x128xi32, #tpu.memory_space<vmem>> -> memref<128xi32, #tpu.memory_space<vmem>>
    %get3A_371 = arith.constant 64 : index
    %get3A_372 = tpu.vector_load %get3A_370[%get3A_371] {strides = array<i32>} : memref<128xi32, #tpu.memory_space<vmem>>, vector<16xi32>,
    %get3A_373 = vector.shape_cast %get3A_372 : vector<16xi32> to vector<16xi32>
    %and3A_374 = arith.constant 16383 : i32
    %and3A_375 = vector.broadcast %and3A_374 : i32 to vector<16xi32>
    %and3A_376 = arith.andi %get3A_373, %and3A_375 : vector<16xi32>
    %swap3A_377 = arith.constant 0 : i32
    %swap3A_378 = arith.index_cast %swap3A_377 : i32 to index
    %swap3A_379 = arith.constant 64 : index
    %swap3A_380 = tpu.vector_load %arg8[%swap3A_378, %swap3A_379] {strides = array<i32>} : memref<1x128xi32, #tpu.memory_space<vmem>>, vector<1x16xi32>,
    %swap3A_381 = vector.shape_cast %swap3A_380 : vector<1x16xi32> to vector<16xi32>
    %swap3A_382 = vector.shape_cast %and3A_376 : vector<16xi32> to vector<1x16xi32>
    tpu.vector_store %arg8[%swap3A_378, %swap3A_379], %swap3A_382 {strides = array<i32>} : memref<1x128xi32, #tpu.memory_space<vmem>>, vector<1x16xi32>,
    %get3A_383 = arith.constant 78 : i32
    %get3A_384 = arith.constant 0 : i32
    %get3A_385 = tpu.memref_slice %arg6[%get3A_383, %get3A_384] : memref<80x128xi32, #tpu.memory_space<vmem>> -> memref<1x128xi32, #tpu.memory_space<vmem>>
    %get3A_386 = tpu.memref_squeeze %get3A_385 : memref<1x128xi32, #tpu.memory_space<vmem>> -> memref<128xi32, #tpu.memory_space<vmem>>
    %get3A_387 = arith.constant 80 : index
    %get3A_388 = tpu.vector_load %get3A_386[%get3A_387] {strides = array<i32>} : memref<128xi32, #tpu.memory_space<vmem>>, vector<16xi32>,
    %get3A_389 = vector.shape_cast %get3A_388 : vector<16xi32> to vector<16xi32>
    %and3A_390 = arith.constant 16383 : i32
    %and3A_391 = vector.broadcast %and3A_390 : i32 to vector<16xi32>
    %and3A_392 = arith.andi %get3A_389, %and3A_391 : vector<16xi32>
    %swap3A_393 = arith.constant 0 : i32
    %swap3A_394 = arith.index_cast %swap3A_393 : i32 to index
    %swap3A_395 = arith.constant 80 : index
    %swap3A_396 = tpu.vector_load %arg8[%swap3A_394, %swap3A_395] {strides = array<i32>} : memref<1x128xi32, #tpu.memory_space<vmem>>, vector<1x16xi32>,
    %swap3A_397 = vector.shape_cast %swap3A_396 : vector<1x16xi32> to vector<16xi32>
    %swap3A_398 = vector.shape_cast %and3A_392 : vector<16xi32> to vector<1x16xi32>
    tpu.vector_store %arg8[%swap3A_394, %swap3A_395], %swap3A_398 {strides = array<i32>} : memref<1x128xi32, #tpu.memory_space<vmem>>, vector<1x16xi32>,
    %get3A_399 = arith.constant 78 : i32
    %get3A_400 = arith.constant 0 : i32
    %get3A_401 = tpu.memref_slice %arg6[%get3A_399, %get3A_400] : memref<80x128xi32, #tpu.memory_space<vmem>> -> memref<1x128xi32, #tpu.memory_space<vmem>>
    %get3A_402 = tpu.memref_squeeze %get3A_401 : memref<1x128xi32, #tpu.memory_space<vmem>> -> memref<128xi32, #tpu.memory_space<vmem>>
    %get3A_403 = arith.constant 96 : index
    %get3A_404 = tpu.vector_load %get3A_402[%get3A_403] {strides = array<i32>} : memref<128xi32, #tpu.memory_space<vmem>>, vector<16xi32>,
    %get3A_405 = vector.shape_cast %get3A_404 : vector<16xi32> to vector<16xi32>
    %and3A_406 = arith.constant 16383 : i32
    %and3A_407 = vector.broadcast %and3A_406 : i32 to vector<16xi32>
    %and3A_408 = arith.andi %get3A_405, %and3A_407 : vector<16xi32>
    %swap3A_409 = arith.constant 0 : i32
    %swap3A_410 = arith.index_cast %swap3A_409 : i32 to index
    %swap3A_411 = arith.constant 96 : index
    %swap3A_412 = tpu.vector_load %arg8[%swap3A_410, %swap3A_411] {strides = array<i32>} : memref<1x128xi32, #tpu.memory_space<vmem>>, vector<1x16xi32>,
    %swap3A_413 = vector.shape_cast %swap3A_412 : vector<1x16xi32> to vector<16xi32>
    %swap3A_414 = vector.shape_cast %and3A_408 : vector<16xi32> to vector<1x16xi32>
    tpu.vector_store %arg8[%swap3A_410, %swap3A_411], %swap3A_414 {strides = array<i32>} : memref<1x128xi32, #tpu.memory_space<vmem>>, vector<1x16xi32>,
    %get3A_415 = arith.constant 78 : i32
    %get3A_416 = arith.constant 0 : i32
    %get3A_417 = tpu.memref_slice %arg6[%get3A_415, %get3A_416] : memref<80x128xi32, #tpu.memory_space<vmem>> -> memref<1x128xi32, #tpu.memory_space<vmem>>
    %get3A_418 = tpu.memref_squeeze %get3A_417 : memref<1x128xi32, #tpu.memory_space<vmem>> -> memref<128xi32, #tpu.memory_space<vmem>>
    %get3A_419 = arith.constant 112 : index
    %get3A_420 = tpu.vector_load %get3A_418[%get3A_419] {strides = array<i32>} : memref<128xi32, #tpu.memory_space<vmem>>, vector<16xi32>,
    %get3A_421 = vector.shape_cast %get3A_420 : vector<16xi32> to vector<16xi32>
    %and3A_422 = arith.constant 16383 : i32
    %and3A_423 = vector.broadcast %and3A_422 : i32 to vector<16xi32>
    %and3A_424 = arith.andi %get3A_421, %and3A_423 : vector<16xi32>
    %swap3A_425 = arith.constant 0 : i32
    %swap3A_426 = arith.index_cast %swap3A_425 : i32 to index
    %swap3A_427 = arith.constant 112 : index
    %swap3A_428 = tpu.vector_load %arg8[%swap3A_426, %swap3A_427] {strides = array<i32>} : memref<1x128xi32, #tpu.memory_space<vmem>>, vector<1x16xi32>,
    %swap3A_429 = vector.shape_cast %swap3A_428 : vector<1x16xi32> to vector<16xi32>
    %swap3A_430 = vector.shape_cast %and3A_424 : vector<16xi32> to vector<1x16xi32>
    tpu.vector_store %arg8[%swap3A_426, %swap3A_427], %swap3A_430 {strides = array<i32>} : memref<1x128xi32, #tpu.memory_space<vmem>>, vector<1x16xi32>,
    %run_scoped3A = arith.constant 0 : i32
    "tpu.region"() ({
      %run_scoped3A_588 = tpu.sem_alloc : memref<!tpu.dma_semaphore, #tpu.memory_space<semaphore_mem>>
      %dma_start3A_589 = arith.constant 0 : i32
      %dma_start3A_590 = tpu.memref_slice %arg8[%run_scoped3A, %dma_start3A_589] : memref<1x128xi32, #tpu.memory_space<vmem>> -> memref<1x128xi32, #tpu.memory_space<vmem>>
      %dma_start3A_591 = tpu.memref_squeeze %dma_start3A_590 : memref<1x128xi32, #tpu.memory_space<vmem>> -> memref<128xi32, #tpu.memory_space<vmem>>
      %dma_start3A_592 = arith.constant 0 : i32
      %dma_start3A_593 = arith.constant 0 : i32
      %dma_start3A_594 = tpu.memref_slice %arg5[%dma_start3A_592, %dma_start3A_593] : memref<10240x128xf32, #tpu.memory_space<vmem_shared>> -> memref<10240x128xf32, #tpu.memory_space<vmem_shared>>
      tpu.enqueue_indirect_dma source(%arg9 : memref<128x128xf32, #tpu.memory_space<vmem>>) target(%dma_start3A_594 : memref<10240x128xf32, #tpu.memory_space<vmem_shared>>) offsets(%dma_start3A_591 : memref<128xi32, #tpu.memory_space<vmem>>) semaphore(%run_scoped3A_588 : memref<!tpu.dma_semaphore, #tpu.memory_space<semaphore_mem>>) {add = true}
      %dma_wait3A_595 = arith.constant 0 : i32
      %dma_wait3A_596 = tpu.memref_slice %arg8[%run_scoped3A, %dma_wait3A_595] : memref<1x128xi32, #tpu.memory_space<vmem>> -> memref<1x128xi32, #tpu.memory_space<vmem>>
      %dma_wait3A_597 = tpu.memref_squeeze %dma_wait3A_596 : memref<1x128xi32, #tpu.memory_space<vmem>> -> memref<128xi32, #tpu.memory_space<vmem>>
      %dma_wait3A_598 = arith.constant 0 : i32
      %dma_wait3A_599 = arith.constant 0 : i32
      %dma_wait3A_600 = tpu.memref_slice %arg5[%dma_wait3A_598, %dma_wait3A_599] : memref<10240x128xf32, #tpu.memory_space<vmem_shared>> -> memref<10240x128xf32, #tpu.memory_space<vmem_shared>>
      tpu.wait_indirect_dma semaphore(%run_scoped3A_588 : memref<!tpu.dma_semaphore, #tpu.memory_space<semaphore_mem>>) src(%arg9 : memref<128x128xf32, #tpu.memory_space<vmem>>) dst(%dma_wait3A_600 : memref<10240x128xf32, #tpu.memory_space<vmem_shared>>)
      tpu.yield
    }) : () -> ()
    %dma_wait3A_431 = arith.constant 1 : i32
    %dma_wait3A_432 = arith.constant 0 : i32
    %dma_wait3A_433 = tpu.memref_slice %arg7[%dma_wait3A_431, %dma_wait3A_432] : memref<2x128xi32, #tpu.memory_space<vmem>> -> memref<1x128xi32, #tpu.memory_space<vmem>>
    %dma_wait3A_434 = tpu.memref_squeeze %dma_wait3A_433 : memref<1x128xi32, #tpu.memory_space<vmem>> -> memref<128xi32, #tpu.memory_space<vmem>>
    %dma_wait3A_435 = arith.constant 0 : i32
    %dma_wait3A_436 = arith.constant 0 : i32
    %dma_wait3A_437 = tpu.memref_slice %arg2[%dma_wait3A_435, %dma_wait3A_436] : memref<20000x128xf32, #tpu.memory_space<hbm>> -> memref<20000x128xf32, #tpu.memory_space<hbm>>
    tpu.wait_indirect_dma semaphore(%arg12 : memref<!tpu.dma_semaphore, #tpu.memory_space<semaphore_mem>>) src(%dma_wait3A_437 : memref<20000x128xf32, #tpu.memory_space<hbm>>) dst(%arg10 : memref<128x128xf32, #tpu.memory_space<vmem>>)
    %get3A_438 = arith.constant 79 : i32
    %get3A_439 = arith.constant 0 : i32
    %get3A_440 = tpu.memref_slice %arg6[%get3A_438, %get3A_439] : memref<80x128xi32, #tpu.memory_space<vmem>> -> memref<1x128xi32, #tpu.memory_space<vmem>>
    %get3A_441 = tpu.memref_squeeze %get3A_440 : memref<1x128xi32, #tpu.memory_space<vmem>> -> memref<128xi32, #tpu.memory_space<vmem>>
    %get3A_442 = arith.constant 0 : index
    %get3A_443 = tpu.vector_load %get3A_441[%get3A_442] {strides = array<i32>} : memref<128xi32, #tpu.memory_space<vmem>>, vector<16xi32>,
    %get3A_444 = vector.shape_cast %get3A_443 : vector<16xi32> to vector<16xi32>
    %and3A_445 = arith.constant 16383 : i32
    %and3A_446 = vector.broadcast %and3A_445 : i32 to vector<16xi32>
    %and3A_447 = arith.andi %get3A_444, %and3A_446 : vector<16xi32>
    %swap3A_448 = arith.constant 0 : i32
    %swap3A_449 = arith.index_cast %swap3A_448 : i32 to index
    %swap3A_450 = arith.constant 0 : index
    %swap3A_451 = tpu.vector_load %arg8[%swap3A_449, %swap3A_450] {strides = array<i32>} : memref<1x128xi32, #tpu.memory_space<vmem>>, vector<1x16xi32>,
    %swap3A_452 = vector.shape_cast %swap3A_451 : vector<1x16xi32> to vector<16xi32>
    %swap3A_453 = vector.shape_cast %and3A_447 : vector<16xi32> to vector<1x16xi32>
    tpu.vector_store %arg8[%swap3A_449, %swap3A_450], %swap3A_453 {strides = array<i32>} : memref<1x128xi32, #tpu.memory_space<vmem>>, vector<1x16xi32>,
    %get3A_454 = arith.constant 79 : i32
    %get3A_455 = arith.constant 0 : i32
    %get3A_456 = tpu.memref_slice %arg6[%get3A_454, %get3A_455] : memref<80x128xi32, #tpu.memory_space<vmem>> -> memref<1x128xi32, #tpu.memory_space<vmem>>
    %get3A_457 = tpu.memref_squeeze %get3A_456 : memref<1x128xi32, #tpu.memory_space<vmem>> -> memref<128xi32, #tpu.memory_space<vmem>>
    %get3A_458 = arith.constant 16 : index
    %get3A_459 = tpu.vector_load %get3A_457[%get3A_458] {strides = array<i32>} : memref<128xi32, #tpu.memory_space<vmem>>, vector<16xi32>,
    %get3A_460 = vector.shape_cast %get3A_459 : vector<16xi32> to vector<16xi32>
    %and3A_461 = arith.constant 16383 : i32
    %and3A_462 = vector.broadcast %and3A_461 : i32 to vector<16xi32>
    %and3A_463 = arith.andi %get3A_460, %and3A_462 : vector<16xi32>
    %swap3A_464 = arith.constant 0 : i32
    %swap3A_465 = arith.index_cast %swap3A_464 : i32 to index
    %swap3A_466 = arith.constant 16 : index
    %swap3A_467 = tpu.vector_load %arg8[%swap3A_465, %swap3A_466] {strides = array<i32>} : memref<1x128xi32, #tpu.memory_space<vmem>>, vector<1x16xi32>,
    %swap3A_468 = vector.shape_cast %swap3A_467 : vector<1x16xi32> to vector<16xi32>
    %swap3A_469 = vector.shape_cast %and3A_463 : vector<16xi32> to vector<1x16xi32>
    tpu.vector_store %arg8[%swap3A_465, %swap3A_466], %swap3A_469 {strides = array<i32>} : memref<1x128xi32, #tpu.memory_space<vmem>>, vector<1x16xi32>,
    %get3A_470 = arith.constant 79 : i32
    %get3A_471 = arith.constant 0 : i32
    %get3A_472 = tpu.memref_slice %arg6[%get3A_470, %get3A_471] : memref<80x128xi32, #tpu.memory_space<vmem>> -> memref<1x128xi32, #tpu.memory_space<vmem>>
    %get3A_473 = tpu.memref_squeeze %get3A_472 : memref<1x128xi32, #tpu.memory_space<vmem>> -> memref<128xi32, #tpu.memory_space<vmem>>
    %get3A_474 = arith.constant 32 : index
    %get3A_475 = tpu.vector_load %get3A_473[%get3A_474] {strides = array<i32>} : memref<128xi32, #tpu.memory_space<vmem>>, vector<16xi32>,
    %get3A_476 = vector.shape_cast %get3A_475 : vector<16xi32> to vector<16xi32>
    %and3A_477 = arith.constant 16383 : i32
    %and3A_478 = vector.broadcast %and3A_477 : i32 to vector<16xi32>
    %and3A_479 = arith.andi %get3A_476, %and3A_478 : vector<16xi32>
    %swap3A_480 = arith.constant 0 : i32
    %swap3A_481 = arith.index_cast %swap3A_480 : i32 to index
    %swap3A_482 = arith.constant 32 : index
    %swap3A_483 = tpu.vector_load %arg8[%swap3A_481, %swap3A_482] {strides = array<i32>} : memref<1x128xi32, #tpu.memory_space<vmem>>, vector<1x16xi32>,
    %swap3A_484 = vector.shape_cast %swap3A_483 : vector<1x16xi32> to vector<16xi32>
    %swap3A_485 = vector.shape_cast %and3A_479 : vector<16xi32> to vector<1x16xi32>
    tpu.vector_store %arg8[%swap3A_481, %swap3A_482], %swap3A_485 {strides = array<i32>} : memref<1x128xi32, #tpu.memory_space<vmem>>, vector<1x16xi32>,
    %get3A_486 = arith.constant 79 : i32
    %get3A_487 = arith.constant 0 : i32
    %get3A_488 = tpu.memref_slice %arg6[%get3A_486, %get3A_487] : memref<80x128xi32, #tpu.memory_space<vmem>> -> memref<1x128xi32, #tpu.memory_space<vmem>>
    %get3A_489 = tpu.memref_squeeze %get3A_488 : memref<1x128xi32, #tpu.memory_space<vmem>> -> memref<128xi32, #tpu.memory_space<vmem>>
    %get3A_490 = arith.constant 48 : index
    %get3A_491 = tpu.vector_load %get3A_489[%get3A_490] {strides = array<i32>} : memref<128xi32, #tpu.memory_space<vmem>>, vector<16xi32>,
    %get3A_492 = vector.shape_cast %get3A_491 : vector<16xi32> to vector<16xi32>
    %and3A_493 = arith.constant 16383 : i32
    %and3A_494 = vector.broadcast %and3A_493 : i32 to vector<16xi32>
    %and3A_495 = arith.andi %get3A_492, %and3A_494 : vector<16xi32>
    %swap3A_496 = arith.constant 0 : i32
    %swap3A_497 = arith.index_cast %swap3A_496 : i32 to index
    %swap3A_498 = arith.constant 48 : index
    %swap3A_499 = tpu.vector_load %arg8[%swap3A_497, %swap3A_498] {strides = array<i32>} : memref<1x128xi32, #tpu.memory_space<vmem>>, vector<1x16xi32>,
    %swap3A_500 = vector.shape_cast %swap3A_499 : vector<1x16xi32> to vector<16xi32>
    %swap3A_501 = vector.shape_cast %and3A_495 : vector<16xi32> to vector<1x16xi32>
    tpu.vector_store %arg8[%swap3A_497, %swap3A_498], %swap3A_501 {strides = array<i32>} : memref<1x128xi32, #tpu.memory_space<vmem>>, vector<1x16xi32>,
    %get3A_502 = arith.constant 79 : i32
    %get3A_503 = arith.constant 0 : i32
    %get3A_504 = tpu.memref_slice %arg6[%get3A_502, %get3A_503] : memref<80x128xi32, #tpu.memory_space<vmem>> -> memref<1x128xi32, #tpu.memory_space<vmem>>
    %get3A_505 = tpu.memref_squeeze %get3A_504 : memref<1x128xi32, #tpu.memory_space<vmem>> -> memref<128xi32, #tpu.memory_space<vmem>>
    %get3A_506 = arith.constant 64 : index
    %get3A_507 = tpu.vector_load %get3A_505[%get3A_506] {strides = array<i32>} : memref<128xi32, #tpu.memory_space<vmem>>, vector<16xi32>,
    %get3A_508 = vector.shape_cast %get3A_507 : vector<16xi32> to vector<16xi32>
    %and3A_509 = arith.constant 16383 : i32
    %and3A_510 = vector.broadcast %and3A_509 : i32 to vector<16xi32>
    %and3A_511 = arith.andi %get3A_508, %and3A_510 : vector<16xi32>
    %swap3A_512 = arith.constant 0 : i32
    %swap3A_513 = arith.index_cast %swap3A_512 : i32 to index
    %swap3A_514 = arith.constant 64 : index
    %swap3A_515 = tpu.vector_load %arg8[%swap3A_513, %swap3A_514] {strides = array<i32>} : memref<1x128xi32, #tpu.memory_space<vmem>>, vector<1x16xi32>,
    %swap3A_516 = vector.shape_cast %swap3A_515 : vector<1x16xi32> to vector<16xi32>
    %swap3A_517 = vector.shape_cast %and3A_511 : vector<16xi32> to vector<1x16xi32>
    tpu.vector_store %arg8[%swap3A_513, %swap3A_514], %swap3A_517 {strides = array<i32>} : memref<1x128xi32, #tpu.memory_space<vmem>>, vector<1x16xi32>,
    %get3A_518 = arith.constant 79 : i32
    %get3A_519 = arith.constant 0 : i32
    %get3A_520 = tpu.memref_slice %arg6[%get3A_518, %get3A_519] : memref<80x128xi32, #tpu.memory_space<vmem>> -> memref<1x128xi32, #tpu.memory_space<vmem>>
    %get3A_521 = tpu.memref_squeeze %get3A_520 : memref<1x128xi32, #tpu.memory_space<vmem>> -> memref<128xi32, #tpu.memory_space<vmem>>
    %get3A_522 = arith.constant 80 : index
    %get3A_523 = tpu.vector_load %get3A_521[%get3A_522] {strides = array<i32>} : memref<128xi32, #tpu.memory_space<vmem>>, vector<16xi32>,
    %get3A_524 = vector.shape_cast %get3A_523 : vector<16xi32> to vector<16xi32>
    %and3A_525 = arith.constant 16383 : i32
    %and3A_526 = vector.broadcast %and3A_525 : i32 to vector<16xi32>
    %and3A_527 = arith.andi %get3A_524, %and3A_526 : vector<16xi32>
    %swap3A_528 = arith.constant 0 : i32
    %swap3A_529 = arith.index_cast %swap3A_528 : i32 to index
    %swap3A_530 = arith.constant 80 : index
    %swap3A_531 = tpu.vector_load %arg8[%swap3A_529, %swap3A_530] {strides = array<i32>} : memref<1x128xi32, #tpu.memory_space<vmem>>, vector<1x16xi32>,
    %swap3A_532 = vector.shape_cast %swap3A_531 : vector<1x16xi32> to vector<16xi32>
    %swap3A_533 = vector.shape_cast %and3A_527 : vector<16xi32> to vector<1x16xi32>
    tpu.vector_store %arg8[%swap3A_529, %swap3A_530], %swap3A_533 {strides = array<i32>} : memref<1x128xi32, #tpu.memory_space<vmem>>, vector<1x16xi32>,
    %get3A_534 = arith.constant 79 : i32
    %get3A_535 = arith.constant 0 : i32
    %get3A_536 = tpu.memref_slice %arg6[%get3A_534, %get3A_535] : memref<80x128xi32, #tpu.memory_space<vmem>> -> memref<1x128xi32, #tpu.memory_space<vmem>>
    %get3A_537 = tpu.memref_squeeze %get3A_536 : memref<1x128xi32, #tpu.memory_space<vmem>> -> memref<128xi32, #tpu.memory_space<vmem>>
    %get3A_538 = arith.constant 96 : index
    %get3A_539 = tpu.vector_load %get3A_537[%get3A_538] {strides = array<i32>} : memref<128xi32, #tpu.memory_space<vmem>>, vector<16xi32>,
    %get3A_540 = vector.shape_cast %get3A_539 : vector<16xi32> to vector<16xi32>
    %and3A_541 = arith.constant 16383 : i32
    %and3A_542 = vector.broadcast %and3A_541 : i32 to vector<16xi32>
    %and3A_543 = arith.andi %get3A_540, %and3A_542 : vector<16xi32>
    %swap3A_544 = arith.constant 0 : i32
    %swap3A_545 = arith.index_cast %swap3A_544 : i32 to index
    %swap3A_546 = arith.constant 96 : index
    %swap3A_547 = tpu.vector_load %arg8[%swap3A_545, %swap3A_546] {strides = array<i32>} : memref<1x128xi32, #tpu.memory_space<vmem>>, vector<1x16xi32>,
    %swap3A_548 = vector.shape_cast %swap3A_547 : vector<1x16xi32> to vector<16xi32>
    %swap3A_549 = vector.shape_cast %and3A_543 : vector<16xi32> to vector<1x16xi32>
    tpu.vector_store %arg8[%swap3A_545, %swap3A_546], %swap3A_549 {strides = array<i32>} : memref<1x128xi32, #tpu.memory_space<vmem>>, vector<1x16xi32>,
    %get3A_550 = arith.constant 79 : i32
    %get3A_551 = arith.constant 0 : i32
    %get3A_552 = tpu.memref_slice %arg6[%get3A_550, %get3A_551] : memref<80x128xi32, #tpu.memory_space<vmem>> -> memref<1x128xi32, #tpu.memory_space<vmem>>
    %get3A_553 = tpu.memref_squeeze %get3A_552 : memref<1x128xi32, #tpu.memory_space<vmem>> -> memref<128xi32, #tpu.memory_space<vmem>>
    %get3A_554 = arith.constant 112 : index
    %get3A_555 = tpu.vector_load %get3A_553[%get3A_554] {strides = array<i32>} : memref<128xi32, #tpu.memory_space<vmem>>, vector<16xi32>,
    %get3A_556 = vector.shape_cast %get3A_555 : vector<16xi32> to vector<16xi32>
    %and3A_557 = arith.constant 16383 : i32
    %and3A_558 = vector.broadcast %and3A_557 : i32 to vector<16xi32>
    %and3A_559 = arith.andi %get3A_556, %and3A_558 : vector<16xi32>
    %swap3A_560 = arith.constant 0 : i32
    %swap3A_561 = arith.index_cast %swap3A_560 : i32 to index
    %swap3A_562 = arith.constant 112 : index
    %swap3A_563 = tpu.vector_load %arg8[%swap3A_561, %swap3A_562] {strides = array<i32>} : memref<1x128xi32, #tpu.memory_space<vmem>>, vector<1x16xi32>,
    %swap3A_564 = vector.shape_cast %swap3A_563 : vector<1x16xi32> to vector<16xi32>
    %swap3A_565 = vector.shape_cast %and3A_559 : vector<16xi32> to vector<1x16xi32>
    tpu.vector_store %arg8[%swap3A_561, %swap3A_562], %swap3A_565 {strides = array<i32>} : memref<1x128xi32, #tpu.memory_space<vmem>>, vector<1x16xi32>,
    %run_scoped3A_566 = arith.constant 0 : i32
    "tpu.region"() ({
      %run_scoped3A_588 = tpu.sem_alloc : memref<!tpu.dma_semaphore, #tpu.memory_space<semaphore_mem>>
      %dma_start3A_589 = arith.constant 0 : i32
      %dma_start3A_590 = tpu.memref_slice %arg8[%run_scoped3A_566, %dma_start3A_589] : memref<1x128xi32, #tpu.memory_space<vmem>> -> memref<1x128xi32, #tpu.memory_space<vmem>>
      %dma_start3A_591 = tpu.memref_squeeze %dma_start3A_590 : memref<1x128xi32, #tpu.memory_space<vmem>> -> memref<128xi32, #tpu.memory_space<vmem>>
      %dma_start3A_592 = arith.constant 0 : i32
      %dma_start3A_593 = arith.constant 0 : i32
      %dma_start3A_594 = tpu.memref_slice %arg5[%dma_start3A_592, %dma_start3A_593] : memref<10240x128xf32, #tpu.memory_space<vmem_shared>> -> memref<10240x128xf32, #tpu.memory_space<vmem_shared>>
      tpu.enqueue_indirect_dma source(%arg10 : memref<128x128xf32, #tpu.memory_space<vmem>>) target(%dma_start3A_594 : memref<10240x128xf32, #tpu.memory_space<vmem_shared>>) offsets(%dma_start3A_591 : memref<128xi32, #tpu.memory_space<vmem>>) semaphore(%run_scoped3A_588 : memref<!tpu.dma_semaphore, #tpu.memory_space<semaphore_mem>>) {add = true}
      %dma_wait3A_595 = arith.constant 0 : i32
      %dma_wait3A_596 = tpu.memref_slice %arg8[%run_scoped3A_566, %dma_wait3A_595] : memref<1x128xi32, #tpu.memory_space<vmem>> -> memref<1x128xi32, #tpu.memory_space<vmem>>
      %dma_wait3A_597 = tpu.memref_squeeze %dma_wait3A_596 : memref<1x128xi32, #tpu.memory_space<vmem>> -> memref<128xi32, #tpu.memory_space<vmem>>
      %dma_wait3A_598 = arith.constant 0 : i32
      %dma_wait3A_599 = arith.constant 0 : i32
      %dma_wait3A_600 = tpu.memref_slice %arg5[%dma_wait3A_598, %dma_wait3A_599] : memref<10240x128xf32, #tpu.memory_space<vmem_shared>> -> memref<10240x128xf32, #tpu.memory_space<vmem_shared>>
      tpu.wait_indirect_dma semaphore(%run_scoped3A_588 : memref<!tpu.dma_semaphore, #tpu.memory_space<semaphore_mem>>) src(%arg10 : memref<128x128xf32, #tpu.memory_space<vmem>>) dst(%dma_wait3A_600 : memref<10240x128xf32, #tpu.memory_space<vmem_shared>>)
      tpu.yield
    }) : () -> ()
    %barrier3A_567 = arith.constant 0 : index
    tpu.barrier barrier_id(%barrier3A_567)
    %mul3A_568 = arith.constant 640 : i32
    %mul3A_569 = arith.muli %arg1, %mul3A_568 : i32
    %add3A_570 = arith.constant 0 : i32
    %add3A_571 = arith.addi %mul3A_569, %add3A_570 : i32
    "tpu.region"() ({
      %run_scoped3A_588 = tpu.sem_alloc : memref<!tpu.dma_semaphore, #tpu.memory_space<semaphore_mem>>
      %dma_start3A_589 = arith.constant 0 : i32
      %dma_start3A_590 = tpu.memref_slice %arg5[%add3A_571, %dma_start3A_589] : memref<10240x128xf32, #tpu.memory_space<vmem_shared>> -> memref<128x128xf32, #tpu.memory_space<vmem_shared>>
      %dma_start3A_591 = arith.constant 0 : i32
      %dma_start3A_592 = tpu.memref_slice %arg5[%add3A_571, %dma_start3A_591] : memref<10240x128xf32, #tpu.memory_space<vmem_shared>> -> memref<128x128xf32, #tpu.memory_space<vmem_shared>>
      tpu.enqueue_dma source(%dma_start3A_592 : memref<128x128xf32, #tpu.memory_space<vmem_shared>>) target(%arg9 : memref<128x128xf32, #tpu.memory_space<vmem>>) target_semaphore(%run_scoped3A_588 : memref<!tpu.dma_semaphore, #tpu.memory_space<semaphore_mem>>)
      %dma_wait3A_593 = arith.constant 0 : i32
      %dma_wait3A_594 = tpu.memref_slice %arg5[%add3A_571, %dma_wait3A_593] : memref<10240x128xf32, #tpu.memory_space<vmem_shared>> -> memref<128x128xf32, #tpu.memory_space<vmem_shared>>
      %dma_wait3A_595 = arith.constant 0 : i32
      %dma_wait3A_596 = tpu.memref_slice %arg5[%add3A_571, %dma_wait3A_595] : memref<10240x128xf32, #tpu.memory_space<vmem_shared>> -> memref<128x128xf32, #tpu.memory_space<vmem_shared>>
      tpu.wait_dma2 semaphore(%run_scoped3A_588 : memref<!tpu.dma_semaphore, #tpu.memory_space<semaphore_mem>>) src(%dma_wait3A_596 : memref<128x128xf32, #tpu.memory_space<vmem_shared>>) dst(%arg9 : memref<128x128xf32, #tpu.memory_space<vmem>>)
      tpu.yield
    }) : () -> ()
    "tpu.region"() ({
      %run_scoped3A_588 = tpu.sem_alloc : memref<!tpu.dma_semaphore, #tpu.memory_space<semaphore_mem>>
      %dma_start3A_589 = arith.constant 0 : i32
      %dma_start3A_590 = tpu.memref_slice %arg4[%arg0, %add3A_571, %dma_start3A_589] : memref<2x10240x128xf32, #tpu.memory_space<hbm>> -> memref<1x128x128xf32, #tpu.memory_space<hbm>>
      %dma_start3A_591 = tpu.memref_squeeze %dma_start3A_590 : memref<1x128x128xf32, #tpu.memory_space<hbm>> -> memref<128x128xf32, #tpu.memory_space<hbm>>
      %dma_start3A_592 = arith.constant 0 : i32
      %dma_start3A_593 = tpu.memref_slice %arg4[%arg0, %add3A_571, %dma_start3A_592] : memref<2x10240x128xf32, #tpu.memory_space<hbm>> -> memref<1x128x128xf32, #tpu.memory_space<hbm>>
      %dma_start3A_594 = tpu.memref_squeeze %dma_start3A_593 : memref<1x128x128xf32, #tpu.memory_space<hbm>> -> memref<128x128xf32, #tpu.memory_space<hbm>>
      tpu.enqueue_dma source(%arg9 : memref<128x128xf32, #tpu.memory_space<vmem>>) target(%dma_start3A_594 : memref<128x128xf32, #tpu.memory_space<hbm>>) target_semaphore(%run_scoped3A_588 : memref<!tpu.dma_semaphore, #tpu.memory_space<semaphore_mem>>)
      %dma_wait3A_595 = arith.constant 0 : i32
      %dma_wait3A_596 = tpu.memref_slice %arg4[%arg0, %add3A_571, %dma_wait3A_595] : memref<2x10240x128xf32, #tpu.memory_space<hbm>> -> memref<1x128x128xf32, #tpu.memory_space<hbm>>
      %dma_wait3A_597 = tpu.memref_squeeze %dma_wait3A_596 : memref<1x128x128xf32, #tpu.memory_space<hbm>> -> memref<128x128xf32, #tpu.memory_space<hbm>>
      %dma_wait3A_598 = arith.constant 0 : i32
      %dma_wait3A_599 = tpu.memref_slice %arg4[%arg0, %add3A_571, %dma_wait3A_598] : memref<2x10240x128xf32, #tpu.memory_space<hbm>> -> memref<1x128x128xf32, #tpu.memory_space<hbm>>
      %dma_wait3A_600 = tpu.memref_squeeze %dma_wait3A_599 : memref<1x128x128xf32, #tpu.memory_space<hbm>> -> memref<128x128xf32, #tpu.memory_space<hbm>>
      tpu.wait_dma2 semaphore(%run_scoped3A_588 : memref<!tpu.dma_semaphore, #tpu.memory_space<semaphore_mem>>) src(%arg9 : memref<128x128xf32, #tpu.memory_space<vmem>>) dst(%dma_wait3A_600 : memref<128x128xf32, #tpu.memory_space<hbm>>)
      tpu.yield
    }) : () -> ()
    %mul3A_572 = arith.constant 640 : i32
    %mul3A_573 = arith.muli %arg1, %mul3A_572 : i32
    %add3A_574 = arith.constant 128 : i32
    %add3A_575 = arith.addi %mul3A_573, %add3A_574 : i32
    "tpu.region"() ({
      %run_scoped3A_588 = tpu.sem_alloc : memref<!tpu.dma_semaphore, #tpu.memory_space<semaphore_mem>>
      %dma_start3A_589 = arith.constant 0 : i32
      %dma_start3A_590 = tpu.memref_slice %arg5[%add3A_575, %dma_start3A_589] : memref<10240x128xf32, #tpu.memory_space<vmem_shared>> -> memref<128x128xf32, #tpu.memory_space<vmem_shared>>
      %dma_start3A_591 = arith.constant 0 : i32
      %dma_start3A_592 = tpu.memref_slice %arg5[%add3A_575, %dma_start3A_591] : memref<10240x128xf32, #tpu.memory_space<vmem_shared>> -> memref<128x128xf32, #tpu.memory_space<vmem_shared>>
      tpu.enqueue_dma source(%dma_start3A_592 : memref<128x128xf32, #tpu.memory_space<vmem_shared>>) target(%arg9 : memref<128x128xf32, #tpu.memory_space<vmem>>) target_semaphore(%run_scoped3A_588 : memref<!tpu.dma_semaphore, #tpu.memory_space<semaphore_mem>>)
      %dma_wait3A_593 = arith.constant 0 : i32
      %dma_wait3A_594 = tpu.memref_slice %arg5[%add3A_575, %dma_wait3A_593] : memref<10240x128xf32, #tpu.memory_space<vmem_shared>> -> memref<128x128xf32, #tpu.memory_space<vmem_shared>>
      %dma_wait3A_595 = arith.constant 0 : i32
      %dma_wait3A_596 = tpu.memref_slice %arg5[%add3A_575, %dma_wait3A_595] : memref<10240x128xf32, #tpu.memory_space<vmem_shared>> -> memref<128x128xf32, #tpu.memory_space<vmem_shared>>
      tpu.wait_dma2 semaphore(%run_scoped3A_588 : memref<!tpu.dma_semaphore, #tpu.memory_space<semaphore_mem>>) src(%dma_wait3A_596 : memref<128x128xf32, #tpu.memory_space<vmem_shared>>) dst(%arg9 : memref<128x128xf32, #tpu.memory_space<vmem>>)
      tpu.yield
    }) : () -> ()
    "tpu.region"() ({
      %run_scoped3A_588 = tpu.sem_alloc : memref<!tpu.dma_semaphore, #tpu.memory_space<semaphore_mem>>
      %dma_start3A_589 = arith.constant 0 : i32
      %dma_start3A_590 = tpu.memref_slice %arg4[%arg0, %add3A_575, %dma_start3A_589] : memref<2x10240x128xf32, #tpu.memory_space<hbm>> -> memref<1x128x128xf32, #tpu.memory_space<hbm>>
      %dma_start3A_591 = tpu.memref_squeeze %dma_start3A_590 : memref<1x128x128xf32, #tpu.memory_space<hbm>> -> memref<128x128xf32, #tpu.memory_space<hbm>>
      %dma_start3A_592 = arith.constant 0 : i32
      %dma_start3A_593 = tpu.memref_slice %arg4[%arg0, %add3A_575, %dma_start3A_592] : memref<2x10240x128xf32, #tpu.memory_space<hbm>> -> memref<1x128x128xf32, #tpu.memory_space<hbm>>
      %dma_start3A_594 = tpu.memref_squeeze %dma_start3A_593 : memref<1x128x128xf32, #tpu.memory_space<hbm>> -> memref<128x128xf32, #tpu.memory_space<hbm>>
      tpu.enqueue_dma source(%arg9 : memref<128x128xf32, #tpu.memory_space<vmem>>) target(%dma_start3A_594 : memref<128x128xf32, #tpu.memory_space<hbm>>) target_semaphore(%run_scoped3A_588 : memref<!tpu.dma_semaphore, #tpu.memory_space<semaphore_mem>>)
      %dma_wait3A_595 = arith.constant 0 : i32
      %dma_wait3A_596 = tpu.memref_slice %arg4[%arg0, %add3A_575, %dma_wait3A_595] : memref<2x10240x128xf32, #tpu.memory_space<hbm>> -> memref<1x128x128xf32, #tpu.memory_space<hbm>>
      %dma_wait3A_597 = tpu.memref_squeeze %dma_wait3A_596 : memref<1x128x128xf32, #tpu.memory_space<hbm>> -> memref<128x128xf32, #tpu.memory_space<hbm>>
      %dma_wait3A_598 = arith.constant 0 : i32
      %dma_wait3A_599 = tpu.memref_slice %arg4[%arg0, %add3A_575, %dma_wait3A_598] : memref<2x10240x128xf32, #tpu.memory_space<hbm>> -> memref<1x128x128xf32, #tpu.memory_space<hbm>>
      %dma_wait3A_600 = tpu.memref_squeeze %dma_wait3A_599 : memref<1x128x128xf32, #tpu.memory_space<hbm>> -> memref<128x128xf32, #tpu.memory_space<hbm>>
      tpu.wait_dma2 semaphore(%run_scoped3A_588 : memref<!tpu.dma_semaphore, #tpu.memory_space<semaphore_mem>>) src(%arg9 : memref<128x128xf32, #tpu.memory_space<vmem>>) dst(%dma_wait3A_600 : memref<128x128xf32, #tpu.memory_space<hbm>>)
      tpu.yield
    }) : () -> ()
    %mul3A_576 = arith.constant 640 : i32
    %mul3A_577 = arith.muli %arg1, %mul3A_576 : i32
    %add3A_578 = arith.constant 256 : i32
    %add3A_579 = arith.addi %mul3A_577, %add3A_578 : i32
    "tpu.region"() ({
      %run_scoped3A_588 = tpu.sem_alloc : memref<!tpu.dma_semaphore, #tpu.memory_space<semaphore_mem>>
      %dma_start3A_589 = arith.constant 0 : i32
      %dma_start3A_590 = tpu.memref_slice %arg5[%add3A_579, %dma_start3A_589] : memref<10240x128xf32, #tpu.memory_space<vmem_shared>> -> memref<128x128xf32, #tpu.memory_space<vmem_shared>>
      %dma_start3A_591 = arith.constant 0 : i32
      %dma_start3A_592 = tpu.memref_slice %arg5[%add3A_579, %dma_start3A_591] : memref<10240x128xf32, #tpu.memory_space<vmem_shared>> -> memref<128x128xf32, #tpu.memory_space<vmem_shared>>
      tpu.enqueue_dma source(%dma_start3A_592 : memref<128x128xf32, #tpu.memory_space<vmem_shared>>) target(%arg9 : memref<128x128xf32, #tpu.memory_space<vmem>>) target_semaphore(%run_scoped3A_588 : memref<!tpu.dma_semaphore, #tpu.memory_space<semaphore_mem>>)
      %dma_wait3A_593 = arith.constant 0 : i32
      %dma_wait3A_594 = tpu.memref_slice %arg5[%add3A_579, %dma_wait3A_593] : memref<10240x128xf32, #tpu.memory_space<vmem_shared>> -> memref<128x128xf32, #tpu.memory_space<vmem_shared>>
      %dma_wait3A_595 = arith.constant 0 : i32
      %dma_wait3A_596 = tpu.memref_slice %arg5[%add3A_579, %dma_wait3A_595] : memref<10240x128xf32, #tpu.memory_space<vmem_shared>> -> memref<128x128xf32, #tpu.memory_space<vmem_shared>>
      tpu.wait_dma2 semaphore(%run_scoped3A_588 : memref<!tpu.dma_semaphore, #tpu.memory_space<semaphore_mem>>) src(%dma_wait3A_596 : memref<128x128xf32, #tpu.memory_space<vmem_shared>>) dst(%arg9 : memref<128x128xf32, #tpu.memory_space<vmem>>)
      tpu.yield
    }) : () -> ()
    "tpu.region"() ({
      %run_scoped3A_588 = tpu.sem_alloc : memref<!tpu.dma_semaphore, #tpu.memory_space<semaphore_mem>>
      %dma_start3A_589 = arith.constant 0 : i32
      %dma_start3A_590 = tpu.memref_slice %arg4[%arg0, %add3A_579, %dma_start3A_589] : memref<2x10240x128xf32, #tpu.memory_space<hbm>> -> memref<1x128x128xf32, #tpu.memory_space<hbm>>
      %dma_start3A_591 = tpu.memref_squeeze %dma_start3A_590 : memref<1x128x128xf32, #tpu.memory_space<hbm>> -> memref<128x128xf32, #tpu.memory_space<hbm>>
      %dma_start3A_592 = arith.constant 0 : i32
      %dma_start3A_593 = tpu.memref_slice %arg4[%arg0, %add3A_579, %dma_start3A_592] : memref<2x10240x128xf32, #tpu.memory_space<hbm>> -> memref<1x128x128xf32, #tpu.memory_space<hbm>>
      %dma_start3A_594 = tpu.memref_squeeze %dma_start3A_593 : memref<1x128x128xf32, #tpu.memory_space<hbm>> -> memref<128x128xf32, #tpu.memory_space<hbm>>
      tpu.enqueue_dma source(%arg9 : memref<128x128xf32, #tpu.memory_space<vmem>>) target(%dma_start3A_594 : memref<128x128xf32, #tpu.memory_space<hbm>>) target_semaphore(%run_scoped3A_588 : memref<!tpu.dma_semaphore, #tpu.memory_space<semaphore_mem>>)
      %dma_wait3A_595 = arith.constant 0 : i32
      %dma_wait3A_596 = tpu.memref_slice %arg4[%arg0, %add3A_579, %dma_wait3A_595] : memref<2x10240x128xf32, #tpu.memory_space<hbm>> -> memref<1x128x128xf32, #tpu.memory_space<hbm>>
      %dma_wait3A_597 = tpu.memref_squeeze %dma_wait3A_596 : memref<1x128x128xf32, #tpu.memory_space<hbm>> -> memref<128x128xf32, #tpu.memory_space<hbm>>
      %dma_wait3A_598 = arith.constant 0 : i32
      %dma_wait3A_599 = tpu.memref_slice %arg4[%arg0, %add3A_579, %dma_wait3A_598] : memref<2x10240x128xf32, #tpu.memory_space<hbm>> -> memref<1x128x128xf32, #tpu.memory_space<hbm>>
      %dma_wait3A_600 = tpu.memref_squeeze %dma_wait3A_599 : memref<1x128x128xf32, #tpu.memory_space<hbm>> -> memref<128x128xf32, #tpu.memory_space<hbm>>
      tpu.wait_dma2 semaphore(%run_scoped3A_588 : memref<!tpu.dma_semaphore, #tpu.memory_space<semaphore_mem>>) src(%arg9 : memref<128x128xf32, #tpu.memory_space<vmem>>) dst(%dma_wait3A_600 : memref<128x128xf32, #tpu.memory_space<hbm>>)
      tpu.yield
    }) : () -> ()
    %mul3A_580 = arith.constant 640 : i32
    %mul3A_581 = arith.muli %arg1, %mul3A_580 : i32
    %add3A_582 = arith.constant 384 : i32
    %add3A_583 = arith.addi %mul3A_581, %add3A_582 : i32
    "tpu.region"() ({
      %run_scoped3A_588 = tpu.sem_alloc : memref<!tpu.dma_semaphore, #tpu.memory_space<semaphore_mem>>
      %dma_start3A_589 = arith.constant 0 : i32
      %dma_start3A_590 = tpu.memref_slice %arg5[%add3A_583, %dma_start3A_589] : memref<10240x128xf32, #tpu.memory_space<vmem_shared>> -> memref<128x128xf32, #tpu.memory_space<vmem_shared>>
      %dma_start3A_591 = arith.constant 0 : i32
      %dma_start3A_592 = tpu.memref_slice %arg5[%add3A_583, %dma_start3A_591] : memref<10240x128xf32, #tpu.memory_space<vmem_shared>> -> memref<128x128xf32, #tpu.memory_space<vmem_shared>>
      tpu.enqueue_dma source(%dma_start3A_592 : memref<128x128xf32, #tpu.memory_space<vmem_shared>>) target(%arg9 : memref<128x128xf32, #tpu.memory_space<vmem>>) target_semaphore(%run_scoped3A_588 : memref<!tpu.dma_semaphore, #tpu.memory_space<semaphore_mem>>)
      %dma_wait3A_593 = arith.constant 0 : i32
      %dma_wait3A_594 = tpu.memref_slice %arg5[%add3A_583, %dma_wait3A_593] : memref<10240x128xf32, #tpu.memory_space<vmem_shared>> -> memref<128x128xf32, #tpu.memory_space<vmem_shared>>
      %dma_wait3A_595 = arith.constant 0 : i32
      %dma_wait3A_596 = tpu.memref_slice %arg5[%add3A_583, %dma_wait3A_595] : memref<10240x128xf32, #tpu.memory_space<vmem_shared>> -> memref<128x128xf32, #tpu.memory_space<vmem_shared>>
      tpu.wait_dma2 semaphore(%run_scoped3A_588 : memref<!tpu.dma_semaphore, #tpu.memory_space<semaphore_mem>>) src(%dma_wait3A_596 : memref<128x128xf32, #tpu.memory_space<vmem_shared>>) dst(%arg9 : memref<128x128xf32, #tpu.memory_space<vmem>>)
      tpu.yield
    }) : () -> ()
    "tpu.region"() ({
      %run_scoped3A_588 = tpu.sem_alloc : memref<!tpu.dma_semaphore, #tpu.memory_space<semaphore_mem>>
      %dma_start3A_589 = arith.constant 0 : i32
      %dma_start3A_590 = tpu.memref_slice %arg4[%arg0, %add3A_583, %dma_start3A_589] : memref<2x10240x128xf32, #tpu.memory_space<hbm>> -> memref<1x128x128xf32, #tpu.memory_space<hbm>>
      %dma_start3A_591 = tpu.memref_squeeze %dma_start3A_590 : memref<1x128x128xf32, #tpu.memory_space<hbm>> -> memref<128x128xf32, #tpu.memory_space<hbm>>
      %dma_start3A_592 = arith.constant 0 : i32
      %dma_start3A_593 = tpu.memref_slice %arg4[%arg0, %add3A_583, %dma_start3A_592] : memref<2x10240x128xf32, #tpu.memory_space<hbm>> -> memref<1x128x128xf32, #tpu.memory_space<hbm>>
      %dma_start3A_594 = tpu.memref_squeeze %dma_start3A_593 : memref<1x128x128xf32, #tpu.memory_space<hbm>> -> memref<128x128xf32, #tpu.memory_space<hbm>>
      tpu.enqueue_dma source(%arg9 : memref<128x128xf32, #tpu.memory_space<vmem>>) target(%dma_start3A_594 : memref<128x128xf32, #tpu.memory_space<hbm>>) target_semaphore(%run_scoped3A_588 : memref<!tpu.dma_semaphore, #tpu.memory_space<semaphore_mem>>)
      %dma_wait3A_595 = arith.constant 0 : i32
      %dma_wait3A_596 = tpu.memref_slice %arg4[%arg0, %add3A_583, %dma_wait3A_595] : memref<2x10240x128xf32, #tpu.memory_space<hbm>> -> memref<1x128x128xf32, #tpu.memory_space<hbm>>
      %dma_wait3A_597 = tpu.memref_squeeze %dma_wait3A_596 : memref<1x128x128xf32, #tpu.memory_space<hbm>> -> memref<128x128xf32, #tpu.memory_space<hbm>>
      %dma_wait3A_598 = arith.constant 0 : i32
      %dma_wait3A_599 = tpu.memref_slice %arg4[%arg0, %add3A_583, %dma_wait3A_598] : memref<2x10240x128xf32, #tpu.memory_space<hbm>> -> memref<1x128x128xf32, #tpu.memory_space<hbm>>
      %dma_wait3A_600 = tpu.memref_squeeze %dma_wait3A_599 : memref<1x128x128xf32, #tpu.memory_space<hbm>> -> memref<128x128xf32, #tpu.memory_space<hbm>>
      tpu.wait_dma2 semaphore(%run_scoped3A_588 : memref<!tpu.dma_semaphore, #tpu.memory_space<semaphore_mem>>) src(%arg9 : memref<128x128xf32, #tpu.memory_space<vmem>>) dst(%dma_wait3A_600 : memref<128x128xf32, #tpu.memory_space<hbm>>)
      tpu.yield
    }) : () -> ()
    %mul3A_584 = arith.constant 640 : i32
    %mul3A_585 = arith.muli %arg1, %mul3A_584 : i32
    %add3A_586 = arith.constant 512 : i32
    %add3A_587 = arith.addi %mul3A_585, %add3A_586 : i32
    "tpu.region"() ({
      %run_scoped3A_588 = tpu.sem_alloc : memref<!tpu.dma_semaphore, #tpu.memory_space<semaphore_mem>>
      %dma_start3A_589 = arith.constant 0 : i32
      %dma_start3A_590 = tpu.memref_slice %arg5[%add3A_587, %dma_start3A_589] : memref<10240x128xf32, #tpu.memory_space<vmem_shared>> -> memref<128x128xf32, #tpu.memory_space<vmem_shared>>
      %dma_start3A_591 = arith.constant 0 : i32
      %dma_start3A_592 = tpu.memref_slice %arg5[%add3A_587, %dma_start3A_591] : memref<10240x128xf32, #tpu.memory_space<vmem_shared>> -> memref<128x128xf32, #tpu.memory_space<vmem_shared>>
      tpu.enqueue_dma source(%dma_start3A_592 : memref<128x128xf32, #tpu.memory_space<vmem_shared>>) target(%arg9 : memref<128x128xf32, #tpu.memory_space<vmem>>) target_semaphore(%run_scoped3A_588 : memref<!tpu.dma_semaphore, #tpu.memory_space<semaphore_mem>>)
      %dma_wait3A_593 = arith.constant 0 : i32
      %dma_wait3A_594 = tpu.memref_slice %arg5[%add3A_587, %dma_wait3A_593] : memref<10240x128xf32, #tpu.memory_space<vmem_shared>> -> memref<128x128xf32, #tpu.memory_space<vmem_shared>>
      %dma_wait3A_595 = arith.constant 0 : i32
      %dma_wait3A_596 = tpu.memref_slice %arg5[%add3A_587, %dma_wait3A_595] : memref<10240x128xf32, #tpu.memory_space<vmem_shared>> -> memref<128x128xf32, #tpu.memory_space<vmem_shared>>
      tpu.wait_dma2 semaphore(%run_scoped3A_588 : memref<!tpu.dma_semaphore, #tpu.memory_space<semaphore_mem>>) src(%dma_wait3A_596 : memref<128x128xf32, #tpu.memory_space<vmem_shared>>) dst(%arg9 : memref<128x128xf32, #tpu.memory_space<vmem>>)
      tpu.yield
    }) : () -> ()
    "tpu.region"() ({
      %run_scoped3A_588 = tpu.sem_alloc : memref<!tpu.dma_semaphore, #tpu.memory_space<semaphore_mem>>
      %dma_start3A_589 = arith.constant 0 : i32
      %dma_start3A_590 = tpu.memref_slice %arg4[%arg0, %add3A_587, %dma_start3A_589] : memref<2x10240x128xf32, #tpu.memory_space<hbm>> -> memref<1x128x128xf32, #tpu.memory_space<hbm>>
      %dma_start3A_591 = tpu.memref_squeeze %dma_start3A_590 : memref<1x128x128xf32, #tpu.memory_space<hbm>> -> memref<128x128xf32, #tpu.memory_space<hbm>>
      %dma_start3A_592 = arith.constant 0 : i32
      %dma_start3A_593 = tpu.memref_slice %arg4[%arg0, %add3A_587, %dma_start3A_592] : memref<2x10240x128xf32, #tpu.memory_space<hbm>> -> memref<1x128x128xf32, #tpu.memory_space<hbm>>
      %dma_start3A_594 = tpu.memref_squeeze %dma_start3A_593 : memref<1x128x128xf32, #tpu.memory_space<hbm>> -> memref<128x128xf32, #tpu.memory_space<hbm>>
      tpu.enqueue_dma source(%arg9 : memref<128x128xf32, #tpu.memory_space<vmem>>) target(%dma_start3A_594 : memref<128x128xf32, #tpu.memory_space<hbm>>) target_semaphore(%run_scoped3A_588 : memref<!tpu.dma_semaphore, #tpu.memory_space<semaphore_mem>>)
      %dma_wait3A_595 = arith.constant 0 : i32
      %dma_wait3A_596 = tpu.memref_slice %arg4[%arg0, %add3A_587, %dma_wait3A_595] : memref<2x10240x128xf32, #tpu.memory_space<hbm>> -> memref<1x128x128xf32, #tpu.memory_space<hbm>>
      %dma_wait3A_597 = tpu.memref_squeeze %dma_wait3A_596 : memref<1x128x128xf32, #tpu.memory_space<hbm>> -> memref<128x128xf32, #tpu.memory_space<hbm>>
      %dma_wait3A_598 = arith.constant 0 : i32
      %dma_wait3A_599 = tpu.memref_slice %arg4[%arg0, %add3A_587, %dma_wait3A_598] : memref<2x10240x128xf32, #tpu.memory_space<hbm>> -> memref<1x128x128xf32, #tpu.memory_space<hbm>>
      %dma_wait3A_600 = tpu.memref_squeeze %dma_wait3A_599 : memref<1x128x128xf32, #tpu.memory_space<hbm>> -> memref<128x128xf32, #tpu.memory_space<hbm>>
      tpu.wait_dma2 semaphore(%run_scoped3A_588 : memref<!tpu.dma_semaphore, #tpu.memory_space<semaphore_mem>>) src(%arg9 : memref<128x128xf32, #tpu.memory_space<vmem>>) dst(%dma_wait3A_600 : memref<128x128xf32, #tpu.memory_space<hbm>>)
      tpu.yield
    }) : () -> ()
    return
  }
}

module attributes {stable_mosaic.version = 14 : i64} {
  func.func @_mid_body(%arg0: i32, %arg1: memref<2x1000x128xf32, #tpu.memory_space<vmem>>, %arg2: memref<1000x128xf32, #tpu.memory_space<vmem>>, %arg3: memref<2x128x128xf32, #tpu.memory_space<vmem>>, %arg4: memref<128x128xf32, #tpu.memory_space<vmem>>, %arg5: memref<1x128xf32, #tpu.memory_space<vmem>>, %arg6: memref<2x1000x128xf32, #tpu.memory_space<vmem>>, %arg7: memref<1000x128xf32, #tpu.memory_space<vmem>>) attributes {dimension_semantics = [#tpu.dimension_semantics<arbitrary>], iteration_bounds = array<i64: 10>, scalar_prefetch = 0 : i64, scratch_operands = 0 : i64, tpu.core_type = #tpu.core_type<tc>, window_params = [{transform_indices = @transform_0, window_bounds = array<i64: 2, 1000, 128>}, {transform_indices = @transform_1, window_bounds = array<i64: 1000, 128>}, {pipeline_mode = #tpu.pipeline_mode<synchronous>, transform_indices = @transform_2, window_bounds = array<i64: 2, 128, 128>}, {pipeline_mode = #tpu.pipeline_mode<synchronous>, transform_indices = @transform_3, window_bounds = array<i64: 128, 128>}, {pipeline_mode = #tpu.pipeline_mode<synchronous>, transform_indices = @transform_4, window_bounds = array<i64: 1, 128>}, {transform_indices = @transform_5, window_bounds = array<i64: 2, 1000, 128>}, {transform_indices = @transform_6, window_bounds = array<i64: 1000, 128>}]} {
    %get3A = arith.constant 0 : index
    %get3A_0 = arith.constant 0 : index
    %get3A_1 = arith.constant 0 : index
    %get3A_2 = vector.load %arg1[%get3A, %get3A_0, %get3A_1] : memref<2x1000x128xf32, #tpu.memory_space<vmem>>, vector<1x1000x128xf32>
    %get3A_3 = vector.shape_cast %get3A_2 : vector<1x1000x128xf32> to vector<1000x128xf32>
    %get3A_4 = arith.constant 1 : index
    %get3A_5 = arith.constant 0 : index
    %get3A_6 = arith.constant 0 : index
    %get3A_7 = vector.load %arg1[%get3A_4, %get3A_5, %get3A_6] : memref<2x1000x128xf32, #tpu.memory_space<vmem>>, vector<1x1000x128xf32>
    %get3A_8 = vector.shape_cast %get3A_7 : vector<1x1000x128xf32> to vector<1000x128xf32>
    %add3A = arith.addf %get3A_3, %get3A_8 : vector<1000x128xf32>
    %get3A_9 = arith.constant 0 : index
    %get3A_10 = arith.constant 0 : index
    %get3A_11 = vector.load %arg2[%get3A_9, %get3A_10] : memref<1000x128xf32, #tpu.memory_space<vmem>>, vector<1000x128xf32>
    %add3A_12 = arith.addf %add3A, %get3A_11 : vector<1000x128xf32>
    %max3A = arith.constant 0.000000e+00 : f32
    %max3A_13 = vector.broadcast %max3A : f32 to vector<1000x128xf32>
    %max3A_14 = arith.maximumf %add3A_12, %max3A_13 : vector<1000x128xf32>
    %get3A_15 = arith.constant 0 : index
    %get3A_16 = arith.constant 0 : index
    %get3A_17 = arith.constant 0 : index
    %get3A_18 = vector.load %arg3[%get3A_15, %get3A_16, %get3A_17] : memref<2x128x128xf32, #tpu.memory_space<vmem>>, vector<1x128x128xf32>
    %get3A_19 = vector.shape_cast %get3A_18 : vector<1x128x128xf32> to vector<128x128xf32>
    %dot_general3A = arith.constant dense<0.000000e+00> : vector<1000x128xf32>
    %dot_general3A_20 = tpu.matmul %max3A_14, %get3A_19, %dot_general3A {dimension_numbers = #tpu.dot_dimension_numbers<[1], [0], [0], [1], [0, 0, 1, 1], [], []>, transpose_lhs_hint = false} : vector<1000x128xf32>, vector<128x128xf32>, vector<1000x128xf32> -> vector<1000x128xf32>
    %swap3A = arith.constant 0 : index
    %swap3A_21 = arith.constant 0 : index
    %swap3A_22 = arith.constant 0 : index
    %swap3A_23 = vector.load %arg6[%swap3A, %swap3A_21, %swap3A_22] : memref<2x1000x128xf32, #tpu.memory_space<vmem>>, vector<1x1000x128xf32>
    %swap3A_24 = vector.shape_cast %swap3A_23 : vector<1x1000x128xf32> to vector<1000x128xf32>
    %swap3A_25 = vector.shape_cast %dot_general3A_20 : vector<1000x128xf32> to vector<1x1000x128xf32>
    tpu.vector_store %arg6[%swap3A, %swap3A_21, %swap3A_22], %swap3A_25 {strides = array<i32>} : memref<2x1000x128xf32, #tpu.memory_space<vmem>>, vector<1x1000x128xf32>,
    %get3A_26 = arith.constant 1 : index
    %get3A_27 = arith.constant 0 : index
    %get3A_28 = arith.constant 0 : index
    %get3A_29 = vector.load %arg3[%get3A_26, %get3A_27, %get3A_28] : memref<2x128x128xf32, #tpu.memory_space<vmem>>, vector<1x128x128xf32>
    %get3A_30 = vector.shape_cast %get3A_29 : vector<1x128x128xf32> to vector<128x128xf32>
    %dot_general3A_31 = arith.constant dense<0.000000e+00> : vector<1000x128xf32>
    %dot_general3A_32 = tpu.matmul %max3A_14, %get3A_30, %dot_general3A_31 {dimension_numbers = #tpu.dot_dimension_numbers<[1], [0], [0], [1], [0, 0, 1, 1], [], []>, transpose_lhs_hint = false} : vector<1000x128xf32>, vector<128x128xf32>, vector<1000x128xf32> -> vector<1000x128xf32>
    %swap3A_33 = arith.constant 1 : index
    %swap3A_34 = arith.constant 0 : index
    %swap3A_35 = arith.constant 0 : index
    %swap3A_36 = vector.load %arg6[%swap3A_33, %swap3A_34, %swap3A_35] : memref<2x1000x128xf32, #tpu.memory_space<vmem>>, vector<1x1000x128xf32>
    %swap3A_37 = vector.shape_cast %swap3A_36 : vector<1x1000x128xf32> to vector<1000x128xf32>
    %swap3A_38 = vector.shape_cast %dot_general3A_32 : vector<1000x128xf32> to vector<1x1000x128xf32>
    tpu.vector_store %arg6[%swap3A_33, %swap3A_34, %swap3A_35], %swap3A_38 {strides = array<i32>} : memref<2x1000x128xf32, #tpu.memory_space<vmem>>, vector<1x1000x128xf32>,
    %get3A_39 = arith.constant 0 : index
    %get3A_40 = arith.constant 0 : index
    %get3A_41 = vector.load %arg4[%get3A_39, %get3A_40] : memref<128x128xf32, #tpu.memory_space<vmem>>, vector<128x128xf32>
    %dot_general3A_42 = arith.constant dense<0.000000e+00> : vector<1000x128xf32>
    %dot_general3A_43 = tpu.matmul %max3A_14, %get3A_41, %dot_general3A_42 {dimension_numbers = #tpu.dot_dimension_numbers<[1], [0], [0], [1], [0, 0, 1, 1], [], []>, transpose_lhs_hint = false} : vector<1000x128xf32>, vector<128x128xf32>, vector<1000x128xf32> -> vector<1000x128xf32>
    %get3A_44 = arith.constant 0 : index
    %get3A_45 = arith.constant 0 : index
    %get3A_46 = vector.load %arg5[%get3A_44, %get3A_45] : memref<1x128xf32, #tpu.memory_space<vmem>>, vector<1x128xf32>
    %add3A_47 = vector.broadcast %get3A_46 : vector<1x128xf32> to vector<1000x128xf32>
    %add3A_48 = arith.addf %dot_general3A_43, %add3A_47 : vector<1000x128xf32>
    %swap3A_49 = arith.constant 0 : index
    %swap3A_50 = arith.constant 0 : index
    %swap3A_51 = vector.load %arg7[%swap3A_49, %swap3A_50] : memref<1000x128xf32, #tpu.memory_space<vmem>>, vector<1000x128xf32>
    tpu.vector_store %arg7[%swap3A_49, %swap3A_50], %add3A_48 {strides = array<i32>} : memref<1000x128xf32, #tpu.memory_space<vmem>>, vector<1000x128xf32>,
    return
  }
  func.func @transform_0(%arg0: i32) -> (i32, i32, i32) {
    %c0_i32 = arith.constant 0 : i32
    %c0_i32_0 = arith.constant 0 : i32
    %c0_i32_1 = arith.constant 0 : i32
    return %c0_i32, %arg0, %c0_i32_0 : i32, i32, i32
  }
  func.func @transform_1(%arg0: i32) -> (i32, i32) {
    %c0_i32 = arith.constant 0 : i32
    %c0_i32_0 = arith.constant 0 : i32
    return %arg0, %c0_i32 : i32, i32
  }
  func.func @transform_2(%arg0: i32) -> (i32, i32, i32) {
    %c0_i32 = arith.constant 0 : i32
    %c0_i32_0 = arith.constant 0 : i32
    %c0_i32_1 = arith.constant 0 : i32
    %c0_i32_2 = arith.constant 0 : i32
    return %c0_i32, %c0_i32_0, %c0_i32_1 : i32, i32, i32
  }
  func.func @transform_3(%arg0: i32) -> (i32, i32) {
    %c0_i32 = arith.constant 0 : i32
    %c0_i32_0 = arith.constant 0 : i32
    %c0_i32_1 = arith.constant 0 : i32
    return %c0_i32, %c0_i32_0 : i32, i32
  }
  func.func @transform_4(%arg0: i32) -> (i32, i32) {
    %c0_i32 = arith.constant 0 : i32
    %c0_i32_0 = arith.constant 0 : i32
    %c0_i32_1 = arith.constant 0 : i32
    return %c0_i32, %c0_i32_0 : i32, i32
  }
  func.func @transform_5(%arg0: i32) -> (i32, i32, i32) {
    %c0_i32 = arith.constant 0 : i32
    %c0_i32_0 = arith.constant 0 : i32
    %c0_i32_1 = arith.constant 0 : i32
    return %c0_i32, %arg0, %c0_i32_0 : i32, i32, i32
  }
  func.func @transform_6(%arg0: i32) -> (i32, i32) {
    %c0_i32 = arith.constant 0 : i32
    %c0_i32_0 = arith.constant 0 : i32
    return %arg0, %c0_i32 : i32, i32
  }
}

module attributes {stable_mosaic.version = 14 : i64} {
  func.func @_proj_body(%arg0: i32, %arg1: memref<1000x128xf32, #tpu.memory_space<vmem>>, %arg2: memref<2x128x128xf32, #tpu.memory_space<vmem>>, %arg3: memref<128x128xf32, #tpu.memory_space<vmem>>, %arg4: memref<1x128xf32, #tpu.memory_space<vmem>>, %arg5: memref<2x1000x128xf32, #tpu.memory_space<vmem>>, %arg6: memref<1000x128xf32, #tpu.memory_space<vmem>>) attributes {dimension_semantics = [#tpu.dimension_semantics<arbitrary>], iteration_bounds = array<i64: 10>, scalar_prefetch = 0 : i64, scratch_operands = 0 : i64, tpu.core_type = #tpu.core_type<tc>, window_params = [{transform_indices = @transform_0, window_bounds = array<i64: 1000, 128>}, {pipeline_mode = #tpu.pipeline_mode<synchronous>, transform_indices = @transform_1, window_bounds = array<i64: 2, 128, 128>}, {pipeline_mode = #tpu.pipeline_mode<synchronous>, transform_indices = @transform_2, window_bounds = array<i64: 128, 128>}, {pipeline_mode = #tpu.pipeline_mode<synchronous>, transform_indices = @transform_3, window_bounds = array<i64: 1, 128>}, {transform_indices = @transform_4, window_bounds = array<i64: 2, 1000, 128>}, {transform_indices = @transform_5, window_bounds = array<i64: 1000, 128>}]} {
    %get3A = arith.constant 0 : index
    %get3A_0 = arith.constant 0 : index
    %get3A_1 = vector.load %arg1[%get3A, %get3A_0] : memref<1000x128xf32, #tpu.memory_space<vmem>>, vector<1000x128xf32>
    %get3A_2 = arith.constant 0 : index
    %get3A_3 = arith.constant 0 : index
    %get3A_4 = arith.constant 0 : index
    %get3A_5 = vector.load %arg2[%get3A_2, %get3A_3, %get3A_4] : memref<2x128x128xf32, #tpu.memory_space<vmem>>, vector<1x128x128xf32>
    %get3A_6 = vector.shape_cast %get3A_5 : vector<1x128x128xf32> to vector<128x128xf32>
    %dot_general3A = arith.constant dense<0.000000e+00> : vector<1000x128xf32>
    %dot_general3A_7 = tpu.matmul %get3A_1, %get3A_6, %dot_general3A {dimension_numbers = #tpu.dot_dimension_numbers<[1], [0], [0], [1], [0, 0, 1, 1], [], []>, transpose_lhs_hint = false} : vector<1000x128xf32>, vector<128x128xf32>, vector<1000x128xf32> -> vector<1000x128xf32>
    %swap3A = arith.constant 0 : index
    %swap3A_8 = arith.constant 0 : index
    %swap3A_9 = arith.constant 0 : index
    %swap3A_10 = vector.load %arg5[%swap3A, %swap3A_8, %swap3A_9] : memref<2x1000x128xf32, #tpu.memory_space<vmem>>, vector<1x1000x128xf32>
    %swap3A_11 = vector.shape_cast %swap3A_10 : vector<1x1000x128xf32> to vector<1000x128xf32>
    %swap3A_12 = vector.shape_cast %dot_general3A_7 : vector<1000x128xf32> to vector<1x1000x128xf32>
    tpu.vector_store %arg5[%swap3A, %swap3A_8, %swap3A_9], %swap3A_12 {strides = array<i32>} : memref<2x1000x128xf32, #tpu.memory_space<vmem>>, vector<1x1000x128xf32>,
    %get3A_13 = arith.constant 1 : index
    %get3A_14 = arith.constant 0 : index
    %get3A_15 = arith.constant 0 : index
    %get3A_16 = vector.load %arg2[%get3A_13, %get3A_14, %get3A_15] : memref<2x128x128xf32, #tpu.memory_space<vmem>>, vector<1x128x128xf32>
    %get3A_17 = vector.shape_cast %get3A_16 : vector<1x128x128xf32> to vector<128x128xf32>
    %dot_general3A_18 = arith.constant dense<0.000000e+00> : vector<1000x128xf32>
    %dot_general3A_19 = tpu.matmul %get3A_1, %get3A_17, %dot_general3A_18 {dimension_numbers = #tpu.dot_dimension_numbers<[1], [0], [0], [1], [0, 0, 1, 1], [], []>, transpose_lhs_hint = false} : vector<1000x128xf32>, vector<128x128xf32>, vector<1000x128xf32> -> vector<1000x128xf32>
    %swap3A_20 = arith.constant 1 : index
    %swap3A_21 = arith.constant 0 : index
    %swap3A_22 = arith.constant 0 : index
    %swap3A_23 = vector.load %arg5[%swap3A_20, %swap3A_21, %swap3A_22] : memref<2x1000x128xf32, #tpu.memory_space<vmem>>, vector<1x1000x128xf32>
    %swap3A_24 = vector.shape_cast %swap3A_23 : vector<1x1000x128xf32> to vector<1000x128xf32>
    %swap3A_25 = vector.shape_cast %dot_general3A_19 : vector<1000x128xf32> to vector<1x1000x128xf32>
    tpu.vector_store %arg5[%swap3A_20, %swap3A_21, %swap3A_22], %swap3A_25 {strides = array<i32>} : memref<2x1000x128xf32, #tpu.memory_space<vmem>>, vector<1x1000x128xf32>,
    %get3A_26 = arith.constant 0 : index
    %get3A_27 = arith.constant 0 : index
    %get3A_28 = vector.load %arg3[%get3A_26, %get3A_27] : memref<128x128xf32, #tpu.memory_space<vmem>>, vector<128x128xf32>
    %dot_general3A_29 = arith.constant dense<0.000000e+00> : vector<1000x128xf32>
    %dot_general3A_30 = tpu.matmul %get3A_1, %get3A_28, %dot_general3A_29 {dimension_numbers = #tpu.dot_dimension_numbers<[1], [0], [0], [1], [0, 0, 1, 1], [], []>, transpose_lhs_hint = false} : vector<1000x128xf32>, vector<128x128xf32>, vector<1000x128xf32> -> vector<1000x128xf32>
    %get3A_31 = arith.constant 0 : index
    %get3A_32 = arith.constant 0 : index
    %get3A_33 = vector.load %arg4[%get3A_31, %get3A_32] : memref<1x128xf32, #tpu.memory_space<vmem>>, vector<1x128xf32>
    %add3A = vector.broadcast %get3A_33 : vector<1x128xf32> to vector<1000x128xf32>
    %add3A_34 = arith.addf %dot_general3A_30, %add3A : vector<1000x128xf32>
    %swap3A_35 = arith.constant 0 : index
    %swap3A_36 = arith.constant 0 : index
    %swap3A_37 = vector.load %arg6[%swap3A_35, %swap3A_36] : memref<1000x128xf32, #tpu.memory_space<vmem>>, vector<1000x128xf32>
    tpu.vector_store %arg6[%swap3A_35, %swap3A_36], %add3A_34 {strides = array<i32>} : memref<1000x128xf32, #tpu.memory_space<vmem>>, vector<1000x128xf32>,
    return
  }
  func.func @transform_0(%arg0: i32) -> (i32, i32) {
    %c0_i32 = arith.constant 0 : i32
    %c0_i32_0 = arith.constant 0 : i32
    return %arg0, %c0_i32 : i32, i32
  }
  func.func @transform_1(%arg0: i32) -> (i32, i32, i32) {
    %c0_i32 = arith.constant 0 : i32
    %c0_i32_0 = arith.constant 0 : i32
    %c0_i32_1 = arith.constant 0 : i32
    %c0_i32_2 = arith.constant 0 : i32
    return %c0_i32, %c0_i32_0, %c0_i32_1 : i32, i32, i32
  }
  func.func @transform_2(%arg0: i32) -> (i32, i32) {
    %c0_i32 = arith.constant 0 : i32
    %c0_i32_0 = arith.constant 0 : i32
    %c0_i32_1 = arith.constant 0 : i32
    return %c0_i32, %c0_i32_0 : i32, i32
  }
  func.func @transform_3(%arg0: i32) -> (i32, i32) {
    %c0_i32 = arith.constant 0 : i32
    %c0_i32_0 = arith.constant 0 : i32
    %c0_i32_1 = arith.constant 0 : i32
    return %c0_i32, %c0_i32_0 : i32, i32
  }
  func.func @transform_4(%arg0: i32) -> (i32, i32, i32) {
    %c0_i32 = arith.constant 0 : i32
    %c0_i32_0 = arith.constant 0 : i32
    %c0_i32_1 = arith.constant 0 : i32
    return %c0_i32, %arg0, %c0_i32_0 : i32, i32, i32
  }
  func.func @transform_5(%arg0: i32) -> (i32, i32) {
    %c0_i32 = arith.constant 0 : i32
    %c0_i32_0 = arith.constant 0 : i32
    return %arg0, %c0_i32 : i32, i32
  }
}

module attributes {stable_mosaic.version = 14 : i64} {
  func.func @_fin_body(%arg0: i32, %arg1: memref<2x1000x128xf32, #tpu.memory_space<vmem>>, %arg2: memref<1000x128xf32, #tpu.memory_space<vmem>>, %arg3: memref<1000x128xf32, #tpu.memory_space<vmem>>) attributes {dimension_semantics = [#tpu.dimension_semantics<arbitrary>], iteration_bounds = array<i64: 10>, scalar_prefetch = 0 : i64, scratch_operands = 0 : i64, tpu.core_type = #tpu.core_type<tc>, window_params = [{transform_indices = @transform_0, window_bounds = array<i64: 2, 1000, 128>}, {transform_indices = @transform_1, window_bounds = array<i64: 1000, 128>}, {transform_indices = @transform_2, window_bounds = array<i64: 1000, 128>}]} {
    %get3A = arith.constant 0 : index
    %get3A_0 = arith.constant 0 : index
    %get3A_1 = arith.constant 0 : index
    %get3A_2 = vector.load %arg1[%get3A, %get3A_0, %get3A_1] : memref<2x1000x128xf32, #tpu.memory_space<vmem>>, vector<1x1000x128xf32>
    %get3A_3 = vector.shape_cast %get3A_2 : vector<1x1000x128xf32> to vector<1000x128xf32>
    %get3A_4 = arith.constant 1 : index
    %get3A_5 = arith.constant 0 : index
    %get3A_6 = arith.constant 0 : index
    %get3A_7 = vector.load %arg1[%get3A_4, %get3A_5, %get3A_6] : memref<2x1000x128xf32, #tpu.memory_space<vmem>>, vector<1x1000x128xf32>
    %get3A_8 = vector.shape_cast %get3A_7 : vector<1x1000x128xf32> to vector<1000x128xf32>
    %add3A = arith.addf %get3A_3, %get3A_8 : vector<1000x128xf32>
    %get3A_9 = arith.constant 0 : index
    %get3A_10 = arith.constant 0 : index
    %get3A_11 = vector.load %arg2[%get3A_9, %get3A_10] : memref<1000x128xf32, #tpu.memory_space<vmem>>, vector<1000x128xf32>
    %add3A_12 = arith.addf %add3A, %get3A_11 : vector<1000x128xf32>
    %swap3A = arith.constant 0 : index
    %swap3A_13 = arith.constant 0 : index
    %swap3A_14 = vector.load %arg3[%swap3A, %swap3A_13] : memref<1000x128xf32, #tpu.memory_space<vmem>>, vector<1000x128xf32>
    tpu.vector_store %arg3[%swap3A, %swap3A_13], %add3A_12 {strides = array<i32>} : memref<1000x128xf32, #tpu.memory_space<vmem>>, vector<1000x128xf32>,
    return
  }
  func.func @transform_0(%arg0: i32) -> (i32, i32, i32) {
    %c0_i32 = arith.constant 0 : i32
    %c0_i32_0 = arith.constant 0 : i32
    %c0_i32_1 = arith.constant 0 : i32
    return %c0_i32, %arg0, %c0_i32_0 : i32, i32, i32
  }
  func.func @transform_1(%arg0: i32) -> (i32, i32) {
    %c0_i32 = arith.constant 0 : i32
    %c0_i32_0 = arith.constant 0 : i32
    return %arg0, %c0_i32 : i32, i32
  }
  func.func @transform_2(%arg0: i32) -> (i32, i32) {
    %c0_i32 = arith.constant 0 : i32
    %c0_i32_0 = arith.constant 0 : i32
    return %arg0, %c0_i32 : i32, i32
  }
}

</mosaic_0001>

<sc_bundles>
// kernel: kernel.10.cloned.1.call-start
scs
__scs_entry_jumppad:
0x0: {  	(pc) =	sbr.rel $0x88, $3  }
0x1: {  	(tag) =	ssettag $0x0;
	lr =	simm.s32 $0x1  }
0x2: {  	[smem:$0x3F98] =	sst lr;
	_ =	strace $0xD0000000  }
0x3: {  	_ = 	snop  }
0x4: {  	_ = 	snop  }
0x5: {  	_ = 	snop  }
0x6: {  	_ = 	snop  }
0x7: {  	_ = 	snop  }
__scs_overlays_trampoline_lowered:
0x8: {  	[smem:$0x3FA7] =	sst s0  }
0x9: {  	[smem:$0x3FA8] =	sst s1  }
0xa: {  	[smem:$0x3FA9] =	sst s2  }
0xb: {  	[smem:$0x3FAA] =	sst s3  }
0xc: {  	[smem:$0x3FAB] =	sst s4  }
0xd: {  	[smem:$0x3FAC] =	sst s5  }
0xe: {  	[smem:$0x3FAD] =	sst s6  }
0xf: {  	[smem:$0x3FAE] =	sst s7  }
0x10: {  	[smem:$0x3FAF] =	sst s8  }
0x11: {  	[smem:$0x3FB0] =	sst s9;
	s0 =	simm.s32 @!p0 $0x0  }
0x12: {  	s1 =	sld [smem:$0x3F96];
	s0 =	simm.s32 @p0 $0x1  }
0x13: {  	[smem:$0x3FB1] =	sst s0;
	s0 =	simm.s32 @!p1 $0x0  }
0x14: {  	s2 =	sld [smem:$0x3F95];
	s0 =	simm.s32 @p1 $0x1  }
0x15: {  	[smem:$0x3FB2] =	sst s0;
	s0 =	simm.s32 @!p2 $0x0  }
0x16: {  	s3 =	sld [smem:$0x3FDB];
	s0 =	simm.s32 @p2 $0x1  }
0x17: {  	s4 =	simm.s32 $0x1BF5;
	[smem:$0x3FB4] =	sst s0  }
0x18: {  	s0 =	sld [smem:$0x3F97];
	_ =	swait.ge [sflag:s4], $0x0  }
0x19: {  	s7 =	sld [smem:$0x3F98]  }
0x1a: {  	s8 =	sadd.s32 $0xFFFFE003, lr  }
0x1b: {  	s9 =	sadd.s32 $0xFFFFFEF7, lr;
	s5 =	simm.s32 $0xFFFFFFFF;
	p2 =	slt.u32 s8, $0xFFFFF086  }
0x1c: {  	p1 =	slt.u32 s9, $0xF7A;
	s5 =	simm.s32 @!p2 $0x0  }
0x1d: {  	s5 =	simm.s32 @p1 $0x1;
	p0 =	seq.s32 s7, s2  }
0x1e: {  	s7 =	smul.u32 @!p0 $0xF7A, s2;
	p2 =	seq.s32 @!p0 s5, $0x0  }
0x1f: {  	s9 =	smul.u32 $0xF7A, s1;
	s8 =	simm.s32 @!p0 $0x1BF5;
	p2 =	por !p2, p0  }
0x20: {  	[sflag:s8] =	ssyncset.s32 @!p0 $0xFFFFF086;
	s6 =	sadd.s32 @!p0 s3, s7;
	s7 =	simm.s32 @!p0 $0x108  }
0x21: {  	s3 =	sadd.s32 s3, s9;
	s6 =	sadd.s32 @!p0 $0x88, s6;
	s7 =	simm.s32 @p2 $0x1082  }
0x22: {  	[simem:s7], [sflag:s8] =	dma.local @!p0 [hbm:s6], $0xF7A  }
0x23: {  	s9 =	sor.u32 $0xD0000000, s2;
	s6 =	simm.s32 $0x108;
	_ =	swait.ge @!p0 [sflag:s8], $0x0  }
0x24: {  	s3 =	sadd.s32 $0x88, s3;
	s6 =	simm.s32 @!p1 $0x1082;
	[sflag:s4] =	ssyncset.s32 $0xFFFFF086  }
0x25: {  	[simem:s6], [sflag:s4] =	dma.local [hbm:s3], $0xF7A  }
0x26: {  	[smem:$0x3F98] =	sst s1;
	(tag) =	ssettag s2;
	_ =	strace s9  }
0x27: {  	s1 =	sld [smem:$0x3FA8]  }
0x28: {  	s2 =	sld [smem:$0x3FA9]  }
0x29: {  	s4 =	sld [smem:$0x3FAB]  }
0x2a: {  	p0 =	seq.s32 s5, $0x0;
	s5 =	sld [smem:$0x3FAC]  }
0x2b: {  	s6 =	sld [smem:$0x3FAD]  }
0x2c: {  	s7 =	sld [smem:$0x3FAE]  }
0x2d: {  	s3 =	simm.s32 $0x108;
	s8 =	sld [smem:$0x3FAF]  }
0x2e: {  	s3 =	simm.s32 @!p0 $0x1082;
	s9 =	sld [smem:$0x3FB0]  }
0x2f: {  	lr =	sadd.s32 s0, s3;
	s0 =	sld [smem:$0x3FA7]  }
0x30: {  	s3 =	sld [smem:$0x3FAA]  }
0x31: {  	[smem:$0x3FB3] =	sst s10  }
0x32: {  	s10 =	sld [smem:$0x3FB1];
	_ =	sdelay $0x3  }
0x33: {  	p0 =	seq.s32 s10, $0x1;
	s10 =	sld [smem:$0x3FB3];
	_ =	sdelay $0x3  }
0x34: {  	[smem:$0x3FB3] =	sst s10  }
0x35: {  	s10 =	sld [smem:$0x3FB2];
	_ =	sdelay $0x3  }
0x36: {  	p1 =	seq.s32 s10, $0x1;
	s10 =	sld [smem:$0x3FB3];
	_ =	sdelay $0x3  }
0x37: {  	[smem:$0x3FB3] =	sst s10  }
0x38: {  	s10 =	sld [smem:$0x3FB4]  }
0x39: {  	_ = 	snop;
	(pc) =	sbr.ind lr, $3  }
0x3a: {  	_ = 	snop  }
0x3b: {  	_ = 	snop  }
0x3c: {  	p2 =	seq.s32 s10, $0x1;
	s10 =	sld [smem:$0x3FB3]  }
0x3d: {  	_ =	shalt  }
0x3e: {  	_ =	shalt  }
0x3f: {  	_ =	shalt  }
0x40: {  	_ =	shalt  }
0x41: {  	_ =	shalt  }
0x42: {  	_ =	shalt  }
0x43: {  	_ =	shalt  }
0x44: {  	_ =	shalt  }
0x45: {  	_ =	shalt  }
0x46: {  	_ =	shalt  }
0x47: {  	_ =	shalt  }
0x48: {  	_ =	shalt  }
0x49: {  	_ =	shalt  }
0x4a: {  	_ =	shalt  }
0x4b: {  	_ =	shalt  }
0x4c: {  	_ =	shalt  }
0x4d: {  	_ =	shalt  }
0x4e: {  	_ =	shalt  }
0x4f: {  	_ =	shalt  }
0x50: {  	_ =	shalt  }
0x51: {  	_ =	shalt  }
0x52: {  	_ =	shalt  }
0x53: {  	_ =	shalt  }
0x54: {  	_ =	shalt  }
0x55: {  	_ =	shalt  }
0x56: {  	_ =	shalt  }
0x57: {  	_ =	shalt  }
0x58: {  	_ =	shalt  }
0x59: {  	_ =	shalt  }
0x5a: {  	_ =	shalt  }
0x5b: {  	_ =	shalt  }
0x5c: {  	_ =	shalt  }
0x5d: {  	_ =	shalt  }
0x5e: {  	_ =	shalt  }
0x5f: {  	_ =	shalt  }
0x60: {  	_ =	shalt  }
0x61: {  	_ =	shalt  }
0x62: {  	_ =	shalt  }
0x63: {  	_ =	shalt  }
0x64: {  	_ =	shalt  }
0x65: {  	_ =	shalt  }
0x66: {  	_ =	shalt  }
0x67: {  	_ =	shalt  }
0x68: {  	_ =	shalt  }
0x69: {  	_ =	shalt  }
0x6a: {  	_ =	shalt  }
0x6b: {  	_ =	shalt  }
0x6c: {  	_ =	shalt  }
0x6d: {  	_ =	shalt  }
0x6e: {  	_ =	shalt  }
0x6f: {  	_ =	shalt  }
0x70: {  	_ =	shalt  }
0x71: {  	_ =	shalt  }
0x72: {  	_ =	shalt  }
0x73: {  	_ =	shalt  }
0x74: {  	_ =	shalt  }
0x75: {  	_ =	shalt  }
0x76: {  	_ =	shalt  }
0x77: {  	_ =	shalt  }
0x78: {  	_ =	shalt  }
0x79: {  	_ =	shalt  }
0x7a: {  	_ =	shalt  }
0x7b: {  	_ =	shalt  }
0x7c: {  	_ =	shalt  }
0x7d: {  	_ =	shalt  }
0x7e: {  	_ =	shalt  }
0x7f: {  	_ =	shalt  }
0x80: {  	_ =	shalt  }
0x81: {  	_ =	shalt  }
0x82: {  	_ =	shalt  }
0x83: {  	_ =	shalt  }
0x84: {  	_ =	shalt  }
0x85: {  	_ =	shalt  }
0x86: {  	_ =	shalt  }
0x87: {  	_ =	shalt  }
.Lfunc_end0:
.L_simem_size_0:
called_computation.1_lowered:
.L_overlay_start_0:
0x88: {  	s2 =	sld [smem:$0x3FD9]  }
0x89: {  	s3 =	sld [smem:$0x3FFE];
	_ =	sdelay $0x1  }
0x8a: {  	s1 =	srdreg.scid  }
0x8b: {  	s0 =	sand.u32 $0x1, s1  }
0x8c: {  	s17 =	sshll.u32 s0, $0xA;
	s2 =	sadd.s32 s3, s2  }
0x8d: {  	s2 =	sadd.s32 s2, s17  }
0x8e: {  	[smem:$0x3FBF] =	sst s2  }
0x8f: {  	_ = 	snop  }
0x90: {  	s2 =	sld [smem:$0x3FD0];
	(tm) =	ssettm $0x1  }
0x91: {  	s18 =	sld [smem:$0x3FFB];
	_ =	sdelay $0x3  }
0x92: {  	_ =	strace s18  }
0x93: {  	s3 =	sld [smem:$0x3FFC];
	_ =	sdelay $0x3  }
0x94: {  	_ =	strace s3  }
0x95: {  	s3 =	sld [smem:$0x3FFD];
	_ =	sdelay $0x3  }
0x96: {  	_ =	strace s3  }
0x97: {  	_ =	strace $0x8FFFFFFF  }
0x98: {  	s19 =	sld [smem:$0x3FDB];
	_ =	sdelay $0x1  }
0x99: {  	s4 =	simm.s32 $_scs_section_size  }
0x9a: {  	s5 =	simm.s32 $_size__tile_overlayer_lowered;
	s6 =	simm.s32 $_tile_overlayer_lowered  }
0x9b: {  	s22 =	simm.s32 $0x1BFF;
	s21 =	sshll.u32 s6, $0x1;
	s3 =	sadd.s32 s4, s19  }
0x9c: {  	s7 =	simm.s32 $0x0;
	s20 =	sshll.u32 s5, $0x1;
	s5 =	sadd.s32 s21, s3  }
0x9d: {  	[timem:s7], [sflag:s22] =	dma.local [hbm:s5], s20  }
0x9e: {  	_ =	swait.ge [sflag:s22], s20  }
0x9f: {  	s4 =	ssub.s32 $0x0, s20;
	[sflag:s22] =	ssyncset.done $0x0  }
0xa0: {  	[sflag:s22] =	ssyncadd.s32 s4;
	_ =	sdelay $0x1  }
0xa1: {  	s23 =	simm.s32 $0x1B8B  }
0xa2: {  	_ =	swait.ge [sflag:s23], $0x1  }
0xa3: {  	[sflag:s23] =	ssyncset.done $0x0  }
0xa4: {  	s25 =	simm.s32 $0x1B8E;
	s24 =	sld [smem:$0x3FFE];
	[sflag:s23] =	ssyncadd.s32 $0xFFFFFFFF  }
0xa5: {  	s26 =	simm.s32 $execute0_lowered;
	[smem:$0x3FD2] =	sst s25  }
0xa6: {  	s5 =	sshll.u32 s26, $0x1;
	_ =	strace $0x80000049;
	[dreg:$0x1] =	wrdreg $0xFFFFFFFF  }
0xa7: {  	s28 =	simm.s32 $_size_execute0_lowered;
	s3 =	sadd.s32 s3, s5;
	[dreg:$0x0] =	wrdreg $0x0  }
0xa8: {  	s5 =	sshll.u32 s28, $0x1;
	[dreg:$0x2] =	wrdreg s3  }
0xa9: {  	[dreg:$0x3] =	wrdreg s5  }
0xaa: {  	[dreg:$0x4] =	wrdreg $0xC0  }
0xab: {  	_ =	task [dreg:s7], $0x5FFFF  }
0xac: {  	[dreg:$0x1] =	wrdreg $0xFFFFFFFF  }
0xad: {  	[dreg:$0x0] =	wrdreg $0x60  }
0xae: {  	[dreg:$0x2] =	wrdreg s24  }
0xaf: {  	[dreg:$0x3] =	wrdreg s2  }
0xb0: {  	[dreg:$0x4] =	wrdreg $0x0  }
0xb1: {  	[dreg:$0x5] =	wrdreg $0x9  }
0xb2: {  	_ =	task.clear_ibuf [dreg:s7], $0x6FFFF;
	_ =	strace $0x90000049  }
0xb3: {  	s29 =	simm.s32 $0x9;
	_ =	strace $0x8000004B  }
0xb4: {  	_ =	swait.ge [sflag:s29], $0x1  }
0xb5: {  	[sflag:s29] =	ssyncadd.s32 $0xFFFFFFFF  }
0xb6: {  	_ =	strace $0x9000004B  }
0xb7: {  	_ =	sfence  }
0xb8: {  	s30 =	sld [smem:$0x0];
	_ =	sdelay $0x2  }
0xb9: {  	s31 =	sshll.u32 s1, $0xD;
	s1 =	sshrl.u32 s1, $0x2  }
0xba: {  	s3 =	sand.u32 $0x4000, s31;
	s1 =	sadd.s32 s1, s30  }
0xbb: {  	s0 =	sor.u32 s3, s0;
	s1 =	sshll.u32 s1, $0x11  }
0xbc: {  	s0 =	sor.u32 s1, s0  }
0xbd: {  	s0 =	sadd.s32 $0x8F2B, s0  }
0xbe: {  	[sflag:s0] =	ssyncadd.remote.s32 $0x1  }
0xbf: {  	_ =	sfence.sel $0xFFFF  }
0xc0: {  	[dreg:$0x0] =	wrdreg $0xFFFFFFFF;
	(pc) =	sbr.abs _section_cstart, $3  }
0xc1: {  	[dreg:$0x1] =	wrdreg $0xFFFFFFFF  }
0xc2: {  	_ =	task.clear_ibuf [dreg:s7], $0x2FFFF;
	_ =	strace $0x9FFFFFFF  }
0xc3: {  	(tm) =	ssettm $0x7FFFFFFF  }
tec
execute0_lowered:
.L_overlay_start_1:
0x0: {  	(tag) =	ssettag $0x1  }
0x1: {  	s5 =	rddreg [dreg:$0x0]  }
0x2: {  	s10 =	rddreg [dreg:$0x1]  }
0x3: {  	s2 =	rddreg [dreg:$0x2]  }
0x4: {  	s0 =	rddreg [dreg:$0x3];
	s4 =	srdreg.scid  }
0x5: {  	s3 =	simm.s32 $0x0;
	s1 =	stileid.u32;
	s20 =	simm.s32 $0x80  }
0x6: {  	s21 =	simm.s32 $0x16800;
	s22 =	simm.s32 $0x16880;
	s23 =	simm.s32 $0x1A980  }
0x7: {  	s24 =	simm.s32 $0x1;
	s25 =	simm.s32 $0x16900;
	s26 =	simm.s32 $0x2  }
0x8: {  	s28 =	simm.s32 $0x0;
	s7 =	sand.u32 $0x1, s4;
	s8 =	smul.u32 $0x50000, s1  }
0x9: {  	[smem:$0x7FF] =	sst s3;
	s11 =	smul.u32 $0x14000, s1;
	s4 =	sadd.s32 $0x1A00, s5  }
0xa: {  	s15 =	sadd.s32 $0x4FC00, s5;
	s29 =	sshll.u32 s1, $0x1;
	s6 =	ssub.s32 $0x2, s7  }
0xb: {  	_ =	strace $0x8000004A;
	s12 =	sor.u32 s7, s29;
	s17 =	smul.u32 $0x140000, s7  }
0xc: {  	s9 =	sshrl.u32 s6, $0x1;
	s30 =	sshrl.u32 s8, $0x2;
	s31 =	sadd.s32 $0x4000, s11  }
0xd: {  	s13 =	sadd.s32 $0x8000, s11;
	s14 =	sadd.s32 $0xC000, s11;
	s18 =	sadd.s32 $0x10000, s11  }
0xe: {  	s12 =	smul.u32 $0x500, s12;
	s16 =	ssub.s32 s6, s9;
	s5 =	sadd.s32 s30, s2  }
0xf: {  	s6 =	sadd.s32 s31, s2;
	s7 =	sadd.s32 s13, s2;
	s8 =	sadd.s32 s14, s2  }
0x10: {  	s11 =	sadd.s32 s11, s17;
	s19 =	sadd.s32 s17, s31;
	s9 =	sadd.s32 s18, s2  }
0x11: {  	s13 =	sadd.s32 s17, s13;
	s14 =	sadd.s32 s17, s14;
	s17 =	sadd.s32 s17, s18  }
0x12: {  	s18 =	simm.s32 $0x3;
	s11 =	sshrl.u32 s11, $0x3;
	s19 =	sshrl.u32 s19, $0x3  }
0x13: {  	s10 =	sadd.s32 s10, s12;
	s13 =	sshrl.u32 s13, $0x3;
	s14 =	sshrl.u32 s14, $0x3  }
0x14: {  	s17 =	sshrl.u32 s17, $0x3;
	s16 =	smax.u32 s16, $0x1;
	s11 =	sadd.s32 s15, s11  }
0x15: {  	s12 =	sadd.s32 s15, s19;
	s13 =	sadd.s32 s15, s13;
	s14 =	sadd.s32 s15, s14  }
0x16: {  	v0 =	vimm.f32 $0.0e+00;
	s15 =	sadd.s32 s15, s17;
	s17 =	simm.s32 $0x16980;
	s19 =	simm.s32 $0x14000  }
.LBB2_1:
0x17: {  	s29 =	simm.s32 $0x0;
	s30 =	simm.s32 $0x200  }
.LBB2_2:
0x18: {  	p0 =	sne.s32 s30, $0xFE00;
	[tilespmem:s29+$0x169F0] =	vst v0  }
0x19: {  	[tilespmem:s29+$0x16980] =	vst v0  }
0x1a: {  	[tilespmem:s29+$0x16990] =	vst v0  }
.Ltmp0:
0x1b: {  	[tilespmem:s29+$0x169A0] =	vst v0;
	(pc) =	sbr.rel @p0 .LBB2_2-.Ltmp0, $4  }
0x1c: {  	[tilespmem:s29+$0x169B0] =	vst v0  }
0x1d: {  	[tilespmem:s29+$0x169C0] =	vst v0  }
0x1e: {  	[tilespmem:s29+$0x169D0] =	vst v0  }
0x1f: {  	[tilespmem:s29+$0x169E0] =	vst v0;
	s29 =	sshra.s32 s30, $0x2;
	s30 =	sadd.s32 $0x200, s30  }
0x20: {  	[tilespmem:s29+$0x169F0] =	vst v0  }
0x21: {  	[tilespmem:s29+$0x16980] =	vst v0  }
0x22: {  	[tilespmem:s29+$0x16990] =	vst v0  }
0x23: {  	[tilespmem:s29+$0x169A0] =	vst v0  }
0x24: {  	[tilespmem:s29+$0x169B0] =	vst v0  }
0x25: {  	[tilespmem:s29+$0x169C0] =	vst v0  }
0x26: {  	[tilespmem:s29+$0x169D0] =	vst v0  }
0x27: {  	[tilespmem:s29+$0x169E0] =	vst v0  }
0x28: {  	[spmem:s5] =	stream.linear.scatter [tilespmem:s17], [sflag:$0x3], $0x4000, $0x38;
	[tilespmem:$0x1E980] =	vst v63  }
0x29: {  	_ =	swait.ge [sflag:s18], $0x4000  }
0x2a: {  	[sflag:s18] =	ssyncset.done $0x0  }
0x2b: {  	[sflag:s18] =	ssyncadd.s32 $0xFFFFC000  }
0x2c: {  	[spmem:s6] =	stream.linear.scatter [tilespmem:s17], [sflag:$0x3], $0x4000, $0x38;
	[tilespmem:$0x1E980] =	vst v63  }
0x2d: {  	_ =	swait.ge [sflag:s18], $0x4000  }
0x2e: {  	[sflag:s18] =	ssyncset.done $0x0  }
0x2f: {  	[sflag:s18] =	ssyncadd.s32 $0xFFFFC000  }
0x30: {  	[spmem:s7] =	stream.linear.scatter [tilespmem:s17], [sflag:$0x3], $0x4000, $0x38;
	[tilespmem:$0x1E980] =	vst v63  }
0x31: {  	_ =	swait.ge [sflag:s18], $0x4000  }
0x32: {  	[sflag:s18] =	ssyncset.done $0x0  }
0x33: {  	[sflag:s18] =	ssyncadd.s32 $0xFFFFC000  }
0x34: {  	[spmem:s8] =	stream.linear.scatter [tilespmem:s17], [sflag:$0x3], $0x4000, $0x38;
	[tilespmem:$0x1E980] =	vst v63  }
0x35: {  	_ =	swait.ge [sflag:s18], $0x4000  }
0x36: {  	[sflag:s18] =	ssyncset.done $0x0  }
0x37: {  	[sflag:s18] =	ssyncadd.s32 $0xFFFFC000  }
0x38: {  	[spmem:s9] =	stream.linear.scatter [tilespmem:s17], [sflag:$0x3], $0x4000, $0x38;
	[tilespmem:$0x1E980] =	vst v63  }
0x39: {  	_ =	swait.ge [sflag:s18], $0x4000  }
0x3a: {  	[sflag:s18] =	ssyncset.done $0x0  }
0x3b: {  	[sflag:s18] =	ssyncadd.s32 $0xFFFFC000  }
0x3c: {  	[tilespmem:s19], [sflag:$0x3] =	stream.linear.gather [hbm4b:s10+s3], $0x2800, $0x38;
	[tilespmem:$0x1E980] =	vst v63  }
0x3d: {  	_ =	swait.ge [sflag:s18], $0x2800  }
0x3e: {  	[sflag:s18] =	ssyncset.done $0x0  }
0x3f: {  	[sflag:s18] =	ssyncadd.s32 $0xFFFFD800  }
0x40: {  	v1 =	vld [tilespmem:$0x14000]  }
0x41: {  	v2 =	vld [tilespmem:$0x14010]  }
0x42: {  	v3 =	vld [tilespmem:$0x14020]  }
0x43: {  	v4 =	vld [tilespmem:$0x14030]  }
0x44: {  	v5 =	vld [tilespmem:$0x14040]  }
0x45: {  	v6 =	vld [tilespmem:$0x14050];
	v1 =	vshrl.u32 v1, $0xE  }
0x46: {  	[tilespmem:$0x16800] =	vst v1;
	v1 =	vshrl.u32 v2, $0xE;
	v2 =	vld [tilespmem:$0x14060]  }
0x47: {  	[tilespmem:$0x16810] =	vst v1;
	v1 =	vshrl.u32 v3, $0xE;
	v3 =	vld [tilespmem:$0x14070]  }
0x48: {  	[tilespmem:$0x16820] =	vst v1;
	v1 =	vshrl.u32 v4, $0xE  }
0x49: {  	[tilespmem:$0x16830] =	vst v1;
	v1 =	vshrl.u32 v5, $0xE  }
0x4a: {  	[tilespmem:$0x16840] =	vst v1;
	v1 =	vshrl.u32 v6, $0xE  }
0x4b: {  	[tilespmem:$0x16850] =	vst v1;
	v1 =	vshrl.u32 v2, $0xE  }
0x4c: {  	[tilespmem:$0x16860] =	vst v1;
	v1 =	vshrl.u32 v3, $0xE  }
0x4d: {  	[tilespmem:$0x16870] =	vst v1  }
0x4e: {  	[tilespmem:s17], [sflag:$0x1] =	stream.indirect.gather [hbm4b:s4+s20], $0x80, s21, s20, $0xb8;
	[tilespmem:$0x1E980] =	vst v63  }
0x4f: {  	v1 =	vld [tilespmem:$0x14080]  }
0x50: {  	v2 =	vld [tilespmem:$0x14090]  }
0x51: {  	v3 =	vld [tilespmem:$0x140A0]  }
0x52: {  	v61 =	vld [tilespmem:$0x140B0]  }
0x53: {  	v62 =	vld [tilespmem:$0x140C0]  }
0x54: {  	v63 =	vld [tilespmem:$0x140D0];
	v1 =	vshrl.u32 v1, $0xE  }
0x55: {  	[tilespmem:$0x16880] =	vst v1;
	v1 =	vshrl.u32 v2, $0xE;
	v2 =	vld [tilespmem:$0x140E0]  }
0x56: {  	[tilespmem:$0x16890] =	vst v1;
	v1 =	vshrl.u32 v3, $0xE;
	v3 =	vld [tilespmem:$0x140F0]  }
0x57: {  	[tilespmem:$0x168A0] =	vst v1;
	v1 =	vshrl.u32 v61, $0xE  }
0x58: {  	[tilespmem:$0x168B0] =	vst v1;
	v1 =	vshrl.u32 v62, $0xE  }
0x59: {  	[tilespmem:$0x168C0] =	vst v1;
	v1 =	vshrl.u32 v63, $0xE  }
0x5a: {  	[tilespmem:$0x168D0] =	vst v1;
	v1 =	vshrl.u32 v2, $0xE  }
0x5b: {  	[tilespmem:$0x168E0] =	vst v1;
	v1 =	vshrl.u32 v3, $0xE  }
0x5c: {  	[tilespmem:$0x168F0] =	vst v1  }
0x5d: {  	[tilespmem:s23], [sflag:$0x2] =	stream.indirect.gather [hbm4b:s4+s20], $0x80, s22, s20, $0xb8;
	[tilespmem:$0x1E980] =	vst v63  }
0x5e: {  	[bflag:$0x0] =	sbarrier.arrive $0xFFFF  }
0x5f: {  	_ =	swait.ge [sflag:s24], $0x4000  }
0x60: {  	[sflag:s24] =	ssyncset.done $0x0  }
0x61: {  	s29 =	simm.s32 $0x1F0;
	[sflag:s24] =	ssyncadd.s32 $0xFFFFC000  }
0x62: {  	v1 =	vld [tilespmem:s29+$0x13E10];
	_ =	sdelay $0x4  }
0x63: {  	v1 =	vand.u32 $0x3FFF, v1  }
0x64: {  	[tilespmem:$0x16900] =	vst v1  }
0x65: {  	v1 =	vld [tilespmem:s29+$0x13E20];
	_ =	sdelay $0x4  }
0x66: {  	v1 =	vand.u32 $0x3FFF, v1  }
0x67: {  	[tilespmem:$0x16910] =	vst v1  }
0x68: {  	v1 =	vld [tilespmem:s29+$0x13E30];
	_ =	sdelay $0x4  }
0x69: {  	v1 =	vand.u32 $0x3FFF, v1  }
0x6a: {  	[tilespmem:$0x16920] =	vst v1  }
0x6b: {  	v1 =	vld [tilespmem:s29+$0x13E40];
	_ =	sdelay $0x4  }
0x6c: {  	v1 =	vand.u32 $0x3FFF, v1  }
0x6d: {  	[tilespmem:$0x16930] =	vst v1  }
0x6e: {  	v1 =	vld [tilespmem:s29+$0x13E50];
	_ =	sdelay $0x4  }
0x6f: {  	v1 =	vand.u32 $0x3FFF, v1  }
0x70: {  	[tilespmem:$0x16940] =	vst v1  }
0x71: {  	v1 =	vld [tilespmem:s29+$0x13E60];
	_ =	sdelay $0x4  }
0x72: {  	v1 =	vand.u32 $0x3FFF, v1  }
0x73: {  	[tilespmem:$0x16950] =	vst v1  }
0x74: {  	v1 =	vld [tilespmem:s29+$0x13E70];
	_ =	sdelay $0x4  }
0x75: {  	v1 =	vand.u32 $0x3FFF, v1  }
0x76: {  	[tilespmem:$0x16960] =	vst v1  }
0x77: {  	v1 =	vld [tilespmem:s29+$0x13E80];
	_ =	sdelay $0x4  }
0x78: {  	v1 =	vand.u32 $0x3FFF, v1  }
0x79: {  	[tilespmem:$0x16970] =	vst v1  }
0x7a: {  	[spmem:s2] =	stream.indirect.scatter.add.f32 [tilespmem:s17], [sflag:$0x3], $0x80, s25, s20, $0xb8;
	[tilespmem:$0x1E980] =	vst v63  }
0x7b: {  	_ =	swait.ge [sflag:s18], $0x4000  }
0x7c: {  	[sflag:s18] =	ssyncset.done $0x0  }
0x7d: {  	[sflag:s18] =	ssyncadd.s32 $0xFFFFC000  }
0x7e: {  	v1 =	vld [tilespmem:s29+$0x13F10];
	_ =	sdelay $0x4  }
0x7f: {  	v1 =	vshrl.u32 v1, $0xE  }
0x80: {  	[tilespmem:$0x16800] =	vst v1  }
0x81: {  	v1 =	vld [tilespmem:s29+$0x13F20];
	_ =	sdelay $0x4  }
0x82: {  	v1 =	vshrl.u32 v1, $0xE  }
0x83: {  	[tilespmem:$0x16810] =	vst v1  }
0x84: {  	v1 =	vld [tilespmem:s29+$0x13F30];
	_ =	sdelay $0x4  }
0x85: {  	v1 =	vshrl.u32 v1, $0xE  }
0x86: {  	[tilespmem:$0x16820] =	vst v1  }
0x87: {  	v1 =	vld [tilespmem:s29+$0x13F40];
	_ =	sdelay $0x4  }
0x88: {  	v1 =	vshrl.u32 v1, $0xE  }
0x89: {  	[tilespmem:$0x16830] =	vst v1  }
0x8a: {  	v1 =	vld [tilespmem:s29+$0x13F50];
	_ =	sdelay $0x4  }
0x8b: {  	v1 =	vshrl.u32 v1, $0xE  }
0x8c: {  	[tilespmem:$0x16840] =	vst v1  }
0x8d: {  	v1 =	vld [tilespmem:s29+$0x13F60];
	_ =	sdelay $0x4  }
0x8e: {  	v1 =	vshrl.u32 v1, $0xE  }
0x8f: {  	[tilespmem:$0x16850] =	vst v1  }
0x90: {  	v1 =	vld [tilespmem:s29+$0x13F70];
	_ =	sdelay $0x4  }
0x91: {  	v1 =	vshrl.u32 v1, $0xE  }
0x92: {  	[tilespmem:$0x16860] =	vst v1  }
0x93: {  	v1 =	vld [tilespmem:s29+$0x13F80];
	_ =	sdelay $0x4  }
0x94: {  	v1 =	vshrl.u32 v1, $0xE  }
0x95: {  	[tilespmem:$0x16870] =	vst v1  }
0x96: {  	[tilespmem:s17], [sflag:$0x1] =	stream.indirect.gather [hbm4b:s4+s20], $0x80, s21, s20, $0xb8;
	[tilespmem:$0x1E980] =	vst v63  }
0x97: {  	_ =	swait.ge [sflag:s26], $0x4000  }
0x98: {  	[sflag:s26] =	ssyncset.done $0x0  }
0x99: {  	[sflag:s26] =	ssyncadd.s32 $0xFFFFC000  }
0x9a: {  	v1 =	vld [tilespmem:s29+$0x13E90];
	_ =	sdelay $0x4  }
0x9b: {  	v1 =	vand.u32 $0x3FFF, v1  }
0x9c: {  	[tilespmem:$0x16900] =	vst v1  }
0x9d: {  	v1 =	vld [tilespmem:s29+$0x13EA0];
	_ =	sdelay $0x4  }
0x9e: {  	v1 =	vand.u32 $0x3FFF, v1  }
0x9f: {  	[tilespmem:$0x16910] =	vst v1  }
0xa0: {  	v1 =	vld [tilespmem:s29+$0x13EB0];
	_ =	sdelay $0x4  }
0xa1: {  	v1 =	vand.u32 $0x3FFF, v1  }
0xa2: {  	[tilespmem:$0x16920] =	vst v1  }
0xa3: {  	v1 =	vld [tilespmem:s29+$0x13EC0];
	_ =	sdelay $0x4  }
0xa4: {  	v1 =	vand.u32 $0x3FFF, v1  }
0xa5: {  	[tilespmem:$0x16930] =	vst v1  }
0xa6: {  	v1 =	vld [tilespmem:s29+$0x13ED0];
	_ =	sdelay $0x4  }
0xa7: {  	v1 =	vand.u32 $0x3FFF, v1  }
0xa8: {  	[tilespmem:$0x16940] =	vst v1  }
0xa9: {  	v1 =	vld [tilespmem:s29+$0x13EE0];
	_ =	sdelay $0x4  }
0xaa: {  	v1 =	vand.u32 $0x3FFF, v1  }
0xab: {  	[tilespmem:$0x16950] =	vst v1  }
0xac: {  	v1 =	vld [tilespmem:s29+$0x13EF0];
	_ =	sdelay $0x4  }
0xad: {  	v1 =	vand.u32 $0x3FFF, v1  }
0xae: {  	[tilespmem:$0x16960] =	vst v1  }
0xaf: {  	v1 =	vld [tilespmem:s29+$0x13F00];
	_ =	sdelay $0x4  }
0xb0: {  	v1 =	vand.u32 $0x3FFF, v1  }
0xb1: {  	[tilespmem:$0x16970] =	vst v1  }
0xb2: {  	[spmem:s2] =	stream.indirect.scatter.add.f32 [tilespmem:s23], [sflag:$0x3], $0x80, s25, s20, $0xb8;
	[tilespmem:$0x1E980] =	vst v63  }
0xb3: {  	_ =	swait.ge [sflag:s18], $0x4000  }
0xb4: {  	[sflag:s18] =	ssyncset.done $0x0  }
0xb5: {  	[sflag:s18] =	ssyncadd.s32 $0xFFFFC000  }
0xb6: {  	v1 =	vld [tilespmem:s29+$0x13F90];
	_ =	sdelay $0x4  }
0xb7: {  	v1 =	vshrl.u32 v1, $0xE  }
0xb8: {  	[tilespmem:$0x16880] =	vst v1  }
0xb9: {  	v1 =	vld [tilespmem:s29+$0x13FA0];
	_ =	sdelay $0x4  }
0xba: {  	v1 =	vshrl.u32 v1, $0xE  }
0xbb: {  	[tilespmem:$0x16890] =	vst v1  }
0xbc: {  	v1 =	vld [tilespmem:s29+$0x13FB0];
	_ =	sdelay $0x4  }
0xbd: {  	v1 =	vshrl.u32 v1, $0xE  }
0xbe: {  	[tilespmem:$0x168A0] =	vst v1  }
0xbf: {  	v1 =	vld [tilespmem:s29+$0x13FC0];
	_ =	sdelay $0x4  }
0xc0: {  	v1 =	vshrl.u32 v1, $0xE  }
0xc1: {  	[tilespmem:$0x168B0] =	vst v1  }
0xc2: {  	v1 =	vld [tilespmem:s29+$0x13FD0];
	_ =	sdelay $0x4  }
0xc3: {  	v1 =	vshrl.u32 v1, $0xE  }
0xc4: {  	[tilespmem:$0x168C0] =	vst v1  }
0xc5: {  	v1 =	vld [tilespmem:s29+$0x13FE0];
	_ =	sdelay $0x4  }
0xc6: {  	v1 =	vshrl.u32 v1, $0xE  }
0xc7: {  	[tilespmem:$0x168D0] =	vst v1  }
0xc8: {  	v1 =	vld [tilespmem:s29+$0x13FF0];
	_ =	sdelay $0x4  }
0xc9: {  	v1 =	vshrl.u32 v1, $0xE  }
0xca: {  	[tilespmem:$0x168E0] =	vst v1  }
0xcb: {  	v1 =	vld [tilespmem:s29+$0x14000];
	_ =	sdelay $0x4  }
0xcc: {  	v1 =	vshrl.u32 v1, $0xE  }
0xcd: {  	s29 =	simm.s32 $0xBC0;
	[tilespmem:$0x168F0] =	vst v1  }
.LBB2_4:
0xce: {  	[tilespmem:s23], [sflag:$0x2] =	stream.indirect.gather [hbm4b:s4+s20], $0x80, s22, s20, $0xb8;
	[tilespmem:$0x1E980] =	vst v63  }
0xcf: {  	s30 =	smov.u32 s29  }
0xd0: {  	p0 =	sne.s32 s29, $0x9FC0;
	s29 =	sadd.s32 $0x400, s29;
	_ =	swait.ge [sflag:s24], $0x4000  }
0xd1: {  	[sflag:s24] =	ssyncset.done $0x0  }
0xd2: {  	s30 =	sshra.s32 s30, $0x2;
	[sflag:s24] =	ssyncadd.s32 $0xFFFFC000  }
0xd3: {  	v1 =	vld [tilespmem:s30+$0x13E10];
	_ =	sdelay $0x4  }
0xd4: {  	v1 =	vand.u32 $0x3FFF, v1  }
0xd5: {  	[tilespmem:$0x16900] =	vst v1  }
0xd6: {  	v1 =	vld [tilespmem:s30+$0x13E20];
	_ =	sdelay $0x4  }
0xd7: {  	v1 =	vand.u32 $0x3FFF, v1  }
0xd8: {  	[tilespmem:$0x16910] =	vst v1  }
0xd9: {  	v1 =	vld [tilespmem:s30+$0x13E30];
	_ =	sdelay $0x4  }
0xda: {  	v1 =	vand.u32 $0x3FFF, v1  }
0xdb: {  	[tilespmem:$0x16920] =	vst v1  }
0xdc: {  	v1 =	vld [tilespmem:s30+$0x13E40];
	_ =	sdelay $0x4  }
0xdd: {  	v1 =	vand.u32 $0x3FFF, v1  }
0xde: {  	[tilespmem:$0x16930] =	vst v1  }
0xdf: {  	v1 =	vld [tilespmem:s30+$0x13E50];
	_ =	sdelay $0x4  }
0xe0: {  	v1 =	vand.u32 $0x3FFF, v1  }
0xe1: {  	[tilespmem:$0x16940] =	vst v1  }
0xe2: {  	v1 =	vld [tilespmem:s30+$0x13E60];
	_ =	sdelay $0x4  }
0xe3: {  	v1 =	vand.u32 $0x3FFF, v1  }
0xe4: {  	[tilespmem:$0x16950] =	vst v1  }
0xe5: {  	v1 =	vld [tilespmem:s30+$0x13E70];
	_ =	sdelay $0x4  }
0xe6: {  	v1 =	vand.u32 $0x3FFF, v1  }
0xe7: {  	[tilespmem:$0x16960] =	vst v1  }
0xe8: {  	v1 =	vld [tilespmem:s30+$0x13E80];
	_ =	sdelay $0x4  }
0xe9: {  	v1 =	vand.u32 $0x3FFF, v1  }
0xea: {  	[tilespmem:$0x16970] =	vst v1  }
0xeb: {  	[spmem:s2] =	stream.indirect.scatter.add.f32 [tilespmem:s17], [sflag:$0x3], $0x80, s25, s20, $0xb8;
	[tilespmem:$0x1E980] =	vst v63  }
0xec: {  	_ =	swait.ge [sflag:s18], $0x4000  }
0xed: {  	[sflag:s18] =	ssyncset.done $0x0  }
0xee: {  	[sflag:s18] =	ssyncadd.s32 $0xFFFFC000  }
0xef: {  	v1 =	vld [tilespmem:s30+$0x13F10];
	_ =	sdelay $0x4  }
0xf0: {  	v1 =	vshrl.u32 v1, $0xE  }
0xf1: {  	[tilespmem:$0x16800] =	vst v1  }
0xf2: {  	v1 =	vld [tilespmem:s30+$0x13F20];
	_ =	sdelay $0x4  }
0xf3: {  	v1 =	vshrl.u32 v1, $0xE  }
0xf4: {  	[tilespmem:$0x16810] =	vst v1  }
0xf5: {  	v1 =	vld [tilespmem:s30+$0x13F30];
	_ =	sdelay $0x4  }
0xf6: {  	v1 =	vshrl.u32 v1, $0xE  }
0xf7: {  	[tilespmem:$0x16820] =	vst v1  }
0xf8: {  	v1 =	vld [tilespmem:s30+$0x13F40];
	_ =	sdelay $0x4  }
0xf9: {  	v1 =	vshrl.u32 v1, $0xE  }
0xfa: {  	[tilespmem:$0x16830] =	vst v1  }
0xfb: {  	v1 =	vld [tilespmem:s30+$0x13F50];
	_ =	sdelay $0x4  }
0xfc: {  	v1 =	vshrl.u32 v1, $0xE  }
0xfd: {  	[tilespmem:$0x16840] =	vst v1  }
0xfe: {  	v1 =	vld [tilespmem:s30+$0x13F60];
	_ =	sdelay $0x4  }
0xff: {  	v1 =	vshrl.u32 v1, $0xE  }
0x100: {  	[tilespmem:$0x16850] =	vst v1  }
0x101: {  	v1 =	vld [tilespmem:s30+$0x13F70];
	_ =	sdelay $0x4  }
0x102: {  	v1 =	vshrl.u32 v1, $0xE  }
0x103: {  	[tilespmem:$0x16860] =	vst v1  }
0x104: {  	v1 =	vld [tilespmem:s30+$0x13F80];
	_ =	sdelay $0x4  }
0x105: {  	v1 =	vshrl.u32 v1, $0xE  }
0x106: {  	[tilespmem:$0x16870] =	vst v1  }
0x107: {  	[tilespmem:s17], [sflag:$0x1] =	stream.indirect.gather [hbm4b:s4+s20], $0x80, s21, s20, $0xb8;
	[tilespmem:$0x1E980] =	vst v63  }
0x108: {  	_ =	swait.ge [sflag:s26], $0x4000  }
0x109: {  	[sflag:s26] =	ssyncset.done $0x0  }
0x10a: {  	[sflag:s26] =	ssyncadd.s32 $0xFFFFC000  }
0x10b: {  	v1 =	vld [tilespmem:s30+$0x13E90];
	_ =	sdelay $0x4  }
0x10c: {  	v1 =	vand.u32 $0x3FFF, v1  }
0x10d: {  	[tilespmem:$0x16900] =	vst v1  }
0x10e: {  	v1 =	vld [tilespmem:s30+$0x13EA0];
	_ =	sdelay $0x4  }
0x10f: {  	v1 =	vand.u32 $0x3FFF, v1  }
0x110: {  	[tilespmem:$0x16910] =	vst v1  }
0x111: {  	v1 =	vld [tilespmem:s30+$0x13EB0];
	_ =	sdelay $0x4  }
0x112: {  	v1 =	vand.u32 $0x3FFF, v1  }
0x113: {  	[tilespmem:$0x16920] =	vst v1  }
0x114: {  	v1 =	vld [tilespmem:s30+$0x13EC0];
	_ =	sdelay $0x4  }
0x115: {  	v1 =	vand.u32 $0x3FFF, v1  }
0x116: {  	[tilespmem:$0x16930] =	vst v1  }
0x117: {  	v1 =	vld [tilespmem:s30+$0x13ED0];
	_ =	sdelay $0x4  }
0x118: {  	v1 =	vand.u32 $0x3FFF, v1  }
0x119: {  	[tilespmem:$0x16940] =	vst v1  }
0x11a: {  	v1 =	vld [tilespmem:s30+$0x13EE0];
	_ =	sdelay $0x4  }
0x11b: {  	v1 =	vand.u32 $0x3FFF, v1  }
0x11c: {  	[tilespmem:$0x16950] =	vst v1  }
0x11d: {  	v1 =	vld [tilespmem:s30+$0x13EF0];
	_ =	sdelay $0x4  }
0x11e: {  	v1 =	vand.u32 $0x3FFF, v1  }
0x11f: {  	[tilespmem:$0x16960] =	vst v1  }
0x120: {  	v1 =	vld [tilespmem:s30+$0x13F00];
	_ =	sdelay $0x4  }
0x121: {  	v1 =	vand.u32 $0x3FFF, v1  }
0x122: {  	[tilespmem:$0x16970] =	vst v1  }
0x123: {  	[spmem:s2] =	stream.indirect.scatter.add.f32 [tilespmem:s23], [sflag:$0x3], $0x80, s25, s20, $0xb8;
	[tilespmem:$0x1E980] =	vst v63  }
0x124: {  	_ =	swait.ge [sflag:s18], $0x4000  }
0x125: {  	[sflag:s18] =	ssyncset.done $0x0  }
0x126: {  	[sflag:s18] =	ssyncadd.s32 $0xFFFFC000  }
0x127: {  	v1 =	vld [tilespmem:s30+$0x13F90];
	_ =	sdelay $0x4  }
0x128: {  	v1 =	vshrl.u32 v1, $0xE  }
0x129: {  	[tilespmem:$0x16880] =	vst v1  }
0x12a: {  	v1 =	vld [tilespmem:s30+$0x13FA0];
	_ =	sdelay $0x4  }
0x12b: {  	v1 =	vshrl.u32 v1, $0xE  }
0x12c: {  	[tilespmem:$0x16890] =	vst v1  }
0x12d: {  	v1 =	vld [tilespmem:s30+$0x13FB0];
	_ =	sdelay $0x4  }
0x12e: {  	v1 =	vshrl.u32 v1, $0xE  }
0x12f: {  	[tilespmem:$0x168A0] =	vst v1  }
0x130: {  	v1 =	vld [tilespmem:s30+$0x13FC0];
	_ =	sdelay $0x4  }
0x131: {  	v1 =	vshrl.u32 v1, $0xE  }
0x132: {  	[tilespmem:$0x168B0] =	vst v1  }
0x133: {  	v1 =	vld [tilespmem:s30+$0x13FD0];
	_ =	sdelay $0x4  }
0x134: {  	v1 =	vshrl.u32 v1, $0xE  }
0x135: {  	[tilespmem:$0x168C0] =	vst v1  }
0x136: {  	v1 =	vld [tilespmem:s30+$0x13FE0];
	_ =	sdelay $0x4  }
0x137: {  	v1 =	vshrl.u32 v1, $0xE  }
0x138: {  	[tilespmem:$0x168D0] =	vst v1  }
0x139: {  	v1 =	vld [tilespmem:s30+$0x13FF0];
	_ =	sdelay $0x4  }
0x13a: {  	v1 =	vshrl.u32 v1, $0xE  }
0x13b: {  	[tilespmem:$0x168E0] =	vst v1  }
0x13c: {  	v1 =	vld [tilespmem:s30+$0x14000];
	_ =	sdelay $0x1  }
.Ltmp1:
0x13d: {  	(pc) =	sbr.rel @p0 .LBB2_4-.Ltmp1, $3  }
0x13e: {  	_ =	sdelay $0x1  }
0x13f: {  	v1 =	vshrl.u32 v1, $0xE  }
0x140: {  	[tilespmem:$0x168F0] =	vst v1  }
0x141: {  	[tilespmem:s23], [sflag:$0x2] =	stream.indirect.gather [hbm4b:s4+s20], $0x80, s22, s20, $0xb8;
	[tilespmem:$0x1E980] =	vst v63  }
0x142: {  	_ =	swait.ge [sflag:s24], $0x4000  }
0x143: {  	[sflag:s24] =	ssyncset.done $0x0  }
0x144: {  	[sflag:s24] =	ssyncadd.s32 $0xFFFFC000  }
0x145: {  	v1 =	vld [tilespmem:$0x16700]  }
0x146: {  	v2 =	vld [tilespmem:$0x16710]  }
0x147: {  	v3 =	vld [tilespmem:$0x16720]  }
0x148: {  	v4 =	vld [tilespmem:$0x16730]  }
0x149: {  	v5 =	vld [tilespmem:$0x16740]  }
0x14a: {  	v6 =	vld [tilespmem:$0x16750];
	v1 =	vand.u32 $0x3FFF, v1  }
0x14b: {  	[tilespmem:$0x16900] =	vst v1;
	v1 =	vand.u32 $0x3FFF, v2;
	v2 =	vld [tilespmem:$0x16760]  }
0x14c: {  	[tilespmem:$0x16910] =	vst v1;
	v1 =	vand.u32 $0x3FFF, v3;
	v3 =	vld [tilespmem:$0x16770]  }
0x14d: {  	[tilespmem:$0x16920] =	vst v1;
	v1 =	vand.u32 $0x3FFF, v4  }
0x14e: {  	[tilespmem:$0x16930] =	vst v1;
	v1 =	vand.u32 $0x3FFF, v5  }
0x14f: {  	[tilespmem:$0x16940] =	vst v1;
	v1 =	vand.u32 $0x3FFF, v6  }
0x150: {  	[tilespmem:$0x16950] =	vst v1;
	v1 =	vand.u32 $0x3FFF, v2  }
0x151: {  	[tilespmem:$0x16960] =	vst v1;
	v1 =	vand.u32 $0x3FFF, v3  }
0x152: {  	[tilespmem:$0x16970] =	vst v1  }
0x153: {  	[spmem:s2] =	stream.indirect.scatter.add.f32 [tilespmem:s17], [sflag:$0x3], $0x80, s25, s20, $0xb8;
	[tilespmem:$0x1E980] =	vst v63  }
0x154: {  	_ =	swait.ge [sflag:s18], $0x4000  }
0x155: {  	[sflag:s18] =	ssyncset.done $0x0  }
0x156: {  	[sflag:s18] =	ssyncadd.s32 $0xFFFFC000  }
0x157: {  	_ =	swait.ge [sflag:s26], $0x4000  }
0x158: {  	[sflag:s26] =	ssyncset.done $0x0  }
0x159: {  	[sflag:s26] =	ssyncadd.s32 $0xFFFFC000  }
0x15a: {  	v1 =	vld [tilespmem:$0x16780]  }
0x15b: {  	v2 =	vld [tilespmem:$0x16790]  }
0x15c: {  	v3 =	vld [tilespmem:$0x167A0]  }
0x15d: {  	v61 =	vld [tilespmem:$0x167B0]  }
0x15e: {  	v62 =	vld [tilespmem:$0x167C0]  }
0x15f: {  	v63 =	vld [tilespmem:$0x167D0];
	v1 =	vand.u32 $0x3FFF, v1  }
0x160: {  	[tilespmem:$0x16900] =	vst v1;
	v1 =	vand.u32 $0x3FFF, v2;
	v2 =	vld [tilespmem:$0x167E0]  }
0x161: {  	[tilespmem:$0x16910] =	vst v1;
	v1 =	vand.u32 $0x3FFF, v3;
	v3 =	vld [tilespmem:$0x167F0]  }
0x162: {  	[tilespmem:$0x16920] =	vst v1;
	v1 =	vand.u32 $0x3FFF, v61  }
0x163: {  	[tilespmem:$0x16930] =	vst v1;
	v1 =	vand.u32 $0x3FFF, v62  }
0x164: {  	[tilespmem:$0x16940] =	vst v1;
	v1 =	vand.u32 $0x3FFF, v63  }
0x165: {  	[tilespmem:$0x16950] =	vst v1;
	v1 =	vand.u32 $0x3FFF, v2  }
0x166: {  	[tilespmem:$0x16960] =	vst v1;
	v1 =	vand.u32 $0x3FFF, v3  }
0x167: {  	[tilespmem:$0x16970] =	vst v1  }
0x168: {  	[spmem:s2] =	stream.indirect.scatter.add.f32 [tilespmem:s23], [sflag:$0x3], $0x80, s25, s20, $0xb8;
	[tilespmem:$0x1E980] =	vst v63  }
0x169: {  	_ =	swait.ge [sflag:s18], $0x4000  }
0x16a: {  	[sflag:s18] =	ssyncset.done $0x0  }
0x16b: {  	[sflag:s18] =	ssyncadd.s32 $0xFFFFC000  }
0x16c: {  	[bflag:$0x0] =	sbarrier.arrive $0xFFFF  }
0x16d: {  	[tilespmem:s17], [sflag:$0x3] =	stream.linear.gather [spmem:s5], $0x4000, $0x38;
	[tilespmem:$0x1E980] =	vst v63  }
0x16e: {  	_ =	swait.ge [sflag:s18], $0x4000  }
0x16f: {  	[sflag:s18] =	ssyncset.done $0x0  }
0x170: {  	[sflag:s18] =	ssyncadd.s32 $0xFFFFC000  }
0x171: {  	[hbm4b:s11+s3] =	stream.linear.scatter [tilespmem:s17], [sflag:$0x3], $0x4000, $0x38;
	[tilespmem:$0x1E980] =	vst v63  }
0x172: {  	_ =	swait.ge [sflag:s18], $0x4000  }
0x173: {  	[sflag:s18] =	ssyncset.done $0x0  }
0x174: {  	[sflag:s18] =	ssyncadd.s32 $0xFFFFC000  }
0x175: {  	[tilespmem:s17], [sflag:$0x3] =	stream.linear.gather [spmem:s6], $0x4000, $0x38;
	[tilespmem:$0x1E980] =	vst v63  }
0x176: {  	_ =	swait.ge [sflag:s18], $0x4000  }
0x177: {  	[sflag:s18] =	ssyncset.done $0x0  }
0x178: {  	[sflag:s18] =	ssyncadd.s32 $0xFFFFC000  }
0x179: {  	[hbm4b:s12+s3] =	stream.linear.scatter [tilespmem:s17], [sflag:$0x3], $0x4000, $0x38;
	[tilespmem:$0x1E980] =	vst v63  }
0x17a: {  	_ =	swait.ge [sflag:s18], $0x4000  }
0x17b: {  	[sflag:s18] =	ssyncset.done $0x0  }
0x17c: {  	[sflag:s18] =	ssyncadd.s32 $0xFFFFC000  }
0x17d: {  	[tilespmem:s17], [sflag:$0x3] =	stream.linear.gather [spmem:s7], $0x4000, $0x38;
	[tilespmem:$0x1E980] =	vst v63  }
0x17e: {  	_ =	swait.ge [sflag:s18], $0x4000  }
0x17f: {  	[sflag:s18] =	ssyncset.done $0x0  }
0x180: {  	[sflag:s18] =	ssyncadd.s32 $0xFFFFC000  }
0x181: {  	[hbm4b:s13+s3] =	stream.linear.scatter [tilespmem:s17], [sflag:$0x3], $0x4000, $0x38;
	[tilespmem:$0x1E980] =	vst v63  }
0x182: {  	_ =	swait.ge [sflag:s18], $0x4000  }
0x183: {  	[sflag:s18] =	ssyncset.done $0x0  }
0x184: {  	[sflag:s18] =	ssyncadd.s32 $0xFFFFC000  }
0x185: {  	[tilespmem:s17], [sflag:$0x3] =	stream.linear.gather [spmem:s8], $0x4000, $0x38;
	[tilespmem:$0x1E980] =	vst v63  }
0x186: {  	_ =	swait.ge [sflag:s18], $0x4000  }
0x187: {  	[sflag:s18] =	ssyncset.done $0x0  }
0x188: {  	[sflag:s18] =	ssyncadd.s32 $0xFFFFC000  }
0x189: {  	[hbm4b:s14+s3] =	stream.linear.scatter [tilespmem:s17], [sflag:$0x3], $0x4000, $0x38;
	[tilespmem:$0x1E980] =	vst v63  }
0x18a: {  	_ =	swait.ge [sflag:s18], $0x4000  }
0x18b: {  	[sflag:s18] =	ssyncset.done $0x0  }
0x18c: {  	[sflag:s18] =	ssyncadd.s32 $0xFFFFC000  }
0x18d: {  	[tilespmem:s17], [sflag:$0x3] =	stream.linear.gather [spmem:s9], $0x4000, $0x38;
	[tilespmem:$0x1E980] =	vst v63  }
0x18e: {  	s28 =	sadd.s32 $0x1, s28;
	_ =	swait.ge [sflag:s18], $0x4000  }
0x18f: {  	p0 =	sne.s32 s28, s16;
	[sflag:s18] =	ssyncset.done $0x0  }
.Ltmp2:
0x190: {  	[sflag:s18] =	ssyncadd.s32 $0xFFFFC000;
	(pc) =	sbr.rel @p0 .LBB2_1-.Ltmp2, $4  }
0x191: {  	[hbm4b:s15+s3] =	stream.linear.scatter [tilespmem:s17], [sflag:$0x3], $0x4000, $0x38;
	[tilespmem:$0x1E980] =	vst v63  }
0x192: {  	_ =	swait.ge [sflag:s18], $0x4000  }
0x193: {  	[sflag:s18] =	ssyncset.done $0x0  }
0x194: {  	[sflag:s18] =	ssyncadd.s32 $0xFFFFC000  }
0x195: {  	_ =	sfence.sel $0x180000  }
0x196: {  	[bflag:$0x0] =	sbarrier.arrive $0xFFFF  }
0x197: {  	p0 =	sne.s32 s1, $0x0;
	_ =	strace $0x9000004A  }
0x198: {  	s0 =	sadd.s32 @!p0 $0x100000, s0;
	[bflag:$0x2] =	sbarrier.arrive $0xFFFF  }
0x199: {  	[sflag:s0] =	ssyncadd.tile.s32 @!p0 $0x1;
	_ =	shalt  }
.Lfunc_end2:
_tile_overlayer_lowered:
.L_overlay_start_2:
0x19a: {  	(tag) =	ssettag $0x2  }
0x19b: {  	s0 =	rddreg [dreg:$0x0];
	s2 =	stileid.u32  }
0x19c: {  	s1 =	rddreg [dreg:$0x1];
	p0 =	sne.s32 s2, $0x0  }
0x19d: {  	s3 =	rddreg [dreg:$0x2];
	[bflag:$0x3] =	sbarrier.arrive $0xFFFF;
	s2 =	simm.s32 @!p0 $0x1C03  }
0x19e: {  	[timem:s3], [sflag:s2] =	dma.local @!p0 [hbm:s0], s1  }
0x19f: {  	s0 =	simm.s32 @!p0 $0x3  }
0x1a0: {  	_ =	swait.ge @!p0 [sflag:s0], s1  }
0x1a1: {  	s1 =	ssub.s32 @!p0 $0x0, s1;
	[sflag:s0] =	ssyncset.done @!p0 $0x0  }
0x1a2: {  	[sflag:s0] =	ssyncadd.s32 @!p0 s1  }
0x1a3: {  	[bflag:$0x3] =	sbarrier.arrive $0xFFFF  }
0x1a4: {  	_ =	shalt  }

// kernel: kernel.7.cloned.1.call-start
scs
__scs_entry_jumppad:
0x0: {  	(pc) =	sbr.rel $0x88, $3  }
0x1: {  	(tag) =	ssettag $0x0;
	lr =	simm.s32 $0x1  }
0x2: {  	[smem:$0x3F98] =	sst lr;
	_ =	strace $0xD0000000  }
0x3: {  	_ = 	snop  }
0x4: {  	_ = 	snop  }
0x5: {  	_ = 	snop  }
0x6: {  	_ = 	snop  }
0x7: {  	_ = 	snop  }
__scs_overlays_trampoline_lowered:
0x8: {  	[smem:$0x3FA7] =	sst s0  }
0x9: {  	[smem:$0x3FA8] =	sst s1  }
0xa: {  	[smem:$0x3FA9] =	sst s2  }
0xb: {  	[smem:$0x3FAA] =	sst s3  }
0xc: {  	[smem:$0x3FAB] =	sst s4  }
0xd: {  	[smem:$0x3FAC] =	sst s5  }
0xe: {  	[smem:$0x3FAD] =	sst s6  }
0xf: {  	[smem:$0x3FAE] =	sst s7  }
0x10: {  	[smem:$0x3FAF] =	sst s8  }
0x11: {  	[smem:$0x3FB0] =	sst s9;
	s0 =	simm.s32 @!p0 $0x0  }
0x12: {  	s1 =	sld [smem:$0x3F96];
	s0 =	simm.s32 @p0 $0x1  }
0x13: {  	[smem:$0x3FB1] =	sst s0;
	s0 =	simm.s32 @!p1 $0x0  }
0x14: {  	s2 =	sld [smem:$0x3F95];
	s0 =	simm.s32 @p1 $0x1  }
0x15: {  	[smem:$0x3FB2] =	sst s0;
	s0 =	simm.s32 @!p2 $0x0  }
0x16: {  	s3 =	sld [smem:$0x3FDB];
	s0 =	simm.s32 @p2 $0x1  }
0x17: {  	s4 =	simm.s32 $0x1BF5;
	[smem:$0x3FB4] =	sst s0  }
0x18: {  	s0 =	sld [smem:$0x3F97];
	_ =	swait.ge [sflag:s4], $0x0  }
0x19: {  	s7 =	sld [smem:$0x3F98]  }
0x1a: {  	s8 =	sadd.s32 $0xFFFFE003, lr  }
0x1b: {  	s9 =	sadd.s32 $0xFFFFFEF7, lr;
	s5 =	simm.s32 $0xFFFFFFFF;
	p2 =	slt.u32 s8, $0xFFFFF086  }
0x1c: {  	p1 =	slt.u32 s9, $0xF7A;
	s5 =	simm.s32 @!p2 $0x0  }
0x1d: {  	s5 =	simm.s32 @p1 $0x1;
	p0 =	seq.s32 s7, s2  }
0x1e: {  	s7 =	smul.u32 @!p0 $0xF7A, s2;
	p2 =	seq.s32 @!p0 s5, $0x0  }
0x1f: {  	s9 =	smul.u32 $0xF7A, s1;
	s8 =	simm.s32 @!p0 $0x1BF5;
	p2 =	por !p2, p0  }
0x20: {  	[sflag:s8] =	ssyncset.s32 @!p0 $0xFFFFF086;
	s6 =	sadd.s32 @!p0 s3, s7;
	s7 =	simm.s32 @!p0 $0x108  }
0x21: {  	s3 =	sadd.s32 s3, s9;
	s6 =	sadd.s32 @!p0 $0x88, s6;
	s7 =	simm.s32 @p2 $0x1082  }
0x22: {  	[simem:s7], [sflag:s8] =	dma.local @!p0 [hbm:s6], $0xF7A  }
0x23: {  	s9 =	sor.u32 $0xD0000000, s2;
	s6 =	simm.s32 $0x108;
	_ =	swait.ge @!p0 [sflag:s8], $0x0  }
0x24: {  	s3 =	sadd.s32 $0x88, s3;
	s6 =	simm.s32 @!p1 $0x1082;
	[sflag:s4] =	ssyncset.s32 $0xFFFFF086  }
0x25: {  	[simem:s6], [sflag:s4] =	dma.local [hbm:s3], $0xF7A  }
0x26: {  	[smem:$0x3F98] =	sst s1;
	(tag) =	ssettag s2;
	_ =	strace s9  }
0x27: {  	s1 =	sld [smem:$0x3FA8]  }
0x28: {  	s2 =	sld [smem:$0x3FA9]  }
0x29: {  	s4 =	sld [smem:$0x3FAB]  }
0x2a: {  	p0 =	seq.s32 s5, $0x0;
	s5 =	sld [smem:$0x3FAC]  }
0x2b: {  	s6 =	sld [smem:$0x3FAD]  }
0x2c: {  	s7 =	sld [smem:$0x3FAE]  }
0x2d: {  	s3 =	simm.s32 $0x108;
	s8 =	sld [smem:$0x3FAF]  }
0x2e: {  	s3 =	simm.s32 @!p0 $0x1082;
	s9 =	sld [smem:$0x3FB0]  }
0x2f: {  	lr =	sadd.s32 s0, s3;
	s0 =	sld [smem:$0x3FA7]  }
0x30: {  	s3 =	sld [smem:$0x3FAA]  }
0x31: {  	[smem:$0x3FB3] =	sst s10  }
0x32: {  	s10 =	sld [smem:$0x3FB1];
	_ =	sdelay $0x3  }
0x33: {  	p0 =	seq.s32 s10, $0x1;
	s10 =	sld [smem:$0x3FB3];
	_ =	sdelay $0x3  }
0x34: {  	[smem:$0x3FB3] =	sst s10  }
0x35: {  	s10 =	sld [smem:$0x3FB2];
	_ =	sdelay $0x3  }
0x36: {  	p1 =	seq.s32 s10, $0x1;
	s10 =	sld [smem:$0x3FB3];
	_ =	sdelay $0x3  }
0x37: {  	[smem:$0x3FB3] =	sst s10  }
0x38: {  	s10 =	sld [smem:$0x3FB4]  }
0x39: {  	_ = 	snop;
	(pc) =	sbr.ind lr, $3  }
0x3a: {  	_ = 	snop  }
0x3b: {  	_ = 	snop  }
0x3c: {  	p2 =	seq.s32 s10, $0x1;
	s10 =	sld [smem:$0x3FB3]  }
0x3d: {  	_ =	shalt  }
0x3e: {  	_ =	shalt  }
0x3f: {  	_ =	shalt  }
0x40: {  	_ =	shalt  }
0x41: {  	_ =	shalt  }
0x42: {  	_ =	shalt  }
0x43: {  	_ =	shalt  }
0x44: {  	_ =	shalt  }
0x45: {  	_ =	shalt  }
0x46: {  	_ =	shalt  }
0x47: {  	_ =	shalt  }
0x48: {  	_ =	shalt  }
0x49: {  	_ =	shalt  }
0x4a: {  	_ =	shalt  }
0x4b: {  	_ =	shalt  }
0x4c: {  	_ =	shalt  }
0x4d: {  	_ =	shalt  }
0x4e: {  	_ =	shalt  }
0x4f: {  	_ =	shalt  }
0x50: {  	_ =	shalt  }
0x51: {  	_ =	shalt  }
0x52: {  	_ =	shalt  }
0x53: {  	_ =	shalt  }
0x54: {  	_ =	shalt  }
0x55: {  	_ =	shalt  }
0x56: {  	_ =	shalt  }
0x57: {  	_ =	shalt  }
0x58: {  	_ =	shalt  }
0x59: {  	_ =	shalt  }
0x5a: {  	_ =	shalt  }
0x5b: {  	_ =	shalt  }
0x5c: {  	_ =	shalt  }
0x5d: {  	_ =	shalt  }
0x5e: {  	_ =	shalt  }
0x5f: {  	_ =	shalt  }
0x60: {  	_ =	shalt  }
0x61: {  	_ =	shalt  }
0x62: {  	_ =	shalt  }
0x63: {  	_ =	shalt  }
0x64: {  	_ =	shalt  }
0x65: {  	_ =	shalt  }
0x66: {  	_ =	shalt  }
0x67: {  	_ =	shalt  }
0x68: {  	_ =	shalt  }
0x69: {  	_ =	shalt  }
0x6a: {  	_ =	shalt  }
0x6b: {  	_ =	shalt  }
0x6c: {  	_ =	shalt  }
0x6d: {  	_ =	shalt  }
0x6e: {  	_ =	shalt  }
0x6f: {  	_ =	shalt  }
0x70: {  	_ =	shalt  }
0x71: {  	_ =	shalt  }
0x72: {  	_ =	shalt  }
0x73: {  	_ =	shalt  }
0x74: {  	_ =	shalt  }
0x75: {  	_ =	shalt  }
0x76: {  	_ =	shalt  }
0x77: {  	_ =	shalt  }
0x78: {  	_ =	shalt  }
0x79: {  	_ =	shalt  }
0x7a: {  	_ =	shalt  }
0x7b: {  	_ =	shalt  }
0x7c: {  	_ =	shalt  }
0x7d: {  	_ =	shalt  }
0x7e: {  	_ =	shalt  }
0x7f: {  	_ =	shalt  }
0x80: {  	_ =	shalt  }
0x81: {  	_ =	shalt  }
0x82: {  	_ =	shalt  }
0x83: {  	_ =	shalt  }
0x84: {  	_ =	shalt  }
0x85: {  	_ =	shalt  }
0x86: {  	_ =	shalt  }
0x87: {  	_ =	shalt  }
.Lfunc_end0:
.L_simem_size_0:
called_computation_lowered:
.L_overlay_start_0:
0x88: {  	s2 =	sld [smem:$0x3FD9]  }
0x89: {  	s3 =	sld [smem:$0x3FFE];
	_ =	sdelay $0x1  }
0x8a: {  	s1 =	srdreg.scid  }
0x8b: {  	s0 =	sand.u32 $0x1, s1  }
0x8c: {  	s17 =	sshll.u32 s0, $0xA;
	s2 =	sadd.s32 s3, s2  }
0x8d: {  	s2 =	sadd.s32 s2, s17  }
0x8e: {  	[smem:$0x3FBF] =	sst s2  }
0x8f: {  	_ = 	snop  }
0x90: {  	s2 =	sld [smem:$0x3FD0];
	(tm) =	ssettm $0x1  }
0x91: {  	s18 =	sld [smem:$0x3FFB];
	_ =	sdelay $0x3  }
0x92: {  	_ =	strace s18  }
0x93: {  	s3 =	sld [smem:$0x3FFC];
	_ =	sdelay $0x3  }
0x94: {  	_ =	strace s3  }
0x95: {  	s3 =	sld [smem:$0x3FFD];
	_ =	sdelay $0x3  }
0x96: {  	_ =	strace s3  }
0x97: {  	_ =	strace $0x8FFFFFFF  }
0x98: {  	s19 =	sld [smem:$0x3FDB];
	_ =	sdelay $0x1  }
0x99: {  	s4 =	simm.s32 $_scs_section_size  }
0x9a: {  	s5 =	simm.s32 $_size__tile_overlayer_lowered;
	s6 =	simm.s32 $_tile_overlayer_lowered  }
0x9b: {  	s22 =	simm.s32 $0x1BFF;
	s21 =	sshll.u32 s6, $0x1;
	s3 =	sadd.s32 s4, s19  }
0x9c: {  	s7 =	simm.s32 $0x0;
	s20 =	sshll.u32 s5, $0x1;
	s5 =	sadd.s32 s21, s3  }
0x9d: {  	[timem:s7], [sflag:s22] =	dma.local [hbm:s5], s20  }
0x9e: {  	_ =	swait.ge [sflag:s22], s20  }
0x9f: {  	s4 =	ssub.s32 $0x0, s20;
	[sflag:s22] =	ssyncset.done $0x0  }
0xa0: {  	[sflag:s22] =	ssyncadd.s32 s4;
	_ =	sdelay $0x1  }
0xa1: {  	s23 =	simm.s32 $0x1B8B  }
0xa2: {  	_ =	swait.ge [sflag:s23], $0x1  }
0xa3: {  	[sflag:s23] =	ssyncset.done $0x0  }
0xa4: {  	s25 =	simm.s32 $0x1B8E;
	s24 =	sld [smem:$0x3FFE];
	[sflag:s23] =	ssyncadd.s32 $0xFFFFFFFF  }
0xa5: {  	s26 =	simm.s32 $execute0_lowered;
	[smem:$0x3FD2] =	sst s25  }
0xa6: {  	s5 =	sshll.u32 s26, $0x1;
	_ =	strace $0x80000046;
	[dreg:$0x1] =	wrdreg $0xFFFFFFFF  }
0xa7: {  	s28 =	simm.s32 $_size_execute0_lowered;
	s3 =	sadd.s32 s3, s5;
	[dreg:$0x0] =	wrdreg $0x0  }
0xa8: {  	s5 =	sshll.u32 s28, $0x1;
	[dreg:$0x2] =	wrdreg s3  }
0xa9: {  	[dreg:$0x3] =	wrdreg s5  }
0xaa: {  	[dreg:$0x4] =	wrdreg $0xC0  }
0xab: {  	_ =	task [dreg:s7], $0x5FFFF  }
0xac: {  	[dreg:$0x1] =	wrdreg $0xFFFFFFFF  }
0xad: {  	[dreg:$0x0] =	wrdreg $0x60  }
0xae: {  	[dreg:$0x2] =	wrdreg s24  }
0xaf: {  	[dreg:$0x3] =	wrdreg s2  }
0xb0: {  	[dreg:$0x4] =	wrdreg $0x0  }
0xb1: {  	[dreg:$0x5] =	wrdreg $0x9  }
0xb2: {  	_ =	task.clear_ibuf [dreg:s7], $0x6FFFF;
	_ =	strace $0x90000046  }
0xb3: {  	s29 =	simm.s32 $0x9;
	_ =	strace $0x80000048  }
0xb4: {  	_ =	swait.ge [sflag:s29], $0x1  }
0xb5: {  	[sflag:s29] =	ssyncadd.s32 $0xFFFFFFFF  }
0xb6: {  	_ =	strace $0x90000048  }
0xb7: {  	_ =	sfence  }
0xb8: {  	s30 =	sld [smem:$0x0];
	_ =	sdelay $0x2  }
0xb9: {  	s31 =	sshll.u32 s1, $0xD;
	s1 =	sshrl.u32 s1, $0x2  }
0xba: {  	s3 =	sand.u32 $0x4000, s31;
	s1 =	sadd.s32 s1, s30  }
0xbb: {  	s0 =	sor.u32 s3, s0;
	s1 =	sshll.u32 s1, $0x11  }
0xbc: {  	s0 =	sor.u32 s1, s0  }
0xbd: {  	s0 =	sadd.s32 $0x8F2B, s0  }
0xbe: {  	[sflag:s0] =	ssyncadd.remote.s32 $0x1  }
0xbf: {  	_ =	sfence.sel $0xFFFF  }
0xc0: {  	[dreg:$0x0] =	wrdreg $0xFFFFFFFF;
	(pc) =	sbr.abs _section_cstart, $3  }
0xc1: {  	[dreg:$0x1] =	wrdreg $0xFFFFFFFF  }
0xc2: {  	_ =	task.clear_ibuf [dreg:s7], $0x2FFFF;
	_ =	strace $0x9FFFFFFF  }
0xc3: {  	(tm) =	ssettm $0x7FFFFFFF  }
tec
execute0_lowered:
.L_overlay_start_1:
0x0: {  	(tag) =	ssettag $0x1  }
0x1: {  	s5 =	rddreg [dreg:$0x0]  }
0x2: {  	s10 =	rddreg [dreg:$0x1]  }
0x3: {  	s2 =	rddreg [dreg:$0x2]  }
0x4: {  	s0 =	rddreg [dreg:$0x3];
	s4 =	srdreg.scid  }
0x5: {  	s3 =	simm.s32 $0x0;
	s1 =	stileid.u32;
	s20 =	simm.s32 $0x80  }
0x6: {  	s21 =	simm.s32 $0x16800;
	s22 =	simm.s32 $0x16880;
	s23 =	simm.s32 $0x1A980  }
0x7: {  	s24 =	simm.s32 $0x1;
	s25 =	simm.s32 $0x16900;
	s26 =	simm.s32 $0x2  }
0x8: {  	s28 =	simm.s32 $0x0;
	s7 =	sand.u32 $0x1, s4;
	s8 =	smul.u32 $0x50000, s1  }
0x9: {  	[smem:$0x7FF] =	sst s3;
	s11 =	smul.u32 $0x14000, s1;
	s4 =	sadd.s32 $0x1A00, s5  }
0xa: {  	s15 =	sadd.s32 $0x4FC00, s5;
	s29 =	sshll.u32 s1, $0x1;
	s6 =	ssub.s32 $0x2, s7  }
0xb: {  	_ =	strace $0x80000047;
	s12 =	sor.u32 s7, s29;
	s17 =	smul.u32 $0x140000, s7  }
0xc: {  	s9 =	sshrl.u32 s6, $0x1;
	s30 =	sshrl.u32 s8, $0x2;
	s31 =	sadd.s32 $0x4000, s11  }
0xd: {  	s13 =	sadd.s32 $0x8000, s11;
	s14 =	sadd.s32 $0xC000, s11;
	s18 =	sadd.s32 $0x10000, s11  }
0xe: {  	s12 =	smul.u32 $0x500, s12;
	s16 =	ssub.s32 s6, s9;
	s5 =	sadd.s32 s30, s2  }
0xf: {  	s6 =	sadd.s32 s31, s2;
	s7 =	sadd.s32 s13, s2;
	s8 =	sadd.s32 s14, s2  }
0x10: {  	s11 =	sadd.s32 s11, s17;
	s19 =	sadd.s32 s17, s31;
	s9 =	sadd.s32 s18, s2  }
0x11: {  	s13 =	sadd.s32 s17, s13;
	s14 =	sadd.s32 s17, s14;
	s17 =	sadd.s32 s17, s18  }
0x12: {  	s18 =	simm.s32 $0x3;
	s11 =	sshrl.u32 s11, $0x3;
	s19 =	sshrl.u32 s19, $0x3  }
0x13: {  	s10 =	sadd.s32 s10, s12;
	s13 =	sshrl.u32 s13, $0x3;
	s14 =	sshrl.u32 s14, $0x3  }
0x14: {  	s17 =	sshrl.u32 s17, $0x3;
	s16 =	smax.u32 s16, $0x1;
	s11 =	sadd.s32 s15, s11  }
0x15: {  	s12 =	sadd.s32 s15, s19;
	s13 =	sadd.s32 s15, s13;
	s14 =	sadd.s32 s15, s14  }
0x16: {  	v0 =	vimm.f32 $0.0e+00;
	s15 =	sadd.s32 s15, s17;
	s17 =	simm.s32 $0x16980;
	s19 =	simm.s32 $0x14000  }
.LBB2_1:
0x17: {  	s29 =	simm.s32 $0x0;
	s30 =	simm.s32 $0x200  }
.LBB2_2:
0x18: {  	p0 =	sne.s32 s30, $0xFE00;
	[tilespmem:s29+$0x169F0] =	vst v0  }
0x19: {  	[tilespmem:s29+$0x16980] =	vst v0  }
0x1a: {  	[tilespmem:s29+$0x16990] =	vst v0  }
.Ltmp0:
0x1b: {  	[tilespmem:s29+$0x169A0] =	vst v0;
	(pc) =	sbr.rel @p0 .LBB2_2-.Ltmp0, $4  }
0x1c: {  	[tilespmem:s29+$0x169B0] =	vst v0  }
0x1d: {  	[tilespmem:s29+$0x169C0] =	vst v0  }
0x1e: {  	[tilespmem:s29+$0x169D0] =	vst v0  }
0x1f: {  	[tilespmem:s29+$0x169E0] =	vst v0;
	s29 =	sshra.s32 s30, $0x2;
	s30 =	sadd.s32 $0x200, s30  }
0x20: {  	[tilespmem:s29+$0x169F0] =	vst v0  }
0x21: {  	[tilespmem:s29+$0x16980] =	vst v0  }
0x22: {  	[tilespmem:s29+$0x16990] =	vst v0  }
0x23: {  	[tilespmem:s29+$0x169A0] =	vst v0  }
0x24: {  	[tilespmem:s29+$0x169B0] =	vst v0  }
0x25: {  	[tilespmem:s29+$0x169C0] =	vst v0  }
0x26: {  	[tilespmem:s29+$0x169D0] =	vst v0  }
0x27: {  	[tilespmem:s29+$0x169E0] =	vst v0  }
0x28: {  	[spmem:s5] =	stream.linear.scatter [tilespmem:s17], [sflag:$0x3], $0x4000, $0x38;
	[tilespmem:$0x1E980] =	vst v63  }
0x29: {  	_ =	swait.ge [sflag:s18], $0x4000  }
0x2a: {  	[sflag:s18] =	ssyncset.done $0x0  }
0x2b: {  	[sflag:s18] =	ssyncadd.s32 $0xFFFFC000  }
0x2c: {  	[spmem:s6] =	stream.linear.scatter [tilespmem:s17], [sflag:$0x3], $0x4000, $0x38;
	[tilespmem:$0x1E980] =	vst v63  }
0x2d: {  	_ =	swait.ge [sflag:s18], $0x4000  }
0x2e: {  	[sflag:s18] =	ssyncset.done $0x0  }
0x2f: {  	[sflag:s18] =	ssyncadd.s32 $0xFFFFC000  }
0x30: {  	[spmem:s7] =	stream.linear.scatter [tilespmem:s17], [sflag:$0x3], $0x4000, $0x38;
	[tilespmem:$0x1E980] =	vst v63  }
0x31: {  	_ =	swait.ge [sflag:s18], $0x4000  }
0x32: {  	[sflag:s18] =	ssyncset.done $0x0  }
0x33: {  	[sflag:s18] =	ssyncadd.s32 $0xFFFFC000  }
0x34: {  	[spmem:s8] =	stream.linear.scatter [tilespmem:s17], [sflag:$0x3], $0x4000, $0x38;
	[tilespmem:$0x1E980] =	vst v63  }
0x35: {  	_ =	swait.ge [sflag:s18], $0x4000  }
0x36: {  	[sflag:s18] =	ssyncset.done $0x0  }
0x37: {  	[sflag:s18] =	ssyncadd.s32 $0xFFFFC000  }
0x38: {  	[spmem:s9] =	stream.linear.scatter [tilespmem:s17], [sflag:$0x3], $0x4000, $0x38;
	[tilespmem:$0x1E980] =	vst v63  }
0x39: {  	_ =	swait.ge [sflag:s18], $0x4000  }
0x3a: {  	[sflag:s18] =	ssyncset.done $0x0  }
0x3b: {  	[sflag:s18] =	ssyncadd.s32 $0xFFFFC000  }
0x3c: {  	[tilespmem:s19], [sflag:$0x3] =	stream.linear.gather [hbm4b:s10+s3], $0x2800, $0x38;
	[tilespmem:$0x1E980] =	vst v63  }
0x3d: {  	_ =	swait.ge [sflag:s18], $0x2800  }
0x3e: {  	[sflag:s18] =	ssyncset.done $0x0  }
0x3f: {  	[sflag:s18] =	ssyncadd.s32 $0xFFFFD800  }
0x40: {  	v1 =	vld [tilespmem:$0x14000]  }
0x41: {  	v2 =	vld [tilespmem:$0x14010]  }
0x42: {  	v3 =	vld [tilespmem:$0x14020]  }
0x43: {  	v4 =	vld [tilespmem:$0x14030]  }
0x44: {  	v5 =	vld [tilespmem:$0x14040]  }
0x45: {  	v6 =	vld [tilespmem:$0x14050];
	v1 =	vshrl.u32 v1, $0xE  }
0x46: {  	[tilespmem:$0x16800] =	vst v1;
	v1 =	vshrl.u32 v2, $0xE;
	v2 =	vld [tilespmem:$0x14060]  }
0x47: {  	[tilespmem:$0x16810] =	vst v1;
	v1 =	vshrl.u32 v3, $0xE;
	v3 =	vld [tilespmem:$0x14070]  }
0x48: {  	[tilespmem:$0x16820] =	vst v1;
	v1 =	vshrl.u32 v4, $0xE  }
0x49: {  	[tilespmem:$0x16830] =	vst v1;
	v1 =	vshrl.u32 v5, $0xE  }
0x4a: {  	[tilespmem:$0x16840] =	vst v1;
	v1 =	vshrl.u32 v6, $0xE  }
0x4b: {  	[tilespmem:$0x16850] =	vst v1;
	v1 =	vshrl.u32 v2, $0xE  }
0x4c: {  	[tilespmem:$0x16860] =	vst v1;
	v1 =	vshrl.u32 v3, $0xE  }
0x4d: {  	[tilespmem:$0x16870] =	vst v1  }
0x4e: {  	[tilespmem:s17], [sflag:$0x1] =	stream.indirect.gather [hbm4b:s4+s20], $0x80, s21, s20, $0xb8;
	[tilespmem:$0x1E980] =	vst v63  }
0x4f: {  	v1 =	vld [tilespmem:$0x14080]  }
0x50: {  	v2 =	vld [tilespmem:$0x14090]  }
0x51: {  	v3 =	vld [tilespmem:$0x140A0]  }
0x52: {  	v61 =	vld [tilespmem:$0x140B0]  }
0x53: {  	v62 =	vld [tilespmem:$0x140C0]  }
0x54: {  	v63 =	vld [tilespmem:$0x140D0];
	v1 =	vshrl.u32 v1, $0xE  }
0x55: {  	[tilespmem:$0x16880] =	vst v1;
	v1 =	vshrl.u32 v2, $0xE;
	v2 =	vld [tilespmem:$0x140E0]  }
0x56: {  	[tilespmem:$0x16890] =	vst v1;
	v1 =	vshrl.u32 v3, $0xE;
	v3 =	vld [tilespmem:$0x140F0]  }
0x57: {  	[tilespmem:$0x168A0] =	vst v1;
	v1 =	vshrl.u32 v61, $0xE  }
0x58: {  	[tilespmem:$0x168B0] =	vst v1;
	v1 =	vshrl.u32 v62, $0xE  }
0x59: {  	[tilespmem:$0x168C0] =	vst v1;
	v1 =	vshrl.u32 v63, $0xE  }
0x5a: {  	[tilespmem:$0x168D0] =	vst v1;
	v1 =	vshrl.u32 v2, $0xE  }
0x5b: {  	[tilespmem:$0x168E0] =	vst v1;
	v1 =	vshrl.u32 v3, $0xE  }
0x5c: {  	[tilespmem:$0x168F0] =	vst v1  }
0x5d: {  	[tilespmem:s23], [sflag:$0x2] =	stream.indirect.gather [hbm4b:s4+s20], $0x80, s22, s20, $0xb8;
	[tilespmem:$0x1E980] =	vst v63  }
0x5e: {  	[bflag:$0x0] =	sbarrier.arrive $0xFFFF  }
0x5f: {  	_ =	swait.ge [sflag:s24], $0x4000  }
0x60: {  	[sflag:s24] =	ssyncset.done $0x0  }
0x61: {  	s29 =	simm.s32 $0x1F0;
	[sflag:s24] =	ssyncadd.s32 $0xFFFFC000  }
0x62: {  	v1 =	vld [tilespmem:s29+$0x13E10];
	_ =	sdelay $0x4  }
0x63: {  	v1 =	vand.u32 $0x3FFF, v1  }
0x64: {  	[tilespmem:$0x16900] =	vst v1  }
0x65: {  	v1 =	vld [tilespmem:s29+$0x13E20];
	_ =	sdelay $0x4  }
0x66: {  	v1 =	vand.u32 $0x3FFF, v1  }
0x67: {  	[tilespmem:$0x16910] =	vst v1  }
0x68: {  	v1 =	vld [tilespmem:s29+$0x13E30];
	_ =	sdelay $0x4  }
0x69: {  	v1 =	vand.u32 $0x3FFF, v1  }
0x6a: {  	[tilespmem:$0x16920] =	vst v1  }
0x6b: {  	v1 =	vld [tilespmem:s29+$0x13E40];
	_ =	sdelay $0x4  }
0x6c: {  	v1 =	vand.u32 $0x3FFF, v1  }
0x6d: {  	[tilespmem:$0x16930] =	vst v1  }
0x6e: {  	v1 =	vld [tilespmem:s29+$0x13E50];
	_ =	sdelay $0x4  }
0x6f: {  	v1 =	vand.u32 $0x3FFF, v1  }
0x70: {  	[tilespmem:$0x16940] =	vst v1  }
0x71: {  	v1 =	vld [tilespmem:s29+$0x13E60];
	_ =	sdelay $0x4  }
0x72: {  	v1 =	vand.u32 $0x3FFF, v1  }
0x73: {  	[tilespmem:$0x16950] =	vst v1  }
0x74: {  	v1 =	vld [tilespmem:s29+$0x13E70];
	_ =	sdelay $0x4  }
0x75: {  	v1 =	vand.u32 $0x3FFF, v1  }
0x76: {  	[tilespmem:$0x16960] =	vst v1  }
0x77: {  	v1 =	vld [tilespmem:s29+$0x13E80];
	_ =	sdelay $0x4  }
0x78: {  	v1 =	vand.u32 $0x3FFF, v1  }
0x79: {  	[tilespmem:$0x16970] =	vst v1  }
0x7a: {  	[spmem:s2] =	stream.indirect.scatter.add.f32 [tilespmem:s17], [sflag:$0x3], $0x80, s25, s20, $0xb8;
	[tilespmem:$0x1E980] =	vst v63  }
0x7b: {  	_ =	swait.ge [sflag:s18], $0x4000  }
0x7c: {  	[sflag:s18] =	ssyncset.done $0x0  }
0x7d: {  	[sflag:s18] =	ssyncadd.s32 $0xFFFFC000  }
0x7e: {  	v1 =	vld [tilespmem:s29+$0x13F10];
	_ =	sdelay $0x4  }
0x7f: {  	v1 =	vshrl.u32 v1, $0xE  }
0x80: {  	[tilespmem:$0x16800] =	vst v1  }
0x81: {  	v1 =	vld [tilespmem:s29+$0x13F20];
	_ =	sdelay $0x4  }
0x82: {  	v1 =	vshrl.u32 v1, $0xE  }
0x83: {  	[tilespmem:$0x16810] =	vst v1  }
0x84: {  	v1 =	vld [tilespmem:s29+$0x13F30];
	_ =	sdelay $0x4  }
0x85: {  	v1 =	vshrl.u32 v1, $0xE  }
0x86: {  	[tilespmem:$0x16820] =	vst v1  }
0x87: {  	v1 =	vld [tilespmem:s29+$0x13F40];
	_ =	sdelay $0x4  }
0x88: {  	v1 =	vshrl.u32 v1, $0xE  }
0x89: {  	[tilespmem:$0x16830] =	vst v1  }
0x8a: {  	v1 =	vld [tilespmem:s29+$0x13F50];
	_ =	sdelay $0x4  }
0x8b: {  	v1 =	vshrl.u32 v1, $0xE  }
0x8c: {  	[tilespmem:$0x16840] =	vst v1  }
0x8d: {  	v1 =	vld [tilespmem:s29+$0x13F60];
	_ =	sdelay $0x4  }
0x8e: {  	v1 =	vshrl.u32 v1, $0xE  }
0x8f: {  	[tilespmem:$0x16850] =	vst v1  }
0x90: {  	v1 =	vld [tilespmem:s29+$0x13F70];
	_ =	sdelay $0x4  }
0x91: {  	v1 =	vshrl.u32 v1, $0xE  }
0x92: {  	[tilespmem:$0x16860] =	vst v1  }
0x93: {  	v1 =	vld [tilespmem:s29+$0x13F80];
	_ =	sdelay $0x4  }
0x94: {  	v1 =	vshrl.u32 v1, $0xE  }
0x95: {  	[tilespmem:$0x16870] =	vst v1  }
0x96: {  	[tilespmem:s17], [sflag:$0x1] =	stream.indirect.gather [hbm4b:s4+s20], $0x80, s21, s20, $0xb8;
	[tilespmem:$0x1E980] =	vst v63  }
0x97: {  	_ =	swait.ge [sflag:s26], $0x4000  }
0x98: {  	[sflag:s26] =	ssyncset.done $0x0  }
0x99: {  	[sflag:s26] =	ssyncadd.s32 $0xFFFFC000  }
0x9a: {  	v1 =	vld [tilespmem:s29+$0x13E90];
	_ =	sdelay $0x4  }
0x9b: {  	v1 =	vand.u32 $0x3FFF, v1  }
0x9c: {  	[tilespmem:$0x16900] =	vst v1  }
0x9d: {  	v1 =	vld [tilespmem:s29+$0x13EA0];
	_ =	sdelay $0x4  }
0x9e: {  	v1 =	vand.u32 $0x3FFF, v1  }
0x9f: {  	[tilespmem:$0x16910] =	vst v1  }
0xa0: {  	v1 =	vld [tilespmem:s29+$0x13EB0];
	_ =	sdelay $0x4  }
0xa1: {  	v1 =	vand.u32 $0x3FFF, v1  }
0xa2: {  	[tilespmem:$0x16920] =	vst v1  }
0xa3: {  	v1 =	vld [tilespmem:s29+$0x13EC0];
	_ =	sdelay $0x4  }
0xa4: {  	v1 =	vand.u32 $0x3FFF, v1  }
0xa5: {  	[tilespmem:$0x16930] =	vst v1  }
0xa6: {  	v1 =	vld [tilespmem:s29+$0x13ED0];
	_ =	sdelay $0x4  }
0xa7: {  	v1 =	vand.u32 $0x3FFF, v1  }
0xa8: {  	[tilespmem:$0x16940] =	vst v1  }
0xa9: {  	v1 =	vld [tilespmem:s29+$0x13EE0];
	_ =	sdelay $0x4  }
0xaa: {  	v1 =	vand.u32 $0x3FFF, v1  }
0xab: {  	[tilespmem:$0x16950] =	vst v1  }
0xac: {  	v1 =	vld [tilespmem:s29+$0x13EF0];
	_ =	sdelay $0x4  }
0xad: {  	v1 =	vand.u32 $0x3FFF, v1  }
0xae: {  	[tilespmem:$0x16960] =	vst v1  }
0xaf: {  	v1 =	vld [tilespmem:s29+$0x13F00];
	_ =	sdelay $0x4  }
0xb0: {  	v1 =	vand.u32 $0x3FFF, v1  }
0xb1: {  	[tilespmem:$0x16970] =	vst v1  }
0xb2: {  	[spmem:s2] =	stream.indirect.scatter.add.f32 [tilespmem:s23], [sflag:$0x3], $0x80, s25, s20, $0xb8;
	[tilespmem:$0x1E980] =	vst v63  }
0xb3: {  	_ =	swait.ge [sflag:s18], $0x4000  }
0xb4: {  	[sflag:s18] =	ssyncset.done $0x0  }
0xb5: {  	[sflag:s18] =	ssyncadd.s32 $0xFFFFC000  }
0xb6: {  	v1 =	vld [tilespmem:s29+$0x13F90];
	_ =	sdelay $0x4  }
0xb7: {  	v1 =	vshrl.u32 v1, $0xE  }
0xb8: {  	[tilespmem:$0x16880] =	vst v1  }
0xb9: {  	v1 =	vld [tilespmem:s29+$0x13FA0];
	_ =	sdelay $0x4  }
0xba: {  	v1 =	vshrl.u32 v1, $0xE  }
0xbb: {  	[tilespmem:$0x16890] =	vst v1  }
0xbc: {  	v1 =	vld [tilespmem:s29+$0x13FB0];
	_ =	sdelay $0x4  }
0xbd: {  	v1 =	vshrl.u32 v1, $0xE  }
0xbe: {  	[tilespmem:$0x168A0] =	vst v1  }
0xbf: {  	v1 =	vld [tilespmem:s29+$0x13FC0];
	_ =	sdelay $0x4  }
0xc0: {  	v1 =	vshrl.u32 v1, $0xE  }
0xc1: {  	[tilespmem:$0x168B0] =	vst v1  }
0xc2: {  	v1 =	vld [tilespmem:s29+$0x13FD0];
	_ =	sdelay $0x4  }
0xc3: {  	v1 =	vshrl.u32 v1, $0xE  }
0xc4: {  	[tilespmem:$0x168C0] =	vst v1  }
0xc5: {  	v1 =	vld [tilespmem:s29+$0x13FE0];
	_ =	sdelay $0x4  }
0xc6: {  	v1 =	vshrl.u32 v1, $0xE  }
0xc7: {  	[tilespmem:$0x168D0] =	vst v1  }
0xc8: {  	v1 =	vld [tilespmem:s29+$0x13FF0];
	_ =	sdelay $0x4  }
0xc9: {  	v1 =	vshrl.u32 v1, $0xE  }
0xca: {  	[tilespmem:$0x168E0] =	vst v1  }
0xcb: {  	v1 =	vld [tilespmem:s29+$0x14000];
	_ =	sdelay $0x4  }
0xcc: {  	v1 =	vshrl.u32 v1, $0xE  }
0xcd: {  	s29 =	simm.s32 $0xBC0;
	[tilespmem:$0x168F0] =	vst v1  }
.LBB2_4:
0xce: {  	[tilespmem:s23], [sflag:$0x2] =	stream.indirect.gather [hbm4b:s4+s20], $0x80, s22, s20, $0xb8;
	[tilespmem:$0x1E980] =	vst v63  }
0xcf: {  	s30 =	smov.u32 s29  }
0xd0: {  	p0 =	sne.s32 s29, $0x9FC0;
	s29 =	sadd.s32 $0x400, s29;
	_ =	swait.ge [sflag:s24], $0x4000  }
0xd1: {  	[sflag:s24] =	ssyncset.done $0x0  }
0xd2: {  	s30 =	sshra.s32 s30, $0x2;
	[sflag:s24] =	ssyncadd.s32 $0xFFFFC000  }
0xd3: {  	v1 =	vld [tilespmem:s30+$0x13E10];
	_ =	sdelay $0x4  }
0xd4: {  	v1 =	vand.u32 $0x3FFF, v1  }
0xd5: {  	[tilespmem:$0x16900] =	vst v1  }
0xd6: {  	v1 =	vld [tilespmem:s30+$0x13E20];
	_ =	sdelay $0x4  }
0xd7: {  	v1 =	vand.u32 $0x3FFF, v1  }
0xd8: {  	[tilespmem:$0x16910] =	vst v1  }
0xd9: {  	v1 =	vld [tilespmem:s30+$0x13E30];
	_ =	sdelay $0x4  }
0xda: {  	v1 =	vand.u32 $0x3FFF, v1  }
0xdb: {  	[tilespmem:$0x16920] =	vst v1  }
0xdc: {  	v1 =	vld [tilespmem:s30+$0x13E40];
	_ =	sdelay $0x4  }
0xdd: {  	v1 =	vand.u32 $0x3FFF, v1  }
0xde: {  	[tilespmem:$0x16930] =	vst v1  }
0xdf: {  	v1 =	vld [tilespmem:s30+$0x13E50];
	_ =	sdelay $0x4  }
0xe0: {  	v1 =	vand.u32 $0x3FFF, v1  }
0xe1: {  	[tilespmem:$0x16940] =	vst v1  }
0xe2: {  	v1 =	vld [tilespmem:s30+$0x13E60];
	_ =	sdelay $0x4  }
0xe3: {  	v1 =	vand.u32 $0x3FFF, v1  }
0xe4: {  	[tilespmem:$0x16950] =	vst v1  }
0xe5: {  	v1 =	vld [tilespmem:s30+$0x13E70];
	_ =	sdelay $0x4  }
0xe6: {  	v1 =	vand.u32 $0x3FFF, v1  }
0xe7: {  	[tilespmem:$0x16960] =	vst v1  }
0xe8: {  	v1 =	vld [tilespmem:s30+$0x13E80];
	_ =	sdelay $0x4  }
0xe9: {  	v1 =	vand.u32 $0x3FFF, v1  }
0xea: {  	[tilespmem:$0x16970] =	vst v1  }
0xeb: {  	[spmem:s2] =	stream.indirect.scatter.add.f32 [tilespmem:s17], [sflag:$0x3], $0x80, s25, s20, $0xb8;
	[tilespmem:$0x1E980] =	vst v63  }
0xec: {  	_ =	swait.ge [sflag:s18], $0x4000  }
0xed: {  	[sflag:s18] =	ssyncset.done $0x0  }
0xee: {  	[sflag:s18] =	ssyncadd.s32 $0xFFFFC000  }
0xef: {  	v1 =	vld [tilespmem:s30+$0x13F10];
	_ =	sdelay $0x4  }
0xf0: {  	v1 =	vshrl.u32 v1, $0xE  }
0xf1: {  	[tilespmem:$0x16800] =	vst v1  }
0xf2: {  	v1 =	vld [tilespmem:s30+$0x13F20];
	_ =	sdelay $0x4  }
0xf3: {  	v1 =	vshrl.u32 v1, $0xE  }
0xf4: {  	[tilespmem:$0x16810] =	vst v1  }
0xf5: {  	v1 =	vld [tilespmem:s30+$0x13F30];
	_ =	sdelay $0x4  }
0xf6: {  	v1 =	vshrl.u32 v1, $0xE  }
0xf7: {  	[tilespmem:$0x16820] =	vst v1  }
0xf8: {  	v1 =	vld [tilespmem:s30+$0x13F40];
	_ =	sdelay $0x4  }
0xf9: {  	v1 =	vshrl.u32 v1, $0xE  }
0xfa: {  	[tilespmem:$0x16830] =	vst v1  }
0xfb: {  	v1 =	vld [tilespmem:s30+$0x13F50];
	_ =	sdelay $0x4  }
0xfc: {  	v1 =	vshrl.u32 v1, $0xE  }
0xfd: {  	[tilespmem:$0x16840] =	vst v1  }
0xfe: {  	v1 =	vld [tilespmem:s30+$0x13F60];
	_ =	sdelay $0x4  }
0xff: {  	v1 =	vshrl.u32 v1, $0xE  }
0x100: {  	[tilespmem:$0x16850] =	vst v1  }
0x101: {  	v1 =	vld [tilespmem:s30+$0x13F70];
	_ =	sdelay $0x4  }
0x102: {  	v1 =	vshrl.u32 v1, $0xE  }
0x103: {  	[tilespmem:$0x16860] =	vst v1  }
0x104: {  	v1 =	vld [tilespmem:s30+$0x13F80];
	_ =	sdelay $0x4  }
0x105: {  	v1 =	vshrl.u32 v1, $0xE  }
0x106: {  	[tilespmem:$0x16870] =	vst v1  }
0x107: {  	[tilespmem:s17], [sflag:$0x1] =	stream.indirect.gather [hbm4b:s4+s20], $0x80, s21, s20, $0xb8;
	[tilespmem:$0x1E980] =	vst v63  }
0x108: {  	_ =	swait.ge [sflag:s26], $0x4000  }
0x109: {  	[sflag:s26] =	ssyncset.done $0x0  }
0x10a: {  	[sflag:s26] =	ssyncadd.s32 $0xFFFFC000  }
0x10b: {  	v1 =	vld [tilespmem:s30+$0x13E90];
	_ =	sdelay $0x4  }
0x10c: {  	v1 =	vand.u32 $0x3FFF, v1  }
0x10d: {  	[tilespmem:$0x16900] =	vst v1  }
0x10e: {  	v1 =	vld [tilespmem:s30+$0x13EA0];
	_ =	sdelay $0x4  }
0x10f: {  	v1 =	vand.u32 $0x3FFF, v1  }
0x110: {  	[tilespmem:$0x16910] =	vst v1  }
0x111: {  	v1 =	vld [tilespmem:s30+$0x13EB0];
	_ =	sdelay $0x4  }
0x112: {  	v1 =	vand.u32 $0x3FFF, v1  }
0x113: {  	[tilespmem:$0x16920] =	vst v1  }
0x114: {  	v1 =	vld [tilespmem:s30+$0x13EC0];
	_ =	sdelay $0x4  }
0x115: {  	v1 =	vand.u32 $0x3FFF, v1  }
0x116: {  	[tilespmem:$0x16930] =	vst v1  }
0x117: {  	v1 =	vld [tilespmem:s30+$0x13ED0];
	_ =	sdelay $0x4  }
0x118: {  	v1 =	vand.u32 $0x3FFF, v1  }
0x119: {  	[tilespmem:$0x16940] =	vst v1  }
0x11a: {  	v1 =	vld [tilespmem:s30+$0x13EE0];
	_ =	sdelay $0x4  }
0x11b: {  	v1 =	vand.u32 $0x3FFF, v1  }
0x11c: {  	[tilespmem:$0x16950] =	vst v1  }
0x11d: {  	v1 =	vld [tilespmem:s30+$0x13EF0];
	_ =	sdelay $0x4  }
0x11e: {  	v1 =	vand.u32 $0x3FFF, v1  }
0x11f: {  	[tilespmem:$0x16960] =	vst v1  }
0x120: {  	v1 =	vld [tilespmem:s30+$0x13F00];
	_ =	sdelay $0x4  }
0x121: {  	v1 =	vand.u32 $0x3FFF, v1  }
0x122: {  	[tilespmem:$0x16970] =	vst v1  }
0x123: {  	[spmem:s2] =	stream.indirect.scatter.add.f32 [tilespmem:s23], [sflag:$0x3], $0x80, s25, s20, $0xb8;
	[tilespmem:$0x1E980] =	vst v63  }
0x124: {  	_ =	swait.ge [sflag:s18], $0x4000  }
0x125: {  	[sflag:s18] =	ssyncset.done $0x0  }
0x126: {  	[sflag:s18] =	ssyncadd.s32 $0xFFFFC000  }
0x127: {  	v1 =	vld [tilespmem:s30+$0x13F90];
	_ =	sdelay $0x4  }
0x128: {  	v1 =	vshrl.u32 v1, $0xE  }
0x129: {  	[tilespmem:$0x16880] =	vst v1  }
0x12a: {  	v1 =	vld [tilespmem:s30+$0x13FA0];
	_ =	sdelay $0x4  }
0x12b: {  	v1 =	vshrl.u32 v1, $0xE  }
0x12c: {  	[tilespmem:$0x16890] =	vst v1  }
0x12d: {  	v1 =	vld [tilespmem:s30+$0x13FB0];
	_ =	sdelay $0x4  }
0x12e: {  	v1 =	vshrl.u32 v1, $0xE  }
0x12f: {  	[tilespmem:$0x168A0] =	vst v1  }
0x130: {  	v1 =	vld [tilespmem:s30+$0x13FC0];
	_ =	sdelay $0x4  }
0x131: {  	v1 =	vshrl.u32 v1, $0xE  }
0x132: {  	[tilespmem:$0x168B0] =	vst v1  }
0x133: {  	v1 =	vld [tilespmem:s30+$0x13FD0];
	_ =	sdelay $0x4  }
0x134: {  	v1 =	vshrl.u32 v1, $0xE  }
0x135: {  	[tilespmem:$0x168C0] =	vst v1  }
0x136: {  	v1 =	vld [tilespmem:s30+$0x13FE0];
	_ =	sdelay $0x4  }
0x137: {  	v1 =	vshrl.u32 v1, $0xE  }
0x138: {  	[tilespmem:$0x168D0] =	vst v1  }
0x139: {  	v1 =	vld [tilespmem:s30+$0x13FF0];
	_ =	sdelay $0x4  }
0x13a: {  	v1 =	vshrl.u32 v1, $0xE  }
0x13b: {  	[tilespmem:$0x168E0] =	vst v1  }
0x13c: {  	v1 =	vld [tilespmem:s30+$0x14000];
	_ =	sdelay $0x1  }
.Ltmp1:
0x13d: {  	(pc) =	sbr.rel @p0 .LBB2_4-.Ltmp1, $3  }
0x13e: {  	_ =	sdelay $0x1  }
0x13f: {  	v1 =	vshrl.u32 v1, $0xE  }
0x140: {  	[tilespmem:$0x168F0] =	vst v1  }
0x141: {  	[tilespmem:s23], [sflag:$0x2] =	stream.indirect.gather [hbm4b:s4+s20], $0x80, s22, s20, $0xb8;
	[tilespmem:$0x1E980] =	vst v63  }
0x142: {  	_ =	swait.ge [sflag:s24], $0x4000  }
0x143: {  	[sflag:s24] =	ssyncset.done $0x0  }
0x144: {  	[sflag:s24] =	ssyncadd.s32 $0xFFFFC000  }
0x145: {  	v1 =	vld [tilespmem:$0x16700]  }
0x146: {  	v2 =	vld [tilespmem:$0x16710]  }
0x147: {  	v3 =	vld [tilespmem:$0x16720]  }
0x148: {  	v4 =	vld [tilespmem:$0x16730]  }
0x149: {  	v5 =	vld [tilespmem:$0x16740]  }
0x14a: {  	v6 =	vld [tilespmem:$0x16750];
	v1 =	vand.u32 $0x3FFF, v1  }
0x14b: {  	[tilespmem:$0x16900] =	vst v1;
	v1 =	vand.u32 $0x3FFF, v2;
	v2 =	vld [tilespmem:$0x16760]  }
0x14c: {  	[tilespmem:$0x16910] =	vst v1;
	v1 =	vand.u32 $0x3FFF, v3;
	v3 =	vld [tilespmem:$0x16770]  }
0x14d: {  	[tilespmem:$0x16920] =	vst v1;
	v1 =	vand.u32 $0x3FFF, v4  }
0x14e: {  	[tilespmem:$0x16930] =	vst v1;
	v1 =	vand.u32 $0x3FFF, v5  }
0x14f: {  	[tilespmem:$0x16940] =	vst v1;
	v1 =	vand.u32 $0x3FFF, v6  }
0x150: {  	[tilespmem:$0x16950] =	vst v1;
	v1 =	vand.u32 $0x3FFF, v2  }
0x151: {  	[tilespmem:$0x16960] =	vst v1;
	v1 =	vand.u32 $0x3FFF, v3  }
0x152: {  	[tilespmem:$0x16970] =	vst v1  }
0x153: {  	[spmem:s2] =	stream.indirect.scatter.add.f32 [tilespmem:s17], [sflag:$0x3], $0x80, s25, s20, $0xb8;
	[tilespmem:$0x1E980] =	vst v63  }
0x154: {  	_ =	swait.ge [sflag:s18], $0x4000  }
0x155: {  	[sflag:s18] =	ssyncset.done $0x0  }
0x156: {  	[sflag:s18] =	ssyncadd.s32 $0xFFFFC000  }
0x157: {  	_ =	swait.ge [sflag:s26], $0x4000  }
0x158: {  	[sflag:s26] =	ssyncset.done $0x0  }
0x159: {  	[sflag:s26] =	ssyncadd.s32 $0xFFFFC000  }
0x15a: {  	v1 =	vld [tilespmem:$0x16780]  }
0x15b: {  	v2 =	vld [tilespmem:$0x16790]  }
0x15c: {  	v3 =	vld [tilespmem:$0x167A0]  }
0x15d: {  	v61 =	vld [tilespmem:$0x167B0]  }
0x15e: {  	v62 =	vld [tilespmem:$0x167C0]  }
0x15f: {  	v63 =	vld [tilespmem:$0x167D0];
	v1 =	vand.u32 $0x3FFF, v1  }
0x160: {  	[tilespmem:$0x16900] =	vst v1;
	v1 =	vand.u32 $0x3FFF, v2;
	v2 =	vld [tilespmem:$0x167E0]  }
0x161: {  	[tilespmem:$0x16910] =	vst v1;
	v1 =	vand.u32 $0x3FFF, v3;
	v3 =	vld [tilespmem:$0x167F0]  }
0x162: {  	[tilespmem:$0x16920] =	vst v1;
	v1 =	vand.u32 $0x3FFF, v61  }
0x163: {  	[tilespmem:$0x16930] =	vst v1;
	v1 =	vand.u32 $0x3FFF, v62  }
0x164: {  	[tilespmem:$0x16940] =	vst v1;
	v1 =	vand.u32 $0x3FFF, v63  }
0x165: {  	[tilespmem:$0x16950] =	vst v1;
	v1 =	vand.u32 $0x3FFF, v2  }
0x166: {  	[tilespmem:$0x16960] =	vst v1;
	v1 =	vand.u32 $0x3FFF, v3  }
0x167: {  	[tilespmem:$0x16970] =	vst v1  }
0x168: {  	[spmem:s2] =	stream.indirect.scatter.add.f32 [tilespmem:s23], [sflag:$0x3], $0x80, s25, s20, $0xb8;
	[tilespmem:$0x1E980] =	vst v63  }
0x169: {  	_ =	swait.ge [sflag:s18], $0x4000  }
0x16a: {  	[sflag:s18] =	ssyncset.done $0x0  }
0x16b: {  	[sflag:s18] =	ssyncadd.s32 $0xFFFFC000  }
0x16c: {  	[bflag:$0x0] =	sbarrier.arrive $0xFFFF  }
0x16d: {  	[tilespmem:s17], [sflag:$0x3] =	stream.linear.gather [spmem:s5], $0x4000, $0x38;
	[tilespmem:$0x1E980] =	vst v63  }
0x16e: {  	_ =	swait.ge [sflag:s18], $0x4000  }
0x16f: {  	[sflag:s18] =	ssyncset.done $0x0  }
0x170: {  	[sflag:s18] =	ssyncadd.s32 $0xFFFFC000  }
0x171: {  	[hbm4b:s11+s3] =	stream.linear.scatter [tilespmem:s17], [sflag:$0x3], $0x4000, $0x38;
	[tilespmem:$0x1E980] =	vst v63  }
0x172: {  	_ =	swait.ge [sflag:s18], $0x4000  }
0x173: {  	[sflag:s18] =	ssyncset.done $0x0  }
0x174: {  	[sflag:s18] =	ssyncadd.s32 $0xFFFFC000  }
0x175: {  	[tilespmem:s17], [sflag:$0x3] =	stream.linear.gather [spmem:s6], $0x4000, $0x38;
	[tilespmem:$0x1E980] =	vst v63  }
0x176: {  	_ =	swait.ge [sflag:s18], $0x4000  }
0x177: {  	[sflag:s18] =	ssyncset.done $0x0  }
0x178: {  	[sflag:s18] =	ssyncadd.s32 $0xFFFFC000  }
0x179: {  	[hbm4b:s12+s3] =	stream.linear.scatter [tilespmem:s17], [sflag:$0x3], $0x4000, $0x38;
	[tilespmem:$0x1E980] =	vst v63  }
0x17a: {  	_ =	swait.ge [sflag:s18], $0x4000  }
0x17b: {  	[sflag:s18] =	ssyncset.done $0x0  }
0x17c: {  	[sflag:s18] =	ssyncadd.s32 $0xFFFFC000  }
0x17d: {  	[tilespmem:s17], [sflag:$0x3] =	stream.linear.gather [spmem:s7], $0x4000, $0x38;
	[tilespmem:$0x1E980] =	vst v63  }
0x17e: {  	_ =	swait.ge [sflag:s18], $0x4000  }
0x17f: {  	[sflag:s18] =	ssyncset.done $0x0  }
0x180: {  	[sflag:s18] =	ssyncadd.s32 $0xFFFFC000  }
0x181: {  	[hbm4b:s13+s3] =	stream.linear.scatter [tilespmem:s17], [sflag:$0x3], $0x4000, $0x38;
	[tilespmem:$0x1E980] =	vst v63  }
0x182: {  	_ =	swait.ge [sflag:s18], $0x4000  }
0x183: {  	[sflag:s18] =	ssyncset.done $0x0  }
0x184: {  	[sflag:s18] =	ssyncadd.s32 $0xFFFFC000  }
0x185: {  	[tilespmem:s17], [sflag:$0x3] =	stream.linear.gather [spmem:s8], $0x4000, $0x38;
	[tilespmem:$0x1E980] =	vst v63  }
0x186: {  	_ =	swait.ge [sflag:s18], $0x4000  }
0x187: {  	[sflag:s18] =	ssyncset.done $0x0  }
0x188: {  	[sflag:s18] =	ssyncadd.s32 $0xFFFFC000  }
0x189: {  	[hbm4b:s14+s3] =	stream.linear.scatter [tilespmem:s17], [sflag:$0x3], $0x4000, $0x38;
	[tilespmem:$0x1E980] =	vst v63  }
0x18a: {  	_ =	swait.ge [sflag:s18], $0x4000  }
0x18b: {  	[sflag:s18] =	ssyncset.done $0x0  }
0x18c: {  	[sflag:s18] =	ssyncadd.s32 $0xFFFFC000  }
0x18d: {  	[tilespmem:s17], [sflag:$0x3] =	stream.linear.gather [spmem:s9], $0x4000, $0x38;
	[tilespmem:$0x1E980] =	vst v63  }
0x18e: {  	s28 =	sadd.s32 $0x1, s28;
	_ =	swait.ge [sflag:s18], $0x4000  }
0x18f: {  	p0 =	sne.s32 s28, s16;
	[sflag:s18] =	ssyncset.done $0x0  }
.Ltmp2:
0x190: {  	[sflag:s18] =	ssyncadd.s32 $0xFFFFC000;
	(pc) =	sbr.rel @p0 .LBB2_1-.Ltmp2, $4  }
0x191: {  	[hbm4b:s15+s3] =	stream.linear.scatter [tilespmem:s17], [sflag:$0x3], $0x4000, $0x38;
	[tilespmem:$0x1E980] =	vst v63  }
0x192: {  	_ =	swait.ge [sflag:s18], $0x4000  }
0x193: {  	[sflag:s18] =	ssyncset.done $0x0  }
0x194: {  	[sflag:s18] =	ssyncadd.s32 $0xFFFFC000  }
0x195: {  	_ =	sfence.sel $0x180000  }
0x196: {  	[bflag:$0x0] =	sbarrier.arrive $0xFFFF  }
0x197: {  	p0 =	sne.s32 s1, $0x0;
	_ =	strace $0x90000047  }
0x198: {  	s0 =	sadd.s32 @!p0 $0x100000, s0;
	[bflag:$0x2] =	sbarrier.arrive $0xFFFF  }
0x199: {  	[sflag:s0] =	ssyncadd.tile.s32 @!p0 $0x1;
	_ =	shalt  }
.Lfunc_end2:
_tile_overlayer_lowered:
.L_overlay_start_2:
0x19a: {  	(tag) =	ssettag $0x2  }
0x19b: {  	s0 =	rddreg [dreg:$0x0];
	s2 =	stileid.u32  }
0x19c: {  	s1 =	rddreg [dreg:$0x1];
	p0 =	sne.s32 s2, $0x0  }
0x19d: {  	s3 =	rddreg [dreg:$0x2];
	[bflag:$0x3] =	sbarrier.arrive $0xFFFF;
	s2 =	simm.s32 @!p0 $0x1C03  }
0x19e: {  	[timem:s3], [sflag:s2] =	dma.local @!p0 [hbm:s0], s1  }
0x19f: {  	s0 =	simm.s32 @!p0 $0x3  }
0x1a0: {  	_ =	swait.ge @!p0 [sflag:s0], s1  }
0x1a1: {  	s1 =	ssub.s32 @!p0 $0x0, s1;
	[sflag:s0] =	ssyncset.done @!p0 $0x0  }
0x1a2: {  	[sflag:s0] =	ssyncadd.s32 @!p0 s1  }
0x1a3: {  	[bflag:$0x3] =	sbarrier.arrive $0xFFFF  }
0x1a4: {  	_ =	shalt  }

</sc_bundles>
